<compile_context>
chip_gen: v7x
topology: tpu7x:2x2x1
jax: 0.10.2.dev20260603
libtpu: 0.0.44.dev20260713+nightly
codegen_flags: <defaults>
</compile_context>

<pallas_src>
import dataclasses

import jax
import jax.numpy as jnp
from jax import lax
from jax.experimental import pallas as pl
from jax.experimental.pallas import tpu as pltpu
from jax.experimental.pallas import tpu_sc as plsc

N = 1000000
NP2 = 1048576
D = 8
K = 1024
LANES = 16

CHUNK_ROWS = 512
GROUPS = CHUNK_ROWS // LANES
NUM_CHUNKS = NP2 // CHUNK_ROWS
ZW = D + 1
MPAD = D + 1
DPAD = D * D + 1

LVL_BITS = (32, 16, 8, 4, 2, 1)
LVL_OFF = {}
_off = 0
for _b in LVL_BITS:
    LVL_OFF[_b] = _off
    _off += K // (2 * _b)
LVL_WORDS = _off


def _sc_body(z_hbm, means_hbm, devs_hbm, part_hbm, out_hbm,
             part_v, means_v, devs_v, lvl_v, sem):
    c1 = pltpu.async_copy(part_hbm, part_v, sem)
    c2 = pltpu.async_copy(means_hbm, means_v, sem)
    c3 = pltpu.async_copy(devs_hbm, devs_v, sem)
    c1.wait()
    c2.wait()
    c3.wait()

    iota = lax.iota(jnp.int32, LANES)
    iota_z = iota * ZW
    iota_y = iota * D

    cvec = plsc.load_gather(part_v, [iota * 64 + 63])

    for b in LVL_BITS:
        n_ent = K // (2 * b)
        for j0 in range(0, n_ent, LANES):
            ent = plsc.load_gather(part_v, [(j0 + iota) * (2 * b) + (b - 1)])
            lvl_v[pl.ds(LVL_OFF[b] + j0, LANES)] = ent

    def chunk_body(z_v, out_v):
        @plsc.parallel_loop(0, GROUPS, unroll=2)
        def _(g):
            rows = g * LANES + iota
            r0 = g * LANES
            u = z_v[0, pl.ds(r0, LANES)]
            pos_r = jnp.zeros((LANES,), jnp.int32)
            for b in (8, 4, 2, 1):
                val = cvec.at[pos_r + (b - 1)].get(mode="promise_in_bounds")
                pos_r = jnp.where(val <= u, pos_r + b, pos_r)
            pos = pos_r * 64
            for b in LVL_BITS:
                j = pos // (2 * b)
                val = plsc.load_gather(lvl_v, [j + LVL_OFF[b]])
                pos = jnp.where(val <= u, pos + b, pos)
            idx = jnp.minimum(pos, K - 1)
            xs = [z_v[1 + j, pl.ds(r0, LANES)] for j in range(D)]
            base_m = idx * MPAD
            base_d = idx * DPAD
            accs = [plsc.load_gather(means_v, [base_m + i]) for i in range(D)]
            for i in range(D):
                acc = accs[i]
                for j in range(D):
                    m = plsc.load_gather(devs_v, [base_d + (i * D + j)])
                    acc = acc + m * xs[j]
                accs[i] = acc
            for i in range(D):
                out_v[i, pl.ds(r0, LANES)] = accs[i]

    pltpu.emit_pipeline(
        chunk_body,
        grid=(NUM_CHUNKS,),
        in_specs=[pl.BlockSpec((ZW, CHUNK_ROWS), lambda i: (0, i))],
        out_specs=[pl.BlockSpec((D, CHUNK_ROWS), lambda i: (0, i))],
        core_axis_name=("c", "s"),
        dimension_semantics=(pltpu.PARALLEL,),
    )(z_hbm, out_hbm)


@jax.jit
def kernel(z, means, devs, mix_partition):
    mesh = plsc.VectorSubcoreMesh(core_axis_name="c", subcore_axis_name="s")
    cp = pltpu.CompilerParams()
    if "needs_layout_passes" in pltpu.CompilerParams.__dataclass_fields__:
        cp = dataclasses.replace(cp, needs_layout_passes=False)
    run = pl.kernel(
        _sc_body,
        out_type=jax.ShapeDtypeStruct((D, NP2), jnp.float32),
        mesh=mesh,
        scratch_types=[
            pltpu.VMEM((K,), jnp.float32),
            pltpu.VMEM((K * MPAD,), jnp.float32),
            pltpu.VMEM((K * DPAD,), jnp.float32),
            pltpu.VMEM((LVL_WORDS,), jnp.float32),
            pltpu.SemaphoreType.DMA,
        ],
        compiler_params=cp,
    )
    means_p = jnp.pad(means.reshape(K, D), ((0, 0), (0, MPAD - D))).reshape(K * MPAD)
    devs_p = jnp.pad(devs.reshape(K, D * D), ((0, 0), (0, DPAD - D * D))).reshape(K * DPAD)
    zt = jnp.pad(z.T, ((0, 0), (0, NP2 - N)))
    return run(zt, means_p, devs_p, mix_partition)[:, :N].T

# --- scband reference (transcript-rebuilt; emitter-appended) ---
"""Pipeline reference for scband-gaussian-mixture-163208757502 (READ-ONLY COPY).

The authoritative reference and input builder live on the scoring server;
editing this copy changes nothing except your own understanding.
"""

import jax, jax.numpy as jnp
import numpy as np

N = 1000000
D = 8
K = 1024

def setup_inputs(seed: int = 0) -> dict:
    key = jax.random.key(seed)
    k_z, k_means, k_dev, k_mix = jax.random.split(key, 4)
    # forward arg: z = (u, x). Use uniform fill so u stays in [0, 1) and bucketize
    # indices are in-range (harness fill='rand').
    z = jax.random.uniform(k_z, (N, D + 1), dtype=jnp.float32)
    # learned / buffer parameters per __init__
    means = 3.0 * jax.random.normal(k_means, (K, D), dtype=jnp.float32)
    devsqrt = jnp.eye(D, dtype=jnp.float32)[None, :, :] + 0.3 * jax.random.normal(k_dev, (K, D, D), dtype=jnp.float32)
    devs = jnp.einsum('kij,klj->kil', devsqrt, devsqrt)
    mix = jax.nn.softmax(jax.random.normal(k_mix, (K,), dtype=jnp.float32), axis=-1)
    mix_partition = jnp.cumsum(mix, axis=0)
    return {"z": z, "means": means, "devs": devs, "mix_partition": mix_partition}

def reference(z, means, devs, mix_partition):
    # split z = (u, x)
    u = z[..., 0]
    x = z[..., 1:]
    k = means.shape[0]
    # torch.bucketize(u, mix_partition, right=True) == searchsorted side='right';
    # clip to k-1 to guard the measure-zero u >= mix_partition[-1] edge case.
    index = jnp.clip(jnp.searchsorted(mix_partition, u, side='right'), 0, k - 1)
    # conditional pushforward: y = means[i] + devs[i] @ x
    y = jnp.take(means, index, axis=0)
    dmat = jnp.take(devs, index, axis=0)
    dy = jnp.einsum('nij,nj->ni', dmat, x)
    return y + dy

if False:  # reference __main__ guard neutralized (emitter)
    out = reference(**setup_inputs())
    print(out.shape, out.dtype)

if __name__ == "__main__":
    import jax
    _d = setup_inputs()
    print(jax.jit(kernel)(*tuple(_d.values())))

</pallas_src>

<mosaic_0001>
#map = affine_map<(d0, d1) -> (0, 0)>
#map1 = affine_map<(d0, d1) -> (0)>
module attributes {stable_mosaic.version = 14 : i64} {
  func.func @_sc_body(%arg0: i32, %arg1: i32, %arg2: memref<9x1048576xf32, #tpu.memory_space<hbm>>, %arg3: memref<9216xf32, #tpu.memory_space<hbm>>, %arg4: memref<66560xf32, #tpu.memory_space<hbm>>, %arg5: memref<1024xf32, #tpu.memory_space<hbm>>, %arg6: memref<8x1048576xf32, #tpu.memory_space<hbm>>, %arg7: memref<1024xf32, #tpu.memory_space<vmem>>, %arg8: memref<9216xf32, #tpu.memory_space<vmem>>, %arg9: memref<66560xf32, #tpu.memory_space<vmem>>, %arg10: memref<1008xf32, #tpu.memory_space<vmem>>, %arg11: memref<!tpu.dma_semaphore, #tpu.memory_space<semaphore_mem>>) attributes {dimension_semantics = [#tpu.dimension_semantics<core_parallel>, #tpu.dimension_semantics<subcore_parallel>], iteration_bounds = array<i64: 2, 16>, scalar_prefetch = 0 : i64, scratch_operands = 5 : i64, tpu.core_type = #tpu.core_type<sc_vector_subcore>, window_params = [{transform_indices = #map}, {transform_indices = #map1}, {transform_indices = #map1}, {transform_indices = #map1}, {transform_indices = #map}]} {
    tpu.enqueue_dma source(%arg5 : memref<1024xf32, #tpu.memory_space<hbm>>) target(%arg7 : memref<1024xf32, #tpu.memory_space<vmem>>) target_semaphore(%arg11 : memref<!tpu.dma_semaphore, #tpu.memory_space<semaphore_mem>>)
    tpu.enqueue_dma source(%arg3 : memref<9216xf32, #tpu.memory_space<hbm>>) target(%arg8 : memref<9216xf32, #tpu.memory_space<vmem>>) target_semaphore(%arg11 : memref<!tpu.dma_semaphore, #tpu.memory_space<semaphore_mem>>)
    tpu.enqueue_dma source(%arg4 : memref<66560xf32, #tpu.memory_space<hbm>>) target(%arg9 : memref<66560xf32, #tpu.memory_space<vmem>>) target_semaphore(%arg11 : memref<!tpu.dma_semaphore, #tpu.memory_space<semaphore_mem>>)
    tpu.wait_dma2 semaphore(%arg11 : memref<!tpu.dma_semaphore, #tpu.memory_space<semaphore_mem>>) src(%arg5 : memref<1024xf32, #tpu.memory_space<hbm>>) dst(%arg7 : memref<1024xf32, #tpu.memory_space<vmem>>)
    tpu.wait_dma2 semaphore(%arg11 : memref<!tpu.dma_semaphore, #tpu.memory_space<semaphore_mem>>) src(%arg3 : memref<9216xf32, #tpu.memory_space<hbm>>) dst(%arg8 : memref<9216xf32, #tpu.memory_space<vmem>>)
    tpu.wait_dma2 semaphore(%arg11 : memref<!tpu.dma_semaphore, #tpu.memory_space<semaphore_mem>>) src(%arg4 : memref<66560xf32, #tpu.memory_space<hbm>>) dst(%arg9 : memref<66560xf32, #tpu.memory_space<vmem>>)
    %iota3A = tpu.iota {dimensions = array<i32: 0>} : vector<16xi32>
    %mul3A = arith.constant 9 : i32
    %mul3A_0 = vector.broadcast %mul3A : i32 to vector<16xi32>
    %mul3A_1 = arith.muli %iota3A, %mul3A_0 : vector<16xi32>
    %mul3A_2 = arith.constant 8 : i32
    %mul3A_3 = vector.broadcast %mul3A_2 : i32 to vector<16xi32>
    %mul3A_4 = arith.muli %iota3A, %mul3A_3 : vector<16xi32>
    %mul3A_5 = arith.constant 64 : i32
    %mul3A_6 = vector.broadcast %mul3A_5 : i32 to vector<16xi32>
    %mul3A_7 = arith.muli %iota3A, %mul3A_6 : vector<16xi32>
    %add3A = arith.constant 63 : i32
    %add3A_8 = vector.broadcast %add3A : i32 to vector<16xi32>
    %add3A_9 = arith.addi %mul3A_7, %add3A_8 : vector<16xi32>
    %gather3A = tpu.vector_load_idx %arg7[%add3A_9] : memref<1024xf32, #tpu.memory_space<vmem>>[vector<16xi32>], vector<16xf32>,
    %add3A_10 = arith.constant 0 : i32
    %add3A_11 = vector.broadcast %add3A_10 : i32 to vector<16xi32>
    %add3A_12 = arith.addi %add3A_11, %iota3A : vector<16xi32>
    %mul3A_13 = arith.constant 64 : i32
    %mul3A_14 = vector.broadcast %mul3A_13 : i32 to vector<16xi32>
    %mul3A_15 = arith.muli %add3A_12, %mul3A_14 : vector<16xi32>
    %add3A_16 = arith.constant 31 : i32
    %add3A_17 = vector.broadcast %add3A_16 : i32 to vector<16xi32>
    %add3A_18 = arith.addi %mul3A_15, %add3A_17 : vector<16xi32>
    %gather3A_19 = tpu.vector_load_idx %arg7[%add3A_18] : memref<1024xf32, #tpu.memory_space<vmem>>[vector<16xi32>], vector<16xf32>,
    %swap3A = arith.constant 0 : index
    %swap3A_20 = tpu.vector_load %arg10[%swap3A] {strides = array<i32>} : memref<1008xf32, #tpu.memory_space<vmem>>, vector<16xf32>,
    tpu.vector_store %arg10[%swap3A], %gather3A_19 {strides = array<i32>} : memref<1008xf32, #tpu.memory_space<vmem>>, vector<16xf32>,
    %add3A_21 = arith.constant 0 : i32
    %add3A_22 = vector.broadcast %add3A_21 : i32 to vector<16xi32>
    %add3A_23 = arith.addi %add3A_22, %iota3A : vector<16xi32>
    %mul3A_24 = arith.constant 32 : i32
    %mul3A_25 = vector.broadcast %mul3A_24 : i32 to vector<16xi32>
    %mul3A_26 = arith.muli %add3A_23, %mul3A_25 : vector<16xi32>
    %add3A_27 = arith.constant 15 : i32
    %add3A_28 = vector.broadcast %add3A_27 : i32 to vector<16xi32>
    %add3A_29 = arith.addi %mul3A_26, %add3A_28 : vector<16xi32>
    %gather3A_30 = tpu.vector_load_idx %arg7[%add3A_29] : memref<1024xf32, #tpu.memory_space<vmem>>[vector<16xi32>], vector<16xf32>,
    %swap3A_31 = arith.constant 16 : index
    %swap3A_32 = tpu.vector_load %arg10[%swap3A_31] {strides = array<i32>} : memref<1008xf32, #tpu.memory_space<vmem>>, vector<16xf32>,
    tpu.vector_store %arg10[%swap3A_31], %gather3A_30 {strides = array<i32>} : memref<1008xf32, #tpu.memory_space<vmem>>, vector<16xf32>,
    %add3A_33 = arith.constant 16 : i32
    %add3A_34 = vector.broadcast %add3A_33 : i32 to vector<16xi32>
    %add3A_35 = arith.addi %add3A_34, %iota3A : vector<16xi32>
    %mul3A_36 = arith.constant 32 : i32
    %mul3A_37 = vector.broadcast %mul3A_36 : i32 to vector<16xi32>
    %mul3A_38 = arith.muli %add3A_35, %mul3A_37 : vector<16xi32>
    %add3A_39 = arith.constant 15 : i32
    %add3A_40 = vector.broadcast %add3A_39 : i32 to vector<16xi32>
    %add3A_41 = arith.addi %mul3A_38, %add3A_40 : vector<16xi32>
    %gather3A_42 = tpu.vector_load_idx %arg7[%add3A_41] : memref<1024xf32, #tpu.memory_space<vmem>>[vector<16xi32>], vector<16xf32>,
    %swap3A_43 = arith.constant 32 : index
    %swap3A_44 = tpu.vector_load %arg10[%swap3A_43] {strides = array<i32>} : memref<1008xf32, #tpu.memory_space<vmem>>, vector<16xf32>,
    tpu.vector_store %arg10[%swap3A_43], %gather3A_42 {strides = array<i32>} : memref<1008xf32, #tpu.memory_space<vmem>>, vector<16xf32>,
    %add3A_45 = arith.constant 0 : i32
    %add3A_46 = vector.broadcast %add3A_45 : i32 to vector<16xi32>
    %add3A_47 = arith.addi %add3A_46, %iota3A : vector<16xi32>
    %mul3A_48 = arith.constant 16 : i32
    %mul3A_49 = vector.broadcast %mul3A_48 : i32 to vector<16xi32>
    %mul3A_50 = arith.muli %add3A_47, %mul3A_49 : vector<16xi32>
    %add3A_51 = arith.constant 7 : i32
    %add3A_52 = vector.broadcast %add3A_51 : i32 to vector<16xi32>
    %add3A_53 = arith.addi %mul3A_50, %add3A_52 : vector<16xi32>
    %gather3A_54 = tpu.vector_load_idx %arg7[%add3A_53] : memref<1024xf32, #tpu.memory_space<vmem>>[vector<16xi32>], vector<16xf32>,
    %swap3A_55 = arith.constant 48 : index
    %swap3A_56 = tpu.vector_load %arg10[%swap3A_55] {strides = array<i32>} : memref<1008xf32, #tpu.memory_space<vmem>>, vector<16xf32>,
    tpu.vector_store %arg10[%swap3A_55], %gather3A_54 {strides = array<i32>} : memref<1008xf32, #tpu.memory_space<vmem>>, vector<16xf32>,
    %add3A_57 = arith.constant 16 : i32
    %add3A_58 = vector.broadcast %add3A_57 : i32 to vector<16xi32>
    %add3A_59 = arith.addi %add3A_58, %iota3A : vector<16xi32>
    %mul3A_60 = arith.constant 16 : i32
    %mul3A_61 = vector.broadcast %mul3A_60 : i32 to vector<16xi32>
    %mul3A_62 = arith.muli %add3A_59, %mul3A_61 : vector<16xi32>
    %add3A_63 = arith.constant 7 : i32
    %add3A_64 = vector.broadcast %add3A_63 : i32 to vector<16xi32>
    %add3A_65 = arith.addi %mul3A_62, %add3A_64 : vector<16xi32>
    %gather3A_66 = tpu.vector_load_idx %arg7[%add3A_65] : memref<1024xf32, #tpu.memory_space<vmem>>[vector<16xi32>], vector<16xf32>,
    %swap3A_67 = arith.constant 64 : index
    %swap3A_68 = tpu.vector_load %arg10[%swap3A_67] {strides = array<i32>} : memref<1008xf32, #tpu.memory_space<vmem>>, vector<16xf32>,
    tpu.vector_store %arg10[%swap3A_67], %gather3A_66 {strides = array<i32>} : memref<1008xf32, #tpu.memory_space<vmem>>, vector<16xf32>,
    %add3A_69 = arith.constant 32 : i32
    %add3A_70 = vector.broadcast %add3A_69 : i32 to vector<16xi32>
    %add3A_71 = arith.addi %add3A_70, %iota3A : vector<16xi32>
    %mul3A_72 = arith.constant 16 : i32
    %mul3A_73 = vector.broadcast %mul3A_72 : i32 to vector<16xi32>
    %mul3A_74 = arith.muli %add3A_71, %mul3A_73 : vector<16xi32>
    %add3A_75 = arith.constant 7 : i32
    %add3A_76 = vector.broadcast %add3A_75 : i32 to vector<16xi32>
    %add3A_77 = arith.addi %mul3A_74, %add3A_76 : vector<16xi32>
    %gather3A_78 = tpu.vector_load_idx %arg7[%add3A_77] : memref<1024xf32, #tpu.memory_space<vmem>>[vector<16xi32>], vector<16xf32>,
    %swap3A_79 = arith.constant 80 : index
    %swap3A_80 = tpu.vector_load %arg10[%swap3A_79] {strides = array<i32>} : memref<1008xf32, #tpu.memory_space<vmem>>, vector<16xf32>,
    tpu.vector_store %arg10[%swap3A_79], %gather3A_78 {strides = array<i32>} : memref<1008xf32, #tpu.memory_space<vmem>>, vector<16xf32>,
    %add3A_81 = arith.constant 48 : i32
    %add3A_82 = vector.broadcast %add3A_81 : i32 to vector<16xi32>
    %add3A_83 = arith.addi %add3A_82, %iota3A : vector<16xi32>
    %mul3A_84 = arith.constant 16 : i32
    %mul3A_85 = vector.broadcast %mul3A_84 : i32 to vector<16xi32>
    %mul3A_86 = arith.muli %add3A_83, %mul3A_85 : vector<16xi32>
    %add3A_87 = arith.constant 7 : i32
    %add3A_88 = vector.broadcast %add3A_87 : i32 to vector<16xi32>
    %add3A_89 = arith.addi %mul3A_86, %add3A_88 : vector<16xi32>
    %gather3A_90 = tpu.vector_load_idx %arg7[%add3A_89] : memref<1024xf32, #tpu.memory_space<vmem>>[vector<16xi32>], vector<16xf32>,
    %swap3A_91 = arith.constant 96 : index
    %swap3A_92 = tpu.vector_load %arg10[%swap3A_91] {strides = array<i32>} : memref<1008xf32, #tpu.memory_space<vmem>>, vector<16xf32>,
    tpu.vector_store %arg10[%swap3A_91], %gather3A_90 {strides = array<i32>} : memref<1008xf32, #tpu.memory_space<vmem>>, vector<16xf32>,
    %add3A_93 = arith.constant 0 : i32
    %add3A_94 = vector.broadcast %add3A_93 : i32 to vector<16xi32>
    %add3A_95 = arith.addi %add3A_94, %iota3A : vector<16xi32>
    %mul3A_96 = arith.constant 8 : i32
    %mul3A_97 = vector.broadcast %mul3A_96 : i32 to vector<16xi32>
    %mul3A_98 = arith.muli %add3A_95, %mul3A_97 : vector<16xi32>
    %add3A_99 = arith.constant 3 : i32
    %add3A_100 = vector.broadcast %add3A_99 : i32 to vector<16xi32>
    %add3A_101 = arith.addi %mul3A_98, %add3A_100 : vector<16xi32>
    %gather3A_102 = tpu.vector_load_idx %arg7[%add3A_101] : memref<1024xf32, #tpu.memory_space<vmem>>[vector<16xi32>], vector<16xf32>,
    %swap3A_103 = arith.constant 112 : index
    %swap3A_104 = tpu.vector_load %arg10[%swap3A_103] {strides = array<i32>} : memref<1008xf32, #tpu.memory_space<vmem>>, vector<16xf32>,
    tpu.vector_store %arg10[%swap3A_103], %gather3A_102 {strides = array<i32>} : memref<1008xf32, #tpu.memory_space<vmem>>, vector<16xf32>,
    %add3A_105 = arith.constant 16 : i32
    %add3A_106 = vector.broadcast %add3A_105 : i32 to vector<16xi32>
    %add3A_107 = arith.addi %add3A_106, %iota3A : vector<16xi32>
    %mul3A_108 = arith.constant 8 : i32
    %mul3A_109 = vector.broadcast %mul3A_108 : i32 to vector<16xi32>
    %mul3A_110 = arith.muli %add3A_107, %mul3A_109 : vector<16xi32>
    %add3A_111 = arith.constant 3 : i32
    %add3A_112 = vector.broadcast %add3A_111 : i32 to vector<16xi32>
    %add3A_113 = arith.addi %mul3A_110, %add3A_112 : vector<16xi32>
    %gather3A_114 = tpu.vector_load_idx %arg7[%add3A_113] : memref<1024xf32, #tpu.memory_space<vmem>>[vector<16xi32>], vector<16xf32>,
    %swap3A_115 = arith.constant 128 : index
    %swap3A_116 = tpu.vector_load %arg10[%swap3A_115] {strides = array<i32>} : memref<1008xf32, #tpu.memory_space<vmem>>, vector<16xf32>,
    tpu.vector_store %arg10[%swap3A_115], %gather3A_114 {strides = array<i32>} : memref<1008xf32, #tpu.memory_space<vmem>>, vector<16xf32>,
    %add3A_117 = arith.constant 32 : i32
    %add3A_118 = vector.broadcast %add3A_117 : i32 to vector<16xi32>
    %add3A_119 = arith.addi %add3A_118, %iota3A : vector<16xi32>
    %mul3A_120 = arith.constant 8 : i32
    %mul3A_121 = vector.broadcast %mul3A_120 : i32 to vector<16xi32>
    %mul3A_122 = arith.muli %add3A_119, %mul3A_121 : vector<16xi32>
    %add3A_123 = arith.constant 3 : i32
    %add3A_124 = vector.broadcast %add3A_123 : i32 to vector<16xi32>
    %add3A_125 = arith.addi %mul3A_122, %add3A_124 : vector<16xi32>
    %gather3A_126 = tpu.vector_load_idx %arg7[%add3A_125] : memref<1024xf32, #tpu.memory_space<vmem>>[vector<16xi32>], vector<16xf32>,
    %swap3A_127 = arith.constant 144 : index
    %swap3A_128 = tpu.vector_load %arg10[%swap3A_127] {strides = array<i32>} : memref<1008xf32, #tpu.memory_space<vmem>>, vector<16xf32>,
    tpu.vector_store %arg10[%swap3A_127], %gather3A_126 {strides = array<i32>} : memref<1008xf32, #tpu.memory_space<vmem>>, vector<16xf32>,
    %add3A_129 = arith.constant 48 : i32
    %add3A_130 = vector.broadcast %add3A_129 : i32 to vector<16xi32>
    %add3A_131 = arith.addi %add3A_130, %iota3A : vector<16xi32>
    %mul3A_132 = arith.constant 8 : i32
    %mul3A_133 = vector.broadcast %mul3A_132 : i32 to vector<16xi32>
    %mul3A_134 = arith.muli %add3A_131, %mul3A_133 : vector<16xi32>
    %add3A_135 = arith.constant 3 : i32
    %add3A_136 = vector.broadcast %add3A_135 : i32 to vector<16xi32>
    %add3A_137 = arith.addi %mul3A_134, %add3A_136 : vector<16xi32>
    %gather3A_138 = tpu.vector_load_idx %arg7[%add3A_137] : memref<1024xf32, #tpu.memory_space<vmem>>[vector<16xi32>], vector<16xf32>,
    %swap3A_139 = arith.constant 160 : index
    %swap3A_140 = tpu.vector_load %arg10[%swap3A_139] {strides = array<i32>} : memref<1008xf32, #tpu.memory_space<vmem>>, vector<16xf32>,
    tpu.vector_store %arg10[%swap3A_139], %gather3A_138 {strides = array<i32>} : memref<1008xf32, #tpu.memory_space<vmem>>, vector<16xf32>,
    %add3A_141 = arith.constant 64 : i32
    %add3A_142 = vector.broadcast %add3A_141 : i32 to vector<16xi32>
    %add3A_143 = arith.addi %add3A_142, %iota3A : vector<16xi32>
    %mul3A_144 = arith.constant 8 : i32
    %mul3A_145 = vector.broadcast %mul3A_144 : i32 to vector<16xi32>
    %mul3A_146 = arith.muli %add3A_143, %mul3A_145 : vector<16xi32>
    %add3A_147 = arith.constant 3 : i32
    %add3A_148 = vector.broadcast %add3A_147 : i32 to vector<16xi32>
    %add3A_149 = arith.addi %mul3A_146, %add3A_148 : vector<16xi32>
    %gather3A_150 = tpu.vector_load_idx %arg7[%add3A_149] : memref<1024xf32, #tpu.memory_space<vmem>>[vector<16xi32>], vector<16xf32>,
    %swap3A_151 = arith.constant 176 : index
    %swap3A_152 = tpu.vector_load %arg10[%swap3A_151] {strides = array<i32>} : memref<1008xf32, #tpu.memory_space<vmem>>, vector<16xf32>,
    tpu.vector_store %arg10[%swap3A_151], %gather3A_150 {strides = array<i32>} : memref<1008xf32, #tpu.memory_space<vmem>>, vector<16xf32>,
    %add3A_153 = arith.constant 80 : i32
    %add3A_154 = vector.broadcast %add3A_153 : i32 to vector<16xi32>
    %add3A_155 = arith.addi %add3A_154, %iota3A : vector<16xi32>
    %mul3A_156 = arith.constant 8 : i32
    %mul3A_157 = vector.broadcast %mul3A_156 : i32 to vector<16xi32>
    %mul3A_158 = arith.muli %add3A_155, %mul3A_157 : vector<16xi32>
    %add3A_159 = arith.constant 3 : i32
    %add3A_160 = vector.broadcast %add3A_159 : i32 to vector<16xi32>
    %add3A_161 = arith.addi %mul3A_158, %add3A_160 : vector<16xi32>
    %gather3A_162 = tpu.vector_load_idx %arg7[%add3A_161] : memref<1024xf32, #tpu.memory_space<vmem>>[vector<16xi32>], vector<16xf32>,
    %swap3A_163 = arith.constant 192 : index
    %swap3A_164 = tpu.vector_load %arg10[%swap3A_163] {strides = array<i32>} : memref<1008xf32, #tpu.memory_space<vmem>>, vector<16xf32>,
    tpu.vector_store %arg10[%swap3A_163], %gather3A_162 {strides = array<i32>} : memref<1008xf32, #tpu.memory_space<vmem>>, vector<16xf32>,
    %add3A_165 = arith.constant 96 : i32
    %add3A_166 = vector.broadcast %add3A_165 : i32 to vector<16xi32>
    %add3A_167 = arith.addi %add3A_166, %iota3A : vector<16xi32>
    %mul3A_168 = arith.constant 8 : i32
    %mul3A_169 = vector.broadcast %mul3A_168 : i32 to vector<16xi32>
    %mul3A_170 = arith.muli %add3A_167, %mul3A_169 : vector<16xi32>
    %add3A_171 = arith.constant 3 : i32
    %add3A_172 = vector.broadcast %add3A_171 : i32 to vector<16xi32>
    %add3A_173 = arith.addi %mul3A_170, %add3A_172 : vector<16xi32>
    %gather3A_174 = tpu.vector_load_idx %arg7[%add3A_173] : memref<1024xf32, #tpu.memory_space<vmem>>[vector<16xi32>], vector<16xf32>,
    %swap3A_175 = arith.constant 208 : index
    %swap3A_176 = tpu.vector_load %arg10[%swap3A_175] {strides = array<i32>} : memref<1008xf32, #tpu.memory_space<vmem>>, vector<16xf32>,
    tpu.vector_store %arg10[%swap3A_175], %gather3A_174 {strides = array<i32>} : memref<1008xf32, #tpu.memory_space<vmem>>, vector<16xf32>,
    %add3A_177 = arith.constant 112 : i32
    %add3A_178 = vector.broadcast %add3A_177 : i32 to vector<16xi32>
    %add3A_179 = arith.addi %add3A_178, %iota3A : vector<16xi32>
    %mul3A_180 = arith.constant 8 : i32
    %mul3A_181 = vector.broadcast %mul3A_180 : i32 to vector<16xi32>
    %mul3A_182 = arith.muli %add3A_179, %mul3A_181 : vector<16xi32>
    %add3A_183 = arith.constant 3 : i32
    %add3A_184 = vector.broadcast %add3A_183 : i32 to vector<16xi32>
    %add3A_185 = arith.addi %mul3A_182, %add3A_184 : vector<16xi32>
    %gather3A_186 = tpu.vector_load_idx %arg7[%add3A_185] : memref<1024xf32, #tpu.memory_space<vmem>>[vector<16xi32>], vector<16xf32>,
    %swap3A_187 = arith.constant 224 : index
    %swap3A_188 = tpu.vector_load %arg10[%swap3A_187] {strides = array<i32>} : memref<1008xf32, #tpu.memory_space<vmem>>, vector<16xf32>,
    tpu.vector_store %arg10[%swap3A_187], %gather3A_186 {strides = array<i32>} : memref<1008xf32, #tpu.memory_space<vmem>>, vector<16xf32>,
    %add3A_189 = arith.constant 0 : i32
    %add3A_190 = vector.broadcast %add3A_189 : i32 to vector<16xi32>
    %add3A_191 = arith.addi %add3A_190, %iota3A : vector<16xi32>
    %mul3A_192 = arith.constant 4 : i32
    %mul3A_193 = vector.broadcast %mul3A_192 : i32 to vector<16xi32>
    %mul3A_194 = arith.muli %add3A_191, %mul3A_193 : vector<16xi32>
    %add3A_195 = arith.constant 1 : i32
    %add3A_196 = vector.broadcast %add3A_195 : i32 to vector<16xi32>
    %add3A_197 = arith.addi %mul3A_194, %add3A_196 : vector<16xi32>
    %gather3A_198 = tpu.vector_load_idx %arg7[%add3A_197] : memref<1024xf32, #tpu.memory_space<vmem>>[vector<16xi32>], vector<16xf32>,
    %swap3A_199 = arith.constant 240 : index
    %swap3A_200 = tpu.vector_load %arg10[%swap3A_199] {strides = array<i32>} : memref<1008xf32, #tpu.memory_space<vmem>>, vector<16xf32>,
    tpu.vector_store %arg10[%swap3A_199], %gather3A_198 {strides = array<i32>} : memref<1008xf32, #tpu.memory_space<vmem>>, vector<16xf32>,
    %add3A_201 = arith.constant 16 : i32
    %add3A_202 = vector.broadcast %add3A_201 : i32 to vector<16xi32>
    %add3A_203 = arith.addi %add3A_202, %iota3A : vector<16xi32>
    %mul3A_204 = arith.constant 4 : i32
    %mul3A_205 = vector.broadcast %mul3A_204 : i32 to vector<16xi32>
    %mul3A_206 = arith.muli %add3A_203, %mul3A_205 : vector<16xi32>
    %add3A_207 = arith.constant 1 : i32
    %add3A_208 = vector.broadcast %add3A_207 : i32 to vector<16xi32>
    %add3A_209 = arith.addi %mul3A_206, %add3A_208 : vector<16xi32>
    %gather3A_210 = tpu.vector_load_idx %arg7[%add3A_209] : memref<1024xf32, #tpu.memory_space<vmem>>[vector<16xi32>], vector<16xf32>,
    %swap3A_211 = arith.constant 256 : index
    %swap3A_212 = tpu.vector_load %arg10[%swap3A_211] {strides = array<i32>} : memref<1008xf32, #tpu.memory_space<vmem>>, vector<16xf32>,
    tpu.vector_store %arg10[%swap3A_211], %gather3A_210 {strides = array<i32>} : memref<1008xf32, #tpu.memory_space<vmem>>, vector<16xf32>,
    %add3A_213 = arith.constant 32 : i32
    %add3A_214 = vector.broadcast %add3A_213 : i32 to vector<16xi32>
    %add3A_215 = arith.addi %add3A_214, %iota3A : vector<16xi32>
    %mul3A_216 = arith.constant 4 : i32
    %mul3A_217 = vector.broadcast %mul3A_216 : i32 to vector<16xi32>
    %mul3A_218 = arith.muli %add3A_215, %mul3A_217 : vector<16xi32>
    %add3A_219 = arith.constant 1 : i32
    %add3A_220 = vector.broadcast %add3A_219 : i32 to vector<16xi32>
    %add3A_221 = arith.addi %mul3A_218, %add3A_220 : vector<16xi32>
    %gather3A_222 = tpu.vector_load_idx %arg7[%add3A_221] : memref<1024xf32, #tpu.memory_space<vmem>>[vector<16xi32>], vector<16xf32>,
    %swap3A_223 = arith.constant 272 : index
    %swap3A_224 = tpu.vector_load %arg10[%swap3A_223] {strides = array<i32>} : memref<1008xf32, #tpu.memory_space<vmem>>, vector<16xf32>,
    tpu.vector_store %arg10[%swap3A_223], %gather3A_222 {strides = array<i32>} : memref<1008xf32, #tpu.memory_space<vmem>>, vector<16xf32>,
    %add3A_225 = arith.constant 48 : i32
    %add3A_226 = vector.broadcast %add3A_225 : i32 to vector<16xi32>
    %add3A_227 = arith.addi %add3A_226, %iota3A : vector<16xi32>
    %mul3A_228 = arith.constant 4 : i32
    %mul3A_229 = vector.broadcast %mul3A_228 : i32 to vector<16xi32>
    %mul3A_230 = arith.muli %add3A_227, %mul3A_229 : vector<16xi32>
    %add3A_231 = arith.constant 1 : i32
    %add3A_232 = vector.broadcast %add3A_231 : i32 to vector<16xi32>
    %add3A_233 = arith.addi %mul3A_230, %add3A_232 : vector<16xi32>
    %gather3A_234 = tpu.vector_load_idx %arg7[%add3A_233] : memref<1024xf32, #tpu.memory_space<vmem>>[vector<16xi32>], vector<16xf32>,
    %swap3A_235 = arith.constant 288 : index
    %swap3A_236 = tpu.vector_load %arg10[%swap3A_235] {strides = array<i32>} : memref<1008xf32, #tpu.memory_space<vmem>>, vector<16xf32>,
    tpu.vector_store %arg10[%swap3A_235], %gather3A_234 {strides = array<i32>} : memref<1008xf32, #tpu.memory_space<vmem>>, vector<16xf32>,
    %add3A_237 = arith.constant 64 : i32
    %add3A_238 = vector.broadcast %add3A_237 : i32 to vector<16xi32>
    %add3A_239 = arith.addi %add3A_238, %iota3A : vector<16xi32>
    %mul3A_240 = arith.constant 4 : i32
    %mul3A_241 = vector.broadcast %mul3A_240 : i32 to vector<16xi32>
    %mul3A_242 = arith.muli %add3A_239, %mul3A_241 : vector<16xi32>
    %add3A_243 = arith.constant 1 : i32
    %add3A_244 = vector.broadcast %add3A_243 : i32 to vector<16xi32>
    %add3A_245 = arith.addi %mul3A_242, %add3A_244 : vector<16xi32>
    %gather3A_246 = tpu.vector_load_idx %arg7[%add3A_245] : memref<1024xf32, #tpu.memory_space<vmem>>[vector<16xi32>], vector<16xf32>,
    %swap3A_247 = arith.constant 304 : index
    %swap3A_248 = tpu.vector_load %arg10[%swap3A_247] {strides = array<i32>} : memref<1008xf32, #tpu.memory_space<vmem>>, vector<16xf32>,
    tpu.vector_store %arg10[%swap3A_247], %gather3A_246 {strides = array<i32>} : memref<1008xf32, #tpu.memory_space<vmem>>, vector<16xf32>,
    %add3A_249 = arith.constant 80 : i32
    %add3A_250 = vector.broadcast %add3A_249 : i32 to vector<16xi32>
    %add3A_251 = arith.addi %add3A_250, %iota3A : vector<16xi32>
    %mul3A_252 = arith.constant 4 : i32
    %mul3A_253 = vector.broadcast %mul3A_252 : i32 to vector<16xi32>
    %mul3A_254 = arith.muli %add3A_251, %mul3A_253 : vector<16xi32>
    %add3A_255 = arith.constant 1 : i32
    %add3A_256 = vector.broadcast %add3A_255 : i32 to vector<16xi32>
    %add3A_257 = arith.addi %mul3A_254, %add3A_256 : vector<16xi32>
    %gather3A_258 = tpu.vector_load_idx %arg7[%add3A_257] : memref<1024xf32, #tpu.memory_space<vmem>>[vector<16xi32>], vector<16xf32>,
    %swap3A_259 = arith.constant 320 : index
    %swap3A_260 = tpu.vector_load %arg10[%swap3A_259] {strides = array<i32>} : memref<1008xf32, #tpu.memory_space<vmem>>, vector<16xf32>,
    tpu.vector_store %arg10[%swap3A_259], %gather3A_258 {strides = array<i32>} : memref<1008xf32, #tpu.memory_space<vmem>>, vector<16xf32>,
    %add3A_261 = arith.constant 96 : i32
    %add3A_262 = vector.broadcast %add3A_261 : i32 to vector<16xi32>
    %add3A_263 = arith.addi %add3A_262, %iota3A : vector<16xi32>
    %mul3A_264 = arith.constant 4 : i32
    %mul3A_265 = vector.broadcast %mul3A_264 : i32 to vector<16xi32>
    %mul3A_266 = arith.muli %add3A_263, %mul3A_265 : vector<16xi32>
    %add3A_267 = arith.constant 1 : i32
    %add3A_268 = vector.broadcast %add3A_267 : i32 to vector<16xi32>
    %add3A_269 = arith.addi %mul3A_266, %add3A_268 : vector<16xi32>
    %gather3A_270 = tpu.vector_load_idx %arg7[%add3A_269] : memref<1024xf32, #tpu.memory_space<vmem>>[vector<16xi32>], vector<16xf32>,
    %swap3A_271 = arith.constant 336 : index
    %swap3A_272 = tpu.vector_load %arg10[%swap3A_271] {strides = array<i32>} : memref<1008xf32, #tpu.memory_space<vmem>>, vector<16xf32>,
    tpu.vector_store %arg10[%swap3A_271], %gather3A_270 {strides = array<i32>} : memref<1008xf32, #tpu.memory_space<vmem>>, vector<16xf32>,
    %add3A_273 = arith.constant 112 : i32
    %add3A_274 = vector.broadcast %add3A_273 : i32 to vector<16xi32>
    %add3A_275 = arith.addi %add3A_274, %iota3A : vector<16xi32>
    %mul3A_276 = arith.constant 4 : i32
    %mul3A_277 = vector.broadcast %mul3A_276 : i32 to vector<16xi32>
    %mul3A_278 = arith.muli %add3A_275, %mul3A_277 : vector<16xi32>
    %add3A_279 = arith.constant 1 : i32
    %add3A_280 = vector.broadcast %add3A_279 : i32 to vector<16xi32>
    %add3A_281 = arith.addi %mul3A_278, %add3A_280 : vector<16xi32>
    %gather3A_282 = tpu.vector_load_idx %arg7[%add3A_281] : memref<1024xf32, #tpu.memory_space<vmem>>[vector<16xi32>], vector<16xf32>,
    %swap3A_283 = arith.constant 352 : index
    %swap3A_284 = tpu.vector_load %arg10[%swap3A_283] {strides = array<i32>} : memref<1008xf32, #tpu.memory_space<vmem>>, vector<16xf32>,
    tpu.vector_store %arg10[%swap3A_283], %gather3A_282 {strides = array<i32>} : memref<1008xf32, #tpu.memory_space<vmem>>, vector<16xf32>,
    %add3A_285 = arith.constant 128 : i32
    %add3A_286 = vector.broadcast %add3A_285 : i32 to vector<16xi32>
    %add3A_287 = arith.addi %add3A_286, %iota3A : vector<16xi32>
    %mul3A_288 = arith.constant 4 : i32
    %mul3A_289 = vector.broadcast %mul3A_288 : i32 to vector<16xi32>
    %mul3A_290 = arith.muli %add3A_287, %mul3A_289 : vector<16xi32>
    %add3A_291 = arith.constant 1 : i32
    %add3A_292 = vector.broadcast %add3A_291 : i32 to vector<16xi32>
    %add3A_293 = arith.addi %mul3A_290, %add3A_292 : vector<16xi32>
    %gather3A_294 = tpu.vector_load_idx %arg7[%add3A_293] : memref<1024xf32, #tpu.memory_space<vmem>>[vector<16xi32>], vector<16xf32>,
    %swap3A_295 = arith.constant 368 : index
    %swap3A_296 = tpu.vector_load %arg10[%swap3A_295] {strides = array<i32>} : memref<1008xf32, #tpu.memory_space<vmem>>, vector<16xf32>,
    tpu.vector_store %arg10[%swap3A_295], %gather3A_294 {strides = array<i32>} : memref<1008xf32, #tpu.memory_space<vmem>>, vector<16xf32>,
    %add3A_297 = arith.constant 144 : i32
    %add3A_298 = vector.broadcast %add3A_297 : i32 to vector<16xi32>
    %add3A_299 = arith.addi %add3A_298, %iota3A : vector<16xi32>
    %mul3A_300 = arith.constant 4 : i32
    %mul3A_301 = vector.broadcast %mul3A_300 : i32 to vector<16xi32>
    %mul3A_302 = arith.muli %add3A_299, %mul3A_301 : vector<16xi32>
    %add3A_303 = arith.constant 1 : i32
    %add3A_304 = vector.broadcast %add3A_303 : i32 to vector<16xi32>
    %add3A_305 = arith.addi %mul3A_302, %add3A_304 : vector<16xi32>
    %gather3A_306 = tpu.vector_load_idx %arg7[%add3A_305] : memref<1024xf32, #tpu.memory_space<vmem>>[vector<16xi32>], vector<16xf32>,
    %swap3A_307 = arith.constant 384 : index
    %swap3A_308 = tpu.vector_load %arg10[%swap3A_307] {strides = array<i32>} : memref<1008xf32, #tpu.memory_space<vmem>>, vector<16xf32>,
    tpu.vector_store %arg10[%swap3A_307], %gather3A_306 {strides = array<i32>} : memref<1008xf32, #tpu.memory_space<vmem>>, vector<16xf32>,
    %add3A_309 = arith.constant 160 : i32
    %add3A_310 = vector.broadcast %add3A_309 : i32 to vector<16xi32>
    %add3A_311 = arith.addi %add3A_310, %iota3A : vector<16xi32>
    %mul3A_312 = arith.constant 4 : i32
    %mul3A_313 = vector.broadcast %mul3A_312 : i32 to vector<16xi32>
    %mul3A_314 = arith.muli %add3A_311, %mul3A_313 : vector<16xi32>
    %add3A_315 = arith.constant 1 : i32
    %add3A_316 = vector.broadcast %add3A_315 : i32 to vector<16xi32>
    %add3A_317 = arith.addi %mul3A_314, %add3A_316 : vector<16xi32>
    %gather3A_318 = tpu.vector_load_idx %arg7[%add3A_317] : memref<1024xf32, #tpu.memory_space<vmem>>[vector<16xi32>], vector<16xf32>,
    %swap3A_319 = arith.constant 400 : index
    %swap3A_320 = tpu.vector_load %arg10[%swap3A_319] {strides = array<i32>} : memref<1008xf32, #tpu.memory_space<vmem>>, vector<16xf32>,
    tpu.vector_store %arg10[%swap3A_319], %gather3A_318 {strides = array<i32>} : memref<1008xf32, #tpu.memory_space<vmem>>, vector<16xf32>,
    %add3A_321 = arith.constant 176 : i32
    %add3A_322 = vector.broadcast %add3A_321 : i32 to vector<16xi32>
    %add3A_323 = arith.addi %add3A_322, %iota3A : vector<16xi32>
    %mul3A_324 = arith.constant 4 : i32
    %mul3A_325 = vector.broadcast %mul3A_324 : i32 to vector<16xi32>
    %mul3A_326 = arith.muli %add3A_323, %mul3A_325 : vector<16xi32>
    %add3A_327 = arith.constant 1 : i32
    %add3A_328 = vector.broadcast %add3A_327 : i32 to vector<16xi32>
    %add3A_329 = arith.addi %mul3A_326, %add3A_328 : vector<16xi32>
    %gather3A_330 = tpu.vector_load_idx %arg7[%add3A_329] : memref<1024xf32, #tpu.memory_space<vmem>>[vector<16xi32>], vector<16xf32>,
    %swap3A_331 = arith.constant 416 : index
    %swap3A_332 = tpu.vector_load %arg10[%swap3A_331] {strides = array<i32>} : memref<1008xf32, #tpu.memory_space<vmem>>, vector<16xf32>,
    tpu.vector_store %arg10[%swap3A_331], %gather3A_330 {strides = array<i32>} : memref<1008xf32, #tpu.memory_space<vmem>>, vector<16xf32>,
    %add3A_333 = arith.constant 192 : i32
    %add3A_334 = vector.broadcast %add3A_333 : i32 to vector<16xi32>
    %add3A_335 = arith.addi %add3A_334, %iota3A : vector<16xi32>
    %mul3A_336 = arith.constant 4 : i32
    %mul3A_337 = vector.broadcast %mul3A_336 : i32 to vector<16xi32>
    %mul3A_338 = arith.muli %add3A_335, %mul3A_337 : vector<16xi32>
    %add3A_339 = arith.constant 1 : i32
    %add3A_340 = vector.broadcast %add3A_339 : i32 to vector<16xi32>
    %add3A_341 = arith.addi %mul3A_338, %add3A_340 : vector<16xi32>
    %gather3A_342 = tpu.vector_load_idx %arg7[%add3A_341] : memref<1024xf32, #tpu.memory_space<vmem>>[vector<16xi32>], vector<16xf32>,
    %swap3A_343 = arith.constant 432 : index
    %swap3A_344 = tpu.vector_load %arg10[%swap3A_343] {strides = array<i32>} : memref<1008xf32, #tpu.memory_space<vmem>>, vector<16xf32>,
    tpu.vector_store %arg10[%swap3A_343], %gather3A_342 {strides = array<i32>} : memref<1008xf32, #tpu.memory_space<vmem>>, vector<16xf32>,
    %add3A_345 = arith.constant 208 : i32
    %add3A_346 = vector.broadcast %add3A_345 : i32 to vector<16xi32>
    %add3A_347 = arith.addi %add3A_346, %iota3A : vector<16xi32>
    %mul3A_348 = arith.constant 4 : i32
    %mul3A_349 = vector.broadcast %mul3A_348 : i32 to vector<16xi32>
    %mul3A_350 = arith.muli %add3A_347, %mul3A_349 : vector<16xi32>
    %add3A_351 = arith.constant 1 : i32
    %add3A_352 = vector.broadcast %add3A_351 : i32 to vector<16xi32>
    %add3A_353 = arith.addi %mul3A_350, %add3A_352 : vector<16xi32>
    %gather3A_354 = tpu.vector_load_idx %arg7[%add3A_353] : memref<1024xf32, #tpu.memory_space<vmem>>[vector<16xi32>], vector<16xf32>,
    %swap3A_355 = arith.constant 448 : index
    %swap3A_356 = tpu.vector_load %arg10[%swap3A_355] {strides = array<i32>} : memref<1008xf32, #tpu.memory_space<vmem>>, vector<16xf32>,
    tpu.vector_store %arg10[%swap3A_355], %gather3A_354 {strides = array<i32>} : memref<1008xf32, #tpu.memory_space<vmem>>, vector<16xf32>,
    %add3A_357 = arith.constant 224 : i32
    %add3A_358 = vector.broadcast %add3A_357 : i32 to vector<16xi32>
    %add3A_359 = arith.addi %add3A_358, %iota3A : vector<16xi32>
    %mul3A_360 = arith.constant 4 : i32
    %mul3A_361 = vector.broadcast %mul3A_360 : i32 to vector<16xi32>
    %mul3A_362 = arith.muli %add3A_359, %mul3A_361 : vector<16xi32>
    %add3A_363 = arith.constant 1 : i32
    %add3A_364 = vector.broadcast %add3A_363 : i32 to vector<16xi32>
    %add3A_365 = arith.addi %mul3A_362, %add3A_364 : vector<16xi32>
    %gather3A_366 = tpu.vector_load_idx %arg7[%add3A_365] : memref<1024xf32, #tpu.memory_space<vmem>>[vector<16xi32>], vector<16xf32>,
    %swap3A_367 = arith.constant 464 : index
    %swap3A_368 = tpu.vector_load %arg10[%swap3A_367] {strides = array<i32>} : memref<1008xf32, #tpu.memory_space<vmem>>, vector<16xf32>,
    tpu.vector_store %arg10[%swap3A_367], %gather3A_366 {strides = array<i32>} : memref<1008xf32, #tpu.memory_space<vmem>>, vector<16xf32>,
    %add3A_369 = arith.constant 240 : i32
    %add3A_370 = vector.broadcast %add3A_369 : i32 to vector<16xi32>
    %add3A_371 = arith.addi %add3A_370, %iota3A : vector<16xi32>
    %mul3A_372 = arith.constant 4 : i32
    %mul3A_373 = vector.broadcast %mul3A_372 : i32 to vector<16xi32>
    %mul3A_374 = arith.muli %add3A_371, %mul3A_373 : vector<16xi32>
    %add3A_375 = arith.constant 1 : i32
    %add3A_376 = vector.broadcast %add3A_375 : i32 to vector<16xi32>
    %add3A_377 = arith.addi %mul3A_374, %add3A_376 : vector<16xi32>
    %gather3A_378 = tpu.vector_load_idx %arg7[%add3A_377] : memref<1024xf32, #tpu.memory_space<vmem>>[vector<16xi32>], vector<16xf32>,
    %swap3A_379 = arith.constant 480 : index
    %swap3A_380 = tpu.vector_load %arg10[%swap3A_379] {strides = array<i32>} : memref<1008xf32, #tpu.memory_space<vmem>>, vector<16xf32>,
    tpu.vector_store %arg10[%swap3A_379], %gather3A_378 {strides = array<i32>} : memref<1008xf32, #tpu.memory_space<vmem>>, vector<16xf32>,
    %add3A_381 = arith.constant 0 : i32
    %add3A_382 = vector.broadcast %add3A_381 : i32 to vector<16xi32>
    %add3A_383 = arith.addi %add3A_382, %iota3A : vector<16xi32>
    %mul3A_384 = arith.constant 2 : i32
    %mul3A_385 = vector.broadcast %mul3A_384 : i32 to vector<16xi32>
    %mul3A_386 = arith.muli %add3A_383, %mul3A_385 : vector<16xi32>
    %add3A_387 = arith.constant 0 : i32
    %add3A_388 = vector.broadcast %add3A_387 : i32 to vector<16xi32>
    %add3A_389 = arith.addi %mul3A_386, %add3A_388 : vector<16xi32>
    %gather3A_390 = tpu.vector_load_idx %arg7[%add3A_389] : memref<1024xf32, #tpu.memory_space<vmem>>[vector<16xi32>], vector<16xf32>,
    %swap3A_391 = arith.constant 496 : index
    %swap3A_392 = tpu.vector_load %arg10[%swap3A_391] {strides = array<i32>} : memref<1008xf32, #tpu.memory_space<vmem>>, vector<16xf32>,
    tpu.vector_store %arg10[%swap3A_391], %gather3A_390 {strides = array<i32>} : memref<1008xf32, #tpu.memory_space<vmem>>, vector<16xf32>,
    %add3A_393 = arith.constant 16 : i32
    %add3A_394 = vector.broadcast %add3A_393 : i32 to vector<16xi32>
    %add3A_395 = arith.addi %add3A_394, %iota3A : vector<16xi32>
    %mul3A_396 = arith.constant 2 : i32
    %mul3A_397 = vector.broadcast %mul3A_396 : i32 to vector<16xi32>
    %mul3A_398 = arith.muli %add3A_395, %mul3A_397 : vector<16xi32>
    %add3A_399 = arith.constant 0 : i32
    %add3A_400 = vector.broadcast %add3A_399 : i32 to vector<16xi32>
    %add3A_401 = arith.addi %mul3A_398, %add3A_400 : vector<16xi32>
    %gather3A_402 = tpu.vector_load_idx %arg7[%add3A_401] : memref<1024xf32, #tpu.memory_space<vmem>>[vector<16xi32>], vector<16xf32>,
    %swap3A_403 = arith.constant 512 : index
    %swap3A_404 = tpu.vector_load %arg10[%swap3A_403] {strides = array<i32>} : memref<1008xf32, #tpu.memory_space<vmem>>, vector<16xf32>,
    tpu.vector_store %arg10[%swap3A_403], %gather3A_402 {strides = array<i32>} : memref<1008xf32, #tpu.memory_space<vmem>>, vector<16xf32>,
    %add3A_405 = arith.constant 32 : i32
    %add3A_406 = vector.broadcast %add3A_405 : i32 to vector<16xi32>
    %add3A_407 = arith.addi %add3A_406, %iota3A : vector<16xi32>
    %mul3A_408 = arith.constant 2 : i32
    %mul3A_409 = vector.broadcast %mul3A_408 : i32 to vector<16xi32>
    %mul3A_410 = arith.muli %add3A_407, %mul3A_409 : vector<16xi32>
    %add3A_411 = arith.constant 0 : i32
    %add3A_412 = vector.broadcast %add3A_411 : i32 to vector<16xi32>
    %add3A_413 = arith.addi %mul3A_410, %add3A_412 : vector<16xi32>
    %gather3A_414 = tpu.vector_load_idx %arg7[%add3A_413] : memref<1024xf32, #tpu.memory_space<vmem>>[vector<16xi32>], vector<16xf32>,
    %swap3A_415 = arith.constant 528 : index
    %swap3A_416 = tpu.vector_load %arg10[%swap3A_415] {strides = array<i32>} : memref<1008xf32, #tpu.memory_space<vmem>>, vector<16xf32>,
    tpu.vector_store %arg10[%swap3A_415], %gather3A_414 {strides = array<i32>} : memref<1008xf32, #tpu.memory_space<vmem>>, vector<16xf32>,
    %add3A_417 = arith.constant 48 : i32
    %add3A_418 = vector.broadcast %add3A_417 : i32 to vector<16xi32>
    %add3A_419 = arith.addi %add3A_418, %iota3A : vector<16xi32>
    %mul3A_420 = arith.constant 2 : i32
    %mul3A_421 = vector.broadcast %mul3A_420 : i32 to vector<16xi32>
    %mul3A_422 = arith.muli %add3A_419, %mul3A_421 : vector<16xi32>
    %add3A_423 = arith.constant 0 : i32
    %add3A_424 = vector.broadcast %add3A_423 : i32 to vector<16xi32>
    %add3A_425 = arith.addi %mul3A_422, %add3A_424 : vector<16xi32>
    %gather3A_426 = tpu.vector_load_idx %arg7[%add3A_425] : memref<1024xf32, #tpu.memory_space<vmem>>[vector<16xi32>], vector<16xf32>,
    %swap3A_427 = arith.constant 544 : index
    %swap3A_428 = tpu.vector_load %arg10[%swap3A_427] {strides = array<i32>} : memref<1008xf32, #tpu.memory_space<vmem>>, vector<16xf32>,
    tpu.vector_store %arg10[%swap3A_427], %gather3A_426 {strides = array<i32>} : memref<1008xf32, #tpu.memory_space<vmem>>, vector<16xf32>,
    %add3A_429 = arith.constant 64 : i32
    %add3A_430 = vector.broadcast %add3A_429 : i32 to vector<16xi32>
    %add3A_431 = arith.addi %add3A_430, %iota3A : vector<16xi32>
    %mul3A_432 = arith.constant 2 : i32
    %mul3A_433 = vector.broadcast %mul3A_432 : i32 to vector<16xi32>
    %mul3A_434 = arith.muli %add3A_431, %mul3A_433 : vector<16xi32>
    %add3A_435 = arith.constant 0 : i32
    %add3A_436 = vector.broadcast %add3A_435 : i32 to vector<16xi32>
    %add3A_437 = arith.addi %mul3A_434, %add3A_436 : vector<16xi32>
    %gather3A_438 = tpu.vector_load_idx %arg7[%add3A_437] : memref<1024xf32, #tpu.memory_space<vmem>>[vector<16xi32>], vector<16xf32>,
    %swap3A_439 = arith.constant 560 : index
    %swap3A_440 = tpu.vector_load %arg10[%swap3A_439] {strides = array<i32>} : memref<1008xf32, #tpu.memory_space<vmem>>, vector<16xf32>,
    tpu.vector_store %arg10[%swap3A_439], %gather3A_438 {strides = array<i32>} : memref<1008xf32, #tpu.memory_space<vmem>>, vector<16xf32>,
    %add3A_441 = arith.constant 80 : i32
    %add3A_442 = vector.broadcast %add3A_441 : i32 to vector<16xi32>
    %add3A_443 = arith.addi %add3A_442, %iota3A : vector<16xi32>
    %mul3A_444 = arith.constant 2 : i32
    %mul3A_445 = vector.broadcast %mul3A_444 : i32 to vector<16xi32>
    %mul3A_446 = arith.muli %add3A_443, %mul3A_445 : vector<16xi32>
    %add3A_447 = arith.constant 0 : i32
    %add3A_448 = vector.broadcast %add3A_447 : i32 to vector<16xi32>
    %add3A_449 = arith.addi %mul3A_446, %add3A_448 : vector<16xi32>
    %gather3A_450 = tpu.vector_load_idx %arg7[%add3A_449] : memref<1024xf32, #tpu.memory_space<vmem>>[vector<16xi32>], vector<16xf32>,
    %swap3A_451 = arith.constant 576 : index
    %swap3A_452 = tpu.vector_load %arg10[%swap3A_451] {strides = array<i32>} : memref<1008xf32, #tpu.memory_space<vmem>>, vector<16xf32>,
    tpu.vector_store %arg10[%swap3A_451], %gather3A_450 {strides = array<i32>} : memref<1008xf32, #tpu.memory_space<vmem>>, vector<16xf32>,
    %add3A_453 = arith.constant 96 : i32
    %add3A_454 = vector.broadcast %add3A_453 : i32 to vector<16xi32>
    %add3A_455 = arith.addi %add3A_454, %iota3A : vector<16xi32>
    %mul3A_456 = arith.constant 2 : i32
    %mul3A_457 = vector.broadcast %mul3A_456 : i32 to vector<16xi32>
    %mul3A_458 = arith.muli %add3A_455, %mul3A_457 : vector<16xi32>
    %add3A_459 = arith.constant 0 : i32
    %add3A_460 = vector.broadcast %add3A_459 : i32 to vector<16xi32>
    %add3A_461 = arith.addi %mul3A_458, %add3A_460 : vector<16xi32>
    %gather3A_462 = tpu.vector_load_idx %arg7[%add3A_461] : memref<1024xf32, #tpu.memory_space<vmem>>[vector<16xi32>], vector<16xf32>,
    %swap3A_463 = arith.constant 592 : index
    %swap3A_464 = tpu.vector_load %arg10[%swap3A_463] {strides = array<i32>} : memref<1008xf32, #tpu.memory_space<vmem>>, vector<16xf32>,
    tpu.vector_store %arg10[%swap3A_463], %gather3A_462 {strides = array<i32>} : memref<1008xf32, #tpu.memory_space<vmem>>, vector<16xf32>,
    %add3A_465 = arith.constant 112 : i32
    %add3A_466 = vector.broadcast %add3A_465 : i32 to vector<16xi32>
    %add3A_467 = arith.addi %add3A_466, %iota3A : vector<16xi32>
    %mul3A_468 = arith.constant 2 : i32
    %mul3A_469 = vector.broadcast %mul3A_468 : i32 to vector<16xi32>
    %mul3A_470 = arith.muli %add3A_467, %mul3A_469 : vector<16xi32>
    %add3A_471 = arith.constant 0 : i32
    %add3A_472 = vector.broadcast %add3A_471 : i32 to vector<16xi32>
    %add3A_473 = arith.addi %mul3A_470, %add3A_472 : vector<16xi32>
    %gather3A_474 = tpu.vector_load_idx %arg7[%add3A_473] : memref<1024xf32, #tpu.memory_space<vmem>>[vector<16xi32>], vector<16xf32>,
    %swap3A_475 = arith.constant 608 : index
    %swap3A_476 = tpu.vector_load %arg10[%swap3A_475] {strides = array<i32>} : memref<1008xf32, #tpu.memory_space<vmem>>, vector<16xf32>,
    tpu.vector_store %arg10[%swap3A_475], %gather3A_474 {strides = array<i32>} : memref<1008xf32, #tpu.memory_space<vmem>>, vector<16xf32>,
    %add3A_477 = arith.constant 128 : i32
    %add3A_478 = vector.broadcast %add3A_477 : i32 to vector<16xi32>
    %add3A_479 = arith.addi %add3A_478, %iota3A : vector<16xi32>
    %mul3A_480 = arith.constant 2 : i32
    %mul3A_481 = vector.broadcast %mul3A_480 : i32 to vector<16xi32>
    %mul3A_482 = arith.muli %add3A_479, %mul3A_481 : vector<16xi32>
    %add3A_483 = arith.constant 0 : i32
    %add3A_484 = vector.broadcast %add3A_483 : i32 to vector<16xi32>
    %add3A_485 = arith.addi %mul3A_482, %add3A_484 : vector<16xi32>
    %gather3A_486 = tpu.vector_load_idx %arg7[%add3A_485] : memref<1024xf32, #tpu.memory_space<vmem>>[vector<16xi32>], vector<16xf32>,
    %swap3A_487 = arith.constant 624 : index
    %swap3A_488 = tpu.vector_load %arg10[%swap3A_487] {strides = array<i32>} : memref<1008xf32, #tpu.memory_space<vmem>>, vector<16xf32>,
    tpu.vector_store %arg10[%swap3A_487], %gather3A_486 {strides = array<i32>} : memref<1008xf32, #tpu.memory_space<vmem>>, vector<16xf32>,
    %add3A_489 = arith.constant 144 : i32
    %add3A_490 = vector.broadcast %add3A_489 : i32 to vector<16xi32>
    %add3A_491 = arith.addi %add3A_490, %iota3A : vector<16xi32>
    %mul3A_492 = arith.constant 2 : i32
    %mul3A_493 = vector.broadcast %mul3A_492 : i32 to vector<16xi32>
    %mul3A_494 = arith.muli %add3A_491, %mul3A_493 : vector<16xi32>
    %add3A_495 = arith.constant 0 : i32
    %add3A_496 = vector.broadcast %add3A_495 : i32 to vector<16xi32>
    %add3A_497 = arith.addi %mul3A_494, %add3A_496 : vector<16xi32>
    %gather3A_498 = tpu.vector_load_idx %arg7[%add3A_497] : memref<1024xf32, #tpu.memory_space<vmem>>[vector<16xi32>], vector<16xf32>,
    %swap3A_499 = arith.constant 640 : index
    %swap3A_500 = tpu.vector_load %arg10[%swap3A_499] {strides = array<i32>} : memref<1008xf32, #tpu.memory_space<vmem>>, vector<16xf32>,
    tpu.vector_store %arg10[%swap3A_499], %gather3A_498 {strides = array<i32>} : memref<1008xf32, #tpu.memory_space<vmem>>, vector<16xf32>,
    %add3A_501 = arith.constant 160 : i32
    %add3A_502 = vector.broadcast %add3A_501 : i32 to vector<16xi32>
    %add3A_503 = arith.addi %add3A_502, %iota3A : vector<16xi32>
    %mul3A_504 = arith.constant 2 : i32
    %mul3A_505 = vector.broadcast %mul3A_504 : i32 to vector<16xi32>
    %mul3A_506 = arith.muli %add3A_503, %mul3A_505 : vector<16xi32>
    %add3A_507 = arith.constant 0 : i32
    %add3A_508 = vector.broadcast %add3A_507 : i32 to vector<16xi32>
    %add3A_509 = arith.addi %mul3A_506, %add3A_508 : vector<16xi32>
    %gather3A_510 = tpu.vector_load_idx %arg7[%add3A_509] : memref<1024xf32, #tpu.memory_space<vmem>>[vector<16xi32>], vector<16xf32>,
    %swap3A_511 = arith.constant 656 : index
    %swap3A_512 = tpu.vector_load %arg10[%swap3A_511] {strides = array<i32>} : memref<1008xf32, #tpu.memory_space<vmem>>, vector<16xf32>,
    tpu.vector_store %arg10[%swap3A_511], %gather3A_510 {strides = array<i32>} : memref<1008xf32, #tpu.memory_space<vmem>>, vector<16xf32>,
    %add3A_513 = arith.constant 176 : i32
    %add3A_514 = vector.broadcast %add3A_513 : i32 to vector<16xi32>
    %add3A_515 = arith.addi %add3A_514, %iota3A : vector<16xi32>
    %mul3A_516 = arith.constant 2 : i32
    %mul3A_517 = vector.broadcast %mul3A_516 : i32 to vector<16xi32>
    %mul3A_518 = arith.muli %add3A_515, %mul3A_517 : vector<16xi32>
    %add3A_519 = arith.constant 0 : i32
    %add3A_520 = vector.broadcast %add3A_519 : i32 to vector<16xi32>
    %add3A_521 = arith.addi %mul3A_518, %add3A_520 : vector<16xi32>
    %gather3A_522 = tpu.vector_load_idx %arg7[%add3A_521] : memref<1024xf32, #tpu.memory_space<vmem>>[vector<16xi32>], vector<16xf32>,
    %swap3A_523 = arith.constant 672 : index
    %swap3A_524 = tpu.vector_load %arg10[%swap3A_523] {strides = array<i32>} : memref<1008xf32, #tpu.memory_space<vmem>>, vector<16xf32>,
    tpu.vector_store %arg10[%swap3A_523], %gather3A_522 {strides = array<i32>} : memref<1008xf32, #tpu.memory_space<vmem>>, vector<16xf32>,
    %add3A_525 = arith.constant 192 : i32
    %add3A_526 = vector.broadcast %add3A_525 : i32 to vector<16xi32>
    %add3A_527 = arith.addi %add3A_526, %iota3A : vector<16xi32>
    %mul3A_528 = arith.constant 2 : i32
    %mul3A_529 = vector.broadcast %mul3A_528 : i32 to vector<16xi32>
    %mul3A_530 = arith.muli %add3A_527, %mul3A_529 : vector<16xi32>
    %add3A_531 = arith.constant 0 : i32
    %add3A_532 = vector.broadcast %add3A_531 : i32 to vector<16xi32>
    %add3A_533 = arith.addi %mul3A_530, %add3A_532 : vector<16xi32>
    %gather3A_534 = tpu.vector_load_idx %arg7[%add3A_533] : memref<1024xf32, #tpu.memory_space<vmem>>[vector<16xi32>], vector<16xf32>,
    %swap3A_535 = arith.constant 688 : index
    %swap3A_536 = tpu.vector_load %arg10[%swap3A_535] {strides = array<i32>} : memref<1008xf32, #tpu.memory_space<vmem>>, vector<16xf32>,
    tpu.vector_store %arg10[%swap3A_535], %gather3A_534 {strides = array<i32>} : memref<1008xf32, #tpu.memory_space<vmem>>, vector<16xf32>,
    %add3A_537 = arith.constant 208 : i32
    %add3A_538 = vector.broadcast %add3A_537 : i32 to vector<16xi32>
    %add3A_539 = arith.addi %add3A_538, %iota3A : vector<16xi32>
    %mul3A_540 = arith.constant 2 : i32
    %mul3A_541 = vector.broadcast %mul3A_540 : i32 to vector<16xi32>
    %mul3A_542 = arith.muli %add3A_539, %mul3A_541 : vector<16xi32>
    %add3A_543 = arith.constant 0 : i32
    %add3A_544 = vector.broadcast %add3A_543 : i32 to vector<16xi32>
    %add3A_545 = arith.addi %mul3A_542, %add3A_544 : vector<16xi32>
    %gather3A_546 = tpu.vector_load_idx %arg7[%add3A_545] : memref<1024xf32, #tpu.memory_space<vmem>>[vector<16xi32>], vector<16xf32>,
    %swap3A_547 = arith.constant 704 : index
    %swap3A_548 = tpu.vector_load %arg10[%swap3A_547] {strides = array<i32>} : memref<1008xf32, #tpu.memory_space<vmem>>, vector<16xf32>,
    tpu.vector_store %arg10[%swap3A_547], %gather3A_546 {strides = array<i32>} : memref<1008xf32, #tpu.memory_space<vmem>>, vector<16xf32>,
    %add3A_549 = arith.constant 224 : i32
    %add3A_550 = vector.broadcast %add3A_549 : i32 to vector<16xi32>
    %add3A_551 = arith.addi %add3A_550, %iota3A : vector<16xi32>
    %mul3A_552 = arith.constant 2 : i32
    %mul3A_553 = vector.broadcast %mul3A_552 : i32 to vector<16xi32>
    %mul3A_554 = arith.muli %add3A_551, %mul3A_553 : vector<16xi32>
    %add3A_555 = arith.constant 0 : i32
    %add3A_556 = vector.broadcast %add3A_555 : i32 to vector<16xi32>
    %add3A_557 = arith.addi %mul3A_554, %add3A_556 : vector<16xi32>
    %gather3A_558 = tpu.vector_load_idx %arg7[%add3A_557] : memref<1024xf32, #tpu.memory_space<vmem>>[vector<16xi32>], vector<16xf32>,
    %swap3A_559 = arith.constant 720 : index
    %swap3A_560 = tpu.vector_load %arg10[%swap3A_559] {strides = array<i32>} : memref<1008xf32, #tpu.memory_space<vmem>>, vector<16xf32>,
    tpu.vector_store %arg10[%swap3A_559], %gather3A_558 {strides = array<i32>} : memref<1008xf32, #tpu.memory_space<vmem>>, vector<16xf32>,
    %add3A_561 = arith.constant 240 : i32
    %add3A_562 = vector.broadcast %add3A_561 : i32 to vector<16xi32>
    %add3A_563 = arith.addi %add3A_562, %iota3A : vector<16xi32>
    %mul3A_564 = arith.constant 2 : i32
    %mul3A_565 = vector.broadcast %mul3A_564 : i32 to vector<16xi32>
    %mul3A_566 = arith.muli %add3A_563, %mul3A_565 : vector<16xi32>
    %add3A_567 = arith.constant 0 : i32
    %add3A_568 = vector.broadcast %add3A_567 : i32 to vector<16xi32>
    %add3A_569 = arith.addi %mul3A_566, %add3A_568 : vector<16xi32>
    %gather3A_570 = tpu.vector_load_idx %arg7[%add3A_569] : memref<1024xf32, #tpu.memory_space<vmem>>[vector<16xi32>], vector<16xf32>,
    %swap3A_571 = arith.constant 736 : index
    %swap3A_572 = tpu.vector_load %arg10[%swap3A_571] {strides = array<i32>} : memref<1008xf32, #tpu.memory_space<vmem>>, vector<16xf32>,
    tpu.vector_store %arg10[%swap3A_571], %gather3A_570 {strides = array<i32>} : memref<1008xf32, #tpu.memory_space<vmem>>, vector<16xf32>,
    %add3A_573 = arith.constant 256 : i32
    %add3A_574 = vector.broadcast %add3A_573 : i32 to vector<16xi32>
    %add3A_575 = arith.addi %add3A_574, %iota3A : vector<16xi32>
    %mul3A_576 = arith.constant 2 : i32
    %mul3A_577 = vector.broadcast %mul3A_576 : i32 to vector<16xi32>
    %mul3A_578 = arith.muli %add3A_575, %mul3A_577 : vector<16xi32>
    %add3A_579 = arith.constant 0 : i32
    %add3A_580 = vector.broadcast %add3A_579 : i32 to vector<16xi32>
    %add3A_581 = arith.addi %mul3A_578, %add3A_580 : vector<16xi32>
    %gather3A_582 = tpu.vector_load_idx %arg7[%add3A_581] : memref<1024xf32, #tpu.memory_space<vmem>>[vector<16xi32>], vector<16xf32>,
    %swap3A_583 = arith.constant 752 : index
    %swap3A_584 = tpu.vector_load %arg10[%swap3A_583] {strides = array<i32>} : memref<1008xf32, #tpu.memory_space<vmem>>, vector<16xf32>,
    tpu.vector_store %arg10[%swap3A_583], %gather3A_582 {strides = array<i32>} : memref<1008xf32, #tpu.memory_space<vmem>>, vector<16xf32>,
    %add3A_585 = arith.constant 272 : i32
    %add3A_586 = vector.broadcast %add3A_585 : i32 to vector<16xi32>
    %add3A_587 = arith.addi %add3A_586, %iota3A : vector<16xi32>
    %mul3A_588 = arith.constant 2 : i32
    %mul3A_589 = vector.broadcast %mul3A_588 : i32 to vector<16xi32>
    %mul3A_590 = arith.muli %add3A_587, %mul3A_589 : vector<16xi32>
    %add3A_591 = arith.constant 0 : i32
    %add3A_592 = vector.broadcast %add3A_591 : i32 to vector<16xi32>
    %add3A_593 = arith.addi %mul3A_590, %add3A_592 : vector<16xi32>
    %gather3A_594 = tpu.vector_load_idx %arg7[%add3A_593] : memref<1024xf32, #tpu.memory_space<vmem>>[vector<16xi32>], vector<16xf32>,
    %swap3A_595 = arith.constant 768 : index
    %swap3A_596 = tpu.vector_load %arg10[%swap3A_595] {strides = array<i32>} : memref<1008xf32, #tpu.memory_space<vmem>>, vector<16xf32>,
    tpu.vector_store %arg10[%swap3A_595], %gather3A_594 {strides = array<i32>} : memref<1008xf32, #tpu.memory_space<vmem>>, vector<16xf32>,
    %add3A_597 = arith.constant 288 : i32
    %add3A_598 = vector.broadcast %add3A_597 : i32 to vector<16xi32>
    %add3A_599 = arith.addi %add3A_598, %iota3A : vector<16xi32>
    %mul3A_600 = arith.constant 2 : i32
    %mul3A_601 = vector.broadcast %mul3A_600 : i32 to vector<16xi32>
    %mul3A_602 = arith.muli %add3A_599, %mul3A_601 : vector<16xi32>
    %add3A_603 = arith.constant 0 : i32
    %add3A_604 = vector.broadcast %add3A_603 : i32 to vector<16xi32>
    %add3A_605 = arith.addi %mul3A_602, %add3A_604 : vector<16xi32>
    %gather3A_606 = tpu.vector_load_idx %arg7[%add3A_605] : memref<1024xf32, #tpu.memory_space<vmem>>[vector<16xi32>], vector<16xf32>,
    %swap3A_607 = arith.constant 784 : index
    %swap3A_608 = tpu.vector_load %arg10[%swap3A_607] {strides = array<i32>} : memref<1008xf32, #tpu.memory_space<vmem>>, vector<16xf32>,
    tpu.vector_store %arg10[%swap3A_607], %gather3A_606 {strides = array<i32>} : memref<1008xf32, #tpu.memory_space<vmem>>, vector<16xf32>,
    %add3A_609 = arith.constant 304 : i32
    %add3A_610 = vector.broadcast %add3A_609 : i32 to vector<16xi32>
    %add3A_611 = arith.addi %add3A_610, %iota3A : vector<16xi32>
    %mul3A_612 = arith.constant 2 : i32
    %mul3A_613 = vector.broadcast %mul3A_612 : i32 to vector<16xi32>
    %mul3A_614 = arith.muli %add3A_611, %mul3A_613 : vector<16xi32>
    %add3A_615 = arith.constant 0 : i32
    %add3A_616 = vector.broadcast %add3A_615 : i32 to vector<16xi32>
    %add3A_617 = arith.addi %mul3A_614, %add3A_616 : vector<16xi32>
    %gather3A_618 = tpu.vector_load_idx %arg7[%add3A_617] : memref<1024xf32, #tpu.memory_space<vmem>>[vector<16xi32>], vector<16xf32>,
    %swap3A_619 = arith.constant 800 : index
    %swap3A_620 = tpu.vector_load %arg10[%swap3A_619] {strides = array<i32>} : memref<1008xf32, #tpu.memory_space<vmem>>, vector<16xf32>,
    tpu.vector_store %arg10[%swap3A_619], %gather3A_618 {strides = array<i32>} : memref<1008xf32, #tpu.memory_space<vmem>>, vector<16xf32>,
    %add3A_621 = arith.constant 320 : i32
    %add3A_622 = vector.broadcast %add3A_621 : i32 to vector<16xi32>
    %add3A_623 = arith.addi %add3A_622, %iota3A : vector<16xi32>
    %mul3A_624 = arith.constant 2 : i32
    %mul3A_625 = vector.broadcast %mul3A_624 : i32 to vector<16xi32>
    %mul3A_626 = arith.muli %add3A_623, %mul3A_625 : vector<16xi32>
    %add3A_627 = arith.constant 0 : i32
    %add3A_628 = vector.broadcast %add3A_627 : i32 to vector<16xi32>
    %add3A_629 = arith.addi %mul3A_626, %add3A_628 : vector<16xi32>
    %gather3A_630 = tpu.vector_load_idx %arg7[%add3A_629] : memref<1024xf32, #tpu.memory_space<vmem>>[vector<16xi32>], vector<16xf32>,
    %swap3A_631 = arith.constant 816 : index
    %swap3A_632 = tpu.vector_load %arg10[%swap3A_631] {strides = array<i32>} : memref<1008xf32, #tpu.memory_space<vmem>>, vector<16xf32>,
    tpu.vector_store %arg10[%swap3A_631], %gather3A_630 {strides = array<i32>} : memref<1008xf32, #tpu.memory_space<vmem>>, vector<16xf32>,
    %add3A_633 = arith.constant 336 : i32
    %add3A_634 = vector.broadcast %add3A_633 : i32 to vector<16xi32>
    %add3A_635 = arith.addi %add3A_634, %iota3A : vector<16xi32>
    %mul3A_636 = arith.constant 2 : i32
    %mul3A_637 = vector.broadcast %mul3A_636 : i32 to vector<16xi32>
    %mul3A_638 = arith.muli %add3A_635, %mul3A_637 : vector<16xi32>
    %add3A_639 = arith.constant 0 : i32
    %add3A_640 = vector.broadcast %add3A_639 : i32 to vector<16xi32>
    %add3A_641 = arith.addi %mul3A_638, %add3A_640 : vector<16xi32>
    %gather3A_642 = tpu.vector_load_idx %arg7[%add3A_641] : memref<1024xf32, #tpu.memory_space<vmem>>[vector<16xi32>], vector<16xf32>,
    %swap3A_643 = arith.constant 832 : index
    %swap3A_644 = tpu.vector_load %arg10[%swap3A_643] {strides = array<i32>} : memref<1008xf32, #tpu.memory_space<vmem>>, vector<16xf32>,
    tpu.vector_store %arg10[%swap3A_643], %gather3A_642 {strides = array<i32>} : memref<1008xf32, #tpu.memory_space<vmem>>, vector<16xf32>,
    %add3A_645 = arith.constant 352 : i32
    %add3A_646 = vector.broadcast %add3A_645 : i32 to vector<16xi32>
    %add3A_647 = arith.addi %add3A_646, %iota3A : vector<16xi32>
    %mul3A_648 = arith.constant 2 : i32
    %mul3A_649 = vector.broadcast %mul3A_648 : i32 to vector<16xi32>
    %mul3A_650 = arith.muli %add3A_647, %mul3A_649 : vector<16xi32>
    %add3A_651 = arith.constant 0 : i32
    %add3A_652 = vector.broadcast %add3A_651 : i32 to vector<16xi32>
    %add3A_653 = arith.addi %mul3A_650, %add3A_652 : vector<16xi32>
    %gather3A_654 = tpu.vector_load_idx %arg7[%add3A_653] : memref<1024xf32, #tpu.memory_space<vmem>>[vector<16xi32>], vector<16xf32>,
    %swap3A_655 = arith.constant 848 : index
    %swap3A_656 = tpu.vector_load %arg10[%swap3A_655] {strides = array<i32>} : memref<1008xf32, #tpu.memory_space<vmem>>, vector<16xf32>,
    tpu.vector_store %arg10[%swap3A_655], %gather3A_654 {strides = array<i32>} : memref<1008xf32, #tpu.memory_space<vmem>>, vector<16xf32>,
    %add3A_657 = arith.constant 368 : i32
    %add3A_658 = vector.broadcast %add3A_657 : i32 to vector<16xi32>
    %add3A_659 = arith.addi %add3A_658, %iota3A : vector<16xi32>
    %mul3A_660 = arith.constant 2 : i32
    %mul3A_661 = vector.broadcast %mul3A_660 : i32 to vector<16xi32>
    %mul3A_662 = arith.muli %add3A_659, %mul3A_661 : vector<16xi32>
    %add3A_663 = arith.constant 0 : i32
    %add3A_664 = vector.broadcast %add3A_663 : i32 to vector<16xi32>
    %add3A_665 = arith.addi %mul3A_662, %add3A_664 : vector<16xi32>
    %gather3A_666 = tpu.vector_load_idx %arg7[%add3A_665] : memref<1024xf32, #tpu.memory_space<vmem>>[vector<16xi32>], vector<16xf32>,
    %swap3A_667 = arith.constant 864 : index
    %swap3A_668 = tpu.vector_load %arg10[%swap3A_667] {strides = array<i32>} : memref<1008xf32, #tpu.memory_space<vmem>>, vector<16xf32>,
    tpu.vector_store %arg10[%swap3A_667], %gather3A_666 {strides = array<i32>} : memref<1008xf32, #tpu.memory_space<vmem>>, vector<16xf32>,
    %add3A_669 = arith.constant 384 : i32
    %add3A_670 = vector.broadcast %add3A_669 : i32 to vector<16xi32>
    %add3A_671 = arith.addi %add3A_670, %iota3A : vector<16xi32>
    %mul3A_672 = arith.constant 2 : i32
    %mul3A_673 = vector.broadcast %mul3A_672 : i32 to vector<16xi32>
    %mul3A_674 = arith.muli %add3A_671, %mul3A_673 : vector<16xi32>
    %add3A_675 = arith.constant 0 : i32
    %add3A_676 = vector.broadcast %add3A_675 : i32 to vector<16xi32>
    %add3A_677 = arith.addi %mul3A_674, %add3A_676 : vector<16xi32>
    %gather3A_678 = tpu.vector_load_idx %arg7[%add3A_677] : memref<1024xf32, #tpu.memory_space<vmem>>[vector<16xi32>], vector<16xf32>,
    %swap3A_679 = arith.constant 880 : index
    %swap3A_680 = tpu.vector_load %arg10[%swap3A_679] {strides = array<i32>} : memref<1008xf32, #tpu.memory_space<vmem>>, vector<16xf32>,
    tpu.vector_store %arg10[%swap3A_679], %gather3A_678 {strides = array<i32>} : memref<1008xf32, #tpu.memory_space<vmem>>, vector<16xf32>,
    %add3A_681 = arith.constant 400 : i32
    %add3A_682 = vector.broadcast %add3A_681 : i32 to vector<16xi32>
    %add3A_683 = arith.addi %add3A_682, %iota3A : vector<16xi32>
    %mul3A_684 = arith.constant 2 : i32
    %mul3A_685 = vector.broadcast %mul3A_684 : i32 to vector<16xi32>
    %mul3A_686 = arith.muli %add3A_683, %mul3A_685 : vector<16xi32>
    %add3A_687 = arith.constant 0 : i32
    %add3A_688 = vector.broadcast %add3A_687 : i32 to vector<16xi32>
    %add3A_689 = arith.addi %mul3A_686, %add3A_688 : vector<16xi32>
    %gather3A_690 = tpu.vector_load_idx %arg7[%add3A_689] : memref<1024xf32, #tpu.memory_space<vmem>>[vector<16xi32>], vector<16xf32>,
    %swap3A_691 = arith.constant 896 : index
    %swap3A_692 = tpu.vector_load %arg10[%swap3A_691] {strides = array<i32>} : memref<1008xf32, #tpu.memory_space<vmem>>, vector<16xf32>,
    tpu.vector_store %arg10[%swap3A_691], %gather3A_690 {strides = array<i32>} : memref<1008xf32, #tpu.memory_space<vmem>>, vector<16xf32>,
    %add3A_693 = arith.constant 416 : i32
    %add3A_694 = vector.broadcast %add3A_693 : i32 to vector<16xi32>
    %add3A_695 = arith.addi %add3A_694, %iota3A : vector<16xi32>
    %mul3A_696 = arith.constant 2 : i32
    %mul3A_697 = vector.broadcast %mul3A_696 : i32 to vector<16xi32>
    %mul3A_698 = arith.muli %add3A_695, %mul3A_697 : vector<16xi32>
    %add3A_699 = arith.constant 0 : i32
    %add3A_700 = vector.broadcast %add3A_699 : i32 to vector<16xi32>
    %add3A_701 = arith.addi %mul3A_698, %add3A_700 : vector<16xi32>
    %gather3A_702 = tpu.vector_load_idx %arg7[%add3A_701] : memref<1024xf32, #tpu.memory_space<vmem>>[vector<16xi32>], vector<16xf32>,
    %swap3A_703 = arith.constant 912 : index
    %swap3A_704 = tpu.vector_load %arg10[%swap3A_703] {strides = array<i32>} : memref<1008xf32, #tpu.memory_space<vmem>>, vector<16xf32>,
    tpu.vector_store %arg10[%swap3A_703], %gather3A_702 {strides = array<i32>} : memref<1008xf32, #tpu.memory_space<vmem>>, vector<16xf32>,
    %add3A_705 = arith.constant 432 : i32
    %add3A_706 = vector.broadcast %add3A_705 : i32 to vector<16xi32>
    %add3A_707 = arith.addi %add3A_706, %iota3A : vector<16xi32>
    %mul3A_708 = arith.constant 2 : i32
    %mul3A_709 = vector.broadcast %mul3A_708 : i32 to vector<16xi32>
    %mul3A_710 = arith.muli %add3A_707, %mul3A_709 : vector<16xi32>
    %add3A_711 = arith.constant 0 : i32
    %add3A_712 = vector.broadcast %add3A_711 : i32 to vector<16xi32>
    %add3A_713 = arith.addi %mul3A_710, %add3A_712 : vector<16xi32>
    %gather3A_714 = tpu.vector_load_idx %arg7[%add3A_713] : memref<1024xf32, #tpu.memory_space<vmem>>[vector<16xi32>], vector<16xf32>,
    %swap3A_715 = arith.constant 928 : index
    %swap3A_716 = tpu.vector_load %arg10[%swap3A_715] {strides = array<i32>} : memref<1008xf32, #tpu.memory_space<vmem>>, vector<16xf32>,
    tpu.vector_store %arg10[%swap3A_715], %gather3A_714 {strides = array<i32>} : memref<1008xf32, #tpu.memory_space<vmem>>, vector<16xf32>,
    %add3A_717 = arith.constant 448 : i32
    %add3A_718 = vector.broadcast %add3A_717 : i32 to vector<16xi32>
    %add3A_719 = arith.addi %add3A_718, %iota3A : vector<16xi32>
    %mul3A_720 = arith.constant 2 : i32
    %mul3A_721 = vector.broadcast %mul3A_720 : i32 to vector<16xi32>
    %mul3A_722 = arith.muli %add3A_719, %mul3A_721 : vector<16xi32>
    %add3A_723 = arith.constant 0 : i32
    %add3A_724 = vector.broadcast %add3A_723 : i32 to vector<16xi32>
    %add3A_725 = arith.addi %mul3A_722, %add3A_724 : vector<16xi32>
    %gather3A_726 = tpu.vector_load_idx %arg7[%add3A_725] : memref<1024xf32, #tpu.memory_space<vmem>>[vector<16xi32>], vector<16xf32>,
    %swap3A_727 = arith.constant 944 : index
    %swap3A_728 = tpu.vector_load %arg10[%swap3A_727] {strides = array<i32>} : memref<1008xf32, #tpu.memory_space<vmem>>, vector<16xf32>,
    tpu.vector_store %arg10[%swap3A_727], %gather3A_726 {strides = array<i32>} : memref<1008xf32, #tpu.memory_space<vmem>>, vector<16xf32>,
    %add3A_729 = arith.constant 464 : i32
    %add3A_730 = vector.broadcast %add3A_729 : i32 to vector<16xi32>
    %add3A_731 = arith.addi %add3A_730, %iota3A : vector<16xi32>
    %mul3A_732 = arith.constant 2 : i32
    %mul3A_733 = vector.broadcast %mul3A_732 : i32 to vector<16xi32>
    %mul3A_734 = arith.muli %add3A_731, %mul3A_733 : vector<16xi32>
    %add3A_735 = arith.constant 0 : i32
    %add3A_736 = vector.broadcast %add3A_735 : i32 to vector<16xi32>
    %add3A_737 = arith.addi %mul3A_734, %add3A_736 : vector<16xi32>
    %gather3A_738 = tpu.vector_load_idx %arg7[%add3A_737] : memref<1024xf32, #tpu.memory_space<vmem>>[vector<16xi32>], vector<16xf32>,
    %swap3A_739 = arith.constant 960 : index
    %swap3A_740 = tpu.vector_load %arg10[%swap3A_739] {strides = array<i32>} : memref<1008xf32, #tpu.memory_space<vmem>>, vector<16xf32>,
    tpu.vector_store %arg10[%swap3A_739], %gather3A_738 {strides = array<i32>} : memref<1008xf32, #tpu.memory_space<vmem>>, vector<16xf32>,
    %add3A_741 = arith.constant 480 : i32
    %add3A_742 = vector.broadcast %add3A_741 : i32 to vector<16xi32>
    %add3A_743 = arith.addi %add3A_742, %iota3A : vector<16xi32>
    %mul3A_744 = arith.constant 2 : i32
    %mul3A_745 = vector.broadcast %mul3A_744 : i32 to vector<16xi32>
    %mul3A_746 = arith.muli %add3A_743, %mul3A_745 : vector<16xi32>
    %add3A_747 = arith.constant 0 : i32
    %add3A_748 = vector.broadcast %add3A_747 : i32 to vector<16xi32>
    %add3A_749 = arith.addi %mul3A_746, %add3A_748 : vector<16xi32>
    %gather3A_750 = tpu.vector_load_idx %arg7[%add3A_749] : memref<1024xf32, #tpu.memory_space<vmem>>[vector<16xi32>], vector<16xf32>,
    %swap3A_751 = arith.constant 976 : index
    %swap3A_752 = tpu.vector_load %arg10[%swap3A_751] {strides = array<i32>} : memref<1008xf32, #tpu.memory_space<vmem>>, vector<16xf32>,
    tpu.vector_store %arg10[%swap3A_751], %gather3A_750 {strides = array<i32>} : memref<1008xf32, #tpu.memory_space<vmem>>, vector<16xf32>,
    %add3A_753 = arith.constant 496 : i32
    %add3A_754 = vector.broadcast %add3A_753 : i32 to vector<16xi32>
    %add3A_755 = arith.addi %add3A_754, %iota3A : vector<16xi32>
    %mul3A_756 = arith.constant 2 : i32
    %mul3A_757 = vector.broadcast %mul3A_756 : i32 to vector<16xi32>
    %mul3A_758 = arith.muli %add3A_755, %mul3A_757 : vector<16xi32>
    %add3A_759 = arith.constant 0 : i32
    %add3A_760 = vector.broadcast %add3A_759 : i32 to vector<16xi32>
    %add3A_761 = arith.addi %mul3A_758, %add3A_760 : vector<16xi32>
    %gather3A_762 = tpu.vector_load_idx %arg7[%add3A_761] : memref<1024xf32, #tpu.memory_space<vmem>>[vector<16xi32>], vector<16xf32>,
    %swap3A_763 = arith.constant 992 : index
    %swap3A_764 = tpu.vector_load %arg10[%swap3A_763] {strides = array<i32>} : memref<1008xf32, #tpu.memory_space<vmem>>, vector<16xf32>,
    tpu.vector_store %arg10[%swap3A_763], %gather3A_762 {strides = array<i32>} : memref<1008xf32, #tpu.memory_space<vmem>>, vector<16xf32>,
    %mul3A_765 = arith.constant 1 : i32
    %mul3A_766 = arith.muli %arg1, %mul3A_765 : i32
    %add3A_767 = arith.constant 0 : i32
    %add3A_768 = arith.addi %add3A_767, %mul3A_766 : i32
    %mul3A_769 = arith.constant 16 : i32
    %mul3A_770 = arith.muli %arg0, %mul3A_769 : i32
    %add3A_771 = arith.addi %add3A_768, %mul3A_770 : i32
    %mul3A_772 = arith.constant 64 : i32
    %mul3A_773 = arith.muli %add3A_771, %mul3A_772 : i32
    "tpu.region"() ({
      %run_scoped3A = memref.alloca() : memref<2x9x512xf32, #tpu.memory_space<vmem>>
      %run_scoped3A_774 = tpu.sem_alloc : memref<2x!tpu.dma_semaphore, #tpu.memory_space<semaphore_mem>>
      %run_scoped3A_775 = memref.alloca() : memref<2x8x512xf32, #tpu.memory_space<vmem>>
      %run_scoped3A_776 = tpu.sem_alloc : memref<2x!tpu.dma_semaphore, #tpu.memory_space<semaphore_mem>>
      %add3A_777 = arith.constant 0 : i32
      %add3A_778 = arith.addi %add3A_777, %mul3A_773 : i32
      %select_n3A = arith.constant true
      %select_n3A_779 = arith.constant 0 : i32
      %select_n3A_780 = arith.constant -1 : i32
      %select_n3A_781 = arith.select %select_n3A, %select_n3A_780, %select_n3A_779 : i32
      %eq3A = arith.constant -1 : i32
      %eq3A_782 = arith.cmpi eq, %select_n3A_781, %eq3A : i32
      %select_n3A_783 = arith.constant 63 : i32
      %select_n3A_784 = arith.select %eq3A_782, %select_n3A_783, %select_n3A_781 : i32
      %add3A_785 = arith.addi %select_n3A_784, %mul3A_773 : i32
      %select_n3A_786 = arith.constant true
      %select_n3A_787 = arith.constant 0 : i32
      %select_n3A_788 = arith.constant 1 : i32
      %select_n3A_789 = arith.select %select_n3A_786, %select_n3A_788, %select_n3A_787 : i32
      %eq3A_790 = arith.constant 64 : i32
      %eq3A_791 = arith.cmpi eq, %select_n3A_789, %eq3A_790 : i32
      %select_n3A_792 = arith.constant 0 : i32
      %select_n3A_793 = arith.select %eq3A_791, %select_n3A_792, %select_n3A_789 : i32
      %add3A_794 = arith.addi %select_n3A_793, %mul3A_773 : i32
      %add3A_795 = arith.constant 1 : i32
      %add3A_796 = arith.addi %select_n3A_793, %add3A_795 : i32
      %select_n3A_797 = arith.constant true
      %select_n3A_798 = arith.select %select_n3A_797, %add3A_796, %select_n3A_793 : i32
      %eq3A_799 = arith.constant 64 : i32
      %eq3A_800 = arith.cmpi eq, %select_n3A_798, %eq3A_799 : i32
      %select_n3A_801 = arith.constant 0 : i32
      %select_n3A_802 = arith.select %eq3A_800, %select_n3A_801, %select_n3A_798 : i32
      %add3A_803 = arith.addi %select_n3A_802, %mul3A_773 : i32
      "tpu.trace_start"() <{level = 10 : i32, message = "ep_initialize_0"}> : () -> ()
      %rem3A = arith.constant 0 : i32
      %rem3A_804 = arith.constant 2 : i32
      %rem3A_805 = arith.remui %rem3A, %rem3A_804 : i32
      %mul3A_806 = arith.constant 512 : i32
      %mul3A_807 = arith.muli %mul3A_806, %add3A_778 : i32
      %dma_start3A = arith.constant 0 : i32
      %dma_start3A_808 = arith.constant 0 : i32
      %dma_start3A_809 = tpu.memref_slice %run_scoped3A[%rem3A_805, %dma_start3A, %dma_start3A_808] : memref<2x9x512xf32, #tpu.memory_space<vmem>> -> memref<1x9x512xf32, #tpu.memory_space<vmem>>
      %dma_start3A_810 = tpu.memref_squeeze %dma_start3A_809 : memref<1x9x512xf32, #tpu.memory_space<vmem>> -> memref<9x512xf32, #tpu.memory_space<vmem>>
      %dma_start3A_811 = arith.constant 0 : i32
      %dma_start3A_812 = tpu.memref_slice %arg2[%dma_start3A_811, %mul3A_807] : memref<9x1048576xf32, #tpu.memory_space<hbm>> -> memref<9x512xf32, #tpu.memory_space<hbm>>
      %dma_start3A_813 = tpu.memref_slice %run_scoped3A_774[%rem3A_805] : memref<2x!tpu.dma_semaphore, #tpu.memory_space<semaphore_mem>> -> memref<1x!tpu.dma_semaphore, #tpu.memory_space<semaphore_mem>>
      %dma_start3A_814 = tpu.memref_squeeze %dma_start3A_813 : memref<1x!tpu.dma_semaphore, #tpu.memory_space<semaphore_mem>> -> memref<!tpu.dma_semaphore, #tpu.memory_space<semaphore_mem>>
      %dma_start3A_815 = arith.constant 0 : i32
      %dma_start3A_816 = arith.constant 0 : i32
      %dma_start3A_817 = tpu.memref_slice %run_scoped3A[%rem3A_805, %dma_start3A_815, %dma_start3A_816] : memref<2x9x512xf32, #tpu.memory_space<vmem>> -> memref<1x9x512xf32, #tpu.memory_space<vmem>>
      %dma_start3A_818 = tpu.memref_squeeze %dma_start3A_817 : memref<1x9x512xf32, #tpu.memory_space<vmem>> -> memref<9x512xf32, #tpu.memory_space<vmem>>
      %dma_start3A_819 = arith.constant 0 : i32
      %dma_start3A_820 = tpu.memref_slice %arg2[%dma_start3A_819, %mul3A_807] : memref<9x1048576xf32, #tpu.memory_space<hbm>> -> memref<9x512xf32, #tpu.memory_space<hbm>>
      tpu.enqueue_dma source(%dma_start3A_820 : memref<9x512xf32, #tpu.memory_space<hbm>>) target(%dma_start3A_818 : memref<9x512xf32, #tpu.memory_space<vmem>>) target_semaphore(%dma_start3A_814 : memref<!tpu.dma_semaphore, #tpu.memory_space<semaphore_mem>>)
      %add3A_821 = arith.constant 0 : i32
      %add3A_822 = arith.constant 1 : i32
      %add3A_823 = arith.addi %add3A_821, %add3A_822 : i32
      %select_n3A_824 = arith.constant true
      %select_n3A_825 = arith.constant 0 : i32
      %select_n3A_826 = arith.select %select_n3A_824, %add3A_823, %select_n3A_825 : i32
      "tpu.trace_stop"() : () -> ()
      %scan3A = arith.constant 0 : i32
      %scan3A_827 = arith.constant 0 : i32
      %scan3A_828 = arith.constant 0 : i32
      %scan3A_829 = arith.constant 0 : i32
      %scan3A_830 = arith.constant 0 : i32
      %scan3A_831 = arith.constant 64 : i32
      %scan3A_832 = arith.addi %scan3A_830, %scan3A_831 : i32
      %scan3A_833 = arith.constant 1 : i32
      %scan3A_834:5 = scf.for %scan3A_888 = %scan3A_830 to %scan3A_832 step %scan3A_833 iter_args(%scan3A_889 = %select_n3A_826, %scan3A_890 = %scan3A, %scan3A_891 = %scan3A_827, %scan3A_892 = %scan3A_828, %scan3A_893 = %scan3A_829) -> (i32, i32, i32, i32, i32)  : i32 {
        %eq3A_894 = arith.constant 0 : i32
        %eq3A_895 = arith.cmpi eq, %scan3A_888, %eq3A_894 : i32
        %eq3A_896 = arith.constant 63 : i32
        %eq3A_897 = arith.cmpi eq, %scan3A_888, %eq3A_896 : i32
        %add3A_898 = arith.addi %scan3A_893, %mul3A_773 : i32
        %sub3A_899 = arith.constant 1 : i32
        %sub3A_900 = arith.subi %scan3A_893, %sub3A_899 : i32
        %select_n3A_901 = arith.constant true
        %select_n3A_902 = arith.select %select_n3A_901, %sub3A_900, %scan3A_893 : i32
        %eq3A_903 = arith.constant -1 : i32
        %eq3A_904 = arith.cmpi eq, %select_n3A_902, %eq3A_903 : i32
        %select_n3A_905 = arith.constant 63 : i32
        %select_n3A_906 = arith.select %eq3A_904, %select_n3A_905, %select_n3A_902 : i32
        %add3A_907 = arith.addi %select_n3A_906, %mul3A_773 : i32
        %add3A_908 = arith.constant 1 : i32
        %add3A_909 = arith.addi %scan3A_893, %add3A_908 : i32
        %select_n3A_910 = arith.constant true
        %select_n3A_911 = arith.select %select_n3A_910, %add3A_909, %scan3A_893 : i32
        %eq3A_912 = arith.constant 64 : i32
        %eq3A_913 = arith.cmpi eq, %select_n3A_911, %eq3A_912 : i32
        %select_n3A_914 = arith.constant 0 : i32
        %select_n3A_915 = arith.select %eq3A_913, %select_n3A_914, %select_n3A_911 : i32
        %add3A_916 = arith.addi %select_n3A_915, %mul3A_773 : i32
        %add3A_917 = arith.constant 1 : i32
        %add3A_918 = arith.addi %select_n3A_915, %add3A_917 : i32
        %select_n3A_919 = arith.constant true
        %select_n3A_920 = arith.select %select_n3A_919, %add3A_918, %select_n3A_915 : i32
        %eq3A_921 = arith.constant 64 : i32
        %eq3A_922 = arith.cmpi eq, %select_n3A_920, %eq3A_921 : i32
        %select_n3A_923 = arith.constant 0 : i32
        %select_n3A_924 = arith.select %eq3A_922, %select_n3A_923, %select_n3A_920 : i32
        %add3A_925 = arith.addi %select_n3A_924, %mul3A_773 : i32
        %ne3A = arith.cmpi ne, %add3A_898, %add3A_916 : i32
        %or3A = arith.constant false
        %or3A_926 = arith.ori %or3A, %ne3A : i1
        %ge3A = arith.constant 63 : i32
        %ge3A_927 = arith.cmpi sge, %scan3A_888, %ge3A : i32
        %not3A = arith.constant true
        %not3A_928 = arith.xori %ge3A_927, %not3A : i1
        %and3A = arith.andi %or3A_926, %not3A_928 : i1
        %convert_element_type3A = arith.extui %and3A : i1 to i32
        %cond3A = arith.constant 0 : i32
        %cond3A_929 = arith.cmpi ne, %convert_element_type3A, %cond3A : i32
        scf.if %cond3A_929 {
          "tpu.trace_start"() <{level = 10 : i32, message = "ep_copy_in"}> : () -> ()
          %rem3A_1024 = arith.constant 2 : i32
          %rem3A_1025 = arith.remui %scan3A_889, %rem3A_1024 : i32
          %mul3A_1026 = arith.constant 512 : i32
          %mul3A_1027 = arith.muli %mul3A_1026, %add3A_916 : i32
          %dma_start3A_1028 = arith.constant 0 : i32
          %dma_start3A_1029 = arith.constant 0 : i32
          %dma_start3A_1030 = tpu.memref_slice %run_scoped3A[%rem3A_1025, %dma_start3A_1028, %dma_start3A_1029] : memref<2x9x512xf32, #tpu.memory_space<vmem>> -> memref<1x9x512xf32, #tpu.memory_space<vmem>>
          %dma_start3A_1031 = tpu.memref_squeeze %dma_start3A_1030 : memref<1x9x512xf32, #tpu.memory_space<vmem>> -> memref<9x512xf32, #tpu.memory_space<vmem>>
          %dma_start3A_1032 = arith.constant 0 : i32
          %dma_start3A_1033 = tpu.memref_slice %arg2[%dma_start3A_1032, %mul3A_1027] : memref<9x1048576xf32, #tpu.memory_space<hbm>> -> memref<9x512xf32, #tpu.memory_space<hbm>>
          %dma_start3A_1034 = tpu.memref_slice %run_scoped3A_774[%rem3A_1025] : memref<2x!tpu.dma_semaphore, #tpu.memory_space<semaphore_mem>> -> memref<1x!tpu.dma_semaphore, #tpu.memory_space<semaphore_mem>>
          %dma_start3A_1035 = tpu.memref_squeeze %dma_start3A_1034 : memref<1x!tpu.dma_semaphore, #tpu.memory_space<semaphore_mem>> -> memref<!tpu.dma_semaphore, #tpu.memory_space<semaphore_mem>>
          %dma_start3A_1036 = arith.constant 0 : i32
          %dma_start3A_1037 = arith.constant 0 : i32
          %dma_start3A_1038 = tpu.memref_slice %run_scoped3A[%rem3A_1025, %dma_start3A_1036, %dma_start3A_1037] : memref<2x9x512xf32, #tpu.memory_space<vmem>> -> memref<1x9x512xf32, #tpu.memory_space<vmem>>
          %dma_start3A_1039 = tpu.memref_squeeze %dma_start3A_1038 : memref<1x9x512xf32, #tpu.memory_space<vmem>> -> memref<9x512xf32, #tpu.memory_space<vmem>>
          %dma_start3A_1040 = arith.constant 0 : i32
          %dma_start3A_1041 = tpu.memref_slice %arg2[%dma_start3A_1040, %mul3A_1027] : memref<9x1048576xf32, #tpu.memory_space<hbm>> -> memref<9x512xf32, #tpu.memory_space<hbm>>
          tpu.enqueue_dma source(%dma_start3A_1041 : memref<9x512xf32, #tpu.memory_space<hbm>>) target(%dma_start3A_1039 : memref<9x512xf32, #tpu.memory_space<vmem>>) target_semaphore(%dma_start3A_1035 : memref<!tpu.dma_semaphore, #tpu.memory_space<semaphore_mem>>)
          "tpu.trace_stop"() : () -> ()
        } else {
        }
        %and3A_930 = arith.constant true
        %and3A_931 = arith.andi %and3A, %and3A_930 : i1
        %add3A_932 = arith.constant 1 : i32
        %add3A_933 = arith.addi %scan3A_889, %add3A_932 : i32
        %select_n3A_934 = arith.select %and3A_931, %add3A_933, %scan3A_889 : i32
        %ne3A_935 = arith.cmpi ne, %add3A_898, %add3A_916 : i32
        %or3A_936 = arith.constant false
        %or3A_937 = arith.ori %or3A_936, %ne3A_935 : i1
        %ge3A_938 = arith.constant 63 : i32
        %ge3A_939 = arith.cmpi sge, %scan3A_888, %ge3A_938 : i32
        %not3A_940 = arith.constant true
        %not3A_941 = arith.xori %ge3A_939, %not3A_940 : i1
        %and3A_942 = arith.andi %or3A_937, %not3A_941 : i1
        %ne3A_943 = arith.cmpi ne, %add3A_898, %add3A_907 : i32
        %or3A_944 = arith.constant false
        %or3A_945 = arith.ori %or3A_944, %ne3A_943 : i1
        %or3A_946 = arith.ori %or3A_945, %eq3A_895 : i1
        %convert_element_type3A_947 = arith.extui %or3A_946 : i1 to i32
        %cond3A_948 = arith.constant 0 : i32
        %cond3A_949 = arith.cmpi ne, %convert_element_type3A_947, %cond3A_948 : i32
        scf.if %cond3A_949 {
          "tpu.trace_start"() <{level = 10 : i32, message = "ep_wait_in"}> : () -> ()
          %mul3A_1024 = arith.constant 512 : i32
          %mul3A_1025 = arith.muli %mul3A_1024, %add3A_898 : i32
          %rem3A_1026 = arith.constant 2 : i32
          %rem3A_1027 = arith.remui %scan3A_890, %rem3A_1026 : i32
          %dma_wait3A_1028 = arith.constant 0 : i32
          %dma_wait3A_1029 = arith.constant 0 : i32
          %dma_wait3A_1030 = tpu.memref_slice %run_scoped3A[%rem3A_1027, %dma_wait3A_1028, %dma_wait3A_1029] : memref<2x9x512xf32, #tpu.memory_space<vmem>> -> memref<1x9x512xf32, #tpu.memory_space<vmem>>
          %dma_wait3A_1031 = tpu.memref_squeeze %dma_wait3A_1030 : memref<1x9x512xf32, #tpu.memory_space<vmem>> -> memref<9x512xf32, #tpu.memory_space<vmem>>
          %dma_wait3A_1032 = arith.constant 0 : i32
          %dma_wait3A_1033 = tpu.memref_slice %arg2[%dma_wait3A_1032, %mul3A_1025] : memref<9x1048576xf32, #tpu.memory_space<hbm>> -> memref<9x512xf32, #tpu.memory_space<hbm>>
          %dma_wait3A_1034 = tpu.memref_slice %run_scoped3A_774[%rem3A_1027] : memref<2x!tpu.dma_semaphore, #tpu.memory_space<semaphore_mem>> -> memref<1x!tpu.dma_semaphore, #tpu.memory_space<semaphore_mem>>
          %dma_wait3A_1035 = tpu.memref_squeeze %dma_wait3A_1034 : memref<1x!tpu.dma_semaphore, #tpu.memory_space<semaphore_mem>> -> memref<!tpu.dma_semaphore, #tpu.memory_space<semaphore_mem>>
          %dma_wait3A_1036 = arith.constant 0 : i32
          %dma_wait3A_1037 = arith.constant 0 : i32
          %dma_wait3A_1038 = tpu.memref_slice %run_scoped3A[%rem3A_1027, %dma_wait3A_1036, %dma_wait3A_1037] : memref<2x9x512xf32, #tpu.memory_space<vmem>> -> memref<1x9x512xf32, #tpu.memory_space<vmem>>
          %dma_wait3A_1039 = tpu.memref_squeeze %dma_wait3A_1038 : memref<1x9x512xf32, #tpu.memory_space<vmem>> -> memref<9x512xf32, #tpu.memory_space<vmem>>
          %dma_wait3A_1040 = arith.constant 0 : i32
          %dma_wait3A_1041 = tpu.memref_slice %arg2[%dma_wait3A_1040, %mul3A_1025] : memref<9x1048576xf32, #tpu.memory_space<hbm>> -> memref<9x512xf32, #tpu.memory_space<hbm>>
          tpu.wait_dma2 semaphore(%dma_wait3A_1035 : memref<!tpu.dma_semaphore, #tpu.memory_space<semaphore_mem>>) src(%dma_wait3A_1041 : memref<9x512xf32, #tpu.memory_space<hbm>>) dst(%dma_wait3A_1039 : memref<9x512xf32, #tpu.memory_space<vmem>>)
          "tpu.trace_stop"() : () -> ()
        } else {
        }
        %ne3A_950 = arith.cmpi ne, %add3A_898, %add3A_907 : i32
        %or3A_951 = arith.constant false
        %or3A_952 = arith.ori %or3A_951, %ne3A_950 : i1
        %or3A_953 = arith.ori %or3A_952, %eq3A_895 : i1
        %convert_element_type3A_954 = arith.extui %or3A_953 : i1 to i32
        %cond3A_955 = arith.constant 0 : i32
        %cond3A_956 = arith.cmpi ne, %convert_element_type3A_954, %cond3A_955 : i32
        scf.if %cond3A_956 {
        } else {
        }
        %rem3A_957 = arith.constant 2 : i32
        %rem3A_958 = arith.remui %scan3A_890, %rem3A_957 : i32
        %rem3A_959 = arith.constant 2 : i32
        %rem3A_960 = arith.remui %scan3A_891, %rem3A_959 : i32
        %parallel_loop3A = arith.constant 0 : i32
        %parallel_loop3A_961 = arith.constant 32 : i32
        %parallel_loop3A_962 = arith.constant 1 : i32
        "tpu.trace_start"() <{level = 10 : i32, message = "ep_run_kernel"}> : () -> ()
        scf.for %parallel_loop3A_1024 = %parallel_loop3A to %parallel_loop3A_961 step %parallel_loop3A_962  : i32 {
          %parallel_loop3A_1025 = arith.constant 16 : i32
          %parallel_loop3A_1026 = arith.muli %parallel_loop3A_1024, %parallel_loop3A_1025 : i32
          %parallel_loop3A_1027 = vector.broadcast %parallel_loop3A_1026 : i32 to vector<16xi32>
          %parallel_loop3A_1028 = arith.addi %parallel_loop3A_1027, %iota3A : vector<16xi32>
          %parallel_loop3A_1029 = arith.constant 16 : i32
          %parallel_loop3A_1030 = arith.muli %parallel_loop3A_1024, %parallel_loop3A_1029 : i32
          %parallel_loop3A_1031 = arith.constant 0 : i32
          %parallel_loop3A_1032 = arith.constant 0 : i32
          %parallel_loop3A_1033 = arith.constant 0 : i32
          %parallel_loop3A_1034 = tpu.memref_slice %run_scoped3A[%rem3A_958, %parallel_loop3A_1032, %parallel_loop3A_1033] : memref<2x9x512xf32, #tpu.memory_space<vmem>> -> memref<1x9x512xf32, #tpu.memory_space<vmem>>
          %parallel_loop3A_1035 = tpu.memref_squeeze %parallel_loop3A_1034 : memref<1x9x512xf32, #tpu.memory_space<vmem>> -> memref<9x512xf32, #tpu.memory_space<vmem>>
          %parallel_loop3A_1036 = arith.index_cast %parallel_loop3A_1031 : i32 to index
          %parallel_loop3A_1037 = arith.index_cast %parallel_loop3A_1030 : i32 to index
          %parallel_loop3A_1038 = tpu.vector_load %parallel_loop3A_1035[%parallel_loop3A_1036, %parallel_loop3A_1037] {strides = array<i32>} : memref<9x512xf32, #tpu.memory_space<vmem>>, vector<16xf32>,
          %parallel_loop3A_1039 = arith.constant 0 : i32
          %parallel_loop3A_1040 = vector.broadcast %parallel_loop3A_1039 : i32 to vector<16xi32>
          %parallel_loop3A_1041 = arith.constant 7 : i32
          %parallel_loop3A_1042 = vector.broadcast %parallel_loop3A_1041 : i32 to vector<16xi32>
          %parallel_loop3A_1043 = arith.addi %parallel_loop3A_1040, %parallel_loop3A_1042 : vector<16xi32>
          %parallel_loop3A_1044 = arith.constant 0 : i32
          %parallel_loop3A_1045 = vector.broadcast %parallel_loop3A_1044 : i32 to vector<16xi32>
          %parallel_loop3A_1046 = arith.cmpi slt, %parallel_loop3A_1043, %parallel_loop3A_1045 : vector<16xi32>
          %parallel_loop3A_1047 = arith.constant 16 : i32
          %parallel_loop3A_1048 = vector.broadcast %parallel_loop3A_1047 : i32 to vector<16xi32>
          %parallel_loop3A_1049 = arith.addi %parallel_loop3A_1043, %parallel_loop3A_1048 : vector<16xi32>
          %parallel_loop3A_1050 = arith.select %parallel_loop3A_1046, %parallel_loop3A_1049, %parallel_loop3A_1043 : vector<16xi1>, vector<16xi32>
          %parallel_loop3A_1051 = vector.shape_cast %parallel_loop3A_1050 : vector<16xi32> to vector<16x1xi32>
          %parallel_loop3A_1052 = vector.shape_cast %parallel_loop3A_1051 : vector<16x1xi32> to vector<16xi32>
          %parallel_loop3A_1053 = tpu.dynamic_gather %gather3A[%parallel_loop3A_1052] in [0] : vector<16xf32>, vector<16xi32> -> vector<16xf32>
          %parallel_loop3A_1054 = arith.cmpf ole, %parallel_loop3A_1053, %parallel_loop3A_1038 : vector<16xf32>
          %parallel_loop3A_1055 = arith.constant 8 : i32
          %parallel_loop3A_1056 = vector.broadcast %parallel_loop3A_1055 : i32 to vector<16xi32>
          %parallel_loop3A_1057 = arith.addi %parallel_loop3A_1040, %parallel_loop3A_1056 : vector<16xi32>
          %parallel_loop3A_1058 = arith.select %parallel_loop3A_1054, %parallel_loop3A_1057, %parallel_loop3A_1040 : vector<16xi1>, vector<16xi32>
          %parallel_loop3A_1059 = arith.constant 3 : i32
          %parallel_loop3A_1060 = vector.broadcast %parallel_loop3A_1059 : i32 to vector<16xi32>
          %parallel_loop3A_1061 = arith.addi %parallel_loop3A_1058, %parallel_loop3A_1060 : vector<16xi32>
          %parallel_loop3A_1062 = arith.constant 0 : i32
          %parallel_loop3A_1063 = vector.broadcast %parallel_loop3A_1062 : i32 to vector<16xi32>
          %parallel_loop3A_1064 = arith.cmpi slt, %parallel_loop3A_1061, %parallel_loop3A_1063 : vector<16xi32>
          %parallel_loop3A_1065 = arith.constant 16 : i32
          %parallel_loop3A_1066 = vector.broadcast %parallel_loop3A_1065 : i32 to vector<16xi32>
          %parallel_loop3A_1067 = arith.addi %parallel_loop3A_1061, %parallel_loop3A_1066 : vector<16xi32>
          %parallel_loop3A_1068 = arith.select %parallel_loop3A_1064, %parallel_loop3A_1067, %parallel_loop3A_1061 : vector<16xi1>, vector<16xi32>
          %parallel_loop3A_1069 = vector.shape_cast %parallel_loop3A_1068 : vector<16xi32> to vector<16x1xi32>
          %parallel_loop3A_1070 = vector.shape_cast %parallel_loop3A_1069 : vector<16x1xi32> to vector<16xi32>
          %parallel_loop3A_1071 = tpu.dynamic_gather %gather3A[%parallel_loop3A_1070] in [0] : vector<16xf32>, vector<16xi32> -> vector<16xf32>
          %parallel_loop3A_1072 = arith.cmpf ole, %parallel_loop3A_1071, %parallel_loop3A_1038 : vector<16xf32>
          %parallel_loop3A_1073 = arith.constant 4 : i32
          %parallel_loop3A_1074 = vector.broadcast %parallel_loop3A_1073 : i32 to vector<16xi32>
          %parallel_loop3A_1075 = arith.addi %parallel_loop3A_1058, %parallel_loop3A_1074 : vector<16xi32>
          %parallel_loop3A_1076 = arith.select %parallel_loop3A_1072, %parallel_loop3A_1075, %parallel_loop3A_1058 : vector<16xi1>, vector<16xi32>
          %parallel_loop3A_1077 = arith.constant 1 : i32
          %parallel_loop3A_1078 = vector.broadcast %parallel_loop3A_1077 : i32 to vector<16xi32>
          %parallel_loop3A_1079 = arith.addi %parallel_loop3A_1076, %parallel_loop3A_1078 : vector<16xi32>
          %parallel_loop3A_1080 = arith.constant 0 : i32
          %parallel_loop3A_1081 = vector.broadcast %parallel_loop3A_1080 : i32 to vector<16xi32>
          %parallel_loop3A_1082 = arith.cmpi slt, %parallel_loop3A_1079, %parallel_loop3A_1081 : vector<16xi32>
          %parallel_loop3A_1083 = arith.constant 16 : i32
          %parallel_loop3A_1084 = vector.broadcast %parallel_loop3A_1083 : i32 to vector<16xi32>
          %parallel_loop3A_1085 = arith.addi %parallel_loop3A_1079, %parallel_loop3A_1084 : vector<16xi32>
          %parallel_loop3A_1086 = arith.select %parallel_loop3A_1082, %parallel_loop3A_1085, %parallel_loop3A_1079 : vector<16xi1>, vector<16xi32>
          %parallel_loop3A_1087 = vector.shape_cast %parallel_loop3A_1086 : vector<16xi32> to vector<16x1xi32>
          %parallel_loop3A_1088 = vector.shape_cast %parallel_loop3A_1087 : vector<16x1xi32> to vector<16xi32>
          %parallel_loop3A_1089 = tpu.dynamic_gather %gather3A[%parallel_loop3A_1088] in [0] : vector<16xf32>, vector<16xi32> -> vector<16xf32>
          %parallel_loop3A_1090 = arith.cmpf ole, %parallel_loop3A_1089, %parallel_loop3A_1038 : vector<16xf32>
          %parallel_loop3A_1091 = arith.constant 2 : i32
          %parallel_loop3A_1092 = vector.broadcast %parallel_loop3A_1091 : i32 to vector<16xi32>
          %parallel_loop3A_1093 = arith.addi %parallel_loop3A_1076, %parallel_loop3A_1092 : vector<16xi32>
          %parallel_loop3A_1094 = arith.select %parallel_loop3A_1090, %parallel_loop3A_1093, %parallel_loop3A_1076 : vector<16xi1>, vector<16xi32>
          %parallel_loop3A_1095 = arith.constant 0 : i32
          %parallel_loop3A_1096 = vector.broadcast %parallel_loop3A_1095 : i32 to vector<16xi32>
          %parallel_loop3A_1097 = arith.addi %parallel_loop3A_1094, %parallel_loop3A_1096 : vector<16xi32>
          %parallel_loop3A_1098 = arith.constant 0 : i32
          %parallel_loop3A_1099 = vector.broadcast %parallel_loop3A_1098 : i32 to vector<16xi32>
          %parallel_loop3A_1100 = arith.cmpi slt, %parallel_loop3A_1097, %parallel_loop3A_1099 : vector<16xi32>
          %parallel_loop3A_1101 = arith.constant 16 : i32
          %parallel_loop3A_1102 = vector.broadcast %parallel_loop3A_1101 : i32 to vector<16xi32>
          %parallel_loop3A_1103 = arith.addi %parallel_loop3A_1097, %parallel_loop3A_1102 : vector<16xi32>
          %parallel_loop3A_1104 = arith.select %parallel_loop3A_1100, %parallel_loop3A_1103, %parallel_loop3A_1097 : vector<16xi1>, vector<16xi32>
          %parallel_loop3A_1105 = vector.shape_cast %parallel_loop3A_1104 : vector<16xi32> to vector<16x1xi32>
          %parallel_loop3A_1106 = vector.shape_cast %parallel_loop3A_1105 : vector<16x1xi32> to vector<16xi32>
          %parallel_loop3A_1107 = tpu.dynamic_gather %gather3A[%parallel_loop3A_1106] in [0] : vector<16xf32>, vector<16xi32> -> vector<16xf32>
          %parallel_loop3A_1108 = arith.cmpf ole, %parallel_loop3A_1107, %parallel_loop3A_1038 : vector<16xf32>
          %parallel_loop3A_1109 = arith.constant 1 : i32
          %parallel_loop3A_1110 = vector.broadcast %parallel_loop3A_1109 : i32 to vector<16xi32>
          %parallel_loop3A_1111 = arith.addi %parallel_loop3A_1094, %parallel_loop3A_1110 : vector<16xi32>
          %parallel_loop3A_1112 = arith.select %parallel_loop3A_1108, %parallel_loop3A_1111, %parallel_loop3A_1094 : vector<16xi1>, vector<16xi32>
          %parallel_loop3A_1113 = arith.constant 64 : i32
          %parallel_loop3A_1114 = vector.broadcast %parallel_loop3A_1113 : i32 to vector<16xi32>
          %parallel_loop3A_1115 = arith.muli %parallel_loop3A_1112, %parallel_loop3A_1114 : vector<16xi32>
          %parallel_loop3A_1116 = arith.constant 64 : i32
          %parallel_loop3A_1117 = vector.broadcast %parallel_loop3A_1116 : i32 to vector<16xi32>
          %parallel_loop3A_1118 = arith.divsi %parallel_loop3A_1115, %parallel_loop3A_1117 : vector<16xi32>
          %parallel_loop3A_1119 = arith.constant 0 : i32
          %parallel_loop3A_1120 = vector.broadcast %parallel_loop3A_1119 : i32 to vector<16xi32>
          %parallel_loop3A_1121 = arith.cmpi sgt, %parallel_loop3A_1115, %parallel_loop3A_1120 : vector<16xi32>
          %parallel_loop3A_1122 = arith.extui %parallel_loop3A_1121 : vector<16xi1> to vector<16xi32>
          %parallel_loop3A_1123 = arith.constant 0 : i32
          %parallel_loop3A_1124 = vector.broadcast %parallel_loop3A_1123 : i32 to vector<16xi32>
          %parallel_loop3A_1125 = arith.cmpi slt, %parallel_loop3A_1115, %parallel_loop3A_1124 : vector<16xi32>
          %parallel_loop3A_1126 = arith.extui %parallel_loop3A_1125 : vector<16xi1> to vector<16xi32>
          %parallel_loop3A_1127 = arith.subi %parallel_loop3A_1122, %parallel_loop3A_1126 : vector<16xi32>
          %parallel_loop3A_1128 = arith.constant 0 : i32
          %parallel_loop3A_1129 = arith.cmpi sgt, %parallel_loop3A_1116, %parallel_loop3A_1128 : i32
          %parallel_loop3A_1130 = arith.extui %parallel_loop3A_1129 : i1 to i32
          %parallel_loop3A_1131 = arith.constant 0 : i32
          %parallel_loop3A_1132 = arith.cmpi slt, %parallel_loop3A_1116, %parallel_loop3A_1131 : i32
          %parallel_loop3A_1133 = arith.extui %parallel_loop3A_1132 : i1 to i32
          %parallel_loop3A_1134 = arith.subi %parallel_loop3A_1130, %parallel_loop3A_1133 : i32
          %parallel_loop3A_1135 = vector.broadcast %parallel_loop3A_1134 : i32 to vector<16xi32>
          %parallel_loop3A_1136 = arith.cmpi ne, %parallel_loop3A_1127, %parallel_loop3A_1135 : vector<16xi32>
          %parallel_loop3A_1137 = vector.broadcast %parallel_loop3A_1116 : i32 to vector<16xi32>
          %parallel_loop3A_1138 = arith.remsi %parallel_loop3A_1115, %parallel_loop3A_1137 : vector<16xi32>
          %parallel_loop3A_1139 = arith.constant 0 : i32
          %parallel_loop3A_1140 = vector.broadcast %parallel_loop3A_1139 : i32 to vector<16xi32>
          %parallel_loop3A_1141 = arith.cmpi ne, %parallel_loop3A_1138, %parallel_loop3A_1140 : vector<16xi32>
          %parallel_loop3A_1142 = arith.andi %parallel_loop3A_1136, %parallel_loop3A_1141 : vector<16xi1>
          %parallel_loop3A_1143 = arith.constant 1 : i32
          %parallel_loop3A_1144 = vector.broadcast %parallel_loop3A_1143 : i32 to vector<16xi32>
          %parallel_loop3A_1145 = arith.subi %parallel_loop3A_1118, %parallel_loop3A_1144 : vector<16xi32>
          %parallel_loop3A_1146 = arith.select %parallel_loop3A_1142, %parallel_loop3A_1145, %parallel_loop3A_1118 : vector<16xi1>, vector<16xi32>
          %parallel_loop3A_1147 = arith.constant 0 : i32
          %parallel_loop3A_1148 = vector.broadcast %parallel_loop3A_1147 : i32 to vector<16xi32>
          %parallel_loop3A_1149 = arith.addi %parallel_loop3A_1146, %parallel_loop3A_1148 : vector<16xi32>
          %parallel_loop3A_1150 = tpu.vector_load_idx %arg10[%parallel_loop3A_1149] : memref<1008xf32, #tpu.memory_space<vmem>>[vector<16xi32>], vector<16xf32>,
          %parallel_loop3A_1151 = arith.cmpf ole, %parallel_loop3A_1150, %parallel_loop3A_1038 : vector<16xf32>
          %parallel_loop3A_1152 = arith.constant 32 : i32
          %parallel_loop3A_1153 = vector.broadcast %parallel_loop3A_1152 : i32 to vector<16xi32>
          %parallel_loop3A_1154 = arith.addi %parallel_loop3A_1115, %parallel_loop3A_1153 : vector<16xi32>
          %parallel_loop3A_1155 = arith.select %parallel_loop3A_1151, %parallel_loop3A_1154, %parallel_loop3A_1115 : vector<16xi1>, vector<16xi32>
          %parallel_loop3A_1156 = arith.constant 32 : i32
          %parallel_loop3A_1157 = vector.broadcast %parallel_loop3A_1156 : i32 to vector<16xi32>
          %parallel_loop3A_1158 = arith.divsi %parallel_loop3A_1155, %parallel_loop3A_1157 : vector<16xi32>
          %parallel_loop3A_1159 = arith.constant 0 : i32
          %parallel_loop3A_1160 = vector.broadcast %parallel_loop3A_1159 : i32 to vector<16xi32>
          %parallel_loop3A_1161 = arith.cmpi sgt, %parallel_loop3A_1155, %parallel_loop3A_1160 : vector<16xi32>
          %parallel_loop3A_1162 = arith.extui %parallel_loop3A_1161 : vector<16xi1> to vector<16xi32>
          %parallel_loop3A_1163 = arith.constant 0 : i32
          %parallel_loop3A_1164 = vector.broadcast %parallel_loop3A_1163 : i32 to vector<16xi32>
          %parallel_loop3A_1165 = arith.cmpi slt, %parallel_loop3A_1155, %parallel_loop3A_1164 : vector<16xi32>
          %parallel_loop3A_1166 = arith.extui %parallel_loop3A_1165 : vector<16xi1> to vector<16xi32>
          %parallel_loop3A_1167 = arith.subi %parallel_loop3A_1162, %parallel_loop3A_1166 : vector<16xi32>
          %parallel_loop3A_1168 = arith.constant 0 : i32
          %parallel_loop3A_1169 = arith.cmpi sgt, %parallel_loop3A_1156, %parallel_loop3A_1168 : i32
          %parallel_loop3A_1170 = arith.extui %parallel_loop3A_1169 : i1 to i32
          %parallel_loop3A_1171 = arith.constant 0 : i32
          %parallel_loop3A_1172 = arith.cmpi slt, %parallel_loop3A_1156, %parallel_loop3A_1171 : i32
          %parallel_loop3A_1173 = arith.extui %parallel_loop3A_1172 : i1 to i32
          %parallel_loop3A_1174 = arith.subi %parallel_loop3A_1170, %parallel_loop3A_1173 : i32
          %parallel_loop3A_1175 = vector.broadcast %parallel_loop3A_1174 : i32 to vector<16xi32>
          %parallel_loop3A_1176 = arith.cmpi ne, %parallel_loop3A_1167, %parallel_loop3A_1175 : vector<16xi32>
          %parallel_loop3A_1177 = vector.broadcast %parallel_loop3A_1156 : i32 to vector<16xi32>
          %parallel_loop3A_1178 = arith.remsi %parallel_loop3A_1155, %parallel_loop3A_1177 : vector<16xi32>
          %parallel_loop3A_1179 = arith.constant 0 : i32
          %parallel_loop3A_1180 = vector.broadcast %parallel_loop3A_1179 : i32 to vector<16xi32>
          %parallel_loop3A_1181 = arith.cmpi ne, %parallel_loop3A_1178, %parallel_loop3A_1180 : vector<16xi32>
          %parallel_loop3A_1182 = arith.andi %parallel_loop3A_1176, %parallel_loop3A_1181 : vector<16xi1>
          %parallel_loop3A_1183 = arith.constant 1 : i32
          %parallel_loop3A_1184 = vector.broadcast %parallel_loop3A_1183 : i32 to vector<16xi32>
          %parallel_loop3A_1185 = arith.subi %parallel_loop3A_1158, %parallel_loop3A_1184 : vector<16xi32>
          %parallel_loop3A_1186 = arith.select %parallel_loop3A_1182, %parallel_loop3A_1185, %parallel_loop3A_1158 : vector<16xi1>, vector<16xi32>
          %parallel_loop3A_1187 = arith.constant 16 : i32
          %parallel_loop3A_1188 = vector.broadcast %parallel_loop3A_1187 : i32 to vector<16xi32>
          %parallel_loop3A_1189 = arith.addi %parallel_loop3A_1186, %parallel_loop3A_1188 : vector<16xi32>
          %parallel_loop3A_1190 = tpu.vector_load_idx %arg10[%parallel_loop3A_1189] : memref<1008xf32, #tpu.memory_space<vmem>>[vector<16xi32>], vector<16xf32>,
          %parallel_loop3A_1191 = arith.cmpf ole, %parallel_loop3A_1190, %parallel_loop3A_1038 : vector<16xf32>
          %parallel_loop3A_1192 = arith.constant 16 : i32
          %parallel_loop3A_1193 = vector.broadcast %parallel_loop3A_1192 : i32 to vector<16xi32>
          %parallel_loop3A_1194 = arith.addi %parallel_loop3A_1155, %parallel_loop3A_1193 : vector<16xi32>
          %parallel_loop3A_1195 = arith.select %parallel_loop3A_1191, %parallel_loop3A_1194, %parallel_loop3A_1155 : vector<16xi1>, vector<16xi32>
          %parallel_loop3A_1196 = arith.constant 16 : i32
          %parallel_loop3A_1197 = vector.broadcast %parallel_loop3A_1196 : i32 to vector<16xi32>
          %parallel_loop3A_1198 = arith.divsi %parallel_loop3A_1195, %parallel_loop3A_1197 : vector<16xi32>
          %parallel_loop3A_1199 = arith.constant 0 : i32
          %parallel_loop3A_1200 = vector.broadcast %parallel_loop3A_1199 : i32 to vector<16xi32>
          %parallel_loop3A_1201 = arith.cmpi sgt, %parallel_loop3A_1195, %parallel_loop3A_1200 : vector<16xi32>
          %parallel_loop3A_1202 = arith.extui %parallel_loop3A_1201 : vector<16xi1> to vector<16xi32>
          %parallel_loop3A_1203 = arith.constant 0 : i32
          %parallel_loop3A_1204 = vector.broadcast %parallel_loop3A_1203 : i32 to vector<16xi32>
          %parallel_loop3A_1205 = arith.cmpi slt, %parallel_loop3A_1195, %parallel_loop3A_1204 : vector<16xi32>
          %parallel_loop3A_1206 = arith.extui %parallel_loop3A_1205 : vector<16xi1> to vector<16xi32>
          %parallel_loop3A_1207 = arith.subi %parallel_loop3A_1202, %parallel_loop3A_1206 : vector<16xi32>
          %parallel_loop3A_1208 = arith.constant 0 : i32
          %parallel_loop3A_1209 = arith.cmpi sgt, %parallel_loop3A_1196, %parallel_loop3A_1208 : i32
          %parallel_loop3A_1210 = arith.extui %parallel_loop3A_1209 : i1 to i32
          %parallel_loop3A_1211 = arith.constant 0 : i32
          %parallel_loop3A_1212 = arith.cmpi slt, %parallel_loop3A_1196, %parallel_loop3A_1211 : i32
          %parallel_loop3A_1213 = arith.extui %parallel_loop3A_1212 : i1 to i32
          %parallel_loop3A_1214 = arith.subi %parallel_loop3A_1210, %parallel_loop3A_1213 : i32
          %parallel_loop3A_1215 = vector.broadcast %parallel_loop3A_1214 : i32 to vector<16xi32>
          %parallel_loop3A_1216 = arith.cmpi ne, %parallel_loop3A_1207, %parallel_loop3A_1215 : vector<16xi32>
          %parallel_loop3A_1217 = vector.broadcast %parallel_loop3A_1196 : i32 to vector<16xi32>
          %parallel_loop3A_1218 = arith.remsi %parallel_loop3A_1195, %parallel_loop3A_1217 : vector<16xi32>
          %parallel_loop3A_1219 = arith.constant 0 : i32
          %parallel_loop3A_1220 = vector.broadcast %parallel_loop3A_1219 : i32 to vector<16xi32>
          %parallel_loop3A_1221 = arith.cmpi ne, %parallel_loop3A_1218, %parallel_loop3A_1220 : vector<16xi32>
          %parallel_loop3A_1222 = arith.andi %parallel_loop3A_1216, %parallel_loop3A_1221 : vector<16xi1>
          %parallel_loop3A_1223 = arith.constant 1 : i32
          %parallel_loop3A_1224 = vector.broadcast %parallel_loop3A_1223 : i32 to vector<16xi32>
          %parallel_loop3A_1225 = arith.subi %parallel_loop3A_1198, %parallel_loop3A_1224 : vector<16xi32>
          %parallel_loop3A_1226 = arith.select %parallel_loop3A_1222, %parallel_loop3A_1225, %parallel_loop3A_1198 : vector<16xi1>, vector<16xi32>
          %parallel_loop3A_1227 = arith.constant 48 : i32
          %parallel_loop3A_1228 = vector.broadcast %parallel_loop3A_1227 : i32 to vector<16xi32>
          %parallel_loop3A_1229 = arith.addi %parallel_loop3A_1226, %parallel_loop3A_1228 : vector<16xi32>
          %parallel_loop3A_1230 = tpu.vector_load_idx %arg10[%parallel_loop3A_1229] : memref<1008xf32, #tpu.memory_space<vmem>>[vector<16xi32>], vector<16xf32>,
          %parallel_loop3A_1231 = arith.cmpf ole, %parallel_loop3A_1230, %parallel_loop3A_1038 : vector<16xf32>
          %parallel_loop3A_1232 = arith.constant 8 : i32
          %parallel_loop3A_1233 = vector.broadcast %parallel_loop3A_1232 : i32 to vector<16xi32>
          %parallel_loop3A_1234 = arith.addi %parallel_loop3A_1195, %parallel_loop3A_1233 : vector<16xi32>
          %parallel_loop3A_1235 = arith.select %parallel_loop3A_1231, %parallel_loop3A_1234, %parallel_loop3A_1195 : vector<16xi1>, vector<16xi32>
          %parallel_loop3A_1236 = arith.constant 8 : i32
          %parallel_loop3A_1237 = vector.broadcast %parallel_loop3A_1236 : i32 to vector<16xi32>
          %parallel_loop3A_1238 = arith.divsi %parallel_loop3A_1235, %parallel_loop3A_1237 : vector<16xi32>
          %parallel_loop3A_1239 = arith.constant 0 : i32
          %parallel_loop3A_1240 = vector.broadcast %parallel_loop3A_1239 : i32 to vector<16xi32>
          %parallel_loop3A_1241 = arith.cmpi sgt, %parallel_loop3A_1235, %parallel_loop3A_1240 : vector<16xi32>
          %parallel_loop3A_1242 = arith.extui %parallel_loop3A_1241 : vector<16xi1> to vector<16xi32>
          %parallel_loop3A_1243 = arith.constant 0 : i32
          %parallel_loop3A_1244 = vector.broadcast %parallel_loop3A_1243 : i32 to vector<16xi32>
          %parallel_loop3A_1245 = arith.cmpi slt, %parallel_loop3A_1235, %parallel_loop3A_1244 : vector<16xi32>
          %parallel_loop3A_1246 = arith.extui %parallel_loop3A_1245 : vector<16xi1> to vector<16xi32>
          %parallel_loop3A_1247 = arith.subi %parallel_loop3A_1242, %parallel_loop3A_1246 : vector<16xi32>
          %parallel_loop3A_1248 = arith.constant 0 : i32
          %parallel_loop3A_1249 = arith.cmpi sgt, %parallel_loop3A_1236, %parallel_loop3A_1248 : i32
          %parallel_loop3A_1250 = arith.extui %parallel_loop3A_1249 : i1 to i32
          %parallel_loop3A_1251 = arith.constant 0 : i32
          %parallel_loop3A_1252 = arith.cmpi slt, %parallel_loop3A_1236, %parallel_loop3A_1251 : i32
          %parallel_loop3A_1253 = arith.extui %parallel_loop3A_1252 : i1 to i32
          %parallel_loop3A_1254 = arith.subi %parallel_loop3A_1250, %parallel_loop3A_1253 : i32
          %parallel_loop3A_1255 = vector.broadcast %parallel_loop3A_1254 : i32 to vector<16xi32>
          %parallel_loop3A_1256 = arith.cmpi ne, %parallel_loop3A_1247, %parallel_loop3A_1255 : vector<16xi32>
          %parallel_loop3A_1257 = vector.broadcast %parallel_loop3A_1236 : i32 to vector<16xi32>
          %parallel_loop3A_1258 = arith.remsi %parallel_loop3A_1235, %parallel_loop3A_1257 : vector<16xi32>
          %parallel_loop3A_1259 = arith.constant 0 : i32
          %parallel_loop3A_1260 = vector.broadcast %parallel_loop3A_1259 : i32 to vector<16xi32>
          %parallel_loop3A_1261 = arith.cmpi ne, %parallel_loop3A_1258, %parallel_loop3A_1260 : vector<16xi32>
          %parallel_loop3A_1262 = arith.andi %parallel_loop3A_1256, %parallel_loop3A_1261 : vector<16xi1>
          %parallel_loop3A_1263 = arith.constant 1 : i32
          %parallel_loop3A_1264 = vector.broadcast %parallel_loop3A_1263 : i32 to vector<16xi32>
          %parallel_loop3A_1265 = arith.subi %parallel_loop3A_1238, %parallel_loop3A_1264 : vector<16xi32>
          %parallel_loop3A_1266 = arith.select %parallel_loop3A_1262, %parallel_loop3A_1265, %parallel_loop3A_1238 : vector<16xi1>, vector<16xi32>
          %parallel_loop3A_1267 = arith.constant 112 : i32
          %parallel_loop3A_1268 = vector.broadcast %parallel_loop3A_1267 : i32 to vector<16xi32>
          %parallel_loop3A_1269 = arith.addi %parallel_loop3A_1266, %parallel_loop3A_1268 : vector<16xi32>
          %parallel_loop3A_1270 = tpu.vector_load_idx %arg10[%parallel_loop3A_1269] : memref<1008xf32, #tpu.memory_space<vmem>>[vector<16xi32>], vector<16xf32>,
          %parallel_loop3A_1271 = arith.cmpf ole, %parallel_loop3A_1270, %parallel_loop3A_1038 : vector<16xf32>
          %parallel_loop3A_1272 = arith.constant 4 : i32
          %parallel_loop3A_1273 = vector.broadcast %parallel_loop3A_1272 : i32 to vector<16xi32>
          %parallel_loop3A_1274 = arith.addi %parallel_loop3A_1235, %parallel_loop3A_1273 : vector<16xi32>
          %parallel_loop3A_1275 = arith.select %parallel_loop3A_1271, %parallel_loop3A_1274, %parallel_loop3A_1235 : vector<16xi1>, vector<16xi32>
          %parallel_loop3A_1276 = arith.constant 4 : i32
          %parallel_loop3A_1277 = vector.broadcast %parallel_loop3A_1276 : i32 to vector<16xi32>
          %parallel_loop3A_1278 = arith.divsi %parallel_loop3A_1275, %parallel_loop3A_1277 : vector<16xi32>
          %parallel_loop3A_1279 = arith.constant 0 : i32
          %parallel_loop3A_1280 = vector.broadcast %parallel_loop3A_1279 : i32 to vector<16xi32>
          %parallel_loop3A_1281 = arith.cmpi sgt, %parallel_loop3A_1275, %parallel_loop3A_1280 : vector<16xi32>
          %parallel_loop3A_1282 = arith.extui %parallel_loop3A_1281 : vector<16xi1> to vector<16xi32>
          %parallel_loop3A_1283 = arith.constant 0 : i32
          %parallel_loop3A_1284 = vector.broadcast %parallel_loop3A_1283 : i32 to vector<16xi32>
          %parallel_loop3A_1285 = arith.cmpi slt, %parallel_loop3A_1275, %parallel_loop3A_1284 : vector<16xi32>
          %parallel_loop3A_1286 = arith.extui %parallel_loop3A_1285 : vector<16xi1> to vector<16xi32>
          %parallel_loop3A_1287 = arith.subi %parallel_loop3A_1282, %parallel_loop3A_1286 : vector<16xi32>
          %parallel_loop3A_1288 = arith.constant 0 : i32
          %parallel_loop3A_1289 = arith.cmpi sgt, %parallel_loop3A_1276, %parallel_loop3A_1288 : i32
          %parallel_loop3A_1290 = arith.extui %parallel_loop3A_1289 : i1 to i32
          %parallel_loop3A_1291 = arith.constant 0 : i32
          %parallel_loop3A_1292 = arith.cmpi slt, %parallel_loop3A_1276, %parallel_loop3A_1291 : i32
          %parallel_loop3A_1293 = arith.extui %parallel_loop3A_1292 : i1 to i32
          %parallel_loop3A_1294 = arith.subi %parallel_loop3A_1290, %parallel_loop3A_1293 : i32
          %parallel_loop3A_1295 = vector.broadcast %parallel_loop3A_1294 : i32 to vector<16xi32>
          %parallel_loop3A_1296 = arith.cmpi ne, %parallel_loop3A_1287, %parallel_loop3A_1295 : vector<16xi32>
          %parallel_loop3A_1297 = vector.broadcast %parallel_loop3A_1276 : i32 to vector<16xi32>
          %parallel_loop3A_1298 = arith.remsi %parallel_loop3A_1275, %parallel_loop3A_1297 : vector<16xi32>
          %parallel_loop3A_1299 = arith.constant 0 : i32
          %parallel_loop3A_1300 = vector.broadcast %parallel_loop3A_1299 : i32 to vector<16xi32>
          %parallel_loop3A_1301 = arith.cmpi ne, %parallel_loop3A_1298, %parallel_loop3A_1300 : vector<16xi32>
          %parallel_loop3A_1302 = arith.andi %parallel_loop3A_1296, %parallel_loop3A_1301 : vector<16xi1>
          %parallel_loop3A_1303 = arith.constant 1 : i32
          %parallel_loop3A_1304 = vector.broadcast %parallel_loop3A_1303 : i32 to vector<16xi32>
          %parallel_loop3A_1305 = arith.subi %parallel_loop3A_1278, %parallel_loop3A_1304 : vector<16xi32>
          %parallel_loop3A_1306 = arith.select %parallel_loop3A_1302, %parallel_loop3A_1305, %parallel_loop3A_1278 : vector<16xi1>, vector<16xi32>
          %parallel_loop3A_1307 = arith.constant 240 : i32
          %parallel_loop3A_1308 = vector.broadcast %parallel_loop3A_1307 : i32 to vector<16xi32>
          %parallel_loop3A_1309 = arith.addi %parallel_loop3A_1306, %parallel_loop3A_1308 : vector<16xi32>
          %parallel_loop3A_1310 = tpu.vector_load_idx %arg10[%parallel_loop3A_1309] : memref<1008xf32, #tpu.memory_space<vmem>>[vector<16xi32>], vector<16xf32>,
          %parallel_loop3A_1311 = arith.cmpf ole, %parallel_loop3A_1310, %parallel_loop3A_1038 : vector<16xf32>
          %parallel_loop3A_1312 = arith.constant 2 : i32
          %parallel_loop3A_1313 = vector.broadcast %parallel_loop3A_1312 : i32 to vector<16xi32>
          %parallel_loop3A_1314 = arith.addi %parallel_loop3A_1275, %parallel_loop3A_1313 : vector<16xi32>
          %parallel_loop3A_1315 = arith.select %parallel_loop3A_1311, %parallel_loop3A_1314, %parallel_loop3A_1275 : vector<16xi1>, vector<16xi32>
          %parallel_loop3A_1316 = arith.constant 2 : i32
          %parallel_loop3A_1317 = vector.broadcast %parallel_loop3A_1316 : i32 to vector<16xi32>
          %parallel_loop3A_1318 = arith.divsi %parallel_loop3A_1315, %parallel_loop3A_1317 : vector<16xi32>
          %parallel_loop3A_1319 = arith.constant 0 : i32
          %parallel_loop3A_1320 = vector.broadcast %parallel_loop3A_1319 : i32 to vector<16xi32>
          %parallel_loop3A_1321 = arith.cmpi sgt, %parallel_loop3A_1315, %parallel_loop3A_1320 : vector<16xi32>
          %parallel_loop3A_1322 = arith.extui %parallel_loop3A_1321 : vector<16xi1> to vector<16xi32>
          %parallel_loop3A_1323 = arith.constant 0 : i32
          %parallel_loop3A_1324 = vector.broadcast %parallel_loop3A_1323 : i32 to vector<16xi32>
          %parallel_loop3A_1325 = arith.cmpi slt, %parallel_loop3A_1315, %parallel_loop3A_1324 : vector<16xi32>
          %parallel_loop3A_1326 = arith.extui %parallel_loop3A_1325 : vector<16xi1> to vector<16xi32>
          %parallel_loop3A_1327 = arith.subi %parallel_loop3A_1322, %parallel_loop3A_1326 : vector<16xi32>
          %parallel_loop3A_1328 = arith.constant 0 : i32
          %parallel_loop3A_1329 = arith.cmpi sgt, %parallel_loop3A_1316, %parallel_loop3A_1328 : i32
          %parallel_loop3A_1330 = arith.extui %parallel_loop3A_1329 : i1 to i32
          %parallel_loop3A_1331 = arith.constant 0 : i32
          %parallel_loop3A_1332 = arith.cmpi slt, %parallel_loop3A_1316, %parallel_loop3A_1331 : i32
          %parallel_loop3A_1333 = arith.extui %parallel_loop3A_1332 : i1 to i32
          %parallel_loop3A_1334 = arith.subi %parallel_loop3A_1330, %parallel_loop3A_1333 : i32
          %parallel_loop3A_1335 = vector.broadcast %parallel_loop3A_1334 : i32 to vector<16xi32>
          %parallel_loop3A_1336 = arith.cmpi ne, %parallel_loop3A_1327, %parallel_loop3A_1335 : vector<16xi32>
          %parallel_loop3A_1337 = vector.broadcast %parallel_loop3A_1316 : i32 to vector<16xi32>
          %parallel_loop3A_1338 = arith.remsi %parallel_loop3A_1315, %parallel_loop3A_1337 : vector<16xi32>
          %parallel_loop3A_1339 = arith.constant 0 : i32
          %parallel_loop3A_1340 = vector.broadcast %parallel_loop3A_1339 : i32 to vector<16xi32>
          %parallel_loop3A_1341 = arith.cmpi ne, %parallel_loop3A_1338, %parallel_loop3A_1340 : vector<16xi32>
          %parallel_loop3A_1342 = arith.andi %parallel_loop3A_1336, %parallel_loop3A_1341 : vector<16xi1>
          %parallel_loop3A_1343 = arith.constant 1 : i32
          %parallel_loop3A_1344 = vector.broadcast %parallel_loop3A_1343 : i32 to vector<16xi32>
          %parallel_loop3A_1345 = arith.subi %parallel_loop3A_1318, %parallel_loop3A_1344 : vector<16xi32>
          %parallel_loop3A_1346 = arith.select %parallel_loop3A_1342, %parallel_loop3A_1345, %parallel_loop3A_1318 : vector<16xi1>, vector<16xi32>
          %parallel_loop3A_1347 = arith.constant 496 : i32
          %parallel_loop3A_1348 = vector.broadcast %parallel_loop3A_1347 : i32 to vector<16xi32>
          %parallel_loop3A_1349 = arith.addi %parallel_loop3A_1346, %parallel_loop3A_1348 : vector<16xi32>
          %parallel_loop3A_1350 = tpu.vector_load_idx %arg10[%parallel_loop3A_1349] : memref<1008xf32, #tpu.memory_space<vmem>>[vector<16xi32>], vector<16xf32>,
          %parallel_loop3A_1351 = arith.cmpf ole, %parallel_loop3A_1350, %parallel_loop3A_1038 : vector<16xf32>
          %parallel_loop3A_1352 = arith.constant 1 : i32
          %parallel_loop3A_1353 = vector.broadcast %parallel_loop3A_1352 : i32 to vector<16xi32>
          %parallel_loop3A_1354 = arith.addi %parallel_loop3A_1315, %parallel_loop3A_1353 : vector<16xi32>
          %parallel_loop3A_1355 = arith.select %parallel_loop3A_1351, %parallel_loop3A_1354, %parallel_loop3A_1315 : vector<16xi1>, vector<16xi32>
          %parallel_loop3A_1356 = arith.constant 1023 : i32
          %parallel_loop3A_1357 = vector.broadcast %parallel_loop3A_1356 : i32 to vector<16xi32>
          %parallel_loop3A_1358 = arith.minsi %parallel_loop3A_1355, %parallel_loop3A_1357 : vector<16xi32>
          %parallel_loop3A_1359 = arith.constant 1 : i32
          %parallel_loop3A_1360 = arith.constant 0 : i32
          %parallel_loop3A_1361 = arith.constant 0 : i32
          %parallel_loop3A_1362 = tpu.memref_slice %run_scoped3A[%rem3A_958, %parallel_loop3A_1360, %parallel_loop3A_1361] : memref<2x9x512xf32, #tpu.memory_space<vmem>> -> memref<1x9x512xf32, #tpu.memory_space<vmem>>
          %parallel_loop3A_1363 = tpu.memref_squeeze %parallel_loop3A_1362 : memref<1x9x512xf32, #tpu.memory_space<vmem>> -> memref<9x512xf32, #tpu.memory_space<vmem>>
          %parallel_loop3A_1364 = arith.index_cast %parallel_loop3A_1359 : i32 to index
          %parallel_loop3A_1365 = arith.index_cast %parallel_loop3A_1030 : i32 to index
          %parallel_loop3A_1366 = tpu.vector_load %parallel_loop3A_1363[%parallel_loop3A_1364, %parallel_loop3A_1365] {strides = array<i32>} : memref<9x512xf32, #tpu.memory_space<vmem>>, vector<16xf32>,
          %parallel_loop3A_1367 = arith.constant 2 : i32
          %parallel_loop3A_1368 = arith.constant 0 : i32
          %parallel_loop3A_1369 = arith.constant 0 : i32
          %parallel_loop3A_1370 = tpu.memref_slice %run_scoped3A[%rem3A_958, %parallel_loop3A_1368, %parallel_loop3A_1369] : memref<2x9x512xf32, #tpu.memory_space<vmem>> -> memref<1x9x512xf32, #tpu.memory_space<vmem>>
          %parallel_loop3A_1371 = tpu.memref_squeeze %parallel_loop3A_1370 : memref<1x9x512xf32, #tpu.memory_space<vmem>> -> memref<9x512xf32, #tpu.memory_space<vmem>>
          %parallel_loop3A_1372 = arith.index_cast %parallel_loop3A_1367 : i32 to index
          %parallel_loop3A_1373 = arith.index_cast %parallel_loop3A_1030 : i32 to index
          %parallel_loop3A_1374 = tpu.vector_load %parallel_loop3A_1371[%parallel_loop3A_1372, %parallel_loop3A_1373] {strides = array<i32>} : memref<9x512xf32, #tpu.memory_space<vmem>>, vector<16xf32>,
          %parallel_loop3A_1375 = arith.constant 3 : i32
          %parallel_loop3A_1376 = arith.constant 0 : i32
          %parallel_loop3A_1377 = arith.constant 0 : i32
          %parallel_loop3A_1378 = tpu.memref_slice %run_scoped3A[%rem3A_958, %parallel_loop3A_1376, %parallel_loop3A_1377] : memref<2x9x512xf32, #tpu.memory_space<vmem>> -> memref<1x9x512xf32, #tpu.memory_space<vmem>>
          %parallel_loop3A_1379 = tpu.memref_squeeze %parallel_loop3A_1378 : memref<1x9x512xf32, #tpu.memory_space<vmem>> -> memref<9x512xf32, #tpu.memory_space<vmem>>
          %parallel_loop3A_1380 = arith.index_cast %parallel_loop3A_1375 : i32 to index
          %parallel_loop3A_1381 = arith.index_cast %parallel_loop3A_1030 : i32 to index
          %parallel_loop3A_1382 = tpu.vector_load %parallel_loop3A_1379[%parallel_loop3A_1380, %parallel_loop3A_1381] {strides = array<i32>} : memref<9x512xf32, #tpu.memory_space<vmem>>, vector<16xf32>,
          %parallel_loop3A_1383 = arith.constant 4 : i32
          %parallel_loop3A_1384 = arith.constant 0 : i32
          %parallel_loop3A_1385 = arith.constant 0 : i32
          %parallel_loop3A_1386 = tpu.memref_slice %run_scoped3A[%rem3A_958, %parallel_loop3A_1384, %parallel_loop3A_1385] : memref<2x9x512xf32, #tpu.memory_space<vmem>> -> memref<1x9x512xf32, #tpu.memory_space<vmem>>
          %parallel_loop3A_1387 = tpu.memref_squeeze %parallel_loop3A_1386 : memref<1x9x512xf32, #tpu.memory_space<vmem>> -> memref<9x512xf32, #tpu.memory_space<vmem>>
          %parallel_loop3A_1388 = arith.index_cast %parallel_loop3A_1383 : i32 to index
          %parallel_loop3A_1389 = arith.index_cast %parallel_loop3A_1030 : i32 to index
          %parallel_loop3A_1390 = tpu.vector_load %parallel_loop3A_1387[%parallel_loop3A_1388, %parallel_loop3A_1389] {strides = array<i32>} : memref<9x512xf32, #tpu.memory_space<vmem>>, vector<16xf32>,
          %parallel_loop3A_1391 = arith.constant 5 : i32
          %parallel_loop3A_1392 = arith.constant 0 : i32
          %parallel_loop3A_1393 = arith.constant 0 : i32
          %parallel_loop3A_1394 = tpu.memref_slice %run_scoped3A[%rem3A_958, %parallel_loop3A_1392, %parallel_loop3A_1393] : memref<2x9x512xf32, #tpu.memory_space<vmem>> -> memref<1x9x512xf32, #tpu.memory_space<vmem>>
          %parallel_loop3A_1395 = tpu.memref_squeeze %parallel_loop3A_1394 : memref<1x9x512xf32, #tpu.memory_space<vmem>> -> memref<9x512xf32, #tpu.memory_space<vmem>>
          %parallel_loop3A_1396 = arith.index_cast %parallel_loop3A_1391 : i32 to index
          %parallel_loop3A_1397 = arith.index_cast %parallel_loop3A_1030 : i32 to index
          %parallel_loop3A_1398 = tpu.vector_load %parallel_loop3A_1395[%parallel_loop3A_1396, %parallel_loop3A_1397] {strides = array<i32>} : memref<9x512xf32, #tpu.memory_space<vmem>>, vector<16xf32>,
          %parallel_loop3A_1399 = arith.constant 6 : i32
          %parallel_loop3A_1400 = arith.constant 0 : i32
          %parallel_loop3A_1401 = arith.constant 0 : i32
          %parallel_loop3A_1402 = tpu.memref_slice %run_scoped3A[%rem3A_958, %parallel_loop3A_1400, %parallel_loop3A_1401] : memref<2x9x512xf32, #tpu.memory_space<vmem>> -> memref<1x9x512xf32, #tpu.memory_space<vmem>>
          %parallel_loop3A_1403 = tpu.memref_squeeze %parallel_loop3A_1402 : memref<1x9x512xf32, #tpu.memory_space<vmem>> -> memref<9x512xf32, #tpu.memory_space<vmem>>
          %parallel_loop3A_1404 = arith.index_cast %parallel_loop3A_1399 : i32 to index
          %parallel_loop3A_1405 = arith.index_cast %parallel_loop3A_1030 : i32 to index
          %parallel_loop3A_1406 = tpu.vector_load %parallel_loop3A_1403[%parallel_loop3A_1404, %parallel_loop3A_1405] {strides = array<i32>} : memref<9x512xf32, #tpu.memory_space<vmem>>, vector<16xf32>,
          %parallel_loop3A_1407 = arith.constant 7 : i32
          %parallel_loop3A_1408 = arith.constant 0 : i32
          %parallel_loop3A_1409 = arith.constant 0 : i32
          %parallel_loop3A_1410 = tpu.memref_slice %run_scoped3A[%rem3A_958, %parallel_loop3A_1408, %parallel_loop3A_1409] : memref<2x9x512xf32, #tpu.memory_space<vmem>> -> memref<1x9x512xf32, #tpu.memory_space<vmem>>
          %parallel_loop3A_1411 = tpu.memref_squeeze %parallel_loop3A_1410 : memref<1x9x512xf32, #tpu.memory_space<vmem>> -> memref<9x512xf32, #tpu.memory_space<vmem>>
          %parallel_loop3A_1412 = arith.index_cast %parallel_loop3A_1407 : i32 to index
          %parallel_loop3A_1413 = arith.index_cast %parallel_loop3A_1030 : i32 to index
          %parallel_loop3A_1414 = tpu.vector_load %parallel_loop3A_1411[%parallel_loop3A_1412, %parallel_loop3A_1413] {strides = array<i32>} : memref<9x512xf32, #tpu.memory_space<vmem>>, vector<16xf32>,
          %parallel_loop3A_1415 = arith.constant 8 : i32
          %parallel_loop3A_1416 = arith.constant 0 : i32
          %parallel_loop3A_1417 = arith.constant 0 : i32
          %parallel_loop3A_1418 = tpu.memref_slice %run_scoped3A[%rem3A_958, %parallel_loop3A_1416, %parallel_loop3A_1417] : memref<2x9x512xf32, #tpu.memory_space<vmem>> -> memref<1x9x512xf32, #tpu.memory_space<vmem>>
          %parallel_loop3A_1419 = tpu.memref_squeeze %parallel_loop3A_1418 : memref<1x9x512xf32, #tpu.memory_space<vmem>> -> memref<9x512xf32, #tpu.memory_space<vmem>>
          %parallel_loop3A_1420 = arith.index_cast %parallel_loop3A_1415 : i32 to index
          %parallel_loop3A_1421 = arith.index_cast %parallel_loop3A_1030 : i32 to index
          %parallel_loop3A_1422 = tpu.vector_load %parallel_loop3A_1419[%parallel_loop3A_1420, %parallel_loop3A_1421] {strides = array<i32>} : memref<9x512xf32, #tpu.memory_space<vmem>>, vector<16xf32>,
          %parallel_loop3A_1423 = arith.constant 9 : i32
          %parallel_loop3A_1424 = vector.broadcast %parallel_loop3A_1423 : i32 to vector<16xi32>
          %parallel_loop3A_1425 = arith.muli %parallel_loop3A_1358, %parallel_loop3A_1424 : vector<16xi32>
          %parallel_loop3A_1426 = arith.constant 65 : i32
          %parallel_loop3A_1427 = vector.broadcast %parallel_loop3A_1426 : i32 to vector<16xi32>
          %parallel_loop3A_1428 = arith.muli %parallel_loop3A_1358, %parallel_loop3A_1427 : vector<16xi32>
          %parallel_loop3A_1429 = arith.constant 0 : i32
          %parallel_loop3A_1430 = vector.broadcast %parallel_loop3A_1429 : i32 to vector<16xi32>
          %parallel_loop3A_1431 = arith.addi %parallel_loop3A_1425, %parallel_loop3A_1430 : vector<16xi32>
          %parallel_loop3A_1432 = tpu.vector_load_idx %arg8[%parallel_loop3A_1431] : memref<9216xf32, #tpu.memory_space<vmem>>[vector<16xi32>], vector<16xf32>,
          %parallel_loop3A_1433 = arith.constant 1 : i32
          %parallel_loop3A_1434 = vector.broadcast %parallel_loop3A_1433 : i32 to vector<16xi32>
          %parallel_loop3A_1435 = arith.addi %parallel_loop3A_1425, %parallel_loop3A_1434 : vector<16xi32>
          %parallel_loop3A_1436 = tpu.vector_load_idx %arg8[%parallel_loop3A_1435] : memref<9216xf32, #tpu.memory_space<vmem>>[vector<16xi32>], vector<16xf32>,
          %parallel_loop3A_1437 = arith.constant 2 : i32
          %parallel_loop3A_1438 = vector.broadcast %parallel_loop3A_1437 : i32 to vector<16xi32>
          %parallel_loop3A_1439 = arith.addi %parallel_loop3A_1425, %parallel_loop3A_1438 : vector<16xi32>
          %parallel_loop3A_1440 = tpu.vector_load_idx %arg8[%parallel_loop3A_1439] : memref<9216xf32, #tpu.memory_space<vmem>>[vector<16xi32>], vector<16xf32>,
          %parallel_loop3A_1441 = arith.constant 3 : i32
          %parallel_loop3A_1442 = vector.broadcast %parallel_loop3A_1441 : i32 to vector<16xi32>
          %parallel_loop3A_1443 = arith.addi %parallel_loop3A_1425, %parallel_loop3A_1442 : vector<16xi32>
          %parallel_loop3A_1444 = tpu.vector_load_idx %arg8[%parallel_loop3A_1443] : memref<9216xf32, #tpu.memory_space<vmem>>[vector<16xi32>], vector<16xf32>,
          %parallel_loop3A_1445 = arith.constant 4 : i32
          %parallel_loop3A_1446 = vector.broadcast %parallel_loop3A_1445 : i32 to vector<16xi32>
          %parallel_loop3A_1447 = arith.addi %parallel_loop3A_1425, %parallel_loop3A_1446 : vector<16xi32>
          %parallel_loop3A_1448 = tpu.vector_load_idx %arg8[%parallel_loop3A_1447] : memref<9216xf32, #tpu.memory_space<vmem>>[vector<16xi32>], vector<16xf32>,
          %parallel_loop3A_1449 = arith.constant 5 : i32
          %parallel_loop3A_1450 = vector.broadcast %parallel_loop3A_1449 : i32 to vector<16xi32>
          %parallel_loop3A_1451 = arith.addi %parallel_loop3A_1425, %parallel_loop3A_1450 : vector<16xi32>
          %parallel_loop3A_1452 = tpu.vector_load_idx %arg8[%parallel_loop3A_1451] : memref<9216xf32, #tpu.memory_space<vmem>>[vector<16xi32>], vector<16xf32>,
          %parallel_loop3A_1453 = arith.constant 6 : i32
          %parallel_loop3A_1454 = vector.broadcast %parallel_loop3A_1453 : i32 to vector<16xi32>
          %parallel_loop3A_1455 = arith.addi %parallel_loop3A_1425, %parallel_loop3A_1454 : vector<16xi32>
          %parallel_loop3A_1456 = tpu.vector_load_idx %arg8[%parallel_loop3A_1455] : memref<9216xf32, #tpu.memory_space<vmem>>[vector<16xi32>], vector<16xf32>,
          %parallel_loop3A_1457 = arith.constant 7 : i32
          %parallel_loop3A_1458 = vector.broadcast %parallel_loop3A_1457 : i32 to vector<16xi32>
          %parallel_loop3A_1459 = arith.addi %parallel_loop3A_1425, %parallel_loop3A_1458 : vector<16xi32>
          %parallel_loop3A_1460 = tpu.vector_load_idx %arg8[%parallel_loop3A_1459] : memref<9216xf32, #tpu.memory_space<vmem>>[vector<16xi32>], vector<16xf32>,
          %parallel_loop3A_1461 = arith.constant 0 : i32
          %parallel_loop3A_1462 = vector.broadcast %parallel_loop3A_1461 : i32 to vector<16xi32>
          %parallel_loop3A_1463 = arith.addi %parallel_loop3A_1428, %parallel_loop3A_1462 : vector<16xi32>
          %parallel_loop3A_1464 = tpu.vector_load_idx %arg9[%parallel_loop3A_1463] : memref<66560xf32, #tpu.memory_space<vmem>>[vector<16xi32>], vector<16xf32>,
          %parallel_loop3A_1465 = arith.mulf %parallel_loop3A_1464, %parallel_loop3A_1366 : vector<16xf32>
          %parallel_loop3A_1466 = arith.addf %parallel_loop3A_1432, %parallel_loop3A_1465 : vector<16xf32>
          %parallel_loop3A_1467 = arith.constant 1 : i32
          %parallel_loop3A_1468 = vector.broadcast %parallel_loop3A_1467 : i32 to vector<16xi32>
          %parallel_loop3A_1469 = arith.addi %parallel_loop3A_1428, %parallel_loop3A_1468 : vector<16xi32>
          %parallel_loop3A_1470 = tpu.vector_load_idx %arg9[%parallel_loop3A_1469] : memref<66560xf32, #tpu.memory_space<vmem>>[vector<16xi32>], vector<16xf32>,
          %parallel_loop3A_1471 = arith.mulf %parallel_loop3A_1470, %parallel_loop3A_1374 : vector<16xf32>
          %parallel_loop3A_1472 = arith.addf %parallel_loop3A_1466, %parallel_loop3A_1471 : vector<16xf32>
          %parallel_loop3A_1473 = arith.constant 2 : i32
          %parallel_loop3A_1474 = vector.broadcast %parallel_loop3A_1473 : i32 to vector<16xi32>
          %parallel_loop3A_1475 = arith.addi %parallel_loop3A_1428, %parallel_loop3A_1474 : vector<16xi32>
          %parallel_loop3A_1476 = tpu.vector_load_idx %arg9[%parallel_loop3A_1475] : memref<66560xf32, #tpu.memory_space<vmem>>[vector<16xi32>], vector<16xf32>,
          %parallel_loop3A_1477 = arith.mulf %parallel_loop3A_1476, %parallel_loop3A_1382 : vector<16xf32>
          %parallel_loop3A_1478 = arith.addf %parallel_loop3A_1472, %parallel_loop3A_1477 : vector<16xf32>
          %parallel_loop3A_1479 = arith.constant 3 : i32
          %parallel_loop3A_1480 = vector.broadcast %parallel_loop3A_1479 : i32 to vector<16xi32>
          %parallel_loop3A_1481 = arith.addi %parallel_loop3A_1428, %parallel_loop3A_1480 : vector<16xi32>
          %parallel_loop3A_1482 = tpu.vector_load_idx %arg9[%parallel_loop3A_1481] : memref<66560xf32, #tpu.memory_space<vmem>>[vector<16xi32>], vector<16xf32>,
          %parallel_loop3A_1483 = arith.mulf %parallel_loop3A_1482, %parallel_loop3A_1390 : vector<16xf32>
          %parallel_loop3A_1484 = arith.addf %parallel_loop3A_1478, %parallel_loop3A_1483 : vector<16xf32>
          %parallel_loop3A_1485 = arith.constant 4 : i32
          %parallel_loop3A_1486 = vector.broadcast %parallel_loop3A_1485 : i32 to vector<16xi32>
          %parallel_loop3A_1487 = arith.addi %parallel_loop3A_1428, %parallel_loop3A_1486 : vector<16xi32>
          %parallel_loop3A_1488 = tpu.vector_load_idx %arg9[%parallel_loop3A_1487] : memref<66560xf32, #tpu.memory_space<vmem>>[vector<16xi32>], vector<16xf32>,
          %parallel_loop3A_1489 = arith.mulf %parallel_loop3A_1488, %parallel_loop3A_1398 : vector<16xf32>
          %parallel_loop3A_1490 = arith.addf %parallel_loop3A_1484, %parallel_loop3A_1489 : vector<16xf32>
          %parallel_loop3A_1491 = arith.constant 5 : i32
          %parallel_loop3A_1492 = vector.broadcast %parallel_loop3A_1491 : i32 to vector<16xi32>
          %parallel_loop3A_1493 = arith.addi %parallel_loop3A_1428, %parallel_loop3A_1492 : vector<16xi32>
          %parallel_loop3A_1494 = tpu.vector_load_idx %arg9[%parallel_loop3A_1493] : memref<66560xf32, #tpu.memory_space<vmem>>[vector<16xi32>], vector<16xf32>,
          %parallel_loop3A_1495 = arith.mulf %parallel_loop3A_1494, %parallel_loop3A_1406 : vector<16xf32>
          %parallel_loop3A_1496 = arith.addf %parallel_loop3A_1490, %parallel_loop3A_1495 : vector<16xf32>
          %parallel_loop3A_1497 = arith.constant 6 : i32
          %parallel_loop3A_1498 = vector.broadcast %parallel_loop3A_1497 : i32 to vector<16xi32>
          %parallel_loop3A_1499 = arith.addi %parallel_loop3A_1428, %parallel_loop3A_1498 : vector<16xi32>
          %parallel_loop3A_1500 = tpu.vector_load_idx %arg9[%parallel_loop3A_1499] : memref<66560xf32, #tpu.memory_space<vmem>>[vector<16xi32>], vector<16xf32>,
          %parallel_loop3A_1501 = arith.mulf %parallel_loop3A_1500, %parallel_loop3A_1414 : vector<16xf32>
          %parallel_loop3A_1502 = arith.addf %parallel_loop3A_1496, %parallel_loop3A_1501 : vector<16xf32>
          %parallel_loop3A_1503 = arith.constant 7 : i32
          %parallel_loop3A_1504 = vector.broadcast %parallel_loop3A_1503 : i32 to vector<16xi32>
          %parallel_loop3A_1505 = arith.addi %parallel_loop3A_1428, %parallel_loop3A_1504 : vector<16xi32>
          %parallel_loop3A_1506 = tpu.vector_load_idx %arg9[%parallel_loop3A_1505] : memref<66560xf32, #tpu.memory_space<vmem>>[vector<16xi32>], vector<16xf32>,
          %parallel_loop3A_1507 = arith.mulf %parallel_loop3A_1506, %parallel_loop3A_1422 : vector<16xf32>
          %parallel_loop3A_1508 = arith.addf %parallel_loop3A_1502, %parallel_loop3A_1507 : vector<16xf32>
          %parallel_loop3A_1509 = arith.constant 8 : i32
          %parallel_loop3A_1510 = vector.broadcast %parallel_loop3A_1509 : i32 to vector<16xi32>
          %parallel_loop3A_1511 = arith.addi %parallel_loop3A_1428, %parallel_loop3A_1510 : vector<16xi32>
          %parallel_loop3A_1512 = tpu.vector_load_idx %arg9[%parallel_loop3A_1511] : memref<66560xf32, #tpu.memory_space<vmem>>[vector<16xi32>], vector<16xf32>,
          %parallel_loop3A_1513 = arith.mulf %parallel_loop3A_1512, %parallel_loop3A_1366 : vector<16xf32>
          %parallel_loop3A_1514 = arith.addf %parallel_loop3A_1436, %parallel_loop3A_1513 : vector<16xf32>
          %parallel_loop3A_1515 = arith.constant 9 : i32
          %parallel_loop3A_1516 = vector.broadcast %parallel_loop3A_1515 : i32 to vector<16xi32>
          %parallel_loop3A_1517 = arith.addi %parallel_loop3A_1428, %parallel_loop3A_1516 : vector<16xi32>
          %parallel_loop3A_1518 = tpu.vector_load_idx %arg9[%parallel_loop3A_1517] : memref<66560xf32, #tpu.memory_space<vmem>>[vector<16xi32>], vector<16xf32>,
          %parallel_loop3A_1519 = arith.mulf %parallel_loop3A_1518, %parallel_loop3A_1374 : vector<16xf32>
          %parallel_loop3A_1520 = arith.addf %parallel_loop3A_1514, %parallel_loop3A_1519 : vector<16xf32>
          %parallel_loop3A_1521 = arith.constant 10 : i32
          %parallel_loop3A_1522 = vector.broadcast %parallel_loop3A_1521 : i32 to vector<16xi32>
          %parallel_loop3A_1523 = arith.addi %parallel_loop3A_1428, %parallel_loop3A_1522 : vector<16xi32>
          %parallel_loop3A_1524 = tpu.vector_load_idx %arg9[%parallel_loop3A_1523] : memref<66560xf32, #tpu.memory_space<vmem>>[vector<16xi32>], vector<16xf32>,
          %parallel_loop3A_1525 = arith.mulf %parallel_loop3A_1524, %parallel_loop3A_1382 : vector<16xf32>
          %parallel_loop3A_1526 = arith.addf %parallel_loop3A_1520, %parallel_loop3A_1525 : vector<16xf32>
          %parallel_loop3A_1527 = arith.constant 11 : i32
          %parallel_loop3A_1528 = vector.broadcast %parallel_loop3A_1527 : i32 to vector<16xi32>
          %parallel_loop3A_1529 = arith.addi %parallel_loop3A_1428, %parallel_loop3A_1528 : vector<16xi32>
          %parallel_loop3A_1530 = tpu.vector_load_idx %arg9[%parallel_loop3A_1529] : memref<66560xf32, #tpu.memory_space<vmem>>[vector<16xi32>], vector<16xf32>,
          %parallel_loop3A_1531 = arith.mulf %parallel_loop3A_1530, %parallel_loop3A_1390 : vector<16xf32>
          %parallel_loop3A_1532 = arith.addf %parallel_loop3A_1526, %parallel_loop3A_1531 : vector<16xf32>
          %parallel_loop3A_1533 = arith.constant 12 : i32
          %parallel_loop3A_1534 = vector.broadcast %parallel_loop3A_1533 : i32 to vector<16xi32>
          %parallel_loop3A_1535 = arith.addi %parallel_loop3A_1428, %parallel_loop3A_1534 : vector<16xi32>
          %parallel_loop3A_1536 = tpu.vector_load_idx %arg9[%parallel_loop3A_1535] : memref<66560xf32, #tpu.memory_space<vmem>>[vector<16xi32>], vector<16xf32>,
          %parallel_loop3A_1537 = arith.mulf %parallel_loop3A_1536, %parallel_loop3A_1398 : vector<16xf32>
          %parallel_loop3A_1538 = arith.addf %parallel_loop3A_1532, %parallel_loop3A_1537 : vector<16xf32>
          %parallel_loop3A_1539 = arith.constant 13 : i32
          %parallel_loop3A_1540 = vector.broadcast %parallel_loop3A_1539 : i32 to vector<16xi32>
          %parallel_loop3A_1541 = arith.addi %parallel_loop3A_1428, %parallel_loop3A_1540 : vector<16xi32>
          %parallel_loop3A_1542 = tpu.vector_load_idx %arg9[%parallel_loop3A_1541] : memref<66560xf32, #tpu.memory_space<vmem>>[vector<16xi32>], vector<16xf32>,
          %parallel_loop3A_1543 = arith.mulf %parallel_loop3A_1542, %parallel_loop3A_1406 : vector<16xf32>
          %parallel_loop3A_1544 = arith.addf %parallel_loop3A_1538, %parallel_loop3A_1543 : vector<16xf32>
          %parallel_loop3A_1545 = arith.constant 14 : i32
          %parallel_loop3A_1546 = vector.broadcast %parallel_loop3A_1545 : i32 to vector<16xi32>
          %parallel_loop3A_1547 = arith.addi %parallel_loop3A_1428, %parallel_loop3A_1546 : vector<16xi32>
          %parallel_loop3A_1548 = tpu.vector_load_idx %arg9[%parallel_loop3A_1547] : memref<66560xf32, #tpu.memory_space<vmem>>[vector<16xi32>], vector<16xf32>,
          %parallel_loop3A_1549 = arith.mulf %parallel_loop3A_1548, %parallel_loop3A_1414 : vector<16xf32>
          %parallel_loop3A_1550 = arith.addf %parallel_loop3A_1544, %parallel_loop3A_1549 : vector<16xf32>
          %parallel_loop3A_1551 = arith.constant 15 : i32
          %parallel_loop3A_1552 = vector.broadcast %parallel_loop3A_1551 : i32 to vector<16xi32>
          %parallel_loop3A_1553 = arith.addi %parallel_loop3A_1428, %parallel_loop3A_1552 : vector<16xi32>
          %parallel_loop3A_1554 = tpu.vector_load_idx %arg9[%parallel_loop3A_1553] : memref<66560xf32, #tpu.memory_space<vmem>>[vector<16xi32>], vector<16xf32>,
          %parallel_loop3A_1555 = arith.mulf %parallel_loop3A_1554, %parallel_loop3A_1422 : vector<16xf32>
          %parallel_loop3A_1556 = arith.addf %parallel_loop3A_1550, %parallel_loop3A_1555 : vector<16xf32>
          %parallel_loop3A_1557 = arith.constant 16 : i32
          %parallel_loop3A_1558 = vector.broadcast %parallel_loop3A_1557 : i32 to vector<16xi32>
          %parallel_loop3A_1559 = arith.addi %parallel_loop3A_1428, %parallel_loop3A_1558 : vector<16xi32>
          %parallel_loop3A_1560 = tpu.vector_load_idx %arg9[%parallel_loop3A_1559] : memref<66560xf32, #tpu.memory_space<vmem>>[vector<16xi32>], vector<16xf32>,
          %parallel_loop3A_1561 = arith.mulf %parallel_loop3A_1560, %parallel_loop3A_1366 : vector<16xf32>
          %parallel_loop3A_1562 = arith.addf %parallel_loop3A_1440, %parallel_loop3A_1561 : vector<16xf32>
          %parallel_loop3A_1563 = arith.constant 17 : i32
          %parallel_loop3A_1564 = vector.broadcast %parallel_loop3A_1563 : i32 to vector<16xi32>
          %parallel_loop3A_1565 = arith.addi %parallel_loop3A_1428, %parallel_loop3A_1564 : vector<16xi32>
          %parallel_loop3A_1566 = tpu.vector_load_idx %arg9[%parallel_loop3A_1565] : memref<66560xf32, #tpu.memory_space<vmem>>[vector<16xi32>], vector<16xf32>,
          %parallel_loop3A_1567 = arith.mulf %parallel_loop3A_1566, %parallel_loop3A_1374 : vector<16xf32>
          %parallel_loop3A_1568 = arith.addf %parallel_loop3A_1562, %parallel_loop3A_1567 : vector<16xf32>
          %parallel_loop3A_1569 = arith.constant 18 : i32
          %parallel_loop3A_1570 = vector.broadcast %parallel_loop3A_1569 : i32 to vector<16xi32>
          %parallel_loop3A_1571 = arith.addi %parallel_loop3A_1428, %parallel_loop3A_1570 : vector<16xi32>
          %parallel_loop3A_1572 = tpu.vector_load_idx %arg9[%parallel_loop3A_1571] : memref<66560xf32, #tpu.memory_space<vmem>>[vector<16xi32>], vector<16xf32>,
          %parallel_loop3A_1573 = arith.mulf %parallel_loop3A_1572, %parallel_loop3A_1382 : vector<16xf32>
          %parallel_loop3A_1574 = arith.addf %parallel_loop3A_1568, %parallel_loop3A_1573 : vector<16xf32>
          %parallel_loop3A_1575 = arith.constant 19 : i32
          %parallel_loop3A_1576 = vector.broadcast %parallel_loop3A_1575 : i32 to vector<16xi32>
          %parallel_loop3A_1577 = arith.addi %parallel_loop3A_1428, %parallel_loop3A_1576 : vector<16xi32>
          %parallel_loop3A_1578 = tpu.vector_load_idx %arg9[%parallel_loop3A_1577] : memref<66560xf32, #tpu.memory_space<vmem>>[vector<16xi32>], vector<16xf32>,
          %parallel_loop3A_1579 = arith.mulf %parallel_loop3A_1578, %parallel_loop3A_1390 : vector<16xf32>
          %parallel_loop3A_1580 = arith.addf %parallel_loop3A_1574, %parallel_loop3A_1579 : vector<16xf32>
          %parallel_loop3A_1581 = arith.constant 20 : i32
          %parallel_loop3A_1582 = vector.broadcast %parallel_loop3A_1581 : i32 to vector<16xi32>
          %parallel_loop3A_1583 = arith.addi %parallel_loop3A_1428, %parallel_loop3A_1582 : vector<16xi32>
          %parallel_loop3A_1584 = tpu.vector_load_idx %arg9[%parallel_loop3A_1583] : memref<66560xf32, #tpu.memory_space<vmem>>[vector<16xi32>], vector<16xf32>,
          %parallel_loop3A_1585 = arith.mulf %parallel_loop3A_1584, %parallel_loop3A_1398 : vector<16xf32>
          %parallel_loop3A_1586 = arith.addf %parallel_loop3A_1580, %parallel_loop3A_1585 : vector<16xf32>
          %parallel_loop3A_1587 = arith.constant 21 : i32
          %parallel_loop3A_1588 = vector.broadcast %parallel_loop3A_1587 : i32 to vector<16xi32>
          %parallel_loop3A_1589 = arith.addi %parallel_loop3A_1428, %parallel_loop3A_1588 : vector<16xi32>
          %parallel_loop3A_1590 = tpu.vector_load_idx %arg9[%parallel_loop3A_1589] : memref<66560xf32, #tpu.memory_space<vmem>>[vector<16xi32>], vector<16xf32>,
          %parallel_loop3A_1591 = arith.mulf %parallel_loop3A_1590, %parallel_loop3A_1406 : vector<16xf32>
          %parallel_loop3A_1592 = arith.addf %parallel_loop3A_1586, %parallel_loop3A_1591 : vector<16xf32>
          %parallel_loop3A_1593 = arith.constant 22 : i32
          %parallel_loop3A_1594 = vector.broadcast %parallel_loop3A_1593 : i32 to vector<16xi32>
          %parallel_loop3A_1595 = arith.addi %parallel_loop3A_1428, %parallel_loop3A_1594 : vector<16xi32>
          %parallel_loop3A_1596 = tpu.vector_load_idx %arg9[%parallel_loop3A_1595] : memref<66560xf32, #tpu.memory_space<vmem>>[vector<16xi32>], vector<16xf32>,
          %parallel_loop3A_1597 = arith.mulf %parallel_loop3A_1596, %parallel_loop3A_1414 : vector<16xf32>
          %parallel_loop3A_1598 = arith.addf %parallel_loop3A_1592, %parallel_loop3A_1597 : vector<16xf32>
          %parallel_loop3A_1599 = arith.constant 23 : i32
          %parallel_loop3A_1600 = vector.broadcast %parallel_loop3A_1599 : i32 to vector<16xi32>
          %parallel_loop3A_1601 = arith.addi %parallel_loop3A_1428, %parallel_loop3A_1600 : vector<16xi32>
          %parallel_loop3A_1602 = tpu.vector_load_idx %arg9[%parallel_loop3A_1601] : memref<66560xf32, #tpu.memory_space<vmem>>[vector<16xi32>], vector<16xf32>,
          %parallel_loop3A_1603 = arith.mulf %parallel_loop3A_1602, %parallel_loop3A_1422 : vector<16xf32>
          %parallel_loop3A_1604 = arith.addf %parallel_loop3A_1598, %parallel_loop3A_1603 : vector<16xf32>
          %parallel_loop3A_1605 = arith.constant 24 : i32
          %parallel_loop3A_1606 = vector.broadcast %parallel_loop3A_1605 : i32 to vector<16xi32>
          %parallel_loop3A_1607 = arith.addi %parallel_loop3A_1428, %parallel_loop3A_1606 : vector<16xi32>
          %parallel_loop3A_1608 = tpu.vector_load_idx %arg9[%parallel_loop3A_1607] : memref<66560xf32, #tpu.memory_space<vmem>>[vector<16xi32>], vector<16xf32>,
          %parallel_loop3A_1609 = arith.mulf %parallel_loop3A_1608, %parallel_loop3A_1366 : vector<16xf32>
          %parallel_loop3A_1610 = arith.addf %parallel_loop3A_1444, %parallel_loop3A_1609 : vector<16xf32>
          %parallel_loop3A_1611 = arith.constant 25 : i32
          %parallel_loop3A_1612 = vector.broadcast %parallel_loop3A_1611 : i32 to vector<16xi32>
          %parallel_loop3A_1613 = arith.addi %parallel_loop3A_1428, %parallel_loop3A_1612 : vector<16xi32>
          %parallel_loop3A_1614 = tpu.vector_load_idx %arg9[%parallel_loop3A_1613] : memref<66560xf32, #tpu.memory_space<vmem>>[vector<16xi32>], vector<16xf32>,
          %parallel_loop3A_1615 = arith.mulf %parallel_loop3A_1614, %parallel_loop3A_1374 : vector<16xf32>
          %parallel_loop3A_1616 = arith.addf %parallel_loop3A_1610, %parallel_loop3A_1615 : vector<16xf32>
          %parallel_loop3A_1617 = arith.constant 26 : i32
          %parallel_loop3A_1618 = vector.broadcast %parallel_loop3A_1617 : i32 to vector<16xi32>
          %parallel_loop3A_1619 = arith.addi %parallel_loop3A_1428, %parallel_loop3A_1618 : vector<16xi32>
          %parallel_loop3A_1620 = tpu.vector_load_idx %arg9[%parallel_loop3A_1619] : memref<66560xf32, #tpu.memory_space<vmem>>[vector<16xi32>], vector<16xf32>,
          %parallel_loop3A_1621 = arith.mulf %parallel_loop3A_1620, %parallel_loop3A_1382 : vector<16xf32>
          %parallel_loop3A_1622 = arith.addf %parallel_loop3A_1616, %parallel_loop3A_1621 : vector<16xf32>
          %parallel_loop3A_1623 = arith.constant 27 : i32
          %parallel_loop3A_1624 = vector.broadcast %parallel_loop3A_1623 : i32 to vector<16xi32>
          %parallel_loop3A_1625 = arith.addi %parallel_loop3A_1428, %parallel_loop3A_1624 : vector<16xi32>
          %parallel_loop3A_1626 = tpu.vector_load_idx %arg9[%parallel_loop3A_1625] : memref<66560xf32, #tpu.memory_space<vmem>>[vector<16xi32>], vector<16xf32>,
          %parallel_loop3A_1627 = arith.mulf %parallel_loop3A_1626, %parallel_loop3A_1390 : vector<16xf32>
          %parallel_loop3A_1628 = arith.addf %parallel_loop3A_1622, %parallel_loop3A_1627 : vector<16xf32>
          %parallel_loop3A_1629 = arith.constant 28 : i32
          %parallel_loop3A_1630 = vector.broadcast %parallel_loop3A_1629 : i32 to vector<16xi32>
          %parallel_loop3A_1631 = arith.addi %parallel_loop3A_1428, %parallel_loop3A_1630 : vector<16xi32>
          %parallel_loop3A_1632 = tpu.vector_load_idx %arg9[%parallel_loop3A_1631] : memref<66560xf32, #tpu.memory_space<vmem>>[vector<16xi32>], vector<16xf32>,
          %parallel_loop3A_1633 = arith.mulf %parallel_loop3A_1632, %parallel_loop3A_1398 : vector<16xf32>
          %parallel_loop3A_1634 = arith.addf %parallel_loop3A_1628, %parallel_loop3A_1633 : vector<16xf32>
          %parallel_loop3A_1635 = arith.constant 29 : i32
          %parallel_loop3A_1636 = vector.broadcast %parallel_loop3A_1635 : i32 to vector<16xi32>
          %parallel_loop3A_1637 = arith.addi %parallel_loop3A_1428, %parallel_loop3A_1636 : vector<16xi32>
          %parallel_loop3A_1638 = tpu.vector_load_idx %arg9[%parallel_loop3A_1637] : memref<66560xf32, #tpu.memory_space<vmem>>[vector<16xi32>], vector<16xf32>,
          %parallel_loop3A_1639 = arith.mulf %parallel_loop3A_1638, %parallel_loop3A_1406 : vector<16xf32>
          %parallel_loop3A_1640 = arith.addf %parallel_loop3A_1634, %parallel_loop3A_1639 : vector<16xf32>
          %parallel_loop3A_1641 = arith.constant 30 : i32
          %parallel_loop3A_1642 = vector.broadcast %parallel_loop3A_1641 : i32 to vector<16xi32>
          %parallel_loop3A_1643 = arith.addi %parallel_loop3A_1428, %parallel_loop3A_1642 : vector<16xi32>
          %parallel_loop3A_1644 = tpu.vector_load_idx %arg9[%parallel_loop3A_1643] : memref<66560xf32, #tpu.memory_space<vmem>>[vector<16xi32>], vector<16xf32>,
          %parallel_loop3A_1645 = arith.mulf %parallel_loop3A_1644, %parallel_loop3A_1414 : vector<16xf32>
          %parallel_loop3A_1646 = arith.addf %parallel_loop3A_1640, %parallel_loop3A_1645 : vector<16xf32>
          %parallel_loop3A_1647 = arith.constant 31 : i32
          %parallel_loop3A_1648 = vector.broadcast %parallel_loop3A_1647 : i32 to vector<16xi32>
          %parallel_loop3A_1649 = arith.addi %parallel_loop3A_1428, %parallel_loop3A_1648 : vector<16xi32>
          %parallel_loop3A_1650 = tpu.vector_load_idx %arg9[%parallel_loop3A_1649] : memref<66560xf32, #tpu.memory_space<vmem>>[vector<16xi32>], vector<16xf32>,
          %parallel_loop3A_1651 = arith.mulf %parallel_loop3A_1650, %parallel_loop3A_1422 : vector<16xf32>
          %parallel_loop3A_1652 = arith.addf %parallel_loop3A_1646, %parallel_loop3A_1651 : vector<16xf32>
          %parallel_loop3A_1653 = arith.constant 32 : i32
          %parallel_loop3A_1654 = vector.broadcast %parallel_loop3A_1653 : i32 to vector<16xi32>
          %parallel_loop3A_1655 = arith.addi %parallel_loop3A_1428, %parallel_loop3A_1654 : vector<16xi32>
          %parallel_loop3A_1656 = tpu.vector_load_idx %arg9[%parallel_loop3A_1655] : memref<66560xf32, #tpu.memory_space<vmem>>[vector<16xi32>], vector<16xf32>,
          %parallel_loop3A_1657 = arith.mulf %parallel_loop3A_1656, %parallel_loop3A_1366 : vector<16xf32>
          %parallel_loop3A_1658 = arith.addf %parallel_loop3A_1448, %parallel_loop3A_1657 : vector<16xf32>
          %parallel_loop3A_1659 = arith.constant 33 : i32
          %parallel_loop3A_1660 = vector.broadcast %parallel_loop3A_1659 : i32 to vector<16xi32>
          %parallel_loop3A_1661 = arith.addi %parallel_loop3A_1428, %parallel_loop3A_1660 : vector<16xi32>
          %parallel_loop3A_1662 = tpu.vector_load_idx %arg9[%parallel_loop3A_1661] : memref<66560xf32, #tpu.memory_space<vmem>>[vector<16xi32>], vector<16xf32>,
          %parallel_loop3A_1663 = arith.mulf %parallel_loop3A_1662, %parallel_loop3A_1374 : vector<16xf32>
          %parallel_loop3A_1664 = arith.addf %parallel_loop3A_1658, %parallel_loop3A_1663 : vector<16xf32>
          %parallel_loop3A_1665 = arith.constant 34 : i32
          %parallel_loop3A_1666 = vector.broadcast %parallel_loop3A_1665 : i32 to vector<16xi32>
          %parallel_loop3A_1667 = arith.addi %parallel_loop3A_1428, %parallel_loop3A_1666 : vector<16xi32>
          %parallel_loop3A_1668 = tpu.vector_load_idx %arg9[%parallel_loop3A_1667] : memref<66560xf32, #tpu.memory_space<vmem>>[vector<16xi32>], vector<16xf32>,
          %parallel_loop3A_1669 = arith.mulf %parallel_loop3A_1668, %parallel_loop3A_1382 : vector<16xf32>
          %parallel_loop3A_1670 = arith.addf %parallel_loop3A_1664, %parallel_loop3A_1669 : vector<16xf32>
          %parallel_loop3A_1671 = arith.constant 35 : i32
          %parallel_loop3A_1672 = vector.broadcast %parallel_loop3A_1671 : i32 to vector<16xi32>
          %parallel_loop3A_1673 = arith.addi %parallel_loop3A_1428, %parallel_loop3A_1672 : vector<16xi32>
          %parallel_loop3A_1674 = tpu.vector_load_idx %arg9[%parallel_loop3A_1673] : memref<66560xf32, #tpu.memory_space<vmem>>[vector<16xi32>], vector<16xf32>,
          %parallel_loop3A_1675 = arith.mulf %parallel_loop3A_1674, %parallel_loop3A_1390 : vector<16xf32>
          %parallel_loop3A_1676 = arith.addf %parallel_loop3A_1670, %parallel_loop3A_1675 : vector<16xf32>
          %parallel_loop3A_1677 = arith.constant 36 : i32
          %parallel_loop3A_1678 = vector.broadcast %parallel_loop3A_1677 : i32 to vector<16xi32>
          %parallel_loop3A_1679 = arith.addi %parallel_loop3A_1428, %parallel_loop3A_1678 : vector<16xi32>
          %parallel_loop3A_1680 = tpu.vector_load_idx %arg9[%parallel_loop3A_1679] : memref<66560xf32, #tpu.memory_space<vmem>>[vector<16xi32>], vector<16xf32>,
          %parallel_loop3A_1681 = arith.mulf %parallel_loop3A_1680, %parallel_loop3A_1398 : vector<16xf32>
          %parallel_loop3A_1682 = arith.addf %parallel_loop3A_1676, %parallel_loop3A_1681 : vector<16xf32>
          %parallel_loop3A_1683 = arith.constant 37 : i32
          %parallel_loop3A_1684 = vector.broadcast %parallel_loop3A_1683 : i32 to vector<16xi32>
          %parallel_loop3A_1685 = arith.addi %parallel_loop3A_1428, %parallel_loop3A_1684 : vector<16xi32>
          %parallel_loop3A_1686 = tpu.vector_load_idx %arg9[%parallel_loop3A_1685] : memref<66560xf32, #tpu.memory_space<vmem>>[vector<16xi32>], vector<16xf32>,
          %parallel_loop3A_1687 = arith.mulf %parallel_loop3A_1686, %parallel_loop3A_1406 : vector<16xf32>
          %parallel_loop3A_1688 = arith.addf %parallel_loop3A_1682, %parallel_loop3A_1687 : vector<16xf32>
          %parallel_loop3A_1689 = arith.constant 38 : i32
          %parallel_loop3A_1690 = vector.broadcast %parallel_loop3A_1689 : i32 to vector<16xi32>
          %parallel_loop3A_1691 = arith.addi %parallel_loop3A_1428, %parallel_loop3A_1690 : vector<16xi32>
          %parallel_loop3A_1692 = tpu.vector_load_idx %arg9[%parallel_loop3A_1691] : memref<66560xf32, #tpu.memory_space<vmem>>[vector<16xi32>], vector<16xf32>,
          %parallel_loop3A_1693 = arith.mulf %parallel_loop3A_1692, %parallel_loop3A_1414 : vector<16xf32>
          %parallel_loop3A_1694 = arith.addf %parallel_loop3A_1688, %parallel_loop3A_1693 : vector<16xf32>
          %parallel_loop3A_1695 = arith.constant 39 : i32
          %parallel_loop3A_1696 = vector.broadcast %parallel_loop3A_1695 : i32 to vector<16xi32>
          %parallel_loop3A_1697 = arith.addi %parallel_loop3A_1428, %parallel_loop3A_1696 : vector<16xi32>
          %parallel_loop3A_1698 = tpu.vector_load_idx %arg9[%parallel_loop3A_1697] : memref<66560xf32, #tpu.memory_space<vmem>>[vector<16xi32>], vector<16xf32>,
          %parallel_loop3A_1699 = arith.mulf %parallel_loop3A_1698, %parallel_loop3A_1422 : vector<16xf32>
          %parallel_loop3A_1700 = arith.addf %parallel_loop3A_1694, %parallel_loop3A_1699 : vector<16xf32>
          %parallel_loop3A_1701 = arith.constant 40 : i32
          %parallel_loop3A_1702 = vector.broadcast %parallel_loop3A_1701 : i32 to vector<16xi32>
          %parallel_loop3A_1703 = arith.addi %parallel_loop3A_1428, %parallel_loop3A_1702 : vector<16xi32>
          %parallel_loop3A_1704 = tpu.vector_load_idx %arg9[%parallel_loop3A_1703] : memref<66560xf32, #tpu.memory_space<vmem>>[vector<16xi32>], vector<16xf32>,
          %parallel_loop3A_1705 = arith.mulf %parallel_loop3A_1704, %parallel_loop3A_1366 : vector<16xf32>
          %parallel_loop3A_1706 = arith.addf %parallel_loop3A_1452, %parallel_loop3A_1705 : vector<16xf32>
          %parallel_loop3A_1707 = arith.constant 41 : i32
          %parallel_loop3A_1708 = vector.broadcast %parallel_loop3A_1707 : i32 to vector<16xi32>
          %parallel_loop3A_1709 = arith.addi %parallel_loop3A_1428, %parallel_loop3A_1708 : vector<16xi32>
          %parallel_loop3A_1710 = tpu.vector_load_idx %arg9[%parallel_loop3A_1709] : memref<66560xf32, #tpu.memory_space<vmem>>[vector<16xi32>], vector<16xf32>,
          %parallel_loop3A_1711 = arith.mulf %parallel_loop3A_1710, %parallel_loop3A_1374 : vector<16xf32>
          %parallel_loop3A_1712 = arith.addf %parallel_loop3A_1706, %parallel_loop3A_1711 : vector<16xf32>
          %parallel_loop3A_1713 = arith.constant 42 : i32
          %parallel_loop3A_1714 = vector.broadcast %parallel_loop3A_1713 : i32 to vector<16xi32>
          %parallel_loop3A_1715 = arith.addi %parallel_loop3A_1428, %parallel_loop3A_1714 : vector<16xi32>
          %parallel_loop3A_1716 = tpu.vector_load_idx %arg9[%parallel_loop3A_1715] : memref<66560xf32, #tpu.memory_space<vmem>>[vector<16xi32>], vector<16xf32>,
          %parallel_loop3A_1717 = arith.mulf %parallel_loop3A_1716, %parallel_loop3A_1382 : vector<16xf32>
          %parallel_loop3A_1718 = arith.addf %parallel_loop3A_1712, %parallel_loop3A_1717 : vector<16xf32>
          %parallel_loop3A_1719 = arith.constant 43 : i32
          %parallel_loop3A_1720 = vector.broadcast %parallel_loop3A_1719 : i32 to vector<16xi32>
          %parallel_loop3A_1721 = arith.addi %parallel_loop3A_1428, %parallel_loop3A_1720 : vector<16xi32>
          %parallel_loop3A_1722 = tpu.vector_load_idx %arg9[%parallel_loop3A_1721] : memref<66560xf32, #tpu.memory_space<vmem>>[vector<16xi32>], vector<16xf32>,
          %parallel_loop3A_1723 = arith.mulf %parallel_loop3A_1722, %parallel_loop3A_1390 : vector<16xf32>
          %parallel_loop3A_1724 = arith.addf %parallel_loop3A_1718, %parallel_loop3A_1723 : vector<16xf32>
          %parallel_loop3A_1725 = arith.constant 44 : i32
          %parallel_loop3A_1726 = vector.broadcast %parallel_loop3A_1725 : i32 to vector<16xi32>
          %parallel_loop3A_1727 = arith.addi %parallel_loop3A_1428, %parallel_loop3A_1726 : vector<16xi32>
          %parallel_loop3A_1728 = tpu.vector_load_idx %arg9[%parallel_loop3A_1727] : memref<66560xf32, #tpu.memory_space<vmem>>[vector<16xi32>], vector<16xf32>,
          %parallel_loop3A_1729 = arith.mulf %parallel_loop3A_1728, %parallel_loop3A_1398 : vector<16xf32>
          %parallel_loop3A_1730 = arith.addf %parallel_loop3A_1724, %parallel_loop3A_1729 : vector<16xf32>
          %parallel_loop3A_1731 = arith.constant 45 : i32
          %parallel_loop3A_1732 = vector.broadcast %parallel_loop3A_1731 : i32 to vector<16xi32>
          %parallel_loop3A_1733 = arith.addi %parallel_loop3A_1428, %parallel_loop3A_1732 : vector<16xi32>
          %parallel_loop3A_1734 = tpu.vector_load_idx %arg9[%parallel_loop3A_1733] : memref<66560xf32, #tpu.memory_space<vmem>>[vector<16xi32>], vector<16xf32>,
          %parallel_loop3A_1735 = arith.mulf %parallel_loop3A_1734, %parallel_loop3A_1406 : vector<16xf32>
          %parallel_loop3A_1736 = arith.addf %parallel_loop3A_1730, %parallel_loop3A_1735 : vector<16xf32>
          %parallel_loop3A_1737 = arith.constant 46 : i32
          %parallel_loop3A_1738 = vector.broadcast %parallel_loop3A_1737 : i32 to vector<16xi32>
          %parallel_loop3A_1739 = arith.addi %parallel_loop3A_1428, %parallel_loop3A_1738 : vector<16xi32>
          %parallel_loop3A_1740 = tpu.vector_load_idx %arg9[%parallel_loop3A_1739] : memref<66560xf32, #tpu.memory_space<vmem>>[vector<16xi32>], vector<16xf32>,
          %parallel_loop3A_1741 = arith.mulf %parallel_loop3A_1740, %parallel_loop3A_1414 : vector<16xf32>
          %parallel_loop3A_1742 = arith.addf %parallel_loop3A_1736, %parallel_loop3A_1741 : vector<16xf32>
          %parallel_loop3A_1743 = arith.constant 47 : i32
          %parallel_loop3A_1744 = vector.broadcast %parallel_loop3A_1743 : i32 to vector<16xi32>
          %parallel_loop3A_1745 = arith.addi %parallel_loop3A_1428, %parallel_loop3A_1744 : vector<16xi32>
          %parallel_loop3A_1746 = tpu.vector_load_idx %arg9[%parallel_loop3A_1745] : memref<66560xf32, #tpu.memory_space<vmem>>[vector<16xi32>], vector<16xf32>,
          %parallel_loop3A_1747 = arith.mulf %parallel_loop3A_1746, %parallel_loop3A_1422 : vector<16xf32>
          %parallel_loop3A_1748 = arith.addf %parallel_loop3A_1742, %parallel_loop3A_1747 : vector<16xf32>
          %parallel_loop3A_1749 = arith.constant 48 : i32
          %parallel_loop3A_1750 = vector.broadcast %parallel_loop3A_1749 : i32 to vector<16xi32>
          %parallel_loop3A_1751 = arith.addi %parallel_loop3A_1428, %parallel_loop3A_1750 : vector<16xi32>
          %parallel_loop3A_1752 = tpu.vector_load_idx %arg9[%parallel_loop3A_1751] : memref<66560xf32, #tpu.memory_space<vmem>>[vector<16xi32>], vector<16xf32>,
          %parallel_loop3A_1753 = arith.mulf %parallel_loop3A_1752, %parallel_loop3A_1366 : vector<16xf32>
          %parallel_loop3A_1754 = arith.addf %parallel_loop3A_1456, %parallel_loop3A_1753 : vector<16xf32>
          %parallel_loop3A_1755 = arith.constant 49 : i32
          %parallel_loop3A_1756 = vector.broadcast %parallel_loop3A_1755 : i32 to vector<16xi32>
          %parallel_loop3A_1757 = arith.addi %parallel_loop3A_1428, %parallel_loop3A_1756 : vector<16xi32>
          %parallel_loop3A_1758 = tpu.vector_load_idx %arg9[%parallel_loop3A_1757] : memref<66560xf32, #tpu.memory_space<vmem>>[vector<16xi32>], vector<16xf32>,
          %parallel_loop3A_1759 = arith.mulf %parallel_loop3A_1758, %parallel_loop3A_1374 : vector<16xf32>
          %parallel_loop3A_1760 = arith.addf %parallel_loop3A_1754, %parallel_loop3A_1759 : vector<16xf32>
          %parallel_loop3A_1761 = arith.constant 50 : i32
          %parallel_loop3A_1762 = vector.broadcast %parallel_loop3A_1761 : i32 to vector<16xi32>
          %parallel_loop3A_1763 = arith.addi %parallel_loop3A_1428, %parallel_loop3A_1762 : vector<16xi32>
          %parallel_loop3A_1764 = tpu.vector_load_idx %arg9[%parallel_loop3A_1763] : memref<66560xf32, #tpu.memory_space<vmem>>[vector<16xi32>], vector<16xf32>,
          %parallel_loop3A_1765 = arith.mulf %parallel_loop3A_1764, %parallel_loop3A_1382 : vector<16xf32>
          %parallel_loop3A_1766 = arith.addf %parallel_loop3A_1760, %parallel_loop3A_1765 : vector<16xf32>
          %parallel_loop3A_1767 = arith.constant 51 : i32
          %parallel_loop3A_1768 = vector.broadcast %parallel_loop3A_1767 : i32 to vector<16xi32>
          %parallel_loop3A_1769 = arith.addi %parallel_loop3A_1428, %parallel_loop3A_1768 : vector<16xi32>
          %parallel_loop3A_1770 = tpu.vector_load_idx %arg9[%parallel_loop3A_1769] : memref<66560xf32, #tpu.memory_space<vmem>>[vector<16xi32>], vector<16xf32>,
          %parallel_loop3A_1771 = arith.mulf %parallel_loop3A_1770, %parallel_loop3A_1390 : vector<16xf32>
          %parallel_loop3A_1772 = arith.addf %parallel_loop3A_1766, %parallel_loop3A_1771 : vector<16xf32>
          %parallel_loop3A_1773 = arith.constant 52 : i32
          %parallel_loop3A_1774 = vector.broadcast %parallel_loop3A_1773 : i32 to vector<16xi32>
          %parallel_loop3A_1775 = arith.addi %parallel_loop3A_1428, %parallel_loop3A_1774 : vector<16xi32>
          %parallel_loop3A_1776 = tpu.vector_load_idx %arg9[%parallel_loop3A_1775] : memref<66560xf32, #tpu.memory_space<vmem>>[vector<16xi32>], vector<16xf32>,
          %parallel_loop3A_1777 = arith.mulf %parallel_loop3A_1776, %parallel_loop3A_1398 : vector<16xf32>
          %parallel_loop3A_1778 = arith.addf %parallel_loop3A_1772, %parallel_loop3A_1777 : vector<16xf32>
          %parallel_loop3A_1779 = arith.constant 53 : i32
          %parallel_loop3A_1780 = vector.broadcast %parallel_loop3A_1779 : i32 to vector<16xi32>
          %parallel_loop3A_1781 = arith.addi %parallel_loop3A_1428, %parallel_loop3A_1780 : vector<16xi32>
          %parallel_loop3A_1782 = tpu.vector_load_idx %arg9[%parallel_loop3A_1781] : memref<66560xf32, #tpu.memory_space<vmem>>[vector<16xi32>], vector<16xf32>,
          %parallel_loop3A_1783 = arith.mulf %parallel_loop3A_1782, %parallel_loop3A_1406 : vector<16xf32>
          %parallel_loop3A_1784 = arith.addf %parallel_loop3A_1778, %parallel_loop3A_1783 : vector<16xf32>
          %parallel_loop3A_1785 = arith.constant 54 : i32
          %parallel_loop3A_1786 = vector.broadcast %parallel_loop3A_1785 : i32 to vector<16xi32>
          %parallel_loop3A_1787 = arith.addi %parallel_loop3A_1428, %parallel_loop3A_1786 : vector<16xi32>
          %parallel_loop3A_1788 = tpu.vector_load_idx %arg9[%parallel_loop3A_1787] : memref<66560xf32, #tpu.memory_space<vmem>>[vector<16xi32>], vector<16xf32>,
          %parallel_loop3A_1789 = arith.mulf %parallel_loop3A_1788, %parallel_loop3A_1414 : vector<16xf32>
          %parallel_loop3A_1790 = arith.addf %parallel_loop3A_1784, %parallel_loop3A_1789 : vector<16xf32>
          %parallel_loop3A_1791 = arith.constant 55 : i32
          %parallel_loop3A_1792 = vector.broadcast %parallel_loop3A_1791 : i32 to vector<16xi32>
          %parallel_loop3A_1793 = arith.addi %parallel_loop3A_1428, %parallel_loop3A_1792 : vector<16xi32>
          %parallel_loop3A_1794 = tpu.vector_load_idx %arg9[%parallel_loop3A_1793] : memref<66560xf32, #tpu.memory_space<vmem>>[vector<16xi32>], vector<16xf32>,
          %parallel_loop3A_1795 = arith.mulf %parallel_loop3A_1794, %parallel_loop3A_1422 : vector<16xf32>
          %parallel_loop3A_1796 = arith.addf %parallel_loop3A_1790, %parallel_loop3A_1795 : vector<16xf32>
          %parallel_loop3A_1797 = arith.constant 56 : i32
          %parallel_loop3A_1798 = vector.broadcast %parallel_loop3A_1797 : i32 to vector<16xi32>
          %parallel_loop3A_1799 = arith.addi %parallel_loop3A_1428, %parallel_loop3A_1798 : vector<16xi32>
          %parallel_loop3A_1800 = tpu.vector_load_idx %arg9[%parallel_loop3A_1799] : memref<66560xf32, #tpu.memory_space<vmem>>[vector<16xi32>], vector<16xf32>,
          %parallel_loop3A_1801 = arith.mulf %parallel_loop3A_1800, %parallel_loop3A_1366 : vector<16xf32>
          %parallel_loop3A_1802 = arith.addf %parallel_loop3A_1460, %parallel_loop3A_1801 : vector<16xf32>
          %parallel_loop3A_1803 = arith.constant 57 : i32
          %parallel_loop3A_1804 = vector.broadcast %parallel_loop3A_1803 : i32 to vector<16xi32>
          %parallel_loop3A_1805 = arith.addi %parallel_loop3A_1428, %parallel_loop3A_1804 : vector<16xi32>
          %parallel_loop3A_1806 = tpu.vector_load_idx %arg9[%parallel_loop3A_1805] : memref<66560xf32, #tpu.memory_space<vmem>>[vector<16xi32>], vector<16xf32>,
          %parallel_loop3A_1807 = arith.mulf %parallel_loop3A_1806, %parallel_loop3A_1374 : vector<16xf32>
          %parallel_loop3A_1808 = arith.addf %parallel_loop3A_1802, %parallel_loop3A_1807 : vector<16xf32>
          %parallel_loop3A_1809 = arith.constant 58 : i32
          %parallel_loop3A_1810 = vector.broadcast %parallel_loop3A_1809 : i32 to vector<16xi32>
          %parallel_loop3A_1811 = arith.addi %parallel_loop3A_1428, %parallel_loop3A_1810 : vector<16xi32>
          %parallel_loop3A_1812 = tpu.vector_load_idx %arg9[%parallel_loop3A_1811] : memref<66560xf32, #tpu.memory_space<vmem>>[vector<16xi32>], vector<16xf32>,
          %parallel_loop3A_1813 = arith.mulf %parallel_loop3A_1812, %parallel_loop3A_1382 : vector<16xf32>
          %parallel_loop3A_1814 = arith.addf %parallel_loop3A_1808, %parallel_loop3A_1813 : vector<16xf32>
          %parallel_loop3A_1815 = arith.constant 59 : i32
          %parallel_loop3A_1816 = vector.broadcast %parallel_loop3A_1815 : i32 to vector<16xi32>
          %parallel_loop3A_1817 = arith.addi %parallel_loop3A_1428, %parallel_loop3A_1816 : vector<16xi32>
          %parallel_loop3A_1818 = tpu.vector_load_idx %arg9[%parallel_loop3A_1817] : memref<66560xf32, #tpu.memory_space<vmem>>[vector<16xi32>], vector<16xf32>,
          %parallel_loop3A_1819 = arith.mulf %parallel_loop3A_1818, %parallel_loop3A_1390 : vector<16xf32>
          %parallel_loop3A_1820 = arith.addf %parallel_loop3A_1814, %parallel_loop3A_1819 : vector<16xf32>
          %parallel_loop3A_1821 = arith.constant 60 : i32
          %parallel_loop3A_1822 = vector.broadcast %parallel_loop3A_1821 : i32 to vector<16xi32>
          %parallel_loop3A_1823 = arith.addi %parallel_loop3A_1428, %parallel_loop3A_1822 : vector<16xi32>
          %parallel_loop3A_1824 = tpu.vector_load_idx %arg9[%parallel_loop3A_1823] : memref<66560xf32, #tpu.memory_space<vmem>>[vector<16xi32>], vector<16xf32>,
          %parallel_loop3A_1825 = arith.mulf %parallel_loop3A_1824, %parallel_loop3A_1398 : vector<16xf32>
          %parallel_loop3A_1826 = arith.addf %parallel_loop3A_1820, %parallel_loop3A_1825 : vector<16xf32>
          %parallel_loop3A_1827 = arith.constant 61 : i32
          %parallel_loop3A_1828 = vector.broadcast %parallel_loop3A_1827 : i32 to vector<16xi32>
          %parallel_loop3A_1829 = arith.addi %parallel_loop3A_1428, %parallel_loop3A_1828 : vector<16xi32>
          %parallel_loop3A_1830 = tpu.vector_load_idx %arg9[%parallel_loop3A_1829] : memref<66560xf32, #tpu.memory_space<vmem>>[vector<16xi32>], vector<16xf32>,
          %parallel_loop3A_1831 = arith.mulf %parallel_loop3A_1830, %parallel_loop3A_1406 : vector<16xf32>
          %parallel_loop3A_1832 = arith.addf %parallel_loop3A_1826, %parallel_loop3A_1831 : vector<16xf32>
          %parallel_loop3A_1833 = arith.constant 62 : i32
          %parallel_loop3A_1834 = vector.broadcast %parallel_loop3A_1833 : i32 to vector<16xi32>
          %parallel_loop3A_1835 = arith.addi %parallel_loop3A_1428, %parallel_loop3A_1834 : vector<16xi32>
          %parallel_loop3A_1836 = tpu.vector_load_idx %arg9[%parallel_loop3A_1835] : memref<66560xf32, #tpu.memory_space<vmem>>[vector<16xi32>], vector<16xf32>,
          %parallel_loop3A_1837 = arith.mulf %parallel_loop3A_1836, %parallel_loop3A_1414 : vector<16xf32>
          %parallel_loop3A_1838 = arith.addf %parallel_loop3A_1832, %parallel_loop3A_1837 : vector<16xf32>
          %parallel_loop3A_1839 = arith.constant 63 : i32
          %parallel_loop3A_1840 = vector.broadcast %parallel_loop3A_1839 : i32 to vector<16xi32>
          %parallel_loop3A_1841 = arith.addi %parallel_loop3A_1428, %parallel_loop3A_1840 : vector<16xi32>
          %parallel_loop3A_1842 = tpu.vector_load_idx %arg9[%parallel_loop3A_1841] : memref<66560xf32, #tpu.memory_space<vmem>>[vector<16xi32>], vector<16xf32>,
          %parallel_loop3A_1843 = arith.mulf %parallel_loop3A_1842, %parallel_loop3A_1422 : vector<16xf32>
          %parallel_loop3A_1844 = arith.addf %parallel_loop3A_1838, %parallel_loop3A_1843 : vector<16xf32>
          %parallel_loop3A_1845 = arith.constant 0 : i32
          %parallel_loop3A_1846 = arith.constant 0 : i32
          %parallel_loop3A_1847 = arith.constant 0 : i32
          %parallel_loop3A_1848 = tpu.memref_slice %run_scoped3A_775[%rem3A_960, %parallel_loop3A_1846, %parallel_loop3A_1847] : memref<2x8x512xf32, #tpu.memory_space<vmem>> -> memref<1x8x512xf32, #tpu.memory_space<vmem>>
          %parallel_loop3A_1849 = tpu.memref_squeeze %parallel_loop3A_1848 : memref<1x8x512xf32, #tpu.memory_space<vmem>> -> memref<8x512xf32, #tpu.memory_space<vmem>>
          %parallel_loop3A_1850 = arith.index_cast %parallel_loop3A_1845 : i32 to index
          %parallel_loop3A_1851 = arith.index_cast %parallel_loop3A_1030 : i32 to index
          %parallel_loop3A_1852 = tpu.vector_load %parallel_loop3A_1849[%parallel_loop3A_1850, %parallel_loop3A_1851] {strides = array<i32>} : memref<8x512xf32, #tpu.memory_space<vmem>>, vector<16xf32>,
          tpu.vector_store %parallel_loop3A_1849[%parallel_loop3A_1850, %parallel_loop3A_1851], %parallel_loop3A_1508 {strides = array<i32>} : memref<8x512xf32, #tpu.memory_space<vmem>>, vector<16xf32>,
          %parallel_loop3A_1853 = arith.constant 1 : i32
          %parallel_loop3A_1854 = arith.constant 0 : i32
          %parallel_loop3A_1855 = arith.constant 0 : i32
          %parallel_loop3A_1856 = tpu.memref_slice %run_scoped3A_775[%rem3A_960, %parallel_loop3A_1854, %parallel_loop3A_1855] : memref<2x8x512xf32, #tpu.memory_space<vmem>> -> memref<1x8x512xf32, #tpu.memory_space<vmem>>
          %parallel_loop3A_1857 = tpu.memref_squeeze %parallel_loop3A_1856 : memref<1x8x512xf32, #tpu.memory_space<vmem>> -> memref<8x512xf32, #tpu.memory_space<vmem>>
          %parallel_loop3A_1858 = arith.index_cast %parallel_loop3A_1853 : i32 to index
          %parallel_loop3A_1859 = arith.index_cast %parallel_loop3A_1030 : i32 to index
          %parallel_loop3A_1860 = tpu.vector_load %parallel_loop3A_1857[%parallel_loop3A_1858, %parallel_loop3A_1859] {strides = array<i32>} : memref<8x512xf32, #tpu.memory_space<vmem>>, vector<16xf32>,
          tpu.vector_store %parallel_loop3A_1857[%parallel_loop3A_1858, %parallel_loop3A_1859], %parallel_loop3A_1556 {strides = array<i32>} : memref<8x512xf32, #tpu.memory_space<vmem>>, vector<16xf32>,
          %parallel_loop3A_1861 = arith.constant 2 : i32
          %parallel_loop3A_1862 = arith.constant 0 : i32
          %parallel_loop3A_1863 = arith.constant 0 : i32
          %parallel_loop3A_1864 = tpu.memref_slice %run_scoped3A_775[%rem3A_960, %parallel_loop3A_1862, %parallel_loop3A_1863] : memref<2x8x512xf32, #tpu.memory_space<vmem>> -> memref<1x8x512xf32, #tpu.memory_space<vmem>>
          %parallel_loop3A_1865 = tpu.memref_squeeze %parallel_loop3A_1864 : memref<1x8x512xf32, #tpu.memory_space<vmem>> -> memref<8x512xf32, #tpu.memory_space<vmem>>
          %parallel_loop3A_1866 = arith.index_cast %parallel_loop3A_1861 : i32 to index
          %parallel_loop3A_1867 = arith.index_cast %parallel_loop3A_1030 : i32 to index
          %parallel_loop3A_1868 = tpu.vector_load %parallel_loop3A_1865[%parallel_loop3A_1866, %parallel_loop3A_1867] {strides = array<i32>} : memref<8x512xf32, #tpu.memory_space<vmem>>, vector<16xf32>,
          tpu.vector_store %parallel_loop3A_1865[%parallel_loop3A_1866, %parallel_loop3A_1867], %parallel_loop3A_1604 {strides = array<i32>} : memref<8x512xf32, #tpu.memory_space<vmem>>, vector<16xf32>,
          %parallel_loop3A_1869 = arith.constant 3 : i32
          %parallel_loop3A_1870 = arith.constant 0 : i32
          %parallel_loop3A_1871 = arith.constant 0 : i32
          %parallel_loop3A_1872 = tpu.memref_slice %run_scoped3A_775[%rem3A_960, %parallel_loop3A_1870, %parallel_loop3A_1871] : memref<2x8x512xf32, #tpu.memory_space<vmem>> -> memref<1x8x512xf32, #tpu.memory_space<vmem>>
          %parallel_loop3A_1873 = tpu.memref_squeeze %parallel_loop3A_1872 : memref<1x8x512xf32, #tpu.memory_space<vmem>> -> memref<8x512xf32, #tpu.memory_space<vmem>>
          %parallel_loop3A_1874 = arith.index_cast %parallel_loop3A_1869 : i32 to index
          %parallel_loop3A_1875 = arith.index_cast %parallel_loop3A_1030 : i32 to index
          %parallel_loop3A_1876 = tpu.vector_load %parallel_loop3A_1873[%parallel_loop3A_1874, %parallel_loop3A_1875] {strides = array<i32>} : memref<8x512xf32, #tpu.memory_space<vmem>>, vector<16xf32>,
          tpu.vector_store %parallel_loop3A_1873[%parallel_loop3A_1874, %parallel_loop3A_1875], %parallel_loop3A_1652 {strides = array<i32>} : memref<8x512xf32, #tpu.memory_space<vmem>>, vector<16xf32>,
          %parallel_loop3A_1877 = arith.constant 4 : i32
          %parallel_loop3A_1878 = arith.constant 0 : i32
          %parallel_loop3A_1879 = arith.constant 0 : i32
          %parallel_loop3A_1880 = tpu.memref_slice %run_scoped3A_775[%rem3A_960, %parallel_loop3A_1878, %parallel_loop3A_1879] : memref<2x8x512xf32, #tpu.memory_space<vmem>> -> memref<1x8x512xf32, #tpu.memory_space<vmem>>
          %parallel_loop3A_1881 = tpu.memref_squeeze %parallel_loop3A_1880 : memref<1x8x512xf32, #tpu.memory_space<vmem>> -> memref<8x512xf32, #tpu.memory_space<vmem>>
          %parallel_loop3A_1882 = arith.index_cast %parallel_loop3A_1877 : i32 to index
          %parallel_loop3A_1883 = arith.index_cast %parallel_loop3A_1030 : i32 to index
          %parallel_loop3A_1884 = tpu.vector_load %parallel_loop3A_1881[%parallel_loop3A_1882, %parallel_loop3A_1883] {strides = array<i32>} : memref<8x512xf32, #tpu.memory_space<vmem>>, vector<16xf32>,
          tpu.vector_store %parallel_loop3A_1881[%parallel_loop3A_1882, %parallel_loop3A_1883], %parallel_loop3A_1700 {strides = array<i32>} : memref<8x512xf32, #tpu.memory_space<vmem>>, vector<16xf32>,
          %parallel_loop3A_1885 = arith.constant 5 : i32
          %parallel_loop3A_1886 = arith.constant 0 : i32
          %parallel_loop3A_1887 = arith.constant 0 : i32
          %parallel_loop3A_1888 = tpu.memref_slice %run_scoped3A_775[%rem3A_960, %parallel_loop3A_1886, %parallel_loop3A_1887] : memref<2x8x512xf32, #tpu.memory_space<vmem>> -> memref<1x8x512xf32, #tpu.memory_space<vmem>>
          %parallel_loop3A_1889 = tpu.memref_squeeze %parallel_loop3A_1888 : memref<1x8x512xf32, #tpu.memory_space<vmem>> -> memref<8x512xf32, #tpu.memory_space<vmem>>
          %parallel_loop3A_1890 = arith.index_cast %parallel_loop3A_1885 : i32 to index
          %parallel_loop3A_1891 = arith.index_cast %parallel_loop3A_1030 : i32 to index
          %parallel_loop3A_1892 = tpu.vector_load %parallel_loop3A_1889[%parallel_loop3A_1890, %parallel_loop3A_1891] {strides = array<i32>} : memref<8x512xf32, #tpu.memory_space<vmem>>, vector<16xf32>,
          tpu.vector_store %parallel_loop3A_1889[%parallel_loop3A_1890, %parallel_loop3A_1891], %parallel_loop3A_1748 {strides = array<i32>} : memref<8x512xf32, #tpu.memory_space<vmem>>, vector<16xf32>,
          %parallel_loop3A_1893 = arith.constant 6 : i32
          %parallel_loop3A_1894 = arith.constant 0 : i32
          %parallel_loop3A_1895 = arith.constant 0 : i32
          %parallel_loop3A_1896 = tpu.memref_slice %run_scoped3A_775[%rem3A_960, %parallel_loop3A_1894, %parallel_loop3A_1895] : memref<2x8x512xf32, #tpu.memory_space<vmem>> -> memref<1x8x512xf32, #tpu.memory_space<vmem>>
          %parallel_loop3A_1897 = tpu.memref_squeeze %parallel_loop3A_1896 : memref<1x8x512xf32, #tpu.memory_space<vmem>> -> memref<8x512xf32, #tpu.memory_space<vmem>>
          %parallel_loop3A_1898 = arith.index_cast %parallel_loop3A_1893 : i32 to index
          %parallel_loop3A_1899 = arith.index_cast %parallel_loop3A_1030 : i32 to index
          %parallel_loop3A_1900 = tpu.vector_load %parallel_loop3A_1897[%parallel_loop3A_1898, %parallel_loop3A_1899] {strides = array<i32>} : memref<8x512xf32, #tpu.memory_space<vmem>>, vector<16xf32>,
          tpu.vector_store %parallel_loop3A_1897[%parallel_loop3A_1898, %parallel_loop3A_1899], %parallel_loop3A_1796 {strides = array<i32>} : memref<8x512xf32, #tpu.memory_space<vmem>>, vector<16xf32>,
          %parallel_loop3A_1901 = arith.constant 7 : i32
          %parallel_loop3A_1902 = arith.constant 0 : i32
          %parallel_loop3A_1903 = arith.constant 0 : i32
          %parallel_loop3A_1904 = tpu.memref_slice %run_scoped3A_775[%rem3A_960, %parallel_loop3A_1902, %parallel_loop3A_1903] : memref<2x8x512xf32, #tpu.memory_space<vmem>> -> memref<1x8x512xf32, #tpu.memory_space<vmem>>
          %parallel_loop3A_1905 = tpu.memref_squeeze %parallel_loop3A_1904 : memref<1x8x512xf32, #tpu.memory_space<vmem>> -> memref<8x512xf32, #tpu.memory_space<vmem>>
          %parallel_loop3A_1906 = arith.index_cast %parallel_loop3A_1901 : i32 to index
          %parallel_loop3A_1907 = arith.index_cast %parallel_loop3A_1030 : i32 to index
          %parallel_loop3A_1908 = tpu.vector_load %parallel_loop3A_1905[%parallel_loop3A_1906, %parallel_loop3A_1907] {strides = array<i32>} : memref<8x512xf32, #tpu.memory_space<vmem>>, vector<16xf32>,
          tpu.vector_store %parallel_loop3A_1905[%parallel_loop3A_1906, %parallel_loop3A_1907], %parallel_loop3A_1844 {strides = array<i32>} : memref<8x512xf32, #tpu.memory_space<vmem>>, vector<16xf32>,
        } {sc.loop_unroll_factor = 2 : i64, sc.parallel_access}
        "tpu.trace_stop"() : () -> ()
        %ne3A_963 = arith.cmpi ne, %add3A_898, %add3A_916 : i32
        %or3A_964 = arith.constant false
        %or3A_965 = arith.ori %or3A_964, %ne3A_963 : i1
        %or3A_966 = arith.ori %or3A_965, %eq3A_897 : i1
        %convert_element_type3A_967 = arith.extui %or3A_966 : i1 to i32
        %cond3A_968 = arith.constant 0 : i32
        %cond3A_969 = arith.cmpi ne, %convert_element_type3A_967, %cond3A_968 : i32
        scf.if %cond3A_969 {
        } else {
        }
        %and3A_970 = arith.constant false
        %and3A_971 = arith.andi %or3A_966, %and3A_970 : i1
        %ne3A_972 = arith.cmpi ne, %add3A_898, %add3A_916 : i32
        %or3A_973 = arith.constant false
        %or3A_974 = arith.ori %or3A_973, %ne3A_972 : i1
        %or3A_975 = arith.ori %or3A_974, %eq3A_897 : i1
        %convert_element_type3A_976 = arith.extui %or3A_975 : i1 to i32
        %cond3A_977 = arith.constant 0 : i32
        %cond3A_978 = arith.cmpi ne, %convert_element_type3A_976, %cond3A_977 : i32
        scf.if %cond3A_978 {
          "tpu.trace_start"() <{level = 10 : i32, message = "ep_copy_out"}> : () -> ()
          %rem3A_1024 = arith.constant 2 : i32
          %rem3A_1025 = arith.remui %scan3A_891, %rem3A_1024 : i32
          %mul3A_1026 = arith.constant 512 : i32
          %mul3A_1027 = arith.muli %mul3A_1026, %add3A_898 : i32
          %dma_start3A_1028 = arith.constant 0 : i32
          %dma_start3A_1029 = arith.constant 0 : i32
          %dma_start3A_1030 = tpu.memref_slice %run_scoped3A_775[%rem3A_1025, %dma_start3A_1028, %dma_start3A_1029] : memref<2x8x512xf32, #tpu.memory_space<vmem>> -> memref<1x8x512xf32, #tpu.memory_space<vmem>>
          %dma_start3A_1031 = tpu.memref_squeeze %dma_start3A_1030 : memref<1x8x512xf32, #tpu.memory_space<vmem>> -> memref<8x512xf32, #tpu.memory_space<vmem>>
          %dma_start3A_1032 = arith.constant 0 : i32
          %dma_start3A_1033 = tpu.memref_slice %arg6[%dma_start3A_1032, %mul3A_1027] : memref<8x1048576xf32, #tpu.memory_space<hbm>> -> memref<8x512xf32, #tpu.memory_space<hbm>>
          %dma_start3A_1034 = tpu.memref_slice %run_scoped3A_776[%rem3A_1025] : memref<2x!tpu.dma_semaphore, #tpu.memory_space<semaphore_mem>> -> memref<1x!tpu.dma_semaphore, #tpu.memory_space<semaphore_mem>>
          %dma_start3A_1035 = tpu.memref_squeeze %dma_start3A_1034 : memref<1x!tpu.dma_semaphore, #tpu.memory_space<semaphore_mem>> -> memref<!tpu.dma_semaphore, #tpu.memory_space<semaphore_mem>>
          %dma_start3A_1036 = arith.constant 0 : i32
          %dma_start3A_1037 = tpu.memref_slice %arg6[%dma_start3A_1036, %mul3A_1027] : memref<8x1048576xf32, #tpu.memory_space<hbm>> -> memref<8x512xf32, #tpu.memory_space<hbm>>
          %dma_start3A_1038 = arith.constant 0 : i32
          %dma_start3A_1039 = arith.constant 0 : i32
          %dma_start3A_1040 = tpu.memref_slice %run_scoped3A_775[%rem3A_1025, %dma_start3A_1038, %dma_start3A_1039] : memref<2x8x512xf32, #tpu.memory_space<vmem>> -> memref<1x8x512xf32, #tpu.memory_space<vmem>>
          %dma_start3A_1041 = tpu.memref_squeeze %dma_start3A_1040 : memref<1x8x512xf32, #tpu.memory_space<vmem>> -> memref<8x512xf32, #tpu.memory_space<vmem>>
          tpu.enqueue_dma source(%dma_start3A_1041 : memref<8x512xf32, #tpu.memory_space<vmem>>) target(%dma_start3A_1037 : memref<8x512xf32, #tpu.memory_space<hbm>>) target_semaphore(%dma_start3A_1035 : memref<!tpu.dma_semaphore, #tpu.memory_space<semaphore_mem>>)
          "tpu.trace_stop"() : () -> ()
        } else {
        }
        %and3A_979 = arith.constant true
        %and3A_980 = arith.andi %or3A_975, %and3A_979 : i1
        %add3A_981 = arith.constant 1 : i32
        %add3A_982 = arith.addi %scan3A_891, %add3A_981 : i32
        %select_n3A_983 = arith.select %and3A_980, %add3A_982, %scan3A_891 : i32
        %ne3A_984 = arith.cmpi ne, %add3A_898, %add3A_907 : i32
        %or3A_985 = arith.constant false
        %or3A_986 = arith.ori %or3A_985, %ne3A_984 : i1
        %not3A_987 = arith.constant true
        %not3A_988 = arith.xori %eq3A_895, %not3A_987 : i1
        %and3A_989 = arith.andi %or3A_986, %not3A_988 : i1
        %convert_element_type3A_990 = arith.extui %and3A_989 : i1 to i32
        %cond3A_991 = arith.constant 0 : i32
        %cond3A_992 = arith.cmpi ne, %convert_element_type3A_990, %cond3A_991 : i32
        scf.if %cond3A_992 {
        } else {
        }
        %and3A_993 = arith.constant false
        %and3A_994 = arith.andi %and3A_989, %and3A_993 : i1
        %ne3A_995 = arith.cmpi ne, %add3A_898, %add3A_907 : i32
        %or3A_996 = arith.constant false
        %or3A_997 = arith.ori %or3A_996, %ne3A_995 : i1
        %not3A_998 = arith.constant true
        %not3A_999 = arith.xori %eq3A_895, %not3A_998 : i1
        %and3A_1000 = arith.andi %or3A_997, %not3A_999 : i1
        %convert_element_type3A_1001 = arith.extui %and3A_1000 : i1 to i32
        %cond3A_1002 = arith.constant 0 : i32
        %cond3A_1003 = arith.cmpi ne, %convert_element_type3A_1001, %cond3A_1002 : i32
        scf.if %cond3A_1003 {
          "tpu.trace_start"() <{level = 10 : i32, message = "ep_wait_out"}> : () -> ()
          %rem3A_1024 = arith.constant 2 : i32
          %rem3A_1025 = arith.remui %scan3A_892, %rem3A_1024 : i32
          %mul3A_1026 = arith.constant 512 : i32
          %mul3A_1027 = arith.muli %mul3A_1026, %add3A_907 : i32
          %dma_wait3A_1028 = arith.constant 0 : i32
          %dma_wait3A_1029 = arith.constant 0 : i32
          %dma_wait3A_1030 = tpu.memref_slice %run_scoped3A_775[%rem3A_1025, %dma_wait3A_1028, %dma_wait3A_1029] : memref<2x8x512xf32, #tpu.memory_space<vmem>> -> memref<1x8x512xf32, #tpu.memory_space<vmem>>
          %dma_wait3A_1031 = tpu.memref_squeeze %dma_wait3A_1030 : memref<1x8x512xf32, #tpu.memory_space<vmem>> -> memref<8x512xf32, #tpu.memory_space<vmem>>
          %dma_wait3A_1032 = arith.constant 0 : i32
          %dma_wait3A_1033 = tpu.memref_slice %arg6[%dma_wait3A_1032, %mul3A_1027] : memref<8x1048576xf32, #tpu.memory_space<hbm>> -> memref<8x512xf32, #tpu.memory_space<hbm>>
          %dma_wait3A_1034 = tpu.memref_slice %run_scoped3A_776[%rem3A_1025] : memref<2x!tpu.dma_semaphore, #tpu.memory_space<semaphore_mem>> -> memref<1x!tpu.dma_semaphore, #tpu.memory_space<semaphore_mem>>
          %dma_wait3A_1035 = tpu.memref_squeeze %dma_wait3A_1034 : memref<1x!tpu.dma_semaphore, #tpu.memory_space<semaphore_mem>> -> memref<!tpu.dma_semaphore, #tpu.memory_space<semaphore_mem>>
          %dma_wait3A_1036 = arith.constant 0 : i32
          %dma_wait3A_1037 = tpu.memref_slice %arg6[%dma_wait3A_1036, %mul3A_1027] : memref<8x1048576xf32, #tpu.memory_space<hbm>> -> memref<8x512xf32, #tpu.memory_space<hbm>>
          %dma_wait3A_1038 = arith.constant 0 : i32
          %dma_wait3A_1039 = arith.constant 0 : i32
          %dma_wait3A_1040 = tpu.memref_slice %run_scoped3A_775[%rem3A_1025, %dma_wait3A_1038, %dma_wait3A_1039] : memref<2x8x512xf32, #tpu.memory_space<vmem>> -> memref<1x8x512xf32, #tpu.memory_space<vmem>>
          %dma_wait3A_1041 = tpu.memref_squeeze %dma_wait3A_1040 : memref<1x8x512xf32, #tpu.memory_space<vmem>> -> memref<8x512xf32, #tpu.memory_space<vmem>>
          tpu.wait_dma2 semaphore(%dma_wait3A_1035 : memref<!tpu.dma_semaphore, #tpu.memory_space<semaphore_mem>>) src(%dma_wait3A_1041 : memref<8x512xf32, #tpu.memory_space<vmem>>) dst(%dma_wait3A_1037 : memref<8x512xf32, #tpu.memory_space<hbm>>)
          "tpu.trace_stop"() : () -> ()
        } else {
        }
        %and3A_1004 = arith.constant true
        %and3A_1005 = arith.andi %and3A_1000, %and3A_1004 : i1
        %add3A_1006 = arith.constant 1 : i32
        %add3A_1007 = arith.addi %scan3A_892, %add3A_1006 : i32
        %select_n3A_1008 = arith.select %and3A_1005, %add3A_1007, %scan3A_892 : i32
        %ne3A_1009 = arith.cmpi ne, %add3A_898, %add3A_916 : i32
        %or3A_1010 = arith.constant false
        %or3A_1011 = arith.ori %or3A_1010, %ne3A_1009 : i1
        %or3A_1012 = arith.ori %or3A_1011, %eq3A_897 : i1
        %add3A_1013 = arith.constant 1 : i32
        %add3A_1014 = arith.addi %scan3A_890, %add3A_1013 : i32
        %select_n3A_1015 = arith.select %or3A_1012, %add3A_1014, %scan3A_890 : i32
        %add3A_1016 = arith.constant 1 : i32
        %add3A_1017 = arith.addi %scan3A_893, %add3A_1016 : i32
        %select_n3A_1018 = arith.constant true
        %select_n3A_1019 = arith.select %select_n3A_1018, %add3A_1017, %scan3A_893 : i32
        %eq3A_1020 = arith.constant 64 : i32
        %eq3A_1021 = arith.cmpi eq, %select_n3A_1019, %eq3A_1020 : i32
        %select_n3A_1022 = arith.constant 0 : i32
        %select_n3A_1023 = arith.select %eq3A_1021, %select_n3A_1022, %select_n3A_1019 : i32
        scf.yield %select_n3A_934, %select_n3A_1015, %select_n3A_983, %select_n3A_1008, %select_n3A_1023 : i32, i32, i32, i32, i32
      }
      %scan3A_835 = arith.constant 64 : i32
      %sub3A = arith.constant 1 : i32
      %sub3A_836 = arith.subi %scan3A_834#4, %sub3A : i32
      %select_n3A_837 = arith.constant true
      %select_n3A_838 = arith.select %select_n3A_837, %sub3A_836, %scan3A_834#4 : i32
      %eq3A_839 = arith.constant -1 : i32
      %eq3A_840 = arith.cmpi eq, %select_n3A_838, %eq3A_839 : i32
      %select_n3A_841 = arith.constant 63 : i32
      %select_n3A_842 = arith.select %eq3A_840, %select_n3A_841, %select_n3A_838 : i32
      %add3A_843 = arith.addi %select_n3A_842, %mul3A_773 : i32
      %sub3A_844 = arith.constant 1 : i32
      %sub3A_845 = arith.subi %select_n3A_842, %sub3A_844 : i32
      %select_n3A_846 = arith.constant true
      %select_n3A_847 = arith.select %select_n3A_846, %sub3A_845, %select_n3A_842 : i32
      %eq3A_848 = arith.constant -1 : i32
      %eq3A_849 = arith.cmpi eq, %select_n3A_847, %eq3A_848 : i32
      %select_n3A_850 = arith.constant 63 : i32
      %select_n3A_851 = arith.select %eq3A_849, %select_n3A_850, %select_n3A_847 : i32
      %add3A_852 = arith.addi %select_n3A_851, %mul3A_773 : i32
      %add3A_853 = arith.constant 1 : i32
      %add3A_854 = arith.addi %select_n3A_842, %add3A_853 : i32
      %select_n3A_855 = arith.constant true
      %select_n3A_856 = arith.select %select_n3A_855, %add3A_854, %select_n3A_842 : i32
      %eq3A_857 = arith.constant 64 : i32
      %eq3A_858 = arith.cmpi eq, %select_n3A_856, %eq3A_857 : i32
      %select_n3A_859 = arith.constant 0 : i32
      %select_n3A_860 = arith.select %eq3A_858, %select_n3A_859, %select_n3A_856 : i32
      %add3A_861 = arith.addi %select_n3A_860, %mul3A_773 : i32
      %add3A_862 = arith.constant 1 : i32
      %add3A_863 = arith.addi %select_n3A_860, %add3A_862 : i32
      %select_n3A_864 = arith.constant true
      %select_n3A_865 = arith.select %select_n3A_864, %add3A_863, %select_n3A_860 : i32
      %eq3A_866 = arith.constant 64 : i32
      %eq3A_867 = arith.cmpi eq, %select_n3A_865, %eq3A_866 : i32
      %select_n3A_868 = arith.constant 0 : i32
      %select_n3A_869 = arith.select %eq3A_867, %select_n3A_868, %select_n3A_865 : i32
      %add3A_870 = arith.addi %select_n3A_869, %mul3A_773 : i32
      "tpu.trace_start"() <{level = 10 : i32, message = "ep_finalize"}> : () -> ()
      %rem3A_871 = arith.constant 2 : i32
      %rem3A_872 = arith.remui %scan3A_834#3, %rem3A_871 : i32
      %mul3A_873 = arith.constant 512 : i32
      %mul3A_874 = arith.muli %mul3A_873, %add3A_843 : i32
      %dma_wait3A = arith.constant 0 : i32
      %dma_wait3A_875 = arith.constant 0 : i32
      %dma_wait3A_876 = tpu.memref_slice %run_scoped3A_775[%rem3A_872, %dma_wait3A, %dma_wait3A_875] : memref<2x8x512xf32, #tpu.memory_space<vmem>> -> memref<1x8x512xf32, #tpu.memory_space<vmem>>
      %dma_wait3A_877 = tpu.memref_squeeze %dma_wait3A_876 : memref<1x8x512xf32, #tpu.memory_space<vmem>> -> memref<8x512xf32, #tpu.memory_space<vmem>>
      %dma_wait3A_878 = arith.constant 0 : i32
      %dma_wait3A_879 = tpu.memref_slice %arg6[%dma_wait3A_878, %mul3A_874] : memref<8x1048576xf32, #tpu.memory_space<hbm>> -> memref<8x512xf32, #tpu.memory_space<hbm>>
      %dma_wait3A_880 = tpu.memref_slice %run_scoped3A_776[%rem3A_872] : memref<2x!tpu.dma_semaphore, #tpu.memory_space<semaphore_mem>> -> memref<1x!tpu.dma_semaphore, #tpu.memory_space<semaphore_mem>>
      %dma_wait3A_881 = tpu.memref_squeeze %dma_wait3A_880 : memref<1x!tpu.dma_semaphore, #tpu.memory_space<semaphore_mem>> -> memref<!tpu.dma_semaphore, #tpu.memory_space<semaphore_mem>>
      %dma_wait3A_882 = arith.constant 0 : i32
      %dma_wait3A_883 = tpu.memref_slice %arg6[%dma_wait3A_882, %mul3A_874] : memref<8x1048576xf32, #tpu.memory_space<hbm>> -> memref<8x512xf32, #tpu.memory_space<hbm>>
      %dma_wait3A_884 = arith.constant 0 : i32
      %dma_wait3A_885 = arith.constant 0 : i32
      %dma_wait3A_886 = tpu.memref_slice %run_scoped3A_775[%rem3A_872, %dma_wait3A_884, %dma_wait3A_885] : memref<2x8x512xf32, #tpu.memory_space<vmem>> -> memref<1x8x512xf32, #tpu.memory_space<vmem>>
      %dma_wait3A_887 = tpu.memref_squeeze %dma_wait3A_886 : memref<1x8x512xf32, #tpu.memory_space<vmem>> -> memref<8x512xf32, #tpu.memory_space<vmem>>
      tpu.wait_dma2 semaphore(%dma_wait3A_881 : memref<!tpu.dma_semaphore, #tpu.memory_space<semaphore_mem>>) src(%dma_wait3A_887 : memref<8x512xf32, #tpu.memory_space<vmem>>) dst(%dma_wait3A_883 : memref<8x512xf32, #tpu.memory_space<hbm>>)
      "tpu.trace_stop"() : () -> ()
      tpu.yield
    }) : () -> ()
    return
  }
}

</mosaic_0001>

<sc_bundles>
// kernel: kernel.3.cloned.1.call-start
scs
__scs_entry_jumppad:
0x0: {  	(pc) =	sbr.rel $0x88, $3  }
0x1: {  	(tag) =	ssettag $0x0;
	lr =	simm.s32 $0x1  }
0x2: {  	[smem:$0x3F9D] =	sst lr;
	_ =	strace $0xD0000000  }
0x3: {  	_ = 	snop  }
0x4: {  	_ = 	snop  }
0x5: {  	_ = 	snop  }
0x6: {  	_ = 	snop  }
0x7: {  	_ = 	snop  }
__scs_overlays_trampoline_lowered:
0x8: {  	[smem:$0x3FAC] =	sst s0  }
0x9: {  	[smem:$0x3FAD] =	sst s1  }
0xa: {  	[smem:$0x3FAE] =	sst s2  }
0xb: {  	[smem:$0x3FAF] =	sst s3  }
0xc: {  	[smem:$0x3FB0] =	sst s4  }
0xd: {  	[smem:$0x3FB1] =	sst s5  }
0xe: {  	[smem:$0x3FB2] =	sst s6  }
0xf: {  	[smem:$0x3FB3] =	sst s7  }
0x10: {  	[smem:$0x3FB4] =	sst s8  }
0x11: {  	[smem:$0x3FB5] =	sst s9;
	s0 =	simm.s32 @!p0 $0x0  }
0x12: {  	s1 =	sld [smem:$0x3F9B];
	s0 =	simm.s32 @p0 $0x1  }
0x13: {  	[smem:$0x3FB6] =	sst s0;
	s0 =	simm.s32 @!p1 $0x0  }
0x14: {  	s2 =	sld [smem:$0x3F9A];
	s0 =	simm.s32 @p1 $0x1  }
0x15: {  	[smem:$0x3FB7] =	sst s0;
	s0 =	simm.s32 @!p2 $0x0  }
0x16: {  	s3 =	sld [smem:$0x3FDB];
	s0 =	simm.s32 @p2 $0x1  }
0x17: {  	s4 =	simm.s32 $0x1BF5;
	[smem:$0x3FB9] =	sst s0  }
0x18: {  	s0 =	sld [smem:$0x3F9C];
	_ =	swait.ge [sflag:s4], $0x0  }
0x19: {  	s7 =	sld [smem:$0x3F9D]  }
0x1a: {  	s8 =	sadd.s32 $0xFFFFE003, lr  }
0x1b: {  	s9 =	sadd.s32 $0xFFFFFEF7, lr;
	s5 =	simm.s32 $0xFFFFFFFF;
	p2 =	slt.u32 s8, $0xFFFFF086  }
0x1c: {  	p1 =	slt.u32 s9, $0xF7A;
	s5 =	simm.s32 @!p2 $0x0  }
0x1d: {  	s5 =	simm.s32 @p1 $0x1;
	p0 =	seq.s32 s7, s2  }
0x1e: {  	s7 =	smul.u32 @!p0 $0xF7A, s2;
	p2 =	seq.s32 @!p0 s5, $0x0  }
0x1f: {  	s9 =	smul.u32 $0xF7A, s1;
	s8 =	simm.s32 @!p0 $0x1BF5;
	p2 =	por !p2, p0  }
0x20: {  	[sflag:s8] =	ssyncset.s32 @!p0 $0xFFFFF086;
	s6 =	sadd.s32 @!p0 s3, s7;
	s7 =	simm.s32 @!p0 $0x108  }
0x21: {  	s3 =	sadd.s32 s3, s9;
	s6 =	sadd.s32 @!p0 $0x88, s6;
	s7 =	simm.s32 @p2 $0x1082  }
0x22: {  	[simem:s7], [sflag:s8] =	dma.local @!p0 [hbm:s6], $0xF7A  }
0x23: {  	s9 =	sor.u32 $0xD0000000, s2;
	s6 =	simm.s32 $0x108;
	_ =	swait.ge @!p0 [sflag:s8], $0x0  }
0x24: {  	s3 =	sadd.s32 $0x88, s3;
	s6 =	simm.s32 @!p1 $0x1082;
	[sflag:s4] =	ssyncset.s32 $0xFFFFF086  }
0x25: {  	[simem:s6], [sflag:s4] =	dma.local [hbm:s3], $0xF7A  }
0x26: {  	[smem:$0x3F9D] =	sst s1;
	(tag) =	ssettag s2;
	_ =	strace s9  }
0x27: {  	s1 =	sld [smem:$0x3FAD]  }
0x28: {  	s2 =	sld [smem:$0x3FAE]  }
0x29: {  	s4 =	sld [smem:$0x3FB0]  }
0x2a: {  	p0 =	seq.s32 s5, $0x0;
	s5 =	sld [smem:$0x3FB1]  }
0x2b: {  	s6 =	sld [smem:$0x3FB2]  }
0x2c: {  	s7 =	sld [smem:$0x3FB3]  }
0x2d: {  	s3 =	simm.s32 $0x108;
	s8 =	sld [smem:$0x3FB4]  }
0x2e: {  	s3 =	simm.s32 @!p0 $0x1082;
	s9 =	sld [smem:$0x3FB5]  }
0x2f: {  	lr =	sadd.s32 s0, s3;
	s0 =	sld [smem:$0x3FAC]  }
0x30: {  	s3 =	sld [smem:$0x3FAF]  }
0x31: {  	[smem:$0x3FB8] =	sst s10  }
0x32: {  	s10 =	sld [smem:$0x3FB6];
	_ =	sdelay $0x3  }
0x33: {  	p0 =	seq.s32 s10, $0x1;
	s10 =	sld [smem:$0x3FB8];
	_ =	sdelay $0x3  }
0x34: {  	[smem:$0x3FB8] =	sst s10  }
0x35: {  	s10 =	sld [smem:$0x3FB7];
	_ =	sdelay $0x3  }
0x36: {  	p1 =	seq.s32 s10, $0x1;
	s10 =	sld [smem:$0x3FB8];
	_ =	sdelay $0x3  }
0x37: {  	[smem:$0x3FB8] =	sst s10  }
0x38: {  	s10 =	sld [smem:$0x3FB9]  }
0x39: {  	_ = 	snop;
	(pc) =	sbr.ind lr, $3  }
0x3a: {  	_ = 	snop  }
0x3b: {  	_ = 	snop  }
0x3c: {  	p2 =	seq.s32 s10, $0x1;
	s10 =	sld [smem:$0x3FB8]  }
0x3d: {  	_ =	shalt  }
0x3e: {  	_ =	shalt  }
0x3f: {  	_ =	shalt  }
0x40: {  	_ =	shalt  }
0x41: {  	_ =	shalt  }
0x42: {  	_ =	shalt  }
0x43: {  	_ =	shalt  }
0x44: {  	_ =	shalt  }
0x45: {  	_ =	shalt  }
0x46: {  	_ =	shalt  }
0x47: {  	_ =	shalt  }
0x48: {  	_ =	shalt  }
0x49: {  	_ =	shalt  }
0x4a: {  	_ =	shalt  }
0x4b: {  	_ =	shalt  }
0x4c: {  	_ =	shalt  }
0x4d: {  	_ =	shalt  }
0x4e: {  	_ =	shalt  }
0x4f: {  	_ =	shalt  }
0x50: {  	_ =	shalt  }
0x51: {  	_ =	shalt  }
0x52: {  	_ =	shalt  }
0x53: {  	_ =	shalt  }
0x54: {  	_ =	shalt  }
0x55: {  	_ =	shalt  }
0x56: {  	_ =	shalt  }
0x57: {  	_ =	shalt  }
0x58: {  	_ =	shalt  }
0x59: {  	_ =	shalt  }
0x5a: {  	_ =	shalt  }
0x5b: {  	_ =	shalt  }
0x5c: {  	_ =	shalt  }
0x5d: {  	_ =	shalt  }
0x5e: {  	_ =	shalt  }
0x5f: {  	_ =	shalt  }
0x60: {  	_ =	shalt  }
0x61: {  	_ =	shalt  }
0x62: {  	_ =	shalt  }
0x63: {  	_ =	shalt  }
0x64: {  	_ =	shalt  }
0x65: {  	_ =	shalt  }
0x66: {  	_ =	shalt  }
0x67: {  	_ =	shalt  }
0x68: {  	_ =	shalt  }
0x69: {  	_ =	shalt  }
0x6a: {  	_ =	shalt  }
0x6b: {  	_ =	shalt  }
0x6c: {  	_ =	shalt  }
0x6d: {  	_ =	shalt  }
0x6e: {  	_ =	shalt  }
0x6f: {  	_ =	shalt  }
0x70: {  	_ =	shalt  }
0x71: {  	_ =	shalt  }
0x72: {  	_ =	shalt  }
0x73: {  	_ =	shalt  }
0x74: {  	_ =	shalt  }
0x75: {  	_ =	shalt  }
0x76: {  	_ =	shalt  }
0x77: {  	_ =	shalt  }
0x78: {  	_ =	shalt  }
0x79: {  	_ =	shalt  }
0x7a: {  	_ =	shalt  }
0x7b: {  	_ =	shalt  }
0x7c: {  	_ =	shalt  }
0x7d: {  	_ =	shalt  }
0x7e: {  	_ =	shalt  }
0x7f: {  	_ =	shalt  }
0x80: {  	_ =	shalt  }
0x81: {  	_ =	shalt  }
0x82: {  	_ =	shalt  }
0x83: {  	_ =	shalt  }
0x84: {  	_ =	shalt  }
0x85: {  	_ =	shalt  }
0x86: {  	_ =	shalt  }
0x87: {  	_ =	shalt  }
.Lfunc_end0:
.L_simem_size_0:
called_computation_lowered:
.L_overlay_start_0:
0x88: {  	s2 =	sld [smem:$0x3FD9]  }
0x89: {  	s3 =	sld [smem:$0x3FFE];
	_ =	sdelay $0x1  }
0x8a: {  	s1 =	srdreg.scid  }
0x8b: {  	s0 =	sand.u32 $0x1, s1  }
0x8c: {  	s17 =	sshll.u32 s0, $0xA;
	s2 =	sadd.s32 s3, s2  }
0x8d: {  	s2 =	sadd.s32 s2, s17  }
0x8e: {  	[smem:$0x3FC4] =	sst s2  }
0x8f: {  	_ = 	snop  }
0x90: {  	s2 =	sld [smem:$0x3FC6]  }
0x91: {  	s18 =	sld [smem:$0x3FD0];
	(tm) =	ssettm $0x1  }
0x92: {  	s4 =	sld [smem:$0x3FFB];
	_ =	sdelay $0x3  }
0x93: {  	_ =	strace s4  }
0x94: {  	s4 =	sld [smem:$0x3FFC];
	_ =	sdelay $0x3  }
0x95: {  	_ =	strace s4  }
0x96: {  	s4 =	sld [smem:$0x3FFD];
	_ =	sdelay $0x3  }
0x97: {  	_ =	strace s4  }
0x98: {  	_ =	strace $0x8FFFFFFF  }
0x99: {  	s19 =	sld [smem:$0x3FDB];
	_ =	sdelay $0x1  }
0x9a: {  	s5 =	simm.s32 $_scs_section_size  }
0x9b: {  	s6 =	simm.s32 $_size__tile_overlayer_lowered;
	s7 =	simm.s32 $_tile_overlayer_lowered  }
0x9c: {  	s22 =	simm.s32 $0x1BFF;
	s21 =	sshll.u32 s7, $0x1;
	s4 =	sadd.s32 s5, s19  }
0x9d: {  	s8 =	simm.s32 $0x0;
	s20 =	sshll.u32 s6, $0x1;
	s6 =	sadd.s32 s21, s4  }
0x9e: {  	[timem:s8], [sflag:s22] =	dma.local [hbm:s6], s20  }
0x9f: {  	_ =	swait.ge [sflag:s22], s20  }
0xa0: {  	s5 =	ssub.s32 $0x0, s20;
	[sflag:s22] =	ssyncset.done $0x0  }
0xa1: {  	[sflag:s22] =	ssyncadd.s32 s5;
	_ =	sdelay $0x1  }
0xa2: {  	s23 =	simm.s32 $0x1B8B  }
0xa3: {  	_ =	swait.ge [sflag:s23], $0x1  }
0xa4: {  	[sflag:s23] =	ssyncset.done $0x0  }
0xa5: {  	s25 =	simm.s32 $0x1B8E;
	s24 =	sld [smem:$0x3FFE];
	[sflag:s23] =	ssyncadd.s32 $0xFFFFFFFF  }
0xa6: {  	s26 =	simm.s32 $execute0_lowered;
	[smem:$0x3FD2] =	sst s25  }
0xa7: {  	s6 =	sshll.u32 s26, $0x1;
	_ =	strace $0x80000046;
	[dreg:$0x1] =	wrdreg $0xFFFFFFFF  }
0xa8: {  	s28 =	simm.s32 $_size_execute0_lowered;
	s4 =	sadd.s32 s4, s6;
	[dreg:$0x0] =	wrdreg $0x0  }
0xa9: {  	s6 =	sshll.u32 s28, $0x1;
	[dreg:$0x2] =	wrdreg s4  }
0xaa: {  	[dreg:$0x3] =	wrdreg s6  }
0xab: {  	[dreg:$0x4] =	wrdreg $0xC0  }
0xac: {  	_ =	task [dreg:s8], $0x5FFFF  }
0xad: {  	[dreg:$0x1] =	wrdreg $0xFFFFFFFF  }
0xae: {  	[dreg:$0x0] =	wrdreg $0x60  }
0xaf: {  	[dreg:$0x2] =	wrdreg s24  }
0xb0: {  	[dreg:$0x3] =	wrdreg s18  }
0xb1: {  	[dreg:$0x4] =	wrdreg s2  }
0xb2: {  	[dreg:$0x5] =	wrdreg $0x9  }
0xb3: {  	_ =	task.clear_ibuf [dreg:s8], $0x6FFFF;
	_ =	strace $0x90000046  }
0xb4: {  	s29 =	simm.s32 $0x9;
	_ =	strace $0x8000004F  }
0xb5: {  	_ =	swait.ge [sflag:s29], $0x1  }
0xb6: {  	[sflag:s29] =	ssyncadd.s32 $0xFFFFFFFF  }
0xb7: {  	_ =	strace $0x9000004F  }
0xb8: {  	_ =	sfence  }
0xb9: {  	s30 =	sld [smem:$0x0];
	_ =	sdelay $0x2  }
0xba: {  	s31 =	sshll.u32 s1, $0xD;
	s1 =	sshrl.u32 s1, $0x2  }
0xbb: {  	s3 =	sand.u32 $0x4000, s31;
	s1 =	sadd.s32 s1, s30  }
0xbc: {  	s0 =	sor.u32 s3, s0;
	s1 =	sshll.u32 s1, $0x11  }
0xbd: {  	s0 =	sor.u32 s1, s0  }
0xbe: {  	s0 =	sadd.s32 $0x8F2B, s0  }
0xbf: {  	[sflag:s0] =	ssyncadd.remote.s32 $0x1  }
0xc0: {  	_ =	sfence.sel $0xFFFF  }
0xc1: {  	[dreg:$0x0] =	wrdreg $0xFFFFFFFF;
	(pc) =	sbr.abs _section_cstart, $3  }
0xc2: {  	[dreg:$0x1] =	wrdreg $0xFFFFFFFF  }
0xc3: {  	_ =	task.clear_ibuf [dreg:s8], $0x2FFFF;
	_ =	strace $0x9FFFFFFF  }
0xc4: {  	(tm) =	ssettm $0x7FFFFFFF  }
0xc5: {  	_ =	shalt  }
tec
execute0_lowered:
.L_overlay_start_1:
0x0: {  	(tag) =	ssettag $0x1  }
0x1: {  	v0 =	vlaneseq.u32  }
0x2: {  	v1 =	vmul.u32 $0x40, v0;
	_ =	sdelay $0x1  }
0x3: {  	v2 =	vmul.u32 $0x20, v0;
	v3 =	vor.u32 $0x3F, v1  }
0x4: {  	v1 =	vor.u32 $0x1F, v1;
	[tilespmem:$0x1FC60] =	vst v3  }
0x5: {  	[tilespmem:$0x1FC70] =	vst v1;
	v1 =	vmul.u32 $0x10, v0;
	v3 =	vor.u32 $0xF, v2  }
0x6: {  	v2 =	vor.u32 $0x20F, v2;
	[tilespmem:$0x1FC80] =	vst v3  }
0x7: {  	[tilespmem:$0x1FC90] =	vst v2;
	v3 =	vor.u32 $0x7, v1  }
0x8: {  	[tilespmem:$0x1FCA0] =	vst v3;
	v3 =	vor.u32 $0x107, v1  }
0x9: {  	v2 =	vmul.u32 $0x8, v0;
	[tilespmem:$0x1FCB0] =	vst v3;
	v3 =	vor.u32 $0x207, v1  }
0xa: {  	v1 =	vor.u32 $0x307, v1;
	[tilespmem:$0x1FCC0] =	vst v3  }
0xb: {  	[tilespmem:$0x1FCD0] =	vst v1;
	v1 =	vor.u32 $0x3, v2  }
0xc: {  	v3 =	vor.u32 $0x203, v2;
	[tilespmem:$0x1FCE0] =	vst v1  }
0xd: {  	v1 =	vor.u32 $0x83, v2;
	[tilespmem:$0x1FD20] =	vst v3  }
0xe: {  	v3 =	vor.u32 $0x283, v2;
	[tilespmem:$0x1FCF0] =	vst v1  }
0xf: {  	v1 =	vor.u32 $0x103, v2;
	[tilespmem:$0x1FD30] =	vst v3  }
0x10: {  	[tilespmem:$0x1FD00] =	vst v1;
	v1 =	vor.u32 $0x183, v2  }
0x11: {  	v3 =	vor.u32 $0x303, v2;
	[tilespmem:$0x1FD10] =	vst v1;
	v1 =	vmul.u32 $0x4, v0  }
0x12: {  	[tilespmem:$0x1FD40] =	vst v3;
	v2 =	vor.u32 $0x383, v2  }
0x13: {  	[tilespmem:$0x1FD50] =	vst v2;
	v2 =	vor.u32 $0x1, v1  }
0x14: {  	[tilespmem:$0x1FD60] =	vst v2;
	v2 =	vor.u32 $0x41, v1  }
0x15: {  	[tilespmem:$0x1FD70] =	vst v2;
	v2 =	vor.u32 $0x81, v1  }
0x16: {  	[tilespmem:$0x1FD80] =	vst v2;
	v2 =	vor.u32 $0xC1, v1  }
0x17: {  	[tilespmem:$0x1FD90] =	vst v2;
	v2 =	vor.u32 $0x101, v1  }
0x18: {  	[tilespmem:$0x1FDA0] =	vst v2;
	v2 =	vor.u32 $0x141, v1  }
0x19: {  	[tilespmem:$0x1FDB0] =	vst v2;
	v2 =	vor.u32 $0x181, v1  }
0x1a: {  	[tilespmem:$0x1FDC0] =	vst v2;
	v2 =	vor.u32 $0x1C1, v1  }
0x1b: {  	[tilespmem:$0x1FDD0] =	vst v2;
	v2 =	vor.u32 $0x201, v1  }
0x1c: {  	[tilespmem:$0x1FDE0] =	vst v2;
	v2 =	vor.u32 $0x241, v1  }
0x1d: {  	[tilespmem:$0x1FDF0] =	vst v2;
	v2 =	vor.u32 $0x281, v1  }
0x1e: {  	[tilespmem:$0x1FE00] =	vst v2;
	v2 =	vor.u32 $0x2C1, v1  }
0x1f: {  	[tilespmem:$0x1FE10] =	vst v2;
	v2 =	vor.u32 $0x301, v1  }
0x20: {  	[tilespmem:$0x1FE20] =	vst v2;
	v2 =	vor.u32 $0x341, v1  }
0x21: {  	v0 =	vmul.u32 $0x2, v0;
	[tilespmem:$0x1FE30] =	vst v2;
	v2 =	vor.u32 $0x381, v1  }
0x22: {  	v1 =	vor.u32 $0x3C1, v1;
	[tilespmem:$0x1FE40] =	vst v2  }
0x23: {  	[tilespmem:$0x1FE50] =	vst v1;
	v1 =	vor.u32 $0x20, v0  }
0x24: {  	[tilespmem:$0x1FE60] =	vst v1;
	v1 =	vor.u32 $0x40, v0  }
0x25: {  	s1 =	simm.s32 $0x0;
	[tilespmem:$0x1FE70] =	vst v1;
	v1 =	vor.u32 $0x60, v0  }
0x26: {  	[smem:$0x7FF] =	sst s1;
	[tilespmem:$0x1FE80] =	vst v1;
	v1 =	vor.u32 $0x80, v0  }
0x27: {  	s0 =	rddreg [dreg:$0x0];
	_ =	strace $0x80000047;
	[tilespmem:$0x1FE90] =	vst v1  }
0x28: {  	v1 =	vor.u32 $0xA0, v0;
	[tilespmem:$0x1FFE0] =	vst v0  }
0x29: {  	[tilespmem:$0x1FEA0] =	vst v1;
	v1 =	vor.u32 $0xC0, v0  }
0x2a: {  	[tilespmem:$0x1FEB0] =	vst v1;
	v1 =	vor.u32 $0xE0, v0  }
0x2b: {  	[tilespmem:$0x1FEC0] =	vst v1;
	v1 =	vor.u32 $0x100, v0  }
0x2c: {  	[tilespmem:$0x1FED0] =	vst v1;
	v1 =	vor.u32 $0x120, v0  }
0x2d: {  	[tilespmem:$0x1FEE0] =	vst v1;
	v1 =	vor.u32 $0x140, v0  }
0x2e: {  	[tilespmem:$0x1FEF0] =	vst v1;
	v1 =	vor.u32 $0x160, v0  }
0x2f: {  	[tilespmem:$0x1FF00] =	vst v1;
	v1 =	vor.u32 $0x180, v0  }
0x30: {  	[tilespmem:$0x1FF10] =	vst v1;
	v1 =	vor.u32 $0x1A0, v0  }
0x31: {  	[tilespmem:$0x1FF20] =	vst v1;
	v1 =	vor.u32 $0x1C0, v0  }
0x32: {  	[tilespmem:$0x1FF30] =	vst v1;
	v1 =	vor.u32 $0x1E0, v0  }
0x33: {  	[tilespmem:$0x1FF40] =	vst v1;
	v1 =	vor.u32 $0x200, v0  }
0x34: {  	[tilespmem:$0x1FF50] =	vst v1;
	v1 =	vor.u32 $0x220, v0  }
0x35: {  	s26 =	srdreg.scid;
	[tilespmem:$0x1FF60] =	vst v1;
	v1 =	vor.u32 $0x240, v0  }
0x36: {  	s5 =	stileid.u32;
	s4 =	sadd.s32 $0xA00, s0;
	s1 =	sand.u32 $0x1, s26;
	[tilespmem:$0x1FF70] =	vst v1;
	v1 =	vor.u32 $0x260, v0  }
0x37: {  	s3 =	sadd.s32 $0x400, s0;
	s2 =	ssub.s32 $0x2, s1;
	s1 =	sshll.u32 s1, $0x4;
	[tilespmem:$0x1FF80] =	vst v1;
	v1 =	vor.u32 $0x280, v0  }
0x38: {  	s0 =	sadd.s32 $0x200A00, s0;
	s1 =	sor.u32 s5, s1;
	[dreg:$0x1e] =	wrdreg s3;
	[tilespmem:$0x1FF90] =	vst v1;
	v1 =	vor.u32 $0x2A0, v0  }
0x39: {  	s30 =	sshll.u32 s1, $0xF;
	s1 =	sshll.u32 s1, $0x6;
	[dreg:$0x1f] =	wrdreg s0;
	[tilespmem:$0x1FFA0] =	vst v1;
	v1 =	vor.u32 $0x2C0, v0  }
0x3a: {  	s15 =	simm.s32 $0x400;
	s28 =	sshrl.u32 s2, $0x1;
	[smem:$0x7FB] =	sst s1;
	[tilespmem:$0x1FFB0] =	vst v1;
	v1 =	vor.u32 $0x2E0, v0  }
0x3b: {  	s29 =	ssub.s32 s2, s28;
	s31 =	sadd.s32 s4, s30;
	[dreg:$0x1d] =	wrdreg s4;
	[tilespmem:$0x1FFC0] =	vst v1;
	v1 =	vor.u32 $0x300, v0  }
0x3c: {  	s12 =	simm.s32 $0x2800;
	[smem:$0x7FC] =	sst s31;
	s0 =	smax.u32 s29, $0x1;
	v0 =	vor.u32 $0x320, v0;
	[tilespmem:$0x1FFD0] =	vst v1  }
0x3d: {  	s18 =	simm.s32 $0x12C00;
	v3 =	vimm.s32 $0x0;
	s1 =	simm.s32 $0x0;
	[smem:$0x7FD] =	sst s0;
	[tilespmem:$0x1FFF0] =	vst v0  }
.LBB2_1:
0x3e: {  	[smem:$0x7FA] =	sst s1  }
0x3f: {  	s0 =	rddreg [dreg:$0x2];
	s25 =	simm.s32 $0x0  }
0x40: {  	[tilespmem:s25], [sflag:$0x1] =	stream.linear.gather [hbm4b:s0+s25], $0x400, $0x38;
	[tilespmem:$0x19000] =	vst v63  }
0x41: {  	s26 =	rddreg [dreg:$0x1e]  }
0x42: {  	[tilespmem:s15], [sflag:$0x1] =	stream.linear.gather [hbm4b:s26+s25], $0x2400, $0x38;
	[tilespmem:$0x19000] =	vst v63  }
0x43: {  	s28 =	rddreg [dreg:$0x1];
	s29 =	simm.s32 $0x1  }
0x44: {  	[tilespmem:s12], [sflag:$0x1] =	stream.linear.gather [hbm4b:s28+s25], $0x10400, $0x38;
	[tilespmem:$0x19000] =	vst v63  }
0x45: {  	_ =	swait.ge [sflag:s29], $0x400  }
0x46: {  	[sflag:s29] =	ssyncset.done $0x0  }
0x47: {  	[sflag:s29] =	ssyncadd.s32 $0xFFFFFC00  }
0x48: {  	_ =	swait.ge [sflag:s29], $0x2400  }
0x49: {  	[sflag:s29] =	ssyncset.done $0x0  }
0x4a: {  	[sflag:s29] =	ssyncadd.s32 $0xFFFFDC00  }
0x4b: {  	_ =	swait.ge [sflag:s29], $0x10400  }
0x4c: {  	v0 =	vld [tilespmem:$0x1FC70];
	_ =	sdelay $0x3  }
0x4d: {  	v1 =	vld [tilespmem:$0x1FC60];
	_ =	sdelay $0x1  }
0x4e: {  	[sflag:s29] =	ssyncset.done $0x0  }
0x4f: {  	[sflag:s29] =	ssyncadd.s32 $0xFFFEFC00  }
0x50: {  	v0 =	vld.idx.msk [tilespmem:v0+s25+$0x0], $0xffff;
	_ =	sdelay $0x3  }
0x51: {  	v4 =	vld.idx.msk [tilespmem:v1+s25+$0x0], $0xffff  }
0x52: {  	[tilespmem:$0x12C00] =	vst v0;
	v0 =	vld [tilespmem:$0x1FC80];
	_ =	sdelay $0x7  }
0x53: {  	v0 =	vld.idx.msk [tilespmem:v0+s25+$0x0], $0xffff;
	_ =	sdelay $0x4  }
0x54: {  	[tilespmem:$0x12C10] =	vst v0;
	v0 =	vld [tilespmem:$0x1FC90];
	_ =	sdelay $0x7  }
0x55: {  	v0 =	vld.idx.msk [tilespmem:v0+s25+$0x0], $0xffff;
	_ =	sdelay $0x4  }
0x56: {  	[tilespmem:$0x12C20] =	vst v0;
	v0 =	vld [tilespmem:$0x1FCA0];
	_ =	sdelay $0x7  }
0x57: {  	v0 =	vld.idx.msk [tilespmem:v0+s25+$0x0], $0xffff;
	_ =	sdelay $0x4  }
0x58: {  	[tilespmem:$0x12C30] =	vst v0;
	v0 =	vld [tilespmem:$0x1FCB0];
	_ =	sdelay $0x7  }
0x59: {  	v0 =	vld.idx.msk [tilespmem:v0+s25+$0x0], $0xffff;
	_ =	sdelay $0x4  }
0x5a: {  	[tilespmem:$0x12C40] =	vst v0;
	v0 =	vld [tilespmem:$0x1FCC0];
	_ =	sdelay $0x7  }
0x5b: {  	v0 =	vld.idx.msk [tilespmem:v0+s25+$0x0], $0xffff;
	_ =	sdelay $0x4  }
0x5c: {  	[tilespmem:$0x12C50] =	vst v0;
	v0 =	vld [tilespmem:$0x1FCD0];
	_ =	sdelay $0x7  }
0x5d: {  	v0 =	vld.idx.msk [tilespmem:v0+s25+$0x0], $0xffff;
	_ =	sdelay $0x4  }
0x5e: {  	[tilespmem:$0x12C60] =	vst v0;
	v0 =	vld [tilespmem:$0x1FCE0];
	_ =	sdelay $0x7  }
0x5f: {  	v0 =	vld.idx.msk [tilespmem:v0+s25+$0x0], $0xffff;
	_ =	sdelay $0x4  }
0x60: {  	[tilespmem:$0x12C70] =	vst v0;
	v0 =	vld [tilespmem:$0x1FCF0];
	_ =	sdelay $0x7  }
0x61: {  	v0 =	vld.idx.msk [tilespmem:v0+s25+$0x0], $0xffff;
	_ =	sdelay $0x4  }
0x62: {  	[tilespmem:$0x12C80] =	vst v0;
	v0 =	vld [tilespmem:$0x1FD00];
	_ =	sdelay $0x7  }
0x63: {  	v0 =	vld.idx.msk [tilespmem:v0+s25+$0x0], $0xffff;
	_ =	sdelay $0x4  }
0x64: {  	[tilespmem:$0x12C90] =	vst v0;
	v0 =	vld [tilespmem:$0x1FD10];
	_ =	sdelay $0x7  }
0x65: {  	v0 =	vld.idx.msk [tilespmem:v0+s25+$0x0], $0xffff;
	_ =	sdelay $0x4  }
0x66: {  	[tilespmem:$0x12CA0] =	vst v0;
	v0 =	vld [tilespmem:$0x1FD20];
	_ =	sdelay $0x7  }
0x67: {  	v0 =	vld.idx.msk [tilespmem:v0+s25+$0x0], $0xffff;
	_ =	sdelay $0x4  }
0x68: {  	[tilespmem:$0x12CB0] =	vst v0;
	v0 =	vld [tilespmem:$0x1FD30];
	_ =	sdelay $0x7  }
0x69: {  	v0 =	vld.idx.msk [tilespmem:v0+s25+$0x0], $0xffff;
	_ =	sdelay $0x4  }
0x6a: {  	[tilespmem:$0x12CC0] =	vst v0;
	v0 =	vld [tilespmem:$0x1FD40];
	_ =	sdelay $0x7  }
0x6b: {  	v0 =	vld.idx.msk [tilespmem:v0+s25+$0x0], $0xffff;
	_ =	sdelay $0x4  }
0x6c: {  	[tilespmem:$0x12CD0] =	vst v0;
	v0 =	vld [tilespmem:$0x1FD50];
	_ =	sdelay $0x7  }
0x6d: {  	v0 =	vld.idx.msk [tilespmem:v0+s25+$0x0], $0xffff;
	_ =	sdelay $0x4  }
0x6e: {  	[tilespmem:$0x12CE0] =	vst v0;
	v0 =	vld [tilespmem:$0x1FD60];
	_ =	sdelay $0x7  }
0x6f: {  	v0 =	vld.idx.msk [tilespmem:v0+s25+$0x0], $0xffff;
	_ =	sdelay $0x4  }
0x70: {  	[tilespmem:$0x12CF0] =	vst v0;
	v0 =	vld [tilespmem:$0x1FD70];
	_ =	sdelay $0x7  }
0x71: {  	v0 =	vld.idx.msk [tilespmem:v0+s25+$0x0], $0xffff;
	_ =	sdelay $0x4  }
0x72: {  	[tilespmem:$0x12D00] =	vst v0;
	v0 =	vld [tilespmem:$0x1FD80];
	_ =	sdelay $0x7  }
0x73: {  	v0 =	vld.idx.msk [tilespmem:v0+s25+$0x0], $0xffff;
	_ =	sdelay $0x4  }
0x74: {  	[tilespmem:$0x12D10] =	vst v0;
	v0 =	vld [tilespmem:$0x1FD90];
	_ =	sdelay $0x7  }
0x75: {  	v0 =	vld.idx.msk [tilespmem:v0+s25+$0x0], $0xffff;
	_ =	sdelay $0x4  }
0x76: {  	[tilespmem:$0x12D20] =	vst v0;
	v0 =	vld [tilespmem:$0x1FDA0];
	_ =	sdelay $0x7  }
0x77: {  	v0 =	vld.idx.msk [tilespmem:v0+s25+$0x0], $0xffff;
	_ =	sdelay $0x4  }
0x78: {  	[tilespmem:$0x12D30] =	vst v0;
	v0 =	vld [tilespmem:$0x1FDB0];
	_ =	sdelay $0x7  }
0x79: {  	v0 =	vld.idx.msk [tilespmem:v0+s25+$0x0], $0xffff;
	_ =	sdelay $0x4  }
0x7a: {  	[tilespmem:$0x12D40] =	vst v0;
	v0 =	vld [tilespmem:$0x1FDC0];
	_ =	sdelay $0x7  }
0x7b: {  	v0 =	vld.idx.msk [tilespmem:v0+s25+$0x0], $0xffff;
	_ =	sdelay $0x4  }
0x7c: {  	[tilespmem:$0x12D50] =	vst v0;
	v0 =	vld [tilespmem:$0x1FDD0];
	_ =	sdelay $0x7  }
0x7d: {  	v0 =	vld.idx.msk [tilespmem:v0+s25+$0x0], $0xffff;
	_ =	sdelay $0x4  }
0x7e: {  	[tilespmem:$0x12D60] =	vst v0;
	v0 =	vld [tilespmem:$0x1FDE0];
	_ =	sdelay $0x7  }
0x7f: {  	v0 =	vld.idx.msk [tilespmem:v0+s25+$0x0], $0xffff;
	_ =	sdelay $0x4  }
0x80: {  	[tilespmem:$0x12D70] =	vst v0;
	v0 =	vld [tilespmem:$0x1FDF0];
	_ =	sdelay $0x7  }
0x81: {  	v0 =	vld.idx.msk [tilespmem:v0+s25+$0x0], $0xffff;
	_ =	sdelay $0x4  }
0x82: {  	[tilespmem:$0x12D80] =	vst v0;
	v0 =	vld [tilespmem:$0x1FE00];
	_ =	sdelay $0x7  }
0x83: {  	v0 =	vld.idx.msk [tilespmem:v0+s25+$0x0], $0xffff;
	_ =	sdelay $0x4  }
0x84: {  	[tilespmem:$0x12D90] =	vst v0;
	v0 =	vld [tilespmem:$0x1FE10];
	_ =	sdelay $0x7  }
0x85: {  	v0 =	vld.idx.msk [tilespmem:v0+s25+$0x0], $0xffff;
	_ =	sdelay $0x4  }
0x86: {  	[tilespmem:$0x12DA0] =	vst v0;
	v0 =	vld [tilespmem:$0x1FE20];
	_ =	sdelay $0x7  }
0x87: {  	v0 =	vld.idx.msk [tilespmem:v0+s25+$0x0], $0xffff;
	_ =	sdelay $0x4  }
0x88: {  	[tilespmem:$0x12DB0] =	vst v0;
	v0 =	vld [tilespmem:$0x1FE30];
	_ =	sdelay $0x7  }
0x89: {  	v0 =	vld.idx.msk [tilespmem:v0+s25+$0x0], $0xffff;
	_ =	sdelay $0x4  }
0x8a: {  	[tilespmem:$0x12DC0] =	vst v0;
	v0 =	vld [tilespmem:$0x1FE40];
	_ =	sdelay $0x7  }
0x8b: {  	v0 =	vld.idx.msk [tilespmem:v0+s25+$0x0], $0xffff;
	_ =	sdelay $0x4  }
0x8c: {  	[tilespmem:$0x12DD0] =	vst v0;
	v0 =	vld [tilespmem:$0x1FE50];
	_ =	sdelay $0x5  }
0x8d: {  	v2 =	vld [tilespmem:$0x1FFE0];
	_ =	sdelay $0x1  }
0x8e: {  	v0 =	vld.idx.msk [tilespmem:v0+s25+$0x0], $0xffff;
	_ =	sdelay $0x4  }
0x8f: {  	[tilespmem:$0x12DE0] =	vst v0  }
0x90: {  	v0 =	vld.idx.msk [tilespmem:v2+s25+$0x0], $0xffff;
	_ =	sdelay $0x4  }
0x91: {  	[tilespmem:$0x12DF0] =	vst v0;
	v0 =	vld [tilespmem:$0x1FE60];
	_ =	sdelay $0x7  }
0x92: {  	v0 =	vld.idx.msk [tilespmem:v0+s25+$0x0], $0xffff;
	_ =	sdelay $0x4  }
0x93: {  	[tilespmem:$0x12E00] =	vst v0;
	v0 =	vld [tilespmem:$0x1FE70];
	_ =	sdelay $0x7  }
0x94: {  	v0 =	vld.idx.msk [tilespmem:v0+s25+$0x0], $0xffff;
	_ =	sdelay $0x4  }
0x95: {  	[tilespmem:$0x12E10] =	vst v0;
	v0 =	vld [tilespmem:$0x1FE80];
	_ =	sdelay $0x7  }
0x96: {  	v0 =	vld.idx.msk [tilespmem:v0+s25+$0x0], $0xffff;
	_ =	sdelay $0x4  }
0x97: {  	[tilespmem:$0x12E20] =	vst v0;
	v0 =	vld [tilespmem:$0x1FE90];
	_ =	sdelay $0x7  }
0x98: {  	v0 =	vld.idx.msk [tilespmem:v0+s25+$0x0], $0xffff;
	_ =	sdelay $0x4  }
0x99: {  	[tilespmem:$0x12E30] =	vst v0;
	v0 =	vld [tilespmem:$0x1FEA0];
	_ =	sdelay $0x7  }
0x9a: {  	v0 =	vld.idx.msk [tilespmem:v0+s25+$0x0], $0xffff;
	_ =	sdelay $0x4  }
0x9b: {  	[tilespmem:$0x12E40] =	vst v0;
	v0 =	vld [tilespmem:$0x1FEB0];
	_ =	sdelay $0x7  }
0x9c: {  	v0 =	vld.idx.msk [tilespmem:v0+s25+$0x0], $0xffff;
	_ =	sdelay $0x4  }
0x9d: {  	[tilespmem:$0x12E50] =	vst v0;
	v0 =	vld [tilespmem:$0x1FEC0];
	_ =	sdelay $0x7  }
0x9e: {  	v0 =	vld.idx.msk [tilespmem:v0+s25+$0x0], $0xffff;
	_ =	sdelay $0x4  }
0x9f: {  	[tilespmem:$0x12E60] =	vst v0;
	v0 =	vld [tilespmem:$0x1FED0];
	_ =	sdelay $0x7  }
0xa0: {  	v0 =	vld.idx.msk [tilespmem:v0+s25+$0x0], $0xffff;
	_ =	sdelay $0x4  }
0xa1: {  	[tilespmem:$0x12E70] =	vst v0;
	v0 =	vld [tilespmem:$0x1FEE0];
	_ =	sdelay $0x7  }
0xa2: {  	v0 =	vld.idx.msk [tilespmem:v0+s25+$0x0], $0xffff;
	_ =	sdelay $0x4  }
0xa3: {  	[tilespmem:$0x12E80] =	vst v0;
	v0 =	vld [tilespmem:$0x1FEF0];
	_ =	sdelay $0x7  }
0xa4: {  	v0 =	vld.idx.msk [tilespmem:v0+s25+$0x0], $0xffff;
	_ =	sdelay $0x4  }
0xa5: {  	[tilespmem:$0x12E90] =	vst v0;
	v0 =	vld [tilespmem:$0x1FF00];
	_ =	sdelay $0x7  }
0xa6: {  	v0 =	vld.idx.msk [tilespmem:v0+s25+$0x0], $0xffff;
	_ =	sdelay $0x4  }
0xa7: {  	[tilespmem:$0x12EA0] =	vst v0;
	v0 =	vld [tilespmem:$0x1FF10];
	_ =	sdelay $0x7  }
0xa8: {  	v0 =	vld.idx.msk [tilespmem:v0+s25+$0x0], $0xffff;
	_ =	sdelay $0x4  }
0xa9: {  	[tilespmem:$0x12EB0] =	vst v0;
	v0 =	vld [tilespmem:$0x1FF20];
	_ =	sdelay $0x7  }
0xaa: {  	v0 =	vld.idx.msk [tilespmem:v0+s25+$0x0], $0xffff;
	_ =	sdelay $0x4  }
0xab: {  	[tilespmem:$0x12EC0] =	vst v0;
	v0 =	vld [tilespmem:$0x1FF30];
	_ =	sdelay $0x7  }
0xac: {  	v0 =	vld.idx.msk [tilespmem:v0+s25+$0x0], $0xffff;
	_ =	sdelay $0x4  }
0xad: {  	[tilespmem:$0x12ED0] =	vst v0;
	v0 =	vld [tilespmem:$0x1FF40];
	_ =	sdelay $0x7  }
0xae: {  	v0 =	vld.idx.msk [tilespmem:v0+s25+$0x0], $0xffff;
	_ =	sdelay $0x4  }
0xaf: {  	[tilespmem:$0x12EE0] =	vst v0;
	v0 =	vld [tilespmem:$0x1FF50];
	_ =	sdelay $0x7  }
0xb0: {  	v0 =	vld.idx.msk [tilespmem:v0+s25+$0x0], $0xffff;
	_ =	sdelay $0x4  }
0xb1: {  	[tilespmem:$0x12EF0] =	vst v0;
	v0 =	vld [tilespmem:$0x1FF60];
	_ =	sdelay $0x7  }
0xb2: {  	v0 =	vld.idx.msk [tilespmem:v0+s25+$0x0], $0xffff;
	_ =	sdelay $0x4  }
0xb3: {  	[tilespmem:$0x12F00] =	vst v0;
	v0 =	vld [tilespmem:$0x1FF70];
	_ =	sdelay $0x7  }
0xb4: {  	v0 =	vld.idx.msk [tilespmem:v0+s25+$0x0], $0xffff;
	_ =	sdelay $0x4  }
0xb5: {  	[tilespmem:$0x12F10] =	vst v0;
	v0 =	vld [tilespmem:$0x1FF80];
	_ =	sdelay $0x7  }
0xb6: {  	v0 =	vld.idx.msk [tilespmem:v0+s25+$0x0], $0xffff;
	_ =	sdelay $0x4  }
0xb7: {  	[tilespmem:$0x12F20] =	vst v0;
	v0 =	vld [tilespmem:$0x1FF90];
	_ =	sdelay $0x7  }
0xb8: {  	v0 =	vld.idx.msk [tilespmem:v0+s25+$0x0], $0xffff;
	_ =	sdelay $0x4  }
0xb9: {  	[tilespmem:$0x12F30] =	vst v0;
	v0 =	vld [tilespmem:$0x1FFA0];
	_ =	sdelay $0x7  }
0xba: {  	v0 =	vld.idx.msk [tilespmem:v0+s25+$0x0], $0xffff;
	_ =	sdelay $0x4  }
0xbb: {  	[tilespmem:$0x12F40] =	vst v0;
	v0 =	vld [tilespmem:$0x1FFB0];
	_ =	sdelay $0x7  }
0xbc: {  	v0 =	vld.idx.msk [tilespmem:v0+s25+$0x0], $0xffff;
	_ =	sdelay $0x4  }
0xbd: {  	[tilespmem:$0x12F50] =	vst v0;
	v0 =	vld [tilespmem:$0x1FFC0];
	_ =	sdelay $0x7  }
0xbe: {  	v0 =	vld.idx.msk [tilespmem:v0+s25+$0x0], $0xffff;
	_ =	sdelay $0x4  }
0xbf: {  	[tilespmem:$0x12F60] =	vst v0;
	v0 =	vld [tilespmem:$0x1FFD0];
	_ =	sdelay $0x7  }
0xc0: {  	v0 =	vld.idx.msk [tilespmem:v0+s25+$0x0], $0xffff;
	_ =	sdelay $0x4  }
0xc1: {  	[tilespmem:$0x12F70] =	vst v0;
	v0 =	vld [tilespmem:$0x1FFF0];
	_ =	sdelay $0x7  }
0xc2: {  	v0 =	vld.idx.msk [tilespmem:v0+s25+$0x0], $0xffff  }
0xc3: {  	v1 =	vor.u32 $0x340, v2;
	_ =	sdelay $0x3  }
0xc4: {  	[tilespmem:$0x12F80] =	vst v0  }
0xc5: {  	v0 =	vld.idx.msk [tilespmem:v1+s25+$0x0], $0xffff  }
0xc6: {  	v1 =	vor.u32 $0x360, v2;
	_ =	sdelay $0x3  }
0xc7: {  	[tilespmem:$0x12F90] =	vst v0  }
0xc8: {  	v0 =	vld.idx.msk [tilespmem:v1+s25+$0x0], $0xffff  }
0xc9: {  	v1 =	vor.u32 $0x380, v2;
	_ =	sdelay $0x3  }
0xca: {  	[tilespmem:$0x12FA0] =	vst v0  }
0xcb: {  	v0 =	vld.idx.msk [tilespmem:v1+s25+$0x0], $0xffff  }
0xcc: {  	v1 =	vor.u32 $0x3A0, v2;
	_ =	sdelay $0x3  }
0xcd: {  	[tilespmem:$0x12FB0] =	vst v0  }
0xce: {  	v0 =	vld.idx.msk [tilespmem:v1+s25+$0x0], $0xffff  }
0xcf: {  	v1 =	vor.u32 $0x3C0, v2;
	_ =	sdelay $0x3  }
0xd0: {  	[tilespmem:$0x12FC0] =	vst v0  }
0xd1: {  	v0 =	vld.idx.msk [tilespmem:v1+s25+$0x0], $0xffff  }
0xd2: {  	v1 =	vor.u32 $0x3E0, v2;
	_ =	sdelay $0x3  }
0xd3: {  	[tilespmem:$0x12FD0] =	vst v0  }
0xd4: {  	v0 =	vld.idx.msk [tilespmem:v1+s25+$0x0], $0xffff;
	_ =	sdelay $0x4  }
0xd5: {  	[tilespmem:$0x12FE0] =	vst v0  }
0xd6: {  	_ =	strace $0x80000048  }
0xd7: {  	s30 =	sld [smem:$0x7FC]  }
0xd8: {  	s31 =	simm.s32 $0x1000;
	v0 =	vimm.s32 $0x7  }
0xd9: {  	s2 =	simm.s32 $0x800000;
	s3 =	simm.s32 $0x13000;
	s20 =	simm.s32 $0x0;
	v1 =	vperm.xlane v4, v0  }
0xda: {  	[tilespmem:s3], [sflag:$0x2] =	stream.strided.gather [hbm4b:s30+s31], $0x2000, s2, s31, $0x200038;
	[tilespmem:$0x19000] =	vst v63  }
0xdb: {  	s5 =	simm.s32 $0x0;
	s4 =	simm.s32 $0x0;
	_ =	strace $0x90000048;
	[tilespmem:$0x1FC40] =	vst v1  }
0xdc: {  	s0 =	simm.s32 $0x0;
	s2 =	simm.s32 $0x0;
	s3 =	simm.s32 $0x1;
	[tilespmem:$0x1FC50] =	vst v4  }
.LBB2_2:
0xdd: {  	[smem:$0x7EA] =	sst s2;
	s1 =	sadd.s32 $0x1, s0  }
0xde: {  	[smem:$0x7F8] =	sst s0;
	p0 =	seq.s32 s1, $0x40  }
0xdf: {  	[smem:$0x7EB] =	sst s4;
	s1 =	simm.s32 @p0 $0x0  }
0xe0: {  	p6 =	sne.s32 s4, $0x3F;
	s2 =	sld [smem:$0x7FB];
	p1 =	sne.s32 s0, s1  }
0xe1: {  	[smem:$0x7EC] =	sst s3;
	s16 =	sshll.u32 s5, $0xD;
	p0 =	por !p6, !p1  }
0xe2: {  	s17 =	sand.u32 $0x1, s5;
	[smem:$0x7ED] =	sst s1;
	p0 =	por !p0, !p0  }
0xe3: {  	s0 =	sand.u32 @p0 $0x1, s3;
	s1 =	sadd.s32 @p0 s2, s1;
	_ =	strace @p0 $0x80000049  }
0xe4: {  	s4 =	simm.s32 @p0 $0x800000;
	s2 =	sshll.u32 @p0 s0, $0xD;
	s1 =	sshll.u32 @p0 s1, $0x9  }
0xe5: {  	s0 =	sor.u32 @p0 $0x2, s0;
	s3 =	rddreg [dreg:$0x1d];
	s1 =	sand.u32 @p0 $0x1FFFFE00, s1  }
0xe6: {  	s2 =	sadd.s32 @p0 $0x13000, s2;
	s1 =	sadd.s32 @p0 s3, s1;
	s3 =	simm.s32 @p0 $0x1000  }
0xe7: {  	[tilespmem:s2], [sflag:s0] =	stream.strided.gather @p0 [hbm4b:s1+s3], $0x2000, s4, s3, $0x200038;
	[tilespmem:$0x19000] =	vst v63  }
0xe8: {  	s0 =	sand.u32 $0x2000, s16;
	_ =	strace @p0 $0x90000049;
	[smem:$0x7EE] =	sst s5  }
0xe9: {  	s1 =	sor.u32 $0x2, s17;
	s16 =	sadd.s32 $0x13000, s0;
	_ =	strace $0x8000004A  }
0xea: {  	v62 =	vmov s16;
	_ =	swait.ge [sflag:s1], $0x2000  }
0xeb: {  	s6 =	simm.s32 $0x0;
	[sflag:s1] =	ssyncset.done $0x0  }
0xec: {  	s7 =	sand.u32 $0x60, s6;
	[sflag:s1] =	ssyncadd.s32 $0xFFFFE000  }
0xed: {  	s9 =	sand.u32 $0xC00, s6;
	s19 =	sor.u32 $0x10, s7;
	_ =	strace $0x9000004A  }
0xee: {  	s0 =	sor.u32 s9, s19;
	_ =	strace $0x8000004B  }
0xef: {  	v0 =	vld.idx.msk [tilespmem:v62+s0+$0x0 ss:$0x1], $0xffff;
	_ =	sdelay $0x4  }
0xf0: {  	vm0 =	vle.f32 v1, v0  }
0xf1: {  	v5 =	vmov v1;
	v1 =	vsel vm0, $0x8, v3  }
0xf2: {  	v2 =	vor.u32 $0x3, v1  }
0xf3: {  	v2 =	vperm.xlane v4, v2;
	_ =	sdelay $0x1  }
0xf4: {  	vm10 =	vle.f32 v2, v0;
	v2 =	vor.u32 $0x4, v1  }
0xf5: {  	v1 =	vsel vm10, v2, v1  }
0xf6: {  	v2 =	vor.u32 $0x1, v1  }
0xf7: {  	v2 =	vperm.xlane v4, v2;
	_ =	sdelay $0x1  }
0xf8: {  	vm11 =	vle.f32 v2, v0;
	v2 =	vor.u32 $0x2, v1  }
0xf9: {  	v1 =	vsel vm11, v2, v1  }
0xfa: {  	v2 =	vperm.xlane v4, v1;
	_ =	sdelay $0x1  }
0xfb: {  	vm12 =	vle.f32 v2, v0  }
0xfc: {  	v2 =	vsel vm12, $0x1, v3  }
0xfd: {  	v2 =	vor.u32 v2, v1;
	_ =	sdelay $0x2  }
0xfe: {  	s4 =	sor.u32 s7, s9  }
0xff: {  	v21 =	vld.idx.msk [tilespmem:v62+s4+$0x0 ss:$0x1], $0xffff  }
0x100: {  	v3 =	vld.idx.msk [tilespmem:v2+s18+$0x0], $0xffff;
	_ =	sdelay $0x3  }
0x101: {  	v23 =	vimm.s32 $0x0;
	vm13 =	vle.f32 v5, v21;
	v2 =	vshll.u32 v2, $0x6  }
0x102: {  	v1 =	vmovc v4;
	v4 =	vsel vm13, $0x8, v23;
	vm14 =	vle.f32 v3, v0;
	v3 =	vor.u32 $0x20, v2  }
0x103: {  	v7 =	vmov v5;
	v5 =	vor.u32 $0x3, v4;
	v2 =	vsel vm14, v3, v2  }
0x104: {  	v3 =	vperm.xlane v1, v5;
	v5 =	vshrl.u32 v2, $0x5  }
0x105: {  	v5 =	vadd.s32 $0x10, v5  }
0x106: {  	v6 =	vor.u32 $0x4, v4;
	vm15 =	vle.f32 v3, v21  }
0x107: {  	v3 =	vsel vm15, v6, v4  }
0x108: {  	v4 =	vor.u32 $0x1, v3  }
0x109: {  	v4 =	vperm.xlane v1, v4  }
0x10a: {  	v5 =	vld.idx.msk [tilespmem:v5+s18+$0x0], $0xffff  }
0x10b: {  	v6 =	vor.u32 $0x2, v3;
	vm4 =	vle.f32 v4, v21  }
0x10c: {  	v3 =	vsel vm4, v6, v3  }
0x10d: {  	v4 =	vperm.xlane v1, v3;
	_ =	sdelay $0x1  }
0x10e: {  	vm5 =	vle.f32 v4, v21;
	v4 =	vor.u32 $0x10, v2;
	vm1 =	vle.f32 v5, v0  }
0x10f: {  	v5 =	vsel vm5, $0x1, v23;
	v2 =	vsel vm1, v4, v2  }
0x110: {  	v3 =	vor.u32 v5, v3;
	v4 =	vshrl.u32 v2, $0x4  }
0x111: {  	v4 =	vadd.s32 $0x30, v4;
	_ =	sdelay $0x3  }
0x112: {  	v5 =	vld.idx.msk [tilespmem:v3+s18+$0x0], $0xffff  }
0x113: {  	v4 =	vld.idx.msk [tilespmem:v4+s18+$0x0], $0xffff;
	_ =	sdelay $0x2  }
0x114: {  	v3 =	vshll.u32 v3, $0x6  }
0x115: {  	v6 =	vor.u32 $0x20, v3;
	vm6 =	vle.f32 v5, v21  }
0x116: {  	v3 =	vsel vm6, v6, v3;
	vm7 =	vle.f32 v4, v0;
	v4 =	vor.u32 $0x8, v2  }
0x117: {  	v5 =	vshrl.u32 v3, $0x5;
	v2 =	vsel vm7, v4, v2  }
0x118: {  	v4 =	vadd.s32 $0x10, v5;
	v5 =	vshrl.u32 v2, $0x3  }
0x119: {  	v5 =	vadd.s32 $0x70, v5;
	_ =	sdelay $0x3  }
0x11a: {  	v4 =	vld.idx.msk [tilespmem:v4+s18+$0x0], $0xffff  }
0x11b: {  	v5 =	vld.idx.msk [tilespmem:v5+s18+$0x0], $0xffff;
	_ =	sdelay $0x3  }
0x11c: {  	v6 =	vor.u32 $0x10, v3;
	vm8 =	vle.f32 v4, v21  }
0x11d: {  	v4 =	vadd.s32 $0x4, v2;
	v3 =	vsel vm8, v6, v3;
	vm9 =	vle.f32 v5, v0  }
0x11e: {  	v5 =	vshrl.u32 v3, $0x4;
	v2 =	vsel vm9, v4, v2  }
0x11f: {  	v4 =	vadd.s32 $0x30, v5;
	v5 =	vshrl.u32 v2, $0x2  }
0x120: {  	v5 =	vadd.s32 $0xF0, v5;
	_ =	sdelay $0x3  }
0x121: {  	v4 =	vld.idx.msk [tilespmem:v4+s18+$0x0], $0xffff  }
0x122: {  	v5 =	vld.idx.msk [tilespmem:v5+s18+$0x0], $0xffff;
	_ =	sdelay $0x3  }
0x123: {  	v6 =	vor.u32 $0x8, v3;
	vm10 =	vle.f32 v4, v21  }
0x124: {  	v4 =	vadd.s32 $0x2, v2;
	v3 =	vsel vm10, v6, v3;
	vm11 =	vle.f32 v5, v0  }
0x125: {  	v5 =	vshrl.u32 v3, $0x3;
	v2 =	vsel vm11, v4, v2  }
0x126: {  	v4 =	vadd.s32 $0x70, v5;
	v5 =	vshrl.u32 v2, $0x1  }
0x127: {  	v5 =	vadd.s32 $0x1F0, v5;
	_ =	sdelay $0x4  }
0x128: {  	v5 =	vld.idx.msk [tilespmem:v5+s18+$0x0], $0xffff;
	_ =	sdelay $0x1  }
0x129: {  	v4 =	vld.idx.msk [tilespmem:v4+s18+$0x0], $0xffff;
	_ =	sdelay $0x2  }
0x12a: {  	vm13 =	vle.f32 v5, v0  }
0x12b: {  	v0 =	vsel vm13, $0x1, v23  }
0x12c: {  	v6 =	vadd.s32 $0x4, v3;
	vm12 =	vle.f32 v4, v21;
	v0 =	vadd.s32 v0, v2  }
0x12d: {  	v3 =	vsel vm12, v6, v3;
	v0 =	vmin.u32 v0, $0x3FF  }
0x12e: {  	v4 =	vshrl.u32 v3, $0x2;
	v25 =	vmul.u32 $0x41, v0  }
0x12f: {  	v2 =	vadd.s32 $0xF0, v4  }
0x130: {  	v4 =	vadd.s32 $0x7, v25;
	_ =	sdelay $0x2  }
0x131: {  	s30 =	simm.s32 $0x20;
	v27 =	vmul.u32 $0x9, v0  }
0x132: {  	s21 =	simm.s32 $0x100;
	s8 =	sand.u32 $0x60, s30;
	v0 =	vld.idx.msk [tilespmem:v2+s18+$0x0], $0xffff  }
0x133: {  	s10 =	sor.u32 $0x10, s8;
	s3 =	sand.u32 $0xC00, s21;
	v2 =	vld.idx.msk [tilespmem:v4+s12+$0x0], $0xffff  }
0x134: {  	s5 =	sor.u32 s3, s10;
	v5 =	vadd.s32 $0xF, v25  }
0x135: {  	s17 =	sor.u32 $0x80, s0;
	v29 =	vld.idx.msk [tilespmem:v62+s5+$0x0 ss:$0x1], $0xffff  }
0x136: {  	v17 =	vld.idx.msk [tilespmem:v62+s17+$0x0 ss:$0x1], $0xffff  }
0x137: {  	v58 =	vld.idx.msk [tilespmem:v27+s15+$0x0], $0xffff  }
0x138: {  	v40 =	vld.idx.msk [tilespmem:v25+s12+$0x0], $0xffff;
	[tilespmem:$0x1F810] =	vst v2  }
0x139: {  	v2 =	vld.idx.msk [tilespmem:v5+s12+$0x0], $0xffff  }
0x13a: {  	v42 =	vmov v7;
	vm14 =	vle.f32 v7, v29;
	v7 =	vadd.s32 $0x17, v25;
	_ =	sdelay $0x3  }
0x13b: {  	[tilespmem:$0x1F820] =	vst v2  }
0x13c: {  	v2 =	vld.idx.msk [tilespmem:v7+s12+$0x0], $0xffff  }
0x13d: {  	v9 =	vadd.s32 $0x1F, v25;
	_ =	sdelay $0x3  }
0x13e: {  	[tilespmem:$0x1F830] =	vst v2  }
0x13f: {  	v2 =	vld.idx.msk [tilespmem:v9+s12+$0x0], $0xffff  }
0x140: {  	v10 =	vadd.s32 $0x27, v25;
	_ =	sdelay $0x3  }
0x141: {  	[tilespmem:$0x1F840] =	vst v2  }
0x142: {  	v2 =	vld.idx.msk [tilespmem:v10+s12+$0x0], $0xffff  }
0x143: {  	v4 =	vadd.s32 $0x2F, v25;
	_ =	sdelay $0x3  }
0x144: {  	[tilespmem:$0x1F850] =	vst v2  }
0x145: {  	v2 =	vld.idx.msk [tilespmem:v4+s12+$0x0], $0xffff  }
0x146: {  	v12 =	vadd.s32 $0x37, v25;
	_ =	sdelay $0x3  }
0x147: {  	[tilespmem:$0x1F860] =	vst v2  }
0x148: {  	v2 =	vld.idx.msk [tilespmem:v12+s12+$0x0], $0xffff  }
0x149: {  	v13 =	vadd.s32 $0x3F, v25;
	_ =	sdelay $0x3  }
0x14a: {  	[tilespmem:$0x1F870] =	vst v2  }
0x14b: {  	v2 =	vld.idx.msk [tilespmem:v13+s12+$0x0], $0xffff  }
0x14c: {  	v8 =	vsel vm14, $0x8, v23;
	v15 =	vadd.s32 $0x6, v25  }
0x14d: {  	v6 =	vor.u32 $0x3, v8  }
0x14e: {  	v11 =	vperm.xlane v1, v6;
	_ =	sdelay $0x1  }
0x14f: {  	v49 =	vor.u32 $0x4, v8;
	vm15 =	vle.f32 v11, v29;
	[tilespmem:$0x1F880] =	vst v2  }
0x150: {  	v14 =	vsel vm15, v49, v8;
	v2 =	vld.idx.msk [tilespmem:v15+s12+$0x0], $0xffff  }
0x151: {  	v11 =	vor.u32 $0x1, v14;
	v16 =	vadd.s32 $0xE, v25  }
0x152: {  	v18 =	vperm.xlane v1, v11;
	_ =	sdelay $0x1  }
0x153: {  	vm4 =	vle.f32 v18, v29;
	v4 =	vor.u32 $0x2, v14  }
0x154: {  	v14 =	vsel vm4, v4, v14;
	[tilespmem:$0x1F8C0] =	vst v2  }
0x155: {  	v10 =	vmov v1;
	v50 =	vperm.xlane v1, v14;
	v1 =	vld.idx.msk [tilespmem:v16+s12+$0x0], $0xffff  }
0x156: {  	v19 =	vadd.s32 $0x16, v25;
	_ =	sdelay $0x3  }
0x157: {  	[tilespmem:$0x1F8E0] =	vst v1  }
0x158: {  	v1 =	vld.idx.msk [tilespmem:v19+s12+$0x0], $0xffff  }
0x159: {  	v20 =	vadd.s32 $0x1E, v25;
	_ =	sdelay $0x3  }
0x15a: {  	[tilespmem:$0x1F8F0] =	vst v1  }
0x15b: {  	v1 =	vld.idx.msk [tilespmem:v20+s12+$0x0], $0xffff  }
0x15c: {  	v18 =	vadd.s32 $0x5, v25;
	_ =	sdelay $0x3  }
0x15d: {  	[tilespmem:$0x1F900] =	vst v1  }
0x15e: {  	v1 =	vld.idx.msk [tilespmem:v18+s12+$0x0], $0xffff  }
0x15f: {  	v15 =	vadd.s32 $0xD, v25;
	_ =	sdelay $0x3  }
0x160: {  	[tilespmem:$0x1F890] =	vst v1  }
0x161: {  	v1 =	vld.idx.msk [tilespmem:v15+s12+$0x0], $0xffff  }
0x162: {  	v16 =	vadd.s32 $0x15, v25;
	_ =	sdelay $0x3  }
0x163: {  	[tilespmem:$0x1F8A0] =	vst v1  }
0x164: {  	v1 =	vld.idx.msk [tilespmem:v16+s12+$0x0], $0xffff  }
0x165: {  	v19 =	vadd.s32 $0xC, v25;
	_ =	sdelay $0x3  }
0x166: {  	[tilespmem:$0x1F8B0] =	vst v1  }
0x167: {  	v22 =	vadd.s32 $0x4, v25;
	v1 =	vld.idx.msk [tilespmem:v19+s12+$0x0], $0xffff  }
0x168: {  	v18 =	vadd.s32 $0x14, v25;
	_ =	sdelay $0x1  }
0x169: {  	vm5 =	vle.f32 v50, v29  }
0x16a: {  	v20 =	vsel vm5, $0x1, v23  }
0x16b: {  	v26 =	vor.u32 v20, v14;
	v20 =	vld.idx.msk [tilespmem:v22+s12+$0x0], $0xffff;
	[tilespmem:$0x1F7F0] =	vst v1  }
0x16c: {  	v1 =	vld.idx.msk [tilespmem:v18+s12+$0x0], $0xffff  }
0x16d: {  	v51 =	vadd.s32 $0x1C, v25  }
0x16e: {  	v24 =	vadd.s32 $0x3, v25  }
0x16f: {  	v52 =	vadd.s32 $0xB, v25  }
0x170: {  	v28 =	vadd.s32 $0x13, v25  }
0x171: {  	v31 =	vadd.s32 $0x1B, v25;
	v30 =	vld.idx.msk [tilespmem:v26+s18+$0x0], $0xffff;
	[tilespmem:$0x1F800] =	vst v1  }
0x172: {  	v32 =	vadd.s32 $0x2, v25;
	v23 =	vld.idx.msk [tilespmem:v51+s12+$0x0], $0xffff  }
0x173: {  	v33 =	vadd.s32 $0xA, v25;
	v15 =	vld.idx.msk [tilespmem:v24+s12+$0x0], $0xffff  }
0x174: {  	v34 =	vadd.s32 $0x12, v25;
	v16 =	vld.idx.msk [tilespmem:v52+s12+$0x0], $0xffff  }
0x175: {  	v36 =	vadd.s32 $0x1, v27;
	v35 =	vshll.u32 v26, $0x6;
	v26 =	vld.idx.msk [tilespmem:v28+s12+$0x0], $0xffff  }
0x176: {  	v54 =	vadd.s32 $0x3, v27;
	vm6 =	vle.f32 v30, v29;
	v30 =	vor.u32 $0x20, v35;
	v22 =	vld.idx.msk [tilespmem:v31+s12+$0x0], $0xffff  }
0x177: {  	v55 =	vadd.s32 $0x4, v27;
	v30 =	vsel vm6, v30, v35;
	v32 =	vld.idx.msk [tilespmem:v32+s12+$0x0], $0xffff  }
0x178: {  	v31 =	vadd.s32 $0x2, v27;
	v14 =	vld.idx.msk [tilespmem:v33+s12+$0x0], $0xffff;
	v35 =	vshrl.u32 v30, $0x5  }
0x179: {  	v7 =	vld.idx.msk [tilespmem:v34+s12+$0x0], $0xffff;
	v53 =	vadd.s32 $0x10, v35  }
0x17a: {  	v28 =	vadd.s32 $0x1A, v25;
	v38 =	vld.idx.msk [tilespmem:v36+s15+$0x0], $0xffff  }
0x17b: {  	v56 =	vadd.s32 $0x6, v27;
	v33 =	vld.idx.msk [tilespmem:v54+s15+$0x0], $0xffff  }
0x17c: {  	v57 =	vadd.s32 $0x1, v25;
	v34 =	vld.idx.msk [tilespmem:v55+s15+$0x0], $0xffff  }
0x17d: {  	v45 =	vadd.s32 $0x10, v25;
	v39 =	vld.idx.msk [tilespmem:v31+s15+$0x0], $0xffff  }
0x17e: {  	v60 =	vadd.s32 $0x18, v25;
	v31 =	vld.idx.msk [tilespmem:v53+s18+$0x0], $0xffff  }
0x17f: {  	v43 =	vld.idx.msk [tilespmem:v28+s12+$0x0], $0xffff;
	v28 =	vadd.s32 $0x5, v27  }
0x180: {  	v47 =	vld.idx.msk [tilespmem:v56+s15+$0x0], $0xffff;
	v27 =	vadd.s32 $0x7, v27  }
0x181: {  	v48 =	vadd.s32 $0x20, v25;
	v61 =	vld.idx.msk [tilespmem:v57+s12+$0x0], $0xffff  }
0x182: {  	v8 =	vadd.s32 $0x28, v25;
	v45 =	vld.idx.msk [tilespmem:v45+s12+$0x0], $0xffff  }
0x183: {  	v50 =	vadd.s32 $0x38, v25;
	v52 =	vld.idx.msk [tilespmem:v60+s12+$0x0], $0xffff;
	vm7 =	vle.f32 v31, v29;
	v31 =	vor.u32 $0x10, v30  }
0x184: {  	v44 =	vadd.s32 $0x11, v25;
	v41 =	vld.idx.msk [tilespmem:v28+s15+$0x0], $0xffff;
	v46 =	vsel vm7, v31, v30  }
0x185: {  	v28 =	vld.idx.msk [tilespmem:v27+s15+$0x0], $0xffff;
	v27 =	vadd.s32 $0x8, v25;
	v31 =	vshrl.u32 v46, $0x4  }
0x186: {  	v56 =	vld.idx.msk [tilespmem:v48+s12+$0x0], $0xffff;
	v63 =	vadd.s32 $0x30, v31  }
0x187: {  	v9 =	vadd.s32 $0x21, v25;
	v57 =	vld.idx.msk [tilespmem:v8+s12+$0x0], $0xffff  }
0x188: {  	v13 =	vadd.s32 $0x2A, v25;
	v60 =	vld.idx.msk [tilespmem:v50+s12+$0x0], $0xffff  }
0x189: {  	v35 =	vld.idx.msk [tilespmem:v44+s12+$0x0], $0xffff  }
0x18a: {  	v59 =	vadd.s32 $0x19, v25;
	v49 =	vld.idx.msk [tilespmem:v27+s12+$0x0], $0xffff  }
0x18b: {  	v27 =	vadd.s32 $0x30, v25;
	v44 =	vld.idx.msk [tilespmem:v63+s18+$0x0], $0xffff  }
0x18c: {  	v51 =	vadd.s32 $0x31, v25;
	v36 =	vld.idx.msk [tilespmem:v9+s12+$0x0], $0xffff  }
0x18d: {  	s24 =	sor.u32 s8, s3;
	v37 =	vadd.s32 $0x9, v25;
	v50 =	vld.idx.msk [tilespmem:v13+s12+$0x0], $0xffff  }
0x18e: {  	v11 =	vadd.s32 $0x29, v25;
	vm8 =	vle.f32 v0, v21;
	v12 =	vadd.s32 $0x2, v3;
	v18 =	vld.idx.msk [tilespmem:v62+s24+$0x0 ss:$0x1], $0xffff  }
0x18f: {  	v5 =	vadd.s32 $0x34, v25;
	v31 =	vld.idx.msk [tilespmem:v59+s12+$0x0], $0xffff;
	v59 =	vsel vm8, v12, v3  }
0x190: {  	v6 =	vld.idx.msk [tilespmem:v27+s12+$0x0], $0xffff;
	v27 =	vadd.s32 $0x39, v25;
	v63 =	vor.u32 $0x8, v46;
	vm9 =	vle.f32 v44, v29  }
0x191: {  	v9 =	vld.idx.msk [tilespmem:v51+s12+$0x0], $0xffff;
	v3 =	vadd.s32 $0x22, v25;
	v53 =	vshrl.u32 v59, $0x1;
	v44 =	vsel vm9, v63, v46  }
0x192: {  	v30 =	vld.idx.msk [tilespmem:v37+s12+$0x0], $0xffff;
	v53 =	vadd.s32 $0x1F0, v53;
	v4 =	vshrl.u32 v44, $0x3  }
0x193: {  	v37 =	vld.idx.msk [tilespmem:v11+s12+$0x0], $0xffff;
	v4 =	vadd.s32 $0x70, v4  }
0x194: {  	v55 =	vadd.s32 $0x32, v25;
	v12 =	vld.idx.msk [tilespmem:v5+s12+$0x0], $0xffff  }
0x195: {  	v54 =	vld.idx.msk [tilespmem:v27+s12+$0x0], $0xffff;
	v27 =	vadd.s32 $0x3A, v25  }
0x196: {  	v48 =	vld.idx.msk [tilespmem:v3+s12+$0x0], $0xffff;
	v3 =	vadd.s32 $0x23, v25  }
0x197: {  	v1 =	vadd.s32 $0x3B, v25;
	v63 =	vld.idx.msk [tilespmem:v53+s18+$0x0], $0xffff  }
0x198: {  	v2 =	vadd.s32 $0x24, v25;
	v4 =	vld.idx.msk [tilespmem:v4+s18+$0x0], $0xffff  }
0x199: {  	v8 =	vadd.s32 $0x2B, v25;
	v45 =	vmul.f32 v45, v17;
	v46 =	vld.idx.msk [tilespmem:v55+s12+$0x0], $0xffff  }
0x19a: {  	v0 =	vadd.s32 $0x33, v25;
	v40 =	vmul.f32 v40, v17;
	v51 =	vld.idx.msk [tilespmem:v27+s12+$0x0], $0xffff  }
0x19b: {  	v39 =	vadd.f32 v45, v39;
	v27 =	vld.idx.msk [tilespmem:v3+s12+$0x0], $0xffff;
	v3 =	vadd.s32 $0x2C, v25  }
0x19c: {  	vm10 =	vle.f32 v63, v21;
	v21 =	vadd.f32 v40, v58;
	v58 =	vld.idx.msk [tilespmem:v1+s12+$0x0], $0xffff;
	v40 =	vadd.s32 $0x3C, v25  }
0x19d: {  	v1 =	vadd.s32 $0x4, v44;
	v63 =	vld.idx.msk [tilespmem:v2+s12+$0x0], $0xffff;
	v2 =	vadd.s32 $0x1D, v25;
	vm11 =	vle.f32 v4, v29  }
0x19e: {  	v53 =	vld.idx.msk [tilespmem:v8+s12+$0x0], $0xffff;
	v4 =	vmul.f32 v49, v17;
	v49 =	vadd.s32 $0x25, v25;
	v44 =	vsel vm11, v1, v44  }
0x19f: {  	v45 =	vmul.f32 v56, v17;
	v56 =	vadd.s32 $0x2D, v25;
	v55 =	vld.idx.msk [tilespmem:v0+s12+$0x0], $0xffff;
	v0 =	vshrl.u32 v44, $0x2  }
0x1a0: {  	v52 =	vmul.f32 v52, v17;
	v11 =	vld.idx.msk [tilespmem:v3+s12+$0x0], $0xffff;
	v0 =	vadd.s32 $0xF0, v0  }
0x1a1: {  	v13 =	vld.idx.msk [tilespmem:v40+s12+$0x0], $0xffff;
	v40 =	vadd.s32 $0x35, v25  }
0x1a2: {  	v33 =	vadd.f32 v52, v33;
	v52 =	vld.idx.msk [tilespmem:v2+s12+$0x0], $0xffff  }
0x1a3: {  	v8 =	vadd.f32 v45, v34;
	v1 =	vimm.s32 $0x0;
	v45 =	vld.idx.msk [tilespmem:v49+s12+$0x0], $0xffff  }
0x1a4: {  	s22 =	sor.u32 $0x100, s0;
	v2 =	vsel vm10, $0x1, v1;
	v49 =	vld.idx.msk [tilespmem:v56+s12+$0x0], $0xffff  }
0x1a5: {  	v2 =	vadd.s32 v2, v59;
	v3 =	vld.idx.msk [tilespmem:v0+s18+$0x0], $0xffff;
	[smem:$0x7F2] =	sst s22  }
0x1a6: {  	vm12 =	vle.f32 v42, v18;
	v56 =	vmin.u32 v2, $0x3FF;
	v2 =	vld.idx.msk [tilespmem:v40+s12+$0x0], $0xffff  }
0x1a7: {  	v0 =	vsel vm12, $0x8, v1;
	v1 =	vadd.s32 $0x2E, v25;
	_ =	sdelay $0x3  }
0x1a8: {  	v34 =	vadd.s32 $0x3D, v25;
	[tilespmem:$0x1F8D0] =	vst v2  }
0x1a9: {  	v59 =	vadd.s32 $0x26, v25;
	v1 =	vld.idx.msk [tilespmem:v1+s12+$0x0], $0xffff  }
0x1aa: {  	v57 =	vmul.f32 v57, v17;
	v2 =	vadd.s32 $0x36, v25  }
0x1ab: {  	v6 =	vmul.f32 v6, v17  }
0x1ac: {  	v57 =	vadd.f32 v57, v41;
	v41 =	vadd.s32 $0x3E, v25;
	v25 =	vld.idx.msk [tilespmem:v62+s22+$0x0 ss:$0x1], $0xffff  }
0x1ad: {  	v6 =	vadd.f32 v6, v47;
	v47 =	vld.idx.msk [tilespmem:v34+s12+$0x0], $0xffff  }
0x1ae: {  	v34 =	vld.idx.msk [tilespmem:v59+s12+$0x0], $0xffff;
	[tilespmem:$0x1F910] =	vst v1  }
0x1af: {  	v60 =	vmul.f32 v60, v17;
	v17 =	vor.u32 $0x3, v0;
	v2 =	vld.idx.msk [tilespmem:v2+s12+$0x0], $0xffff  }
0x1b0: {  	v38 =	vadd.f32 v4, v38;
	v4 =	vmov v10;
	v10 =	vperm.xlane v10, v17;
	_ =	sdelay $0x1  }
0x1b1: {  	vm13 =	vle.f32 v10, v18;
	v10 =	vor.u32 $0x4, v0  }
0x1b2: {  	v0 =	vsel vm13, v10, v0  }
0x1b3: {  	v17 =	vmul.u32 $0x41, v56;
	v1 =	vor.u32 $0x1, v0;
	[tilespmem:$0x1F920] =	vst v2  }
0x1b4: {  	v2 =	vperm.xlane v4, v1;
	v1 =	vld.idx.msk [tilespmem:v41+s12+$0x0], $0xffff  }
0x1b5: {  	v59 =	vadd.s32 $0x10, v17;
	_ =	sdelay $0x3  }
0x1b6: {  	vm15 =	vle.f32 v2, v18;
	v2 =	vor.u32 $0x2, v0;
	[tilespmem:$0x1F930] =	vst v1  }
0x1b7: {  	v40 =	vadd.s32 $0x8, v17;
	v0 =	vsel vm15, v2, v0;
	v2 =	vld.idx.msk [tilespmem:v59+s12+$0x0], $0xffff  }
0x1b8: {  	v5 =	vadd.s32 $0x18, v17;
	_ =	sdelay $0x3  }
0x1b9: {  	v24 =	vld.idx.msk [tilespmem:v40+s12+$0x0], $0xffff;
	[tilespmem:$0x1F940] =	vst v2  }
0x1ba: {  	v5 =	vld.idx.msk [tilespmem:v5+s12+$0x0], $0xffff  }
0x1bb: {  	vm14 =	vle.f32 v3, v29;
	v3 =	vadd.s32 $0x20, v17;
	_ =	sdelay $0x3  }
0x1bc: {  	[tilespmem:$0x1F950] =	vst v5  }
0x1bd: {  	v42 =	vadd.s32 $0x2, v44;
	v3 =	vld.idx.msk [tilespmem:v3+s12+$0x0], $0xffff  }
0x1be: {  	v42 =	vsel vm14, v42, v44;
	v44 =	vmov v4;
	v4 =	vadd.s32 $0x28, v17;
	_ =	sdelay $0x3  }
0x1bf: {  	[tilespmem:$0x1F960] =	vst v3  }
0x1c0: {  	v4 =	vld.idx.msk [tilespmem:v4+s12+$0x0], $0xffff  }
0x1c1: {  	v5 =	vadd.s32 $0x30, v17;
	_ =	sdelay $0x2  }
0x1c2: {  	s23 =	sor.u32 $0x180, s0;
	v1 =	vshrl.u32 v42, $0x1  }
0x1c3: {  	v1 =	vadd.s32 $0x1F0, v1;
	[smem:$0x7F3] =	sst s23;
	[tilespmem:$0x1F970] =	vst v4  }
0x1c4: {  	v59 =	vmul.u32 $0x9, v56;
	v5 =	vld.idx.msk [tilespmem:v5+s12+$0x0], $0xffff  }
0x1c5: {  	v3 =	vadd.s32 $0x38, v17  }
0x1c6: {  	v4 =	vadd.s32 $0x1, v59  }
0x1c7: {  	v2 =	vmul.f32 v30, v25  }
0x1c8: {  	v61 =	vmul.f32 v61, v25;
	v1 =	vld.idx.msk [tilespmem:v1+s18+$0x0], $0xffff  }
0x1c9: {  	v2 =	vadd.f32 v2, v38;
	v38 =	vld.idx.msk [tilespmem:v62+s23+$0x0 ss:$0x1], $0xffff;
	[tilespmem:$0x1F980] =	vst v5  }
0x1ca: {  	v21 =	vadd.f32 v61, v21;
	v61 =	vld.idx.msk [tilespmem:v3+s12+$0x0], $0xffff  }
0x1cb: {  	v3 =	vld.idx.msk [tilespmem:v4+s15+$0x0], $0xffff  }
0x1cc: {  	v56 =	vadd.s32 $0x2, v59;
	_ =	sdelay $0x3  }
0x1cd: {  	v35 =	vmul.f32 v35, v25;
	[tilespmem:$0x1F990] =	vst v3  }
0x1ce: {  	v3 =	vld.idx.msk [tilespmem:v56+s15+$0x0], $0xffff  }
0x1cf: {  	v40 =	vadd.f32 v60, v28;
	v60 =	vadd.f32 v35, v39;
	v35 =	vadd.s32 $0x3, v59;
	_ =	sdelay $0x1  }
0x1d0: {  	v41 =	vperm.xlane v44, v0;
	_ =	sdelay $0x1  }
0x1d1: {  	v19 =	vimm.s32 $0x0;
	vm4 =	vle.f32 v41, v18;
	[tilespmem:$0x1F9A0] =	vst v3  }
0x1d2: {  	v44 =	vmul.f32 v31, v25;
	v10 =	vsel vm4, $0x1, v19;
	v3 =	vld.idx.msk [tilespmem:v35+s15+$0x0], $0xffff  }
0x1d3: {  	v0 =	vor.u32 v10, v0  }
0x1d4: {  	v33 =	vadd.f32 v44, v33;
	v44 =	vmul.f32 v54, v25;
	v54 =	vadd.s32 $0x4, v59  }
0x1d5: {  	v4 =	vadd.s32 $0x5, v59  }
0x1d6: {  	v5 =	vmul.f32 v9, v25  }
0x1d7: {  	[tilespmem:$0x1F9B0] =	vst v3  }
0x1d8: {  	s25 =	sor.u32 $0x200, s0;
	vm5 =	vle.f32 v1, v29;
	v1 =	vadd.f32 v5, v6;
	v5 =	vadd.f32 v44, v40;
	v44 =	vld.idx.msk [tilespmem:v0+s18+$0x0], $0xffff  }
0x1d9: {  	v37 =	vmul.f32 v37, v25;
	v39 =	vmul.f32 v36, v25;
	v25 =	vld.idx.msk [tilespmem:v54+s15+$0x0], $0xffff;
	[smem:$0x7F4] =	sst s25  }
0x1da: {  	v3 =	vld.idx.msk [tilespmem:v4+s15+$0x0], $0xffff  }
0x1db: {  	v40 =	vadd.s32 $0x6, v59;
	_ =	sdelay $0x3  }
0x1dc: {  	[tilespmem:$0x1F9C0] =	vst v3  }
0x1dd: {  	v3 =	vld.idx.msk [tilespmem:v40+s15+$0x0], $0xffff  }
0x1de: {  	v9 =	vadd.s32 $0x1, v17;
	_ =	sdelay $0x1  }
0x1df: {  	v29 =	vmul.f32 v7, v38;
	v6 =	vmul.f32 v32, v38  }
0x1e0: {  	v8 =	vadd.f32 v39, v8  }
0x1e1: {  	v6 =	vadd.f32 v6, v21;
	v21 =	vadd.f32 v29, v60;
	v60 =	vld.idx.msk [tilespmem:v62+s25+$0x0 ss:$0x1], $0xffff;
	[tilespmem:$0x1F9D0] =	vst v3  }
0x1e2: {  	v39 =	vadd.f32 v37, v57;
	v41 =	vmul.f32 v43, v38;
	v43 =	vadd.s32 $0x7, v59;
	v3 =	vld.idx.msk [tilespmem:v9+s12+$0x0], $0xffff  }
0x1e3: {  	v37 =	vmul.f32 v14, v38;
	v10 =	vmul.f32 v48, v38;
	v4 =	vadd.s32 $0x9, v17  }
0x1e4: {  	v48 =	vmul.f32 v46, v38;
	v54 =	vmul.f32 v50, v38;
	v50 =	vadd.s32 $0x11, v17  }
0x1e5: {  	v14 =	vadd.s32 $0x19, v17;
	v0 =	vshll.u32 v0, $0x6;
	v38 =	vmul.f32 v51, v38  }
0x1e6: {  	v51 =	vadd.s32 $0x31, v17;
	vm6 =	vle.f32 v44, v18;
	v44 =	vor.u32 $0x20, v0  }
0x1e7: {  	v46 =	vadd.s32 $0x21, v17;
	v29 =	vadd.f32 v41, v33;
	v0 =	vsel vm6, v44, v0;
	v43 =	vld.idx.msk [tilespmem:v43+s15+$0x0], $0xffff;
	[tilespmem:$0x1F9F0] =	vst v3  }
0x1e8: {  	s26 =	sor.u32 $0x280, s0;
	v33 =	vadd.f32 v54, v39;
	v35 =	vshrl.u32 v0, $0x5;
	v15 =	vmul.f32 v15, v60;
	v54 =	vld.idx.msk [tilespmem:v4+s12+$0x0], $0xffff  }
0x1e9: {  	v35 =	vadd.s32 $0x10, v35;
	v50 =	vld.idx.msk [tilespmem:v50+s12+$0x0], $0xffff;
	[smem:$0x7F5] =	sst s26  }
0x1ea: {  	v6 =	vadd.f32 v15, v6;
	v4 =	vadd.s32 $0x29, v17;
	v15 =	vld.idx.msk [tilespmem:v62+s26+$0x0 ss:$0x1], $0xffff  }
0x1eb: {  	v2 =	vadd.f32 v37, v2;
	v16 =	vmul.f32 v16, v60;
	v3 =	vld.idx.msk [tilespmem:v51+s12+$0x0], $0xffff  }
0x1ec: {  	v26 =	vmul.f32 v26, v60;
	v39 =	vmul.f32 v22, v60;
	v40 =	vld.idx.msk [tilespmem:v14+s12+$0x0], $0xffff  }
0x1ed: {  	v1 =	vadd.f32 v48, v1;
	v2 =	vadd.f32 v16, v2;
	v57 =	vld.idx.msk [tilespmem:v46+s12+$0x0], $0xffff  }
0x1ee: {  	v16 =	vadd.f32 v26, v21;
	v21 =	vadd.f32 v39, v29;
	v26 =	vmul.f32 v55, v60;
	v29 =	vld.idx.msk [tilespmem:v35+s18+$0x0], $0xffff  }
0x1ef: {  	v56 =	vld.idx.msk [tilespmem:v4+s12+$0x0], $0xffff  }
0x1f0: {  	v26 =	vadd.f32 v26, v1;
	v4 =	vadd.s32 $0x2, v17;
	[tilespmem:$0x1F9E0] =	vst v3;
	v1 =	vmul.f32 v20, v15;
	v3 =	vld [tilespmem:$0x1F7F0]  }
0x1f1: {  	v44 =	vmul.f32 v53, v60;
	v53 =	vld.idx.msk [tilespmem:v59+s15+$0x0], $0xffff  }
0x1f2: {  	v59 =	vadd.f32 v1, v6;
	v1 =	vld [tilespmem:$0x1F800];
	_ =	sdelay $0x1  }
0x1f3: {  	v32 =	vadd.s32 $0x39, v17  }
0x1f4: {  	v48 =	vmul.f32 v3, v15;
	v3 =	vld.idx.msk [tilespmem:v4+s12+$0x0], $0xffff;
	_ =	sdelay $0x1  }
0x1f5: {  	v1 =	vmul.f32 v1, v15  }
0x1f6: {  	s11 =	sadd.s32 s9, s16;
	v5 =	vadd.f32 v38, v5;
	v41 =	vmul.f32 v27, v60;
	v27 =	vmul.f32 v58, v60  }
0x1f7: {  	s2 =	sadd.s32 $0x1000, s11;
	vm7 =	vle.f32 v29, v18;
	v58 =	vld.idx.msk [tilespmem:v32+s12+$0x0], $0xffff;
	v38 =	vadd.f32 v1, v16;
	v1 =	vor.u32 $0x10, v0  }
0x1f8: {  	s1 =	sadd.s32 s19, s2;
	[tilespmem:$0x1FA00] =	vst v3;
	v3 =	vadd.f32 v48, v2;
	v2 =	vsel vm7, v1, v0;
	v0 =	vld [tilespmem:$0x1F810]  }
0x1f9: {  	v55 =	vld [tilespmem:s1+$0x0];
	_ =	sdelay $0x4  }
0x1fa: {  	v39 =	vmul.f32 v0, v55;
	v0 =	vld [tilespmem:$0x1F820];
	_ =	sdelay $0x4  }
0x1fb: {  	v35 =	vmul.f32 v0, v55;
	v0 =	vld [tilespmem:$0x1F830];
	_ =	sdelay $0x4  }
0x1fc: {  	v8 =	vadd.f32 v10, v8;
	v10 =	vmul.f32 v0, v55;
	v0 =	vld [tilespmem:$0x1F840];
	_ =	sdelay $0x2  }
0x1fd: {  	v46 =	vadd.s32 $0xA, v17  }
0x1fe: {  	v20 =	vadd.s32 $0x12, v17  }
0x1ff: {  	v19 =	vmul.f32 v0, v55;
	v0 =	vld [tilespmem:$0x1F850];
	_ =	sdelay $0x2  }
0x200: {  	v48 =	vld.idx.msk [tilespmem:v46+s12+$0x0], $0xffff  }
0x201: {  	v46 =	vld.idx.msk [tilespmem:v20+s12+$0x0], $0xffff  }
0x202: {  	v20 =	vmul.f32 v0, v55;
	v0 =	vld [tilespmem:$0x1F860];
	_ =	sdelay $0x1  }
0x203: {  	v5 =	vadd.f32 v27, v5;
	v27 =	vadd.s32 $0x1A, v17  }
0x204: {  	s13 =	sand.u32 $0x3, s6;
	v6 =	vmul.f32 v23, v15;
	v4 =	vadd.s32 $0x22, v17  }
0x205: {  	v23 =	vadd.s32 $0x2A, v17;
	s1 =	sshll.u32 s13, $0x5  }
0x206: {  	v14 =	vadd.f32 v6, v21;
	s1 =	sadd.s32 $0x0, s1;
	v21 =	vmul.f32 v0, v55;
	v0 =	vld [tilespmem:$0x1F870]  }
0x207: {  	s11 =	sadd.s32 $0x10, s1  }
0x208: {  	v29 =	vmul.f32 v63, v15;
	v63 =	vld.idx.msk [tilespmem:v27+s12+$0x0], $0xffff;
	s13 =	sor.u32 $0x300, s11  }
0x209: {  	v51 =	vld.idx.msk [tilespmem:v4+s12+$0x0], $0xffff;
	[smem:$0x7F6] =	sst s13  }
0x20a: {  	v8 =	vadd.f32 v41, v8;
	v16 =	vadd.s32 $0x3A, v17;
	v41 =	vld.idx.msk [tilespmem:v23+s12+$0x0], $0xffff  }
0x20b: {  	v23 =	vmul.f32 v0, v55;
	v0 =	vld [tilespmem:$0x1F880];
	_ =	sdelay $0x1  }
0x20c: {  	v9 =	vadd.f32 v44, v33  }
0x20d: {  	v11 =	vmul.f32 v11, v15;
	v4 =	vadd.s32 $0x3, v17;
	v6 =	vshrl.u32 v2, $0x4;
	v33 =	vld.idx.msk [tilespmem:v62+s13+$0x0 ss:$0x1], $0xffff  }
0x20e: {  	v12 =	vmul.f32 v12, v15;
	v13 =	vmul.f32 v13, v15;
	v15 =	vadd.s32 $0x30, v6;
	v44 =	vld.idx.msk [tilespmem:v16+s12+$0x0], $0xffff  }
0x20f: {  	v16 =	vmul.f32 v0, v55;
	v0 =	vld [tilespmem:$0x1F890];
	_ =	sdelay $0x2  }
0x210: {  	v55 =	vld.idx.msk [tilespmem:v4+s12+$0x0], $0xffff  }
0x211: {  	v1 =	vadd.s32 $0x32, v17;
	v4 =	vld.idx.msk [tilespmem:v15+s18+$0x0], $0xffff  }
0x212: {  	v15 =	vmul.f32 v0, v33;
	v0 =	vld [tilespmem:$0x1F8A0];
	_ =	sdelay $0x2  }
0x213: {  	v32 =	vadd.s32 $0xB, v17  }
0x214: {  	v9 =	vadd.f32 v11, v9;
	v27 =	vadd.s32 $0x13, v17;
	v37 =	vld.idx.msk [tilespmem:v1+s12+$0x0], $0xffff  }
0x215: {  	v11 =	vadd.f32 v12, v26;
	v1 =	vadd.s32 $0x1B, v17;
	v26 =	vmul.f32 v0, v33;
	v0 =	vld [tilespmem:$0x1F8B0];
	_ =	sdelay $0x2  }
0x216: {  	s14 =	sor.u32 $0x380, s11;
	v31 =	vld.idx.msk [tilespmem:v32+s12+$0x0], $0xffff  }
0x217: {  	v22 =	vadd.s32 $0x2B, v17;
	v30 =	vld.idx.msk [tilespmem:v27+s12+$0x0], $0xffff;
	[smem:$0x7F7] =	sst s14  }
0x218: {  	v8 =	vadd.f32 v29, v8;
	v12 =	vadd.f32 v13, v5;
	v29 =	vld.idx.msk [tilespmem:v1+s12+$0x0], $0xffff;
	v0 =	vmul.f32 v0, v33  }
0x219: {  	v5 =	vadd.s32 $0x23, v17;
	v60 =	vor.u32 $0x8, v2;
	v27 =	vadd.s32 $0x33, v17;
	v1 =	vld [tilespmem:$0x1F8C0]  }
0x21a: {  	vm8 =	vle.f32 v4, v18;
	v4 =	vmul.f32 v45, v33;
	v7 =	vadd.f32 v0, v38;
	v0 =	vld.idx.msk [tilespmem:v62+s14+$0x0 ss:$0x1], $0xffff  }
0x21b: {  	v32 =	vadd.s32 $0x4, v17;
	v52 =	vmul.f32 v52, v33;
	v2 =	vsel vm8, v60, v2  }
0x21c: {  	v15 =	vadd.f32 v15, v59;
	v59 =	vld.idx.msk [tilespmem:v22+s12+$0x0], $0xffff;
	v8 =	vadd.f32 v4, v8;
	v4 =	vshrl.u32 v2, $0x3  }
0x21d: {  	v6 =	vadd.f32 v26, v3;
	v26 =	vadd.s32 $0x3B, v17;
	v3 =	vadd.s32 $0x70, v4;
	v4 =	vld [tilespmem:$0x1F8E0]  }
0x21e: {  	v60 =	vadd.s32 $0x1C, v17;
	v38 =	vadd.f32 v52, v14;
	v52 =	vld.idx.msk [tilespmem:v5+s12+$0x0], $0xffff  }
0x21f: {  	v36 =	vmul.f32 v49, v33;
	v5 =	vadd.s32 $0xC, v17;
	v22 =	vmul.f32 v1, v0;
	v1 =	vld [tilespmem:$0x1F8D0]  }
0x220: {  	v49 =	vadd.s32 $0x14, v17;
	v28 =	vld.idx.msk [tilespmem:v32+s12+$0x0], $0xffff  }
0x221: {  	v45 =	vadd.f32 v36, v9;
	v14 =	vld.idx.msk [tilespmem:v27+s12+$0x0], $0xffff  }
0x222: {  	v27 =	vld.idx.msk [tilespmem:v26+s12+$0x0], $0xffff;
	v26 =	vadd.s32 $0x24, v17;
	v36 =	vmul.f32 v4, v0;
	v15 =	vadd.f32 v22, v15  }
0x223: {  	v9 =	vld.idx.msk [tilespmem:v60+s12+$0x0], $0xffff  }
0x224: {  	v13 =	vld.idx.msk [tilespmem:v5+s12+$0x0], $0xffff;
	v6 =	vadd.f32 v36, v6;
	v36 =	vadd.f32 v39, v15;
	v1 =	vmul.f32 v1, v33  }
0x225: {  	v22 =	vld.idx.msk [tilespmem:v49+s12+$0x0], $0xffff;
	v33 =	vmul.f32 v47, v33  }
0x226: {  	[tilespmem:$0x1FA80] =	vst v36;
	v11 =	vadd.f32 v1, v11;
	v1 =	vld [tilespmem:$0x1F8F0]  }
0x227: {  	v4 =	vadd.f32 v33, v12;
	v12 =	vld.idx.msk [tilespmem:v26+s12+$0x0], $0xffff  }
0x228: {  	v26 =	vld [tilespmem:$0x1F910];
	_ =	sdelay $0x2  }
0x229: {  	v39 =	vld [tilespmem:$0x1F900]  }
0x22a: {  	v5 =	vadd.s32 $0x2C, v17  }
0x22b: {  	v6 =	vadd.f32 v35, v6;
	v32 =	vmul.f32 v1, v0;
	v60 =	vmul.f32 v26, v0;
	v26 =	vld [tilespmem:$0x1F920]  }
0x22c: {  	v49 =	vadd.s32 $0x34, v17  }
0x22d: {  	[tilespmem:$0x1FAD0] =	vst v6;
	v1 =	vadd.s32 $0x3C, v17;
	v7 =	vadd.f32 v32, v7  }
0x22e: {  	v3 =	vld.idx.msk [tilespmem:v3+s18+$0x0], $0xffff;
	v15 =	vmul.f32 v39, v0  }
0x22f: {  	v33 =	vmul.f32 v34, v0;
	v34 =	vld.idx.msk [tilespmem:v5+s12+$0x0], $0xffff;
	v7 =	vadd.f32 v10, v7  }
0x230: {  	v15 =	vadd.f32 v15, v38;
	v47 =	vmul.f32 v26, v0;
	v26 =	vld [tilespmem:$0x1F930]  }
0x231: {  	v38 =	vld.idx.msk [tilespmem:v49+s12+$0x0], $0xffff;
	[tilespmem:$0x1FB30] =	vst v7;
	v7 =	vadd.f32 v33, v8  }
0x232: {  	v33 =	vld.idx.msk [tilespmem:v1+s12+$0x0], $0xffff;
	v1 =	vadd.f32 v19, v15  }
0x233: {  	s19 =	smov.u32 s4;
	s4 =	sor.u32 $0x80, s4;
	v6 =	vadd.s32 $0x5, v17;
	v7 =	vadd.f32 v20, v7  }
0x234: {  	v5 =	vadd.s32 $0xD, v17;
	[dreg:$0x5] =	wrdreg s4;
	[tilespmem:$0x1FB40] =	vst v1;
	v1 =	vadd.f32 v60, v45  }
0x235: {  	v49 =	vadd.s32 $0x15, v17;
	v0 =	vmul.f32 v26, v0;
	v60 =	vld.idx.msk [tilespmem:v62+s4+$0x0 ss:$0x1], $0xffff;
	[tilespmem:$0x1FB50] =	vst v7;
	v7 =	vadd.f32 v47, v11  }
0x236: {  	v1 =	vadd.f32 v21, v1  }
0x237: {  	v0 =	vadd.f32 v0, v4;
	v4 =	vadd.f32 v23, v7  }
0x238: {  	v36 =	vld.idx.msk [tilespmem:v6+s12+$0x0], $0xffff;
	[tilespmem:$0x1FB60] =	vst v1  }
0x239: {  	v47 =	vld.idx.msk [tilespmem:v5+s12+$0x0], $0xffff;
	[tilespmem:$0x1FB70] =	vst v4;
	v0 =	vadd.f32 v16, v0  }
0x23a: {  	v32 =	vld.idx.msk [tilespmem:v49+s12+$0x0], $0xffff  }
0x23b: {  	[tilespmem:$0x1FB80] =	vst v0;
	v0 =	vld [tilespmem:$0x1F940];
	_ =	sdelay $0x4  }
0x23c: {  	v7 =	vmul.f32 v0, v60;
	v0 =	vld [tilespmem:$0x1F950];
	_ =	sdelay $0x4  }
0x23d: {  	v16 =	vmul.f32 v0, v60;
	v0 =	vld [tilespmem:$0x1F960];
	_ =	sdelay $0x4  }
0x23e: {  	v19 =	vmul.f32 v0, v60;
	v0 =	vld [tilespmem:$0x1F970];
	_ =	sdelay $0x3  }
0x23f: {  	v1 =	vadd.s32 $0x2D, v17  }
0x240: {  	v20 =	vmul.f32 v0, v60;
	v0 =	vld [tilespmem:$0x1F980];
	_ =	sdelay $0x3  }
0x241: {  	v11 =	vld.idx.msk [tilespmem:v1+s12+$0x0], $0xffff  }
0x242: {  	v1 =	vmul.f32 v0, v60;
	v0 =	vld [tilespmem:$0x1F990];
	_ =	sdelay $0x2  }
0x243: {  	v5 =	vmul.f32 v24, v60;
	_ =	sdelay $0x1  }
0x244: {  	v5 =	vadd.f32 v5, v0;
	v0 =	vld [tilespmem:$0x1F9A0]  }
0x245: {  	v15 =	vadd.s32 $0x1D, v17  }
0x246: {  	vm9 =	vle.f32 v3, v18;
	v3 =	vadd.s32 $0x4, v2;
	v6 =	vadd.s32 $0x25, v17  }
0x247: {  	v8 =	vsel vm9, v3, v2  }
0x248: {  	v2 =	vshrl.u32 v8, $0x2;
	v4 =	vadd.s32 $0x35, v17;
	v3 =	vld.idx.msk [tilespmem:v17+s12+$0x0], $0xffff  }
0x249: {  	v21 =	vadd.s32 $0xF0, v2;
	v2 =	vadd.f32 v7, v0;
	v0 =	vld [tilespmem:$0x1F9B0]  }
0x24a: {  	s21 =	sor.u32 $0x100, s19;
	v45 =	vld.idx.msk [tilespmem:v15+s12+$0x0], $0xffff  }
0x24b: {  	v49 =	vld.idx.msk [tilespmem:v6+s12+$0x0], $0xffff;
	[dreg:$0x6] =	wrdreg s21  }
0x24c: {  	v6 =	vadd.s32 $0x6, v17;
	v39 =	vld.idx.msk [tilespmem:v62+s21+$0x0 ss:$0x1], $0xffff  }
0x24d: {  	v23 =	vmul.f32 v61, v60;
	v61 =	vld.idx.msk [tilespmem:v4+s12+$0x0], $0xffff;
	v10 =	vmul.f32 v3, v60;
	v60 =	vimm.s32 $0x0  }
0x24e: {  	v4 =	vadd.s32 $0x16, v17;
	v3 =	vsel vm5, $0x1, v60;
	v16 =	vadd.f32 v16, v0;
	v0 =	vld [tilespmem:$0x1F9C0]  }
0x24f: {  	v15 =	vadd.s32 $0x3D, v17;
	v42 =	vadd.s32 v3, v42  }
0x250: {  	v7 =	vmin.u32 v42, $0x3FF  }
0x251: {  	v35 =	vadd.s32 $0xE, v17;
	v26 =	vld.idx.msk [tilespmem:v6+s12+$0x0], $0xffff;
	v6 =	vadd.f32 v19, v25;
	v25 =	vmul.u32 $0x41, v7  }
0x252: {  	v57 =	vmul.f32 v57, v39  }
0x253: {  	v20 =	vadd.f32 v20, v0;
	v0 =	vmul.f32 v54, v39;
	v54 =	vld.idx.msk [tilespmem:v4+s12+$0x0], $0xffff;
	v4 =	vadd.s32 $0x7, v25  }
0x254: {  	v24 =	vld.idx.msk [tilespmem:v15+s12+$0x0], $0xffff  }
0x255: {  	v6 =	vadd.f32 v57, v6;
	v57 =	vld [tilespmem:$0x1F9E0]  }
0x256: {  	v56 =	vmul.f32 v56, v39;
	v42 =	vld.idx.msk [tilespmem:v35+s12+$0x0], $0xffff;
	v35 =	vadd.s32 $0x2E, v17  }
0x257: {  	v3 =	vld [tilespmem:$0x1F9D0]  }
0x258: {  	v15 =	vadd.s32 $0x1E, v17;
	v20 =	vadd.f32 v56, v20;
	v56 =	vld.idx.msk [tilespmem:v4+s12+$0x0], $0xffff  }
0x259: {  	v40 =	vmul.f32 v40, v39;
	v4 =	vld [tilespmem:$0x1F9F0]  }
0x25a: {  	v19 =	vld.idx.msk [tilespmem:v21+s18+$0x0], $0xffff;
	v21 =	vadd.s32 $0x26, v17  }
0x25b: {  	v23 =	vadd.f32 v23, v43;
	v16 =	vadd.f32 v40, v16;
	v40 =	vld.idx.msk [tilespmem:v35+s12+$0x0], $0xffff;
	v35 =	vadd.s32 $0x27, v25  }
0x25c: {  	s9 =	sor.u32 s9, s6;
	v10 =	vadd.f32 v10, v53;
	v53 =	vmul.f32 v57, v39;
	v1 =	vadd.f32 v1, v3  }
0x25d: {  	s25 =	sor.u32 $0x180, s9;
	v3 =	vadd.f32 v0, v5;
	v5 =	vmul.f32 v50, v39;
	v50 =	vld.idx.msk [tilespmem:v15+s12+$0x0], $0xffff;
	v15 =	vadd.s32 $0xF, v25  }
0x25e: {  	v43 =	vld.idx.msk [tilespmem:v62+s25+$0x0 ss:$0x1], $0xffff;
	v0 =	vadd.s32 $0x17, v25;
	v4 =	vmul.f32 v4, v39;
	v39 =	vmul.f32 v58, v39  }
0x25f: {  	v5 =	vadd.f32 v5, v2;
	v2 =	vld.idx.msk [tilespmem:v21+s12+$0x0], $0xffff  }
0x260: {  	v21 =	vadd.s32 $0x1F, v25;
	v39 =	vadd.f32 v39, v23;
	v23 =	vld.idx.msk [tilespmem:v35+s12+$0x0], $0xffff  }
0x261: {  	v35 =	vld [tilespmem:$0x1FA00]  }
0x262: {  	v57 =	vld.idx.msk [tilespmem:v15+s12+$0x0], $0xffff;
	v15 =	vadd.s32 $0x2F, v25  }
0x263: {  	v1 =	vadd.f32 v53, v1;
	v53 =	vld.idx.msk [tilespmem:v0+s12+$0x0], $0xffff;
	v0 =	vadd.s32 $0x37, v25  }
0x264: {  	s22 =	sor.u32 $0x200, s19;
	v48 =	vmul.f32 v48, v43;
	v4 =	vadd.f32 v4, v10;
	v10 =	vmul.f32 v46, v43  }
0x265: {  	v41 =	vmul.f32 v41, v43;
	v21 =	vld.idx.msk [tilespmem:v21+s12+$0x0], $0xffff;
	v58 =	vmul.f32 v63, v43;
	v46 =	vadd.s32 $0x3F, v25;
	[dreg:$0x7] =	wrdreg s22  }
0x266: {  	v63 =	vadd.s32 $0x6, v25;
	v5 =	vadd.f32 v10, v5;
	v10 =	vmul.f32 v35, v43;
	v35 =	vld.idx.msk [tilespmem:v62+s22+$0x0 ss:$0x1], $0xffff  }
0x267: {  	v3 =	vadd.f32 v48, v3;
	v48 =	vadd.f32 v58, v16;
	v58 =	vmul.f32 v51, v43;
	v16 =	vld.idx.msk [tilespmem:v15+s12+$0x0], $0xffff  }
0x268: {  	s2 =	sadd.s32 s7, s2;
	v20 =	vadd.f32 v41, v20;
	v15 =	vmul.f32 v37, v43;
	v51 =	vld.idx.msk [tilespmem:v0+s12+$0x0], $0xffff;
	v0 =	vadd.s32 $0xE, v25  }
0x269: {  	v41 =	vmul.f32 v44, v43;
	v37 =	vadd.s32 $0x16, v25;
	v6 =	vadd.f32 v58, v6;
	v58 =	vld [tilespmem:s2+$0x0]  }
0x26a: {  	v1 =	vadd.f32 v15, v1;
	v15 =	vadd.s32 $0x1E, v25;
	v4 =	vadd.f32 v10, v4;
	v10 =	vld.idx.msk [tilespmem:v46+s12+$0x0], $0xffff;
	[dreg:$0xa] =	wrdreg s19  }
0x26b: {  	s21 =	sor.u32 $0x280, s19;
	v43 =	vadd.s32 $0x5, v25;
	v46 =	vld.idx.msk [tilespmem:v63+s12+$0x0], $0xffff;
	v30 =	vmul.f32 v30, v35  }
0x26c: {  	v39 =	vadd.f32 v41, v39;
	v44 =	vld.idx.msk [tilespmem:v62+s21+$0x0 ss:$0x1], $0xffff;
	v63 =	vadd.s32 $0xD, v25;
	v29 =	vmul.f32 v29, v35  }
0x26d: {  	v41 =	vld.idx.msk [tilespmem:v0+s12+$0x0], $0xffff;
	v31 =	vmul.f32 v31, v35;
	v5 =	vadd.f32 v30, v5;
	v30 =	vmul.f32 v52, v35  }
0x26e: {  	s23 =	sadd.s32 s3, s16;
	v0 =	vadd.f32 v29, v48;
	v29 =	vmul.f32 v59, v35;
	v52 =	vmul.f32 v14, v35;
	v14 =	vld.idx.msk [tilespmem:v37+s12+$0x0], $0xffff  }
0x26f: {  	s26 =	sadd.s32 $0x1000, s23;
	v3 =	vadd.f32 v31, v3;
	v31 =	vld.idx.msk [tilespmem:v15+s12+$0x0], $0xffff  }
0x270: {  	s22 =	sor.u32 $0x300, s1;
	s1 =	sadd.s32 s8, s26;
	v20 =	vadd.f32 v29, v20;
	v29 =	vld.idx.msk [tilespmem:v43+s12+$0x0], $0xffff;
	[dreg:$0x4] =	wrdreg s16  }
0x271: {  	v27 =	vmul.f32 v27, v35;
	v59 =	vmul.f32 v55, v35;
	v35 =	vadd.f32 v30, v6;
	v6 =	vld [tilespmem:s1+$0x0]  }
0x272: {  	v15 =	vadd.s32 $0x15, v25  }
0x273: {  	vm10 =	vle.f32 v19, v18;
	v30 =	vmul.f32 v13, v44;
	v13 =	vld.idx.msk [tilespmem:v63+s12+$0x0], $0xffff;
	v63 =	vadd.s32 $0x4, v25  }
0x274: {  	v7 =	vmul.u32 $0x9, v7;
	v19 =	vadd.s32 $0x2, v25;
	v22 =	vmul.f32 v22, v44  }
0x275: {  	s2 =	sadd.s32 s10, s26;
	v9 =	vmul.f32 v9, v44;
	v12 =	vmul.f32 v12, v44;
	v1 =	vadd.f32 v52, v1;
	v52 =	vld.idx.msk [tilespmem:v62+s22+$0x0 ss:$0x1], $0xffff  }
0x276: {  	s19 =	simm.s32 $0x40;
	v27 =	vadd.f32 v27, v39;
	v34 =	vmul.f32 v34, v44;
	v43 =	vmul.f32 v28, v44;
	v28 =	vld [tilespmem:s2+$0x0];
	[tilespmem:$0x1FA10] =	vst v6  }
0x277: {  	s4 =	sor.u32 s6, s6;
	s6 =	sand.u32 $0x60, s19;
	v55 =	vmul.f32 v38, v44;
	v4 =	vadd.f32 v59, v4;
	v59 =	vadd.s32 $0x1, v7;
	v37 =	vld.idx.msk [tilespmem:v15+s12+$0x0], $0xffff  }
0x278: {  	s26 =	sor.u32 $0x380, s4;
	s7 =	sor.u32 $0x10, s6;
	v33 =	vmul.f32 v33, v44;
	v3 =	vadd.f32 v30, v3;
	v15 =	vadd.s32 $0x2, v8;
	v38 =	vld.idx.msk [tilespmem:v63+s12+$0x0], $0xffff  }
0x279: {  	s13 =	sor.u32 $0x80, s5;
	v20 =	vadd.f32 v34, v20;
	v34 =	vadd.s32 $0x4, v7;
	v30 =	vld.idx.msk [tilespmem:v62+s26+$0x0 ss:$0x1], $0xffff;
	[dreg:$0x13] =	wrdreg s7;
	v39 =	vsel vm10, v15, v8  }
0x27a: {  	v5 =	vadd.f32 v22, v5;
	v9 =	vadd.f32 v9, v0;
	v44 =	vld.idx.msk [tilespmem:v62+s13+$0x0 ss:$0x1], $0xffff;
	v15 =	vshrl.u32 v39, $0x1  }
0x27b: {  	v1 =	vadd.f32 v55, v1;
	v55 =	vmul.f32 v32, v52;
	v0 =	vld.idx.msk [tilespmem:v19+s12+$0x0], $0xffff;
	v63 =	vadd.s32 $0x1F0, v15  }
0x27c: {  	s14 =	simm.s32 $0x200;
	v8 =	vadd.s32 $0xA, v25;
	v22 =	vld.idx.msk [tilespmem:v59+s15+$0x0], $0xffff  }
0x27d: {  	s29 =	sand.u32 $0xC00, s14;
	v5 =	vadd.f32 v55, v5;
	v55 =	vmul.f32 v11, v52;
	v11 =	vld.idx.msk [tilespmem:v7+s15+$0x0], $0xffff  }
0x27e: {  	s28 =	sor.u32 s29, s7;
	v48 =	vmul.f32 v47, v52;
	v19 =	vadd.s32 $0x2, v7;
	v34 =	vld.idx.msk [tilespmem:v34+s15+$0x0], $0xffff  }
0x27f: {  	v27 =	vadd.f32 v33, v27;
	v33 =	vadd.s32 $0x3, v7;
	v12 =	vadd.f32 v12, v35;
	v15 =	vld.idx.msk [tilespmem:v62+s28+$0x0 ss:$0x1], $0xffff  }
0x280: {  	v43 =	vadd.f32 v43, v4;
	v36 =	vmul.f32 v36, v52;
	v3 =	vadd.f32 v48, v3;
	v35 =	vld.idx.msk [tilespmem:v63+s18+$0x0], $0xffff  }
0x281: {  	v59 =	vmul.f32 v45, v52;
	v48 =	vmul.f32 v49, v52;
	v49 =	vadd.s32 $0x5, v7;
	v4 =	vld.idx.msk [tilespmem:v8+s12+$0x0], $0xffff  }
0x282: {  	v24 =	vmul.f32 v24, v52;
	v8 =	vadd.f32 v55, v20;
	v55 =	vld [tilespmem:$0x1FC40];
	v63 =	vadd.s32 $0x6, v7  }
0x283: {  	v9 =	vadd.f32 v59, v9;
	v59 =	vmul.f32 v61, v52;
	v19 =	vld.idx.msk [tilespmem:v19+s15+$0x0], $0xffff;
	v7 =	vadd.s32 $0x7, v7  }
0x284: {  	v32 =	vadd.f32 v36, v43;
	v26 =	vmul.f32 v26, v30;
	v20 =	vld.idx.msk [tilespmem:v33+s15+$0x0], $0xffff;
	v33 =	vadd.s32 $0x1, v25  }
0x285: {  	v43 =	vadd.s32 $0x9, v25;
	vm12 =	vle.f32 v35, v18;
	v35 =	vadd.f32 v59, v1;
	v59 =	vld [tilespmem:$0x1FC50]  }
0x286: {  	v12 =	vadd.f32 v48, v12;
	v45 =	vld.idx.msk [tilespmem:v49+s15+$0x0], $0xffff;
	v6 =	vadd.f32 v26, v32;
	v26 =	vmul.f32 v42, v30  }
0x287: {  	v32 =	vadd.s32 $0x18, v25;
	vm11 =	vle.f32 v55, v15;
	v47 =	vld.idx.msk [tilespmem:v63+s15+$0x0], $0xffff;
	v63 =	vadd.s32 $0x10, v25  }
0x288: {  	v3 =	vadd.f32 v26, v3;
	v18 =	vsel vm11, $0x8, v60;
	v60 =	vadd.s32 $0x8, v25;
	v7 =	vld.idx.msk [tilespmem:v7+s15+$0x0], $0xffff;
	[tilespmem:$0x1FA20] =	vst v6  }
0x289: {  	v26 =	vmul.f32 v54, v30;
	v1 =	vadd.f32 v24, v27;
	v61 =	vor.u32 $0x3, v18;
	v27 =	vld.idx.msk [tilespmem:v33+s12+$0x0], $0xffff  }
0x28a: {  	v2 =	vmul.f32 v2, v30;
	v33 =	vld.idx.msk [tilespmem:v43+s12+$0x0], $0xffff;
	[tilespmem:$0x1FA30] =	vst v3;
	v24 =	vperm.xlane v59, v61  }
0x28b: {  	v36 =	vadd.s32 $0x20, v25;
	v42 =	vmul.f32 v50, v30;
	v5 =	vadd.f32 v26, v5;
	v49 =	vld.idx.msk [tilespmem:v25+s12+$0x0], $0xffff  }
0x28c: {  	v2 =	vadd.f32 v2, v12;
	v43 =	vld.idx.msk [tilespmem:v63+s12+$0x0], $0xffff;
	vm13 =	vle.f32 v24, v15;
	v24 =	vor.u32 $0x4, v18  }
0x28d: {  	v3 =	vsel vm13, v24, v18;
	v18 =	vadd.s32 $0x28, v25;
	v24 =	vld.idx.msk [tilespmem:v60+s12+$0x0], $0xffff;
	[tilespmem:$0x1FA40] =	vst v5  }
0x28e: {  	v6 =	vadd.f32 v42, v9;
	v60 =	vadd.s32 $0x30, v25;
	v26 =	vld.idx.msk [tilespmem:v32+s12+$0x0], $0xffff;
	[tilespmem:$0x1FA60] =	vst v2;
	v2 =	vmul.f32 v40, v30  }
0x28f: {  	v63 =	vadd.s32 $0x38, v25;
	v61 =	vor.u32 $0x1, v3  }
0x290: {  	v50 =	vadd.s32 $0x11, v25;
	[tilespmem:$0x1FA50] =	vst v6;
	v5 =	vperm.xlane v59, v61;
	v2 =	vadd.f32 v2, v8  }
0x291: {  	v48 =	vadd.s32 $0x29, v25;
	v9 =	vld.idx.msk [tilespmem:v36+s12+$0x0], $0xffff  }
0x292: {  	v54 =	vor.u32 $0x2, v3;
	vm14 =	vle.f32 v5, v15;
	v5 =	vld.idx.msk [tilespmem:v18+s12+$0x0], $0xffff;
	[tilespmem:$0x1FA70] =	vst v2  }
0x293: {  	v18 =	vadd.s32 $0x19, v25;
	v2 =	vsel vm14, v54, v3;
	v3 =	vld.idx.msk [tilespmem:v60+s12+$0x0], $0xffff  }
0x294: {  	v24 =	vmul.f32 v24, v44;
	v60 =	vadd.s32 $0x21, v25;
	v63 =	vld.idx.msk [tilespmem:v63+s12+$0x0], $0xffff  }
0x295: {  	v61 =	vmul.f32 v49, v44;
	v32 =	vld.idx.msk [tilespmem:v50+s12+$0x0], $0xffff;
	v50 =	vadd.s32 $0x31, v25  }
0x296: {  	s31 =	sor.u32 $0x100, s5;
	v26 =	vmul.f32 v26, v44;
	v54 =	vld.idx.msk [tilespmem:v48+s12+$0x0], $0xffff;
	v52 =	vadd.f32 v24, v22;
	v24 =	vadd.s32 $0x39, v25  }
0x297: {  	v49 =	vmul.f32 v43, v44;
	v43 =	vadd.s32 $0x34, v25;
	v22 =	vld.idx.msk [tilespmem:v62+s31+$0x0 ss:$0x1], $0xffff  }
0x298: {  	v11 =	vadd.f32 v61, v11;
	v20 =	vadd.f32 v26, v20;
	v26 =	vadd.s32 $0x12, v25;
	v18 =	vld.idx.msk [tilespmem:v18+s12+$0x0], $0xffff  }
0x299: {  	v19 =	vadd.f32 v49, v19;
	v9 =	vmul.f32 v9, v44;
	v8 =	vld.idx.msk [tilespmem:v60+s12+$0x0], $0xffff;
	v60 =	vadd.s32 $0x1A, v25  }
0x29a: {  	v5 =	vmul.f32 v5, v44;
	v36 =	vmul.f32 v63, v44;
	v61 =	vld.idx.msk [tilespmem:v50+s12+$0x0], $0xffff;
	v63 =	vadd.s32 $0x22, v25  }
0x29b: {  	s23 =	sor.u32 $0x180, s5;
	v48 =	vadd.s32 $0x2A, v25;
	v9 =	vadd.f32 v9, v34;
	v3 =	vmul.f32 v3, v44;
	v24 =	vld.idx.msk [tilespmem:v24+s12+$0x0], $0xffff  }
0x29c: {  	v5 =	vadd.f32 v5, v45;
	v27 =	vmul.f32 v27, v22;
	v7 =	vadd.f32 v36, v7;
	v36 =	vld.idx.msk [tilespmem:v62+s23+$0x0 ss:$0x1], $0xffff  }
0x29d: {  	v33 =	vmul.f32 v33, v22;
	v34 =	vmul.f32 v54, v22;
	v54 =	vadd.s32 $0xC, v25;
	v26 =	vld.idx.msk [tilespmem:v26+s12+$0x0], $0xffff  }
0x29e: {  	v32 =	vmul.f32 v32, v22;
	v11 =	vadd.f32 v27, v11;
	v27 =	vadd.s32 $0x32, v25;
	v49 =	vld.idx.msk [tilespmem:v60+s12+$0x0], $0xffff  }
0x29f: {  	v3 =	vadd.f32 v3, v47;
	v12 =	vadd.f32 v33, v52;
	v52 =	vadd.s32 $0x3, v25;
	v50 =	vld.idx.msk [tilespmem:v63+s12+$0x0], $0xffff  }
0x2a0: {  	s16 =	sor.u32 $0x200, s5;
	v18 =	vmul.f32 v18, v22;
	v42 =	vmul.f32 v61, v22;
	v60 =	vld.idx.msk [tilespmem:v48+s12+$0x0], $0xffff;
	v61 =	vadd.s32 $0xB, v25  }
0x2a1: {  	v8 =	vmul.f32 v8, v22;
	v63 =	vadd.s32 $0x13, v25;
	v22 =	vmul.f32 v24, v22;
	v24 =	vld.idx.msk [tilespmem:v62+s16+$0x0 ss:$0x1], $0xffff  }
0x2a2: {  	v19 =	vadd.f32 v32, v19;
	v18 =	vadd.f32 v18, v20;
	v20 =	vadd.s32 $0x3A, v25;
	v32 =	vld.idx.msk [tilespmem:v54+s12+$0x0], $0xffff  }
0x2a3: {  	v47 =	vadd.s32 $0x14, v25;
	v5 =	vadd.f32 v34, v5;
	v48 =	vadd.s32 $0x1C, v25;
	v27 =	vld.idx.msk [tilespmem:v27+s12+$0x0], $0xffff  }
0x2a4: {  	v0 =	vmul.f32 v0, v36;
	v44 =	vmul.f32 v26, v36;
	v26 =	vadd.s32 $0x1B, v25;
	v40 =	vld.idx.msk [tilespmem:v52+s12+$0x0], $0xffff  }
0x2a5: {  	v8 =	vadd.f32 v8, v9;
	v3 =	vadd.f32 v42, v3;
	v4 =	vmul.f32 v4, v36;
	v34 =	vld.idx.msk [tilespmem:v61+s12+$0x0], $0xffff  }
0x2a6: {  	v7 =	vadd.f32 v22, v7;
	v52 =	vadd.s32 $0x33, v25;
	v0 =	vadd.f32 v0, v11;
	v42 =	vld.idx.msk [tilespmem:v63+s12+$0x0], $0xffff  }
0x2a7: {  	s9 =	sor.u32 s6, s29;
	v4 =	vadd.f32 v4, v12;
	v19 =	vadd.f32 v44, v19;
	v11 =	vimm.s32 $0x0;
	v20 =	vld.idx.msk [tilespmem:v20+s12+$0x0], $0xffff;
	[dreg:$0xd] =	wrdreg s6  }
0x2a8: {  	v45 =	vmul.f32 v49, v36;
	v33 =	vmul.f32 v50, v36;
	v49 =	vadd.s32 $0x23, v25;
	v6 =	vld.idx.msk [tilespmem:v62+s9+$0x0 ss:$0x1], $0xffff  }
0x2a9: {  	v9 =	vmul.f32 v60, v36;
	v50 =	vadd.s32 $0x2B, v25;
	v60 =	vadd.s32 $0x3B, v25;
	v26 =	vld.idx.msk [tilespmem:v26+s12+$0x0], $0xffff  }
0x2aa: {  	s1 =	sor.u32 $0x280, s5;
	v61 =	vimm.s32 $0x0;
	v18 =	vadd.f32 v45, v18;
	v12 =	vld.idx.msk [tilespmem:v47+s12+$0x0], $0xffff;
	v27 =	vmul.f32 v27, v36  }
0x2ab: {  	v8 =	vadd.f32 v33, v8;
	v5 =	vadd.f32 v9, v5;
	v45 =	vld.idx.msk [tilespmem:v62+s1+$0x0 ss:$0x1], $0xffff;
	v54 =	vmul.f32 v40, v24  }
0x2ac: {  	v9 =	vld.idx.msk [tilespmem:v52+s12+$0x0], $0xffff;
	v52 =	vadd.s32 $0x3C, v25;
	v3 =	vadd.f32 v27, v3;
	v27 =	vperm.xlane v59, v2  }
0x2ad: {  	v22 =	vadd.f32 v54, v0;
	v0 =	vadd.s32 $0x24, v25;
	v33 =	vmul.f32 v34, v24  }
0x2ae: {  	v42 =	vmul.f32 v42, v24;
	v54 =	vadd.s32 $0x1D, v25;
	v20 =	vmul.f32 v20, v36  }
0x2af: {  	v34 =	vld.idx.msk [tilespmem:v49+s12+$0x0], $0xffff;
	vm15 =	vle.f32 v27, v15;
	v27 =	vadd.s32 $0x2C, v25;
	vm2 =	vle.f32 v55, v6  }
0x2b0: {  	v40 =	vld.idx.msk [tilespmem:v60+s12+$0x0], $0xffff;
	v26 =	vmul.f32 v26, v24;
	v4 =	vadd.f32 v33, v4;
	v19 =	vadd.f32 v42, v19  }
0x2b1: {  	v36 =	vld.idx.msk [tilespmem:v50+s12+$0x0], $0xffff;
	v32 =	vmul.f32 v32, v45;
	v12 =	vmul.f32 v12, v45;
	v63 =	vsel vm2, $0x8, v61  }
0x2b2: {  	v7 =	vadd.f32 v20, v7;
	v20 =	vld.idx.msk [tilespmem:v48+s12+$0x0], $0xffff;
	v55 =	vsel vm15, $0x1, v61;
	v60 =	vor.u32 $0x3, v63  }
0x2b3: {  	v9 =	vmul.f32 v9, v24;
	v2 =	vor.u32 v55, v2;
	v33 =	vld.idx.msk [tilespmem:v0+s12+$0x0], $0xffff;
	v0 =	vperm.xlane v59, v60  }
0x2b4: {  	v18 =	vadd.f32 v26, v18;
	v61 =	vor.u32 $0x4, v63;
	v48 =	vld.idx.msk [tilespmem:v54+s12+$0x0], $0xffff;
	v54 =	vadd.s32 $0x3D, v25  }
0x2b5: {  	v42 =	vld.idx.msk [tilespmem:v43+s12+$0x0], $0xffff;
	v32 =	vadd.f32 v32, v4;
	vm4 =	vle.f32 v0, v6;
	v0 =	vadd.s32 $0x2D, v25  }
0x2b6: {  	v44 =	vld.idx.msk [tilespmem:v52+s12+$0x0], $0xffff;
	v34 =	vmul.f32 v34, v24;
	v9 =	vadd.f32 v9, v3;
	v3 =	vadd.s32 $0x36, v25  }
0x2b7: {  	v60 =	vsel vm12, $0x1, v11;
	v36 =	vmul.f32 v36, v24;
	v26 =	vld.idx.msk [tilespmem:v27+s12+$0x0], $0xffff;
	v27 =	vadd.s32 $0x25, v25  }
0x2b8: {  	v24 =	vmul.f32 v40, v24;
	v43 =	vsel vm4, v61, v63;
	v63 =	vadd.s32 $0x35, v25;
	v55 =	vld.idx.msk [tilespmem:v2+s18+$0x0], $0xffff  }
0x2b9: {  	v8 =	vadd.f32 v34, v8;
	v34 =	vadd.f32 v36, v5;
	v5 =	vadd.s32 $0x26, v25;
	v49 =	vld.idx.msk [tilespmem:v54+s12+$0x0], $0xffff  }
0x2ba: {  	v39 =	vadd.s32 v60, v39;
	v50 =	vor.u32 $0x1, v43;
	v36 =	vld.idx.msk [tilespmem:v0+s12+$0x0], $0xffff;
	v0 =	vadd.s32 $0x2E, v25  }
0x2bb: {  	v39 =	vmin.u32 v39, $0x3FF;
	v52 =	vperm.xlane v59, v50;
	v54 =	vld.idx.msk [tilespmem:v3+s12+$0x0], $0xffff;
	v25 =	vadd.s32 $0x3E, v25  }
0x2bc: {  	v42 =	vmul.f32 v42, v45;
	v47 =	vmul.u32 $0x41, v39;
	v50 =	vadd.s32 $0x36, v17;
	v27 =	vld.idx.msk [tilespmem:v27+s12+$0x0], $0xffff  }
0x2bd: {  	s8 =	simm.s32 $0x1;
	v7 =	vadd.f32 v24, v7;
	vm5 =	vle.f32 v52, v6;
	v52 =	vadd.s32 $0x3E, v17;
	v40 =	vld.idx.msk [tilespmem:v63+s12+$0x0], $0xffff  }
0x2be: {  	s10 =	simm.s32 $0x1;
	s11 =	sand.u32 $0x3, s8;
	v20 =	vmul.f32 v20, v45;
	v61 =	vor.u32 $0x2, v43;
	v2 =	vshll.u32 v2, $0x6;
	v5 =	vld.idx.msk [tilespmem:v5+s12+$0x0], $0xffff  }
0x2bf: {  	s2 =	sshll.u32 s11, $0x5;
	v43 =	vsel vm5, v61, v43;
	v61 =	vadd.s32 $0x8, v47;
	vm6 =	vle.f32 v55, v15;
	v55 =	vld.idx.msk [tilespmem:v0+s12+$0x0], $0xffff;
	[dreg:$0x14] =	wrdreg s10  }
0x2c0: {  	s8 =	sadd.s32 $0x100, s2;
	v3 =	vmul.f32 v38, v45;
	v60 =	vadd.s32 $0x10, v47;
	v0 =	vor.u32 $0x20, v2;
	v38 =	vld.idx.msk [tilespmem:v25+s12+$0x0], $0xffff  }
0x2c1: {  	s15 =	sadd.s32 $0x10, s8;
	v63 =	vperm.xlane v59, v43;
	v59 =	vadd.s32 $0x7, v17;
	v24 =	vsel vm6, v0, v2;
	v0 =	vld.idx.msk [tilespmem:v50+s12+$0x0], $0xffff  }
0x2c2: {  	s2 =	sor.u32 $0x300, s15;
	v12 =	vadd.f32 v12, v19;
	v18 =	vadd.f32 v20, v18;
	v20 =	vadd.s32 $0x18, v47;
	v2 =	vld.idx.msk [tilespmem:v52+s12+$0x0], $0xffff  }
0x2c3: {  	v9 =	vadd.f32 v42, v9;
	vm7 =	vle.f32 v63, v6;
	v19 =	vld.idx.msk [tilespmem:v62+s2+$0x0 ss:$0x1], $0xffff;
	v25 =	vshrl.u32 v24, $0x5  }
0x2c4: {  	v22 =	vadd.f32 v3, v22;
	v3 =	vld.idx.msk [tilespmem:v61+s12+$0x0], $0xffff;
	v63 =	vadd.s32 $0x10, v25;
	v25 =	vsel vm7, $0x1, v11  }
0x2c5: {  	v42 =	vmul.u32 $0x9, v39;
	v33 =	vmul.f32 v33, v45;
	v4 =	vld.idx.msk [tilespmem:v60+s12+$0x0], $0xffff;
	v43 =	vor.u32 v25, v43  }
0x2c6: {  	v44 =	vmul.f32 v44, v45;
	v25 =	vld.idx.msk [tilespmem:v59+s12+$0x0], $0xffff;
	v59 =	vadd.s32 $0x20, v47  }
0x2c7: {  	s6 =	sor.u32 $0x380, s15;
	v26 =	vmul.f32 v26, v45;
	v33 =	vadd.f32 v33, v8;
	v8 =	vld.idx.msk [tilespmem:v20+s12+$0x0], $0xffff;
	v52 =	vadd.s32 $0x6, v42  }
0x2c8: {  	v44 =	vadd.f32 v44, v7;
	v39 =	vadd.s32 $0x4, v42;
	v60 =	vadd.s32 $0x28, v47;
	v45 =	vld.idx.msk [tilespmem:v62+s6+$0x0 ss:$0x1], $0xffff  }
0x2c9: {  	v26 =	vadd.f32 v26, v34;
	v50 =	vadd.s32 $0x30, v47;
	v7 =	vmul.f32 v29, v19;
	v34 =	vld.idx.msk [tilespmem:v63+s18+$0x0], $0xffff  }
0x2ca: {  	v61 =	vadd.s32 $0x38, v47;
	v13 =	vmul.f32 v13, v19;
	v29 =	vmul.f32 v48, v19;
	v63 =	vld.idx.msk [tilespmem:v43+s18+$0x0], $0xffff  }
0x2cb: {  	s4 =	simm.s32 $0x400;
	v20 =	vmul.f32 v37, v19;
	v27 =	vmul.f32 v27, v19;
	v37 =	vld.idx.msk [tilespmem:v59+s12+$0x0], $0xffff;
	v59 =	vadd.s32 $0x1, v42  }
0x2cc: {  	v36 =	vmul.f32 v36, v19;
	v52 =	vld.idx.msk [tilespmem:v52+s4+$0x0], $0xffff;
	v18 =	vadd.f32 v29, v18;
	v29 =	vadd.s32 $0x3, v42  }
0x2cd: {  	v41 =	vmul.f32 v41, v45;
	v7 =	vadd.f32 v7, v22;
	v22 =	vld.idx.msk [tilespmem:v60+s12+$0x0], $0xffff;
	v60 =	vadd.s32 $0x2, v42  }
0x2ce: {  	v12 =	vadd.f32 v20, v12;
	v20 =	vld.idx.msk [tilespmem:v50+s12+$0x0], $0xffff;
	v50 =	vadd.s32 $0x5, v42;
	v43 =	vshll.u32 v43, $0x6  }
0x2cf: {  	vm8 =	vle.f32 v34, v15;
	v34 =	vld.idx.msk [tilespmem:v61+s12+$0x0], $0xffff;
	v61 =	vor.u32 $0x10, v24;
	vm9 =	vle.f32 v63, v6  }
0x2d0: {  	v24 =	vsel vm8, v61, v24;
	v48 =	vld.idx.msk [tilespmem:v59+s4+$0x0], $0xffff;
	v63 =	vor.u32 $0x20, v43;
	v59 =	vadd.s32 $0x7, v42  }
0x2d1: {  	v61 =	vld.idx.msk [tilespmem:v29+s4+$0x0], $0xffff;
	v29 =	vadd.s32 $0x1, v47;
	v43 =	vsel vm9, v63, v43;
	v11 =	vshrl.u32 v24, $0x4  }
0x2d2: {  	v33 =	vadd.f32 v27, v33;
	v27 =	vld.idx.msk [tilespmem:v39+s4+$0x0], $0xffff;
	v39 =	vadd.s32 $0x30, v11;
	v63 =	vshrl.u32 v43, $0x5  }
0x2d3: {  	v40 =	vmul.f32 v40, v19;
	v11 =	vmul.f32 v46, v45;
	v46 =	vld.idx.msk [tilespmem:v50+s4+$0x0], $0xffff;
	v50 =	vadd.s32 $0x10, v63  }
0x2d4: {  	v19 =	vmul.f32 v49, v19;
	v13 =	vadd.f32 v13, v32;
	v32 =	vld.idx.msk [tilespmem:v60+s4+$0x0], $0xffff;
	v63 =	vadd.s32 $0x9, v47  }
0x2d5: {  	v26 =	vadd.f32 v36, v26;
	v9 =	vadd.f32 v40, v9;
	v49 =	vld.idx.msk [tilespmem:v59+s4+$0x0], $0xffff;
	v59 =	vadd.s32 $0x11, v47  }
0x2d6: {  	v40 =	vadd.f32 v41, v13;
	v41 =	vadd.s32 $0x19, v47;
	v36 =	vadd.f32 v11, v7;
	v7 =	vld.idx.msk [tilespmem:v29+s12+$0x0], $0xffff  }
0x2d7: {  	v19 =	vadd.f32 v19, v44;
	v44 =	vadd.s32 $0x21, v47;
	v60 =	vmul.f32 v56, v28;
	v39 =	vld.idx.msk [tilespmem:v39+s18+$0x0], $0xffff  }
0x2d8: {  	v11 =	vadd.s32 $0x29, v47;
	v50 =	vld.idx.msk [tilespmem:v50+s18+$0x0], $0xffff  }
0x2d9: {  	v14 =	vmul.f32 v14, v45;
	v13 =	vadd.f32 v60, v36;
	v60 =	vadd.s32 $0x39, v47;
	v36 =	vld.idx.msk [tilespmem:v63+s12+$0x0], $0xffff  }
0x2da: {  	v31 =	vmul.f32 v31, v45;
	v5 =	vmul.f32 v5, v45;
	v59 =	vld.idx.msk [tilespmem:v59+s12+$0x0], $0xffff;
	[smem:$0x7EF] =	sst s20;
	s20 =	sand.u32 $0x1, s20  }
0x2db: {  	v54 =	vmul.f32 v54, v45;
	v38 =	vmul.f32 v38, v45;
	v41 =	vld.idx.msk [tilespmem:v41+s12+$0x0], $0xffff;
	[smem:$0x7F0] =	sst s20;
	s7 =	sshll.u32 s20, $0xC  }
0x2dc: {  	v12 =	vadd.f32 v14, v12;
	v18 =	vadd.f32 v31, v18;
	v31 =	vmul.f32 v55, v45;
	s7 =	sadd.s32 $0x17000, s7;
	v44 =	vld.idx.msk [tilespmem:v44+s12+$0x0], $0xffff  }
0x2dd: {  	v29 =	vmul.f32 v57, v28;
	v57 =	vadd.s32 $0x31, v47;
	v63 =	vmul.f32 v53, v28;
	v45 =	vld.idx.msk [tilespmem:v11+s12+$0x0], $0xffff;
	[smem:$0x7F1] =	sst s7  }
0x2de: {  	vm10 =	vle.f32 v39, v15;
	vm11 =	vle.f32 v50, v6;
	v55 =	vld.idx.msk [tilespmem:v60+s12+$0x0], $0xffff;
	v60 =	vor.u32 $0x10, v43  }
0x2df: {  	v39 =	vmovc v6;
	v11 =	vadd.f32 v63, v12;
	v6 =	vmov s7;
	v12 =	vsel vm11, v60, v43;
	v60 =	vld [tilespmem:$0x1FA80]  }
0x2e0: {  	v29 =	vadd.f32 v29, v40;
	v40 =	vadd.s32 $0x2, v47;
	_ =	sdelay $0x1  }
0x2e1: {  	v53 =	vadd.s32 $0xA, v47  }
0x2e2: {  	v14 =	vadd.s32 $0x12, v47;
	v50 =	vld.idx.msk [tilespmem:v57+s12+$0x0], $0xffff;
	v57 =	vor.u32 $0x8, v24  }
0x2e3: {  	s10 =	sor.u32 $0x80, s24;
	v5 =	vadd.f32 v5, v33;
	v33 =	vld.idx.msk [tilespmem:v42+s4+$0x0], $0xffff;
	v24 =	vsel vm10, v57, v24;
	[tilespmem:v6+s0+$0x0 ss:$0x1] =	vst.idx.msk $0xffff, v60  }
0x2e4: {  	v21 =	vmul.f32 v21, v28;
	v56 =	vld.idx.msk [tilespmem:v40+s12+$0x0], $0xffff;
	v57 =	vadd.s32 $0x1A, v47;
	v63 =	vshrl.u32 v24, $0x3;
	[dreg:$0xe] =	wrdreg s10  }
0x2e5: {  	v23 =	vmul.f32 v23, v28;
	v60 =	vadd.s32 $0x70, v63;
	v63 =	vshrl.u32 v12, $0x4;
	v40 =	vld.idx.msk [tilespmem:v62+s10+$0x0 ss:$0x1], $0xffff  }
0x2e6: {  	v26 =	vadd.f32 v31, v26;
	v31 =	vld.idx.msk [tilespmem:v53+s12+$0x0], $0xffff;
	v53 =	vadd.s32 $0x30, v63  }
0x2e7: {  	v16 =	vmul.f32 v16, v28;
	v43 =	vadd.f32 v21, v18;
	v21 =	vadd.f32 v23, v5;
	v23 =	vld.idx.msk [tilespmem:v14+s12+$0x0], $0xffff  }
0x2e8: {  	v2 =	vmul.f32 v2, v30;
	v9 =	vadd.f32 v54, v9;
	v5 =	vmul.f32 v51, v28;
	v54 =	vld.idx.msk [tilespmem:v47+s12+$0x0], $0xffff  }
0x2e9: {  	v10 =	vmul.f32 v10, v28;
	v42 =	vadd.f32 v16, v26;
	v16 =	vadd.f32 v38, v19;
	v26 =	vld.idx.msk [tilespmem:v57+s12+$0x0], $0xffff  }
0x2ea: {  	s11 =	sor.u32 s3, s30;
	s15 =	sor.u32 $0x100, s24;
	v0 =	vmul.f32 v0, v30;
	v1 =	vadd.f32 v2, v1;
	v38 =	vadd.f32 v5, v9;
	v5 =	vld.idx.msk [tilespmem:v60+s18+$0x0], $0xffff  }
0x2eb: {  	v28 =	vadd.f32 v10, v16;
	s0 =	sor.u32 $0x180, s11;
	v16 =	vld.idx.msk [tilespmem:v53+s18+$0x0], $0xffff;
	[dreg:$0x11] =	wrdreg s15  }
0x2ec: {  	s3 =	simm.s32 $0x100;
	s20 =	sor.u32 $0x200, s24;
	v19 =	vadd.f32 v0, v35;
	v0 =	vmul.f32 v22, v40;
	v22 =	vld.idx.msk [tilespmem:v62+s15+$0x0 ss:$0x1], $0xffff;
	[tilespmem:$0x1FA90] =	vst v1;
	[dreg:$0x10] =	wrdreg s0  }
0x2ed: {  	v2 =	vmul.f32 v34, v40;
	v34 =	vld.idx.msk [tilespmem:v62+s0+$0x0 ss:$0x1], $0xffff;
	s0 =	sor.u32 s3, s30;
	[dreg:$0xc] =	wrdreg s20  }
0x2ee: {  	v63 =	vmul.f32 v8, v40;
	v8 =	vld.idx.msk [tilespmem:v62+s20+$0x0 ss:$0x1], $0xffff;
	s20 =	sor.u32 $0x380, s0  }
0x2ef: {  	v57 =	vadd.f32 v0, v46;
	v0 =	vld.idx.msk [tilespmem:v62+s20+$0x0 ss:$0x1], $0xffff;
	_ =	sdelay $0x2  }
0x2f0: {  	v4 =	vmul.f32 v4, v40  }
0x2f1: {  	s4 =	sor.u32 $0x80, s9;
	s30 =	sor.u32 $0x280, s24  }
0x2f2: {  	v32 =	vadd.f32 v4, v32;
	v4 =	vld.idx.msk [tilespmem:v62+s30+$0x0 ss:$0x1], $0xffff;
	[dreg:$0x8] =	wrdreg s4;
	[tilespmem:$0x1FAA0] =	vst v0  }
0x2f3: {  	v0 =	vld.idx.msk [tilespmem:v62+s4+$0x0 ss:$0x1], $0xffff;
	_ =	sdelay $0x3  }
0x2f4: {  	s7 =	sor.u32 $0x100, s9  }
0x2f5: {  	[dreg:$0x9] =	wrdreg s7;
	[tilespmem:$0x1FAB0] =	vst v0  }
0x2f6: {  	v1 =	vld.idx.msk [tilespmem:v62+s7+$0x0 ss:$0x1], $0xffff;
	_ =	sdelay $0x2  }
0x2f7: {  	v51 =	vmul.f32 v37, v40  }
0x2f8: {  	v30 =	vmul.f32 v54, v40;
	v54 =	vadd.s32 $0x22, v47  }
0x2f9: {  	v10 =	vadd.f32 v51, v27;
	v27 =	vadd.s32 $0x2A, v47;
	[tilespmem:$0x1FAC0] =	vst v1;
	v1 =	vld [tilespmem:$0x1FAD0]  }
0x2fa: {  	v60 =	vadd.s32 $0x32, v47;
	_ =	sdelay $0x2  }
0x2fb: {  	s10 =	sor.u32 s29, s19;
	v35 =	vld.idx.msk [tilespmem:v54+s12+$0x0], $0xffff  }
0x2fc: {  	s0 =	sor.u32 $0x180, s10;
	v27 =	vld.idx.msk [tilespmem:v27+s12+$0x0], $0xffff;
	[tilespmem:v6+s17+$0x0 ss:$0x1] =	vst.idx.msk $0xffff, v1  }
0x2fd: {  	v3 =	vmul.f32 v3, v40;
	v20 =	vmul.f32 v20, v40;
	v40 =	vld.idx.msk [tilespmem:v60+s12+$0x0], $0xffff;
	[dreg:$0xb] =	wrdreg s0  }
0x2fe: {  	v1 =	vld.idx.msk [tilespmem:v62+s0+$0x0 ss:$0x1], $0xffff;
	_ =	sdelay $0x4  }
0x2ff: {  	s7 =	sor.u32 $0x200, s9;
	[tilespmem:$0x1FAE0] =	vst v1  }
0x300: {  	v1 =	vld.idx.msk [tilespmem:v62+s7+$0x0 ss:$0x1], $0xffff;
	_ =	sdelay $0x2  }
0x301: {  	v3 =	vadd.f32 v3, v48;
	v9 =	vadd.f32 v63, v61  }
0x302: {  	v20 =	vadd.f32 v20, v52;
	vm12 =	vle.f32 v5, v15;
	v5 =	vmul.f32 v36, v22  }
0x303: {  	v63 =	vadd.s32 $0x3A, v47;
	s10 =	sor.u32 $0x280, s9;
	vm13 =	vle.f32 v16, v39;
	v0 =	vadd.s32 $0x4, v24;
	[tilespmem:$0x1FAF0] =	vst v1  }
0x304: {  	v61 =	vadd.f32 v5, v3;
	v3 =	vor.u32 $0x8, v12;
	v24 =	vsel vm12, v0, v24;
	v1 =	vld.idx.msk [tilespmem:v62+s10+$0x0 ss:$0x1], $0xffff  }
0x305: {  	v16 =	vmul.f32 v45, v22;
	v12 =	vsel vm13, v3, v12;
	v3 =	vshrl.u32 v24, $0x2  }
0x306: {  	v0 =	vadd.f32 v2, v49;
	v2 =	vmul.f32 v59, v22;
	v14 =	vadd.s32 $0xF0, v3  }
0x307: {  	v53 =	vmul.f32 v50, v22;
	v7 =	vmul.f32 v7, v22;
	v52 =	vshrl.u32 v12, $0x3  }
0x308: {  	s15 =	sor.u32 $0x300, s8;
	v5 =	vmul.f32 v44, v22;
	v44 =	vadd.s32 $0x70, v52;
	v32 =	vadd.f32 v2, v32  }
0x309: {  	v2 =	vmul.f32 v41, v22;
	v22 =	vmul.f32 v55, v22;
	v54 =	vadd.s32 $0x3, v47;
	[dreg:$0x12] =	wrdreg s15;
	[tilespmem:$0x1FB00] =	vst v1  }
0x30a: {  	v37 =	vadd.f32 v16, v57;
	v16 =	vld.idx.msk [tilespmem:v62+s15+$0x0 ss:$0x1], $0xffff  }
0x30b: {  	v22 =	vadd.f32 v22, v0;
	s17 =	simm.s32 $0x200;
	v0 =	vld.idx.msk [tilespmem:v14+s18+$0x0], $0xffff  }
0x30c: {  	v30 =	vadd.f32 v30, v33;
	v33 =	vld.idx.msk [tilespmem:v63+s12+$0x0], $0xffff;
	[dreg:$0xf] =	wrdreg s17  }
0x30d: {  	s19 =	sor.u32 s14, s19;
	v44 =	vld.idx.msk [tilespmem:v44+s18+$0x0], $0xffff  }
0x30e: {  	s17 =	sor.u32 $0x380, s19;
	v48 =	vld.idx.msk [tilespmem:v54+s12+$0x0], $0xffff;
	[tilespmem:$0x1FB10] =	vst v62  }
0x30f: {  	v1 =	vld.idx.msk [tilespmem:v62+s17+$0x0 ss:$0x1], $0xffff  }
0x310: {  	vm14 =	vle.f32 v0, v15;
	v0 =	vld [tilespmem:$0x1FB30];
	_ =	sdelay $0x1  }
0x311: {  	s11 =	smov.u32 s24;
	s24 =	sld [smem:$0x7F2]  }
0x312: {  	v57 =	vadd.s32 $0xB, v47  }
0x313: {  	v31 =	vmul.f32 v31, v34;
	v7 =	vadd.f32 v7, v30;
	v30 =	vadd.s32 $0x13, v47;
	[tilespmem:$0x1FB20] =	vst v1  }
0x314: {  	v26 =	vmul.f32 v26, v34;
	v59 =	vadd.s32 $0x1B, v47;
	[tilespmem:v6+s24+$0x0 ss:$0x1] =	vst.idx.msk $0xffff, v0  }
0x315: {  	v31 =	vadd.f32 v31, v61;
	v61 =	vadd.s32 $0x23, v47;
	v9 =	vadd.f32 v2, v9;
	v1 =	vld [tilespmem:$0x1FB40]  }
0x316: {  	v23 =	vmul.f32 v23, v34;
	v10 =	vadd.f32 v5, v10;
	v60 =	vmul.f32 v56, v34  }
0x317: {  	v9 =	vadd.f32 v26, v9;
	v63 =	vmul.f32 v35, v34;
	v14 =	vadd.s32 $0x2B, v47;
	v26 =	vld.idx.msk [tilespmem:v57+s12+$0x0], $0xffff;
	s0 =	sld [smem:$0x7F3]  }
0x318: {  	v36 =	vadd.s32 $0x33, v47;
	v23 =	vadd.f32 v23, v32;
	v27 =	vmul.f32 v27, v34;
	v30 =	vld.idx.msk [tilespmem:v30+s12+$0x0], $0xffff  }
0x319: {  	v32 =	vadd.s32 $0x3B, v47;
	v7 =	vadd.f32 v60, v7;
	v10 =	vadd.f32 v63, v10;
	v41 =	vld.idx.msk [tilespmem:v59+s12+$0x0], $0xffff  }
0x31a: {  	v63 =	vadd.f32 v27, v37;
	v27 =	vadd.s32 $0x1C, v47;
	v60 =	vld.idx.msk [tilespmem:v61+s12+$0x0], $0xffff;
	[tilespmem:v6+s0+$0x0 ss:$0x1] =	vst.idx.msk $0xffff, v1  }
0x31b: {  	v51 =	vadd.s32 $0x24, v47;
	v1 =	vld [tilespmem:$0x1FB50]  }
0x31c: {  	v35 =	vld.idx.msk [tilespmem:v14+s12+$0x0], $0xffff  }
0x31d: {  	v52 =	vadd.s32 $0x2C, v47;
	v14 =	vld.idx.msk [tilespmem:v36+s12+$0x0], $0xffff;
	s0 =	sld [smem:$0x7F4]  }
0x31e: {  	v20 =	vadd.f32 v53, v20;
	v59 =	vadd.s32 $0x2, v24;
	v32 =	vld.idx.msk [tilespmem:v32+s12+$0x0], $0xffff;
	v57 =	vadd.s32 $0x1F, v17  }
0x31f: {  	v40 =	vmul.f32 v40, v34;
	v27 =	vld.idx.msk [tilespmem:v27+s12+$0x0], $0xffff;
	v56 =	vsel vm14, v59, v24;
	v24 =	vadd.s32 $0xC, v47  }
0x320: {  	v46 =	vmul.f32 v48, v8;
	v48 =	vld.idx.msk [tilespmem:v51+s12+$0x0], $0xffff;
	v0 =	vadd.s32 $0x4, v47;
	[tilespmem:v6+s0+$0x0 ss:$0x1] =	vst.idx.msk $0xffff, v1  }
0x321: {  	v61 =	vadd.s32 $0x14, v47;
	v1 =	vld [tilespmem:$0x1FB60]  }
0x322: {  	v53 =	vadd.s32 $0x34, v47;
	v20 =	vadd.f32 v40, v20;
	v40 =	vld.idx.msk [tilespmem:v52+s12+$0x0], $0xffff  }
0x323: {  	v62 =	vadd.s32 $0x4, v12;
	v33 =	vmul.f32 v33, v34;
	vm15 =	vle.f32 v44, v39;
	v34 =	vld.idx.msk [tilespmem:v57+s12+$0x0], $0xffff;
	s0 =	sld [smem:$0x7F5]  }
0x324: {  	v55 =	vsel vm15, v62, v12;
	v59 =	vadd.s32 $0x27, v17;
	v26 =	vmul.f32 v26, v8;
	v24 =	vld.idx.msk [tilespmem:v24+s12+$0x0], $0xffff  }
0x325: {  	v62 =	vadd.s32 $0x37, v17;
	v30 =	vmul.f32 v30, v8;
	v44 =	vmul.f32 v60, v8;
	v45 =	vld.idx.msk [tilespmem:v0+s12+$0x0], $0xffff  }
0x326: {  	v60 =	vadd.s32 $0x2F, v17;
	v0 =	vmul.f32 v41, v8;
	v41 =	vld.idx.msk [tilespmem:v61+s12+$0x0], $0xffff;
	[tilespmem:v6+s0+$0x0 ss:$0x1] =	vst.idx.msk $0xffff, v1  }
0x327: {  	v35 =	vmul.f32 v35, v8;
	v26 =	vadd.f32 v26, v31;
	v31 =	vadd.s32 $0x3C, v47;
	v1 =	vld [tilespmem:$0x1FB70]  }
0x328: {  	v22 =	vadd.f32 v33, v22;
	v61 =	vld.idx.msk [tilespmem:v53+s12+$0x0], $0xffff  }
0x329: {  	v23 =	vadd.f32 v30, v23;
	v30 =	vadd.s32 $0xF, v17;
	v12 =	vadd.f32 v35, v63;
	v35 =	vld.idx.msk [tilespmem:v59+s12+$0x0], $0xffff;
	s0 =	sld [smem:$0x7F6]  }
0x32a: {  	v54 =	vmul.f32 v14, v8;
	v8 =	vmul.f32 v32, v8;
	v63 =	vadd.s32 $0xD, v47;
	v32 =	vld.idx.msk [tilespmem:v62+s12+$0x0], $0xffff  }
0x32b: {  	v7 =	vadd.f32 v46, v7;
	v46 =	vadd.s32 $0x15, v47;
	v27 =	vmul.f32 v27, v4;
	v33 =	vld.idx.msk [tilespmem:v60+s12+$0x0], $0xffff  }
0x32c: {  	v49 =	vadd.s32 $0x1D, v47;
	v9 =	vadd.f32 v0, v9;
	v0 =	vadd.s32 $0x17, v17;
	v31 =	vld.idx.msk [tilespmem:v31+s12+$0x0], $0xffff;
	[tilespmem:v6+s0+$0x0 ss:$0x1] =	vst.idx.msk $0xffff, v1  }
0x32d: {  	v48 =	vmul.f32 v48, v4;
	v40 =	vmul.f32 v40, v4;
	v17 =	vadd.s32 $0x3F, v17;
	v1 =	vld [tilespmem:$0x1FB80]  }
0x32e: {  	v36 =	vadd.s32 $0x25, v47;
	v10 =	vadd.f32 v44, v10;
	v37 =	vld.idx.msk [tilespmem:v30+s12+$0x0], $0xffff;
	v30 =	vadd.s32 $0x5, v47;
	s0 =	sld [smem:$0x7F7];
	[tilespmem:v6+s5+$0x0 ss:$0x1] =	vst.idx.msk $0xffff, v13  }
0x32f: {  	v8 =	vadd.f32 v8, v22;
	v24 =	vmul.f32 v24, v4;
	v22 =	vld.idx.msk [tilespmem:v63+s12+$0x0], $0xffff;
	[tilespmem:v6+s13+$0x0 ss:$0x1] =	vst.idx.msk $0xffff, v29  }
0x330: {  	v45 =	vmul.f32 v45, v4;
	v41 =	vmul.f32 v41, v4;
	v63 =	vld.idx.msk [tilespmem:v46+s12+$0x0], $0xffff;
	[tilespmem:v6+s31+$0x0 ss:$0x1] =	vst.idx.msk $0xffff, v11  }
0x331: {  	v44 =	vmul.f32 v61, v4;
	v51 =	vadd.f32 v24, v26;
	v0 =	vld.idx.msk [tilespmem:v0+s12+$0x0], $0xffff;
	[tilespmem:v6+s23+$0x0 ss:$0x1] =	vst.idx.msk $0xffff, v43  }
0x332: {  	v26 =	vadd.s32 $0x2D, v47;
	v4 =	vmul.f32 v31, v4;
	v31 =	vld.idx.msk [tilespmem:v17+s12+$0x0], $0xffff;
	[tilespmem:v6+s0+$0x0 ss:$0x1] =	vst.idx.msk $0xffff, v1;
	v1 =	vadd.s32 $0x36, v47  }
0x333: {  	v9 =	vadd.f32 v27, v9;
	v17 =	vadd.s32 $0x35, v47;
	v27 =	vld.idx.msk [tilespmem:v30+s12+$0x0], $0xffff;
	[tilespmem:$0x1FB90] =	vst v1  }
0x334: {  	v20 =	vadd.f32 v54, v20;
	v57 =	vadd.f32 v41, v23;
	v23 =	vadd.s32 $0x3D, v47;
	[tilespmem:v6+s16+$0x0 ss:$0x1] =	vst.idx.msk $0xffff, v21  }
0x335: {  	v2 =	vadd.s32 $0x3E, v47;
	v13 =	vadd.s32 $0x6, v47;
	v29 =	vld.idx.msk [tilespmem:v49+s12+$0x0], $0xffff;
	[tilespmem:v6+s1+$0x0 ss:$0x1] =	vst.idx.msk $0xffff, v42  }
0x336: {  	v1 =	vadd.f32 v44, v20;
	v20 =	vshrl.u32 v56, $0x1;
	v36 =	vld.idx.msk [tilespmem:v36+s12+$0x0], $0xffff;
	[tilespmem:$0x1FBA0] =	vst v2;
	v2 =	vadd.s32 $0x7, v47  }
0x337: {  	v20 =	vadd.s32 $0x1F0, v20;
	v61 =	vld.idx.msk [tilespmem:v26+s12+$0x0], $0xffff;
	[tilespmem:$0x1FBB0] =	vst v2;
	v2 =	vadd.s32 $0xF, v47  }
0x338: {  	v14 =	vshrl.u32 v55, $0x2;
	v41 =	vadd.f32 v40, v12;
	v62 =	vld.idx.msk [tilespmem:v17+s12+$0x0], $0xffff;
	[tilespmem:$0x1FBC0] =	vst v2;
	v2 =	vadd.s32 $0x17, v47  }
0x339: {  	v7 =	vadd.f32 v45, v7;
	v21 =	vadd.s32 $0xF0, v14;
	v45 =	vld.idx.msk [tilespmem:v23+s12+$0x0], $0xffff;
	[tilespmem:$0x1FBD0] =	vst v2;
	v2 =	vadd.s32 $0x1F, v47  }
0x33a: {  	v40 =	vadd.f32 v4, v8;
	v4 =	vmul.f32 v27, v16;
	v50 =	vld.idx.msk [tilespmem:v13+s12+$0x0], $0xffff;
	[tilespmem:$0x1FBE0] =	vst v2  }
0x33b: {  	v2 =	vadd.s32 $0x27, v47;
	[tilespmem:v6+s2+$0x0 ss:$0x1] =	vst.idx.msk $0xffff, v38  }
0x33c: {  	v46 =	vadd.f32 v4, v7;
	v4 =	vld.idx.msk [tilespmem:v20+s18+$0x0], $0xffff;
	[tilespmem:$0x1FBF0] =	vst v2;
	v2 =	vadd.s32 $0x2F, v47  }
0x33d: {  	[tilespmem:$0x1FC00] =	vst v2  }
0x33e: {  	v7 =	vmul.f32 v29, v16;
	v29 =	vld.idx.msk [tilespmem:v21+s18+$0x0], $0xffff;
	[tilespmem:$0x1FC10] =	vst v6  }
0x33f: {  	[tilespmem:v6+s6+$0x0 ss:$0x1] =	vst.idx.msk $0xffff, v28  }
0x340: {  	s0 =	sld [smem:$0x7F8]  }
0x341: {  	v59 =	vadd.s32 $0xE, v47;
	s1 =	sld [smem:$0x7FB]  }
0x342: {  	v52 =	vadd.s32 $0x2E, v47;
	v60 =	vadd.s32 $0x16, v47  }
0x343: {  	v54 =	vadd.s32 $0x1E, v47;
	v53 =	vadd.s32 $0x26, v47;
	v12 =	vmul.f32 v63, v16  }
0x344: {  	v10 =	vadd.f32 v48, v10;
	v22 =	vmul.f32 v22, v16;
	v2 =	vadd.s32 $0x37, v47;
	s0 =	sadd.s32 s1, s0  }
0x345: {  	v18 =	vmovc v15;
	v43 =	vadd.f32 v12, v57;
	v63 =	vmul.f32 v36, v16;
	[tilespmem:$0x1FC20] =	vst v2;
	v2 =	vadd.s32 $0x3F, v47;
	[smem:$0x7F9] =	sst s0  }
0x346: {  	s3 =	smov.u32 s9;
	v57 =	vadd.s32 $0x2, v55;
	v42 =	vadd.f32 v22, v51;
	v44 =	vadd.f32 v7, v9;
	v51 =	vld.idx.msk [tilespmem:v59+s12+$0x0], $0xffff;
	[tilespmem:$0x1FC30] =	vst v2  }
0x347: {  	s31 =	simm.s32 $0x60;
	s23 =	simm.s32 $0x200;
	v38 =	vadd.f32 v63, v10;
	v49 =	vmul.f32 v61, v16;
	v47 =	vmul.f32 v62, v16;
	s0 =	simm.s32 $0x4;
	v48 =	vld.idx.msk [tilespmem:v60+s12+$0x0], $0xffff  }
.LBB2_3:
0x348: {  	_ = 	snop  }
0x349: {  	v28 =	vld [tilespmem:$0x1FAA0]  }
0x34a: {  	v26 =	vld [tilespmem:$0x1FB10]  }
0x34b: {  	v5 =	vimm.s32 $0x0;
	vm0 =	vle.f32 v4, v18  }
0x34c: {  	s2 =	smov.u32 s17;
	s17 =	sand.u32 $0x60, s31;
	v9 =	vmul.f32 v45, v16;
	s18 =	rddreg [dreg:$0x4];
	v16 =	vsel vm0, $0x1, v5  }
0x34d: {  	s13 =	rddreg [dreg:$0xf];
	s4 =	smov.u32 s25;
	s1 =	sadd.s32 s29, s18;
	v16 =	vadd.s32 v16, v56  }
0x34e: {  	s25 =	smov.u32 s3;
	s24 =	rddreg [dreg:$0x13];
	s6 =	sadd.s32 $0x1000, s1;
	v12 =	vmul.f32 v50, v28;
	v22 =	vmin.u32 v16, $0x3FF  }
0x34f: {  	s14 =	rddreg [dreg:$0x14];
	s13 =	sadd.s32 $0x100, s13;
	v1 =	vadd.f32 v47, v1;
	s3 =	sadd.s32 s24, s6;
	v47 =	vmul.u32 $0x9, v22  }
0x350: {  	s19 =	sor.u32 $0x10, s17;
	s15 =	sand.u32 $0xC00, s13;
	v12 =	vadd.f32 v12, v46;
	v46 =	vld [tilespmem:s3+$0x0];
	s3 =	sadd.s32 $0x1, s14  }
0x351: {  	s5 =	sor.u32 s15, s19;
	v10 =	vmul.f32 v25, v58;
	vm1 =	vle.f32 v29, v39;
	s16 =	sand.u32 $0x3, s3  }
0x352: {  	s24 =	smov.u32 s28;
	[dreg:$0x17] =	wrdreg s5;
	v61 =	vmul.f32 v0, v58;
	v0 =	vsel vm1, v57, v55;
	v25 =	vmul.f32 v48, v28;
	v2 =	vld.idx.msk [tilespmem:v26+s5+$0x0 ss:$0x1], $0xffff;
	s5 =	sshll.u32 s16, $0x5  }
0x353: {  	v21 =	vshrl.u32 v0, $0x1;
	s23 =	sadd.s32 s5, s23;
	s5 =	sor.u32 $0x80, s24  }
0x354: {  	[tilespmem:$0x1F790] =	vst v0;
	v0 =	vadd.s32 $0x1F0, v21;
	v62 =	vadd.f32 v25, v43;
	[dreg:$0x1c] =	wrdreg s5;
	v43 =	vld.idx.msk [tilespmem:v26+s5+$0x0 ss:$0x1], $0xffff;
	s5 =	smov.u32 s19;
	s19 =	simm.s32 $0x400  }
0x355: {  	[tilespmem:$0x1F6A0] =	vst v0;
	v0 =	vld.idx.msk [tilespmem:v47+s19+$0x0], $0xffff;
	_ =	sdelay $0x2  }
0x356: {  	v7 =	vld.idx.msk [tilespmem:v54+s12+$0x0], $0xffff  }
0x357: {  	v13 =	vld.idx.msk [tilespmem:v53+s12+$0x0], $0xffff;
	[tilespmem:$0x1F7A0] =	vst v1  }
0x358: {  	v1 =	vadd.f32 v9, v40;
	[tilespmem:$0x1F600] =	vst v0;
	v0 =	vld [tilespmem:$0x1FA30]  }
0x359: {  	v4 =	vld.idx.msk [tilespmem:v52+s12+$0x0], $0xffff;
	v20 =	vmul.f32 v51, v28  }
0x35a: {  	[tilespmem:$0x1F7B0] =	vst v1;
	v1 =	vld [tilespmem:$0x1FA90]  }
0x35b: {  	s9 =	sor.u32 $0x280, s28;
	v17 =	vmul.f32 v37, v58;
	v20 =	vadd.f32 v20, v42;
	v21 =	vld [tilespmem:$0x1FC50]  }
0x35c: {  	[dreg:$0x16] =	wrdreg s9;
	s8 =	sor.u32 s15, s31;
	s18 =	sor.u32 $0x200, s24;
	v37 =	vld.idx.msk [tilespmem:v26+s9+$0x0 ss:$0x1], $0xffff  }
0x35d: {  	v8 =	vadd.f32 v49, v41;
	s28 =	smov.u32 s26;
	s26 =	smov.u32 s22;
	s22 =	smov.u32 s21;
	v41 =	vld.idx.msk [tilespmem:v26+s18+$0x0 ss:$0x1], $0xffff;
	v17 =	vadd.f32 v17, v0;
	v0 =	vmov v20  }
0x35e: {  	s21 =	sor.u32 $0x180, s8;
	s8 =	sor.u32 $0x180, s24;
	[dreg:$0x18] =	wrdreg s18;
	v56 =	vmul.f32 v32, v58;
	[tilespmem:$0x1FA30] =	vst v0;
	v0 =	vld [tilespmem:$0x1FA40]  }
0x35f: {  	[dreg:$0x19] =	wrdreg s8;
	s18 =	sor.u32 $0x100, s24;
	v29 =	vld.idx.msk [tilespmem:v26+s8+$0x0 ss:$0x1], $0xffff;
	v45 =	vmul.u32 $0x41, v22  }
0x360: {  	v18 =	vadd.f32 v56, v19;
	v19 =	vld [tilespmem:$0x1FC10];
	s9 =	sor.u32 $0x300, s23;
	s8 =	sadd.s32 $0x10, s23;
	s23 =	rddreg [dreg:$0xd]  }
0x361: {  	[dreg:$0x14] =	wrdreg s3;
	v42 =	vld.idx.msk [tilespmem:v26+s18+$0x0 ss:$0x1], $0xffff;
	v22 =	vadd.s32 $0x7, v45;
	s3 =	sadd.s32 s23, s6;
	s6 =	sor.u32 $0x380, s8  }
0x362: {  	v14 =	vadd.s32 $0x17, v45;
	v25 =	vld.idx.msk [tilespmem:v26+s6+$0x0 ss:$0x1], $0xffff  }
0x363: {  	v57 =	vadd.s32 $0x1F, v45;
	s8 =	sor.u32 $0x300, s8;
	v59 =	vadd.f32 v61, v0;
	v0 =	vld [tilespmem:$0x1FA50]  }
0x364: {  	v63 =	vmul.f32 v34, v58;
	v13 =	vmul.f32 v13, v28;
	v34 =	vld.idx.msk [tilespmem:v26+s8+$0x0 ss:$0x1], $0xffff  }
0x365: {  	v40 =	vmul.f32 v33, v58;
	v4 =	vmul.f32 v4, v28;
	v32 =	vld.idx.msk [tilespmem:v45+s12+$0x0], $0xffff  }
0x366: {  	[dreg:$0x15] =	wrdreg s0;
	v13 =	vadd.f32 v13, v38;
	v23 =	vadd.s32 $0x37, v45;
	v36 =	vadd.s32 $0x3F, v45;
	v60 =	vld.idx.msk [tilespmem:v22+s12+$0x0], $0xffff  }
0x367: {  	[dreg:$0xf] =	wrdreg s13;
	v8 =	vadd.f32 v4, v8;
	v4 =	vmul.f32 v35, v58;
	v58 =	vmul.f32 v31, v58;
	v3 =	vld.idx.msk [tilespmem:v14+s12+$0x0], $0xffff  }
0x368: {  	[dreg:$0x1b] =	wrdreg s18;
	v53 =	vadd.s32 $0x1E, v45;
	v16 =	vld.idx.msk [tilespmem:v57+s12+$0x0], $0xffff;
	v38 =	vadd.f32 v63, v0;
	v0 =	vmov v62  }
0x369: {  	v50 =	vadd.s32 $0xB, v45;
	[dreg:$0x13] =	wrdreg s5;
	v33 =	vadd.f32 v58, v1;
	v1 =	vmov v13;
	[tilespmem:$0x1FA40] =	vst v0;
	v0 =	vld [tilespmem:$0x1FA60]  }
0x36a: {  	s0 =	sor.u32 s17, s15;
	s23 =	smov.u32 s17;
	s17 =	rddreg [dreg:$0xe];
	[tilespmem:$0x1FA60] =	vst v1;
	v1 =	vld [tilespmem:$0x1FA20]  }
0x36b: {  	[dreg:$0xd] =	wrdreg s23;
	v57 =	vld.idx.msk [tilespmem:v23+s12+$0x0], $0xffff  }
0x36c: {  	s18 =	sor.u32 s13, s31;
	v35 =	vadd.s32 $0x4, v47;
	s23 =	smov.u32 s13;
	s13 =	rddreg [dreg:$0x5];
	v9 =	vld.idx.msk [tilespmem:v36+s12+$0x0], $0xffff  }
0x36d: {  	v23 =	vld.idx.msk [tilespmem:v53+s12+$0x0], $0xffff;
	v36 =	vadd.s32 $0x1B, v45;
	[tilespmem:v19+s13+$0x0 ss:$0x1] =	vst.idx.msk $0xffff, v17;
	s13 =	rddreg [dreg:$0x8]  }
0x36e: {  	v52 =	vadd.s32 $0xA, v45;
	s5 =	smov.u32 s17;
	v24 =	vld.idx.msk [tilespmem:v50+s12+$0x0], $0xffff;
	s17 =	smov.u32 s13;
	s13 =	rddreg [dreg:$0x6]  }
0x36f: {  	[dreg:$0xe] =	wrdreg s17;
	v62 =	vadd.s32 $0x2F, v45;
	v63 =	vadd.f32 v4, v0;
	v0 =	vld [tilespmem:$0x1FA70];
	v10 =	vadd.f32 v10, v1;
	v1 =	vmovc v8  }
0x370: {  	s1 =	smov.u32 s10;
	s10 =	smov.u32 s7;
	s17 =	rddreg [dreg:$0x11];
	[tilespmem:$0x1FA70] =	vst v1;
	v1 =	vld [tilespmem:$0x1FA10]  }
0x371: {  	s7 =	smov.u32 s11;
	v6 =	vmov v12;
	[dreg:$0x5] =	wrdreg s5;
	v31 =	vld.idx.msk [tilespmem:v35+s19+$0x0], $0xffff;
	v20 =	vadd.s32 $0x27, v45;
	[tilespmem:v19+s13+$0x0 ss:$0x1] =	vst.idx.msk $0xffff, v59;
	s13 =	smov.u32 s17  }
0x372: {  	s29 =	sor.u32 $0x80, s0;
	s11 =	sor.u32 $0x100, s0;
	v7 =	vmul.f32 v7, v28;
	v17 =	vld.idx.msk [tilespmem:v36+s12+$0x0], $0xffff;
	[dreg:$0x6] =	wrdreg s13;
	[tilespmem:$0x1FA20] =	vst v6;
	v6 =	vadd.s32 $0xE, v45  }
0x373: {  	v58 =	vadd.s32 $0x4, v45;
	s5 =	smov.u32 s29;
	s29 =	smov.u32 s11;
	v36 =	vld.idx.msk [tilespmem:v52+s12+$0x0], $0xffff;
	s13 =	rddreg [dreg:$0x9]  }
0x374: {  	[tilespmem:$0x1F780] =	vst v39;
	v7 =	vadd.f32 v7, v44;
	v44 =	vadd.s32 $0xF, v45;
	s11 =	rddreg [dreg:$0xa];
	s17 =	smov.u32 s13;
	s13 =	smov.u32 s7;
	v54 =	vld.idx.msk [tilespmem:v62+s12+$0x0], $0xffff  }
0x375: {  	[dreg:$0xa] =	wrdreg s13;
	v62 =	vadd.s32 $0x14, v45;
	[tilespmem:v19+s11+$0x0 ss:$0x1] =	vst.idx.msk $0xffff, v10;
	v4 =	vmov v1;
	v1 =	vld [tilespmem:$0x1FC40]  }
0x376: {  	v39 =	vadd.s32 $0x6, v45;
	v56 =	vld.idx.msk [tilespmem:v20+s12+$0x0], $0xffff;
	s13 =	rddreg [dreg:$0x7];
	[tilespmem:v19+s4+$0x0 ss:$0x1] =	vst.idx.msk $0xffff, v38  }
0x377: {  	v20 =	vadd.s32 $0x5, v45;
	v22 =	vld.idx.msk [tilespmem:v6+s12+$0x0], $0xffff;
	[tilespmem:v19+s13+$0x0 ss:$0x1] =	vst.idx.msk $0xffff, v63;
	v48 =	vadd.f32 v40, v0;
	v0 =	vmov v7  }
0x378: {  	v6 =	vadd.s32 $0x15, v45;
	v7 =	vld.idx.msk [tilespmem:v58+s12+$0x0], $0xffff;
	[tilespmem:$0x1FA50] =	vst v0  }
0x379: {  	v63 =	vadd.s32 $0x1C, v45;
	v0 =	vld.idx.msk [tilespmem:v44+s12+$0x0], $0xffff;
	[tilespmem:$0x1F7C0] =	vst v4  }
0x37a: {  	v58 =	vld.idx.msk [tilespmem:v62+s12+$0x0], $0xffff;
	[tilespmem:v19+s22+$0x0 ss:$0x1] =	vst.idx.msk $0xffff, v48;
	vm10 =	vle.f32 v1, v2  }
0x37b: {  	v40 =	vadd.s32 $0x16, v45;
	v48 =	vld.idx.msk [tilespmem:v39+s12+$0x0], $0xffff;
	[tilespmem:v19+s26+$0x0 ss:$0x1] =	vst.idx.msk $0xffff, v18;
	v59 =	vsel vm10, $0x8, v5  }
0x37c: {  	v55 =	vadd.s32 $0xD, v45;
	v4 =	vmul.f32 v60, v46;
	[tilespmem:v19+s28+$0x0 ss:$0x1] =	vst.idx.msk $0xffff, v33;
	v33 =	vld.idx.msk [tilespmem:v20+s12+$0x0], $0xffff;
	v61 =	vor.u32 $0x3, v59  }
0x37d: {  	v39 =	vadd.s32 $0x2, v45;
	v60 =	vmul.f32 v9, v46;
	v20 =	vld.idx.msk [tilespmem:v6+s12+$0x0], $0xffff;
	v10 =	vperm.xlane v21, v61  }
0x37e: {  	v12 =	vadd.s32 $0x5, v47;
	v44 =	vadd.s32 $0x3, v47;
	v62 =	vld.idx.msk [tilespmem:v63+s12+$0x0], $0xffff;
	v0 =	vmul.f32 v0, v46  }
0x37f: {  	[tilespmem:$0x1F760] =	vst v60;
	v60 =	vmul.f32 v24, v41;
	v24 =	vld [tilespmem:$0x1F600];
	v6 =	vor.u32 $0x4, v59;
	vm11 =	vle.f32 v10, v2  }
0x380: {  	v3 =	vmul.f32 v3, v46;
	v40 =	vld.idx.msk [tilespmem:v40+s12+$0x0], $0xffff;
	[tilespmem:$0x1F6D0] =	vst v0;
	v0 =	vadd.s32 $0x11, v45;
	v6 =	vsel vm11, v6, v59  }
0x381: {  	[tilespmem:$0x1F730] =	vst v2;
	v18 =	vadd.s32 $0xC, v45;
	v5 =	vld.idx.msk [tilespmem:v55+s12+$0x0], $0xffff;
	v11 =	vor.u32 $0x1, v6  }
0x382: {  	v51 =	vadd.s32 $0x13, v45;
	v57 =	vmul.f32 v57, v46;
	[tilespmem:$0x1F6F0] =	vst v3;
	v15 =	vld.idx.msk [tilespmem:v39+s12+$0x0], $0xffff;
	v13 =	vperm.xlane v21, v11  }
0x383: {  	v63 =	vadd.s32 $0x1, v47;
	[tilespmem:$0x1F6B0] =	vst v4;
	v4 =	vmul.f32 v16, v46;
	v39 =	vld.idx.msk [tilespmem:v44+s19+$0x0], $0xffff  }
0x384: {  	[tilespmem:$0x1F750] =	vst v57;
	v38 =	vadd.s32 $0x23, v45;
	v44 =	vld.idx.msk [tilespmem:v12+s19+$0x0], $0xffff;
	v53 =	vor.u32 $0x2, v6;
	vm12 =	vle.f32 v13, v2  }
0x385: {  	[tilespmem:$0x1F700] =	vst v4;
	v55 =	vadd.s32 $0x12, v45;
	v9 =	vld.idx.msk [tilespmem:v0+s12+$0x0], $0xffff;
	v0 =	vmul.f32 v40, v25;
	v1 =	vsel vm12, v53, v6  }
0x386: {  	v3 =	vadd.s32 $0x19, v45;
	v30 =	vld.idx.msk [tilespmem:v18+s12+$0x0], $0xffff;
	[tilespmem:$0x1F770] =	vst v1;
	v1 =	vperm.xlane v21, v1  }
0x387: {  	v32 =	vmul.f32 v32, v43;
	v18 =	vld.idx.msk [tilespmem:v51+s12+$0x0], $0xffff;
	v61 =	vadd.s32 $0x1A, v45;
	[tilespmem:$0x1F6C0] =	vst v0  }
0x388: {  	v12 =	vadd.s32 $0x18, v45;
	v27 =	vld.idx.msk [tilespmem:v63+s19+$0x0], $0xffff;
	[tilespmem:$0x1F740] =	vst v1;
	v1 =	vadd.s32 $0x26, v45  }
0x389: {  	v49 =	vadd.s32 $0x3, v45;
	v32 =	vadd.f32 v32, v24;
	v24 =	vld.idx.msk [tilespmem:v38+s12+$0x0], $0xffff;
	[tilespmem:$0x1F660] =	vst v1;
	v1 =	vadd.s32 $0x2E, v45  }
0x38a: {  	v59 =	vadd.s32 $0x2, v47;
	v14 =	vld.idx.msk [tilespmem:v55+s12+$0x0], $0xffff;
	[tilespmem:$0x1F670] =	vst v1;
	v1 =	vadd.s32 $0x36, v45  }
0x38b: {  	v52 =	vmul.f32 v5, v34;
	v5 =	vld.idx.msk [tilespmem:v3+s12+$0x0], $0xffff;
	v3 =	vadd.s32 $0x28, v45;
	[tilespmem:$0x1F680] =	vst v1;
	v1 =	vadd.s32 $0x1D, v45  }
0x38c: {  	v10 =	vld.idx.msk [tilespmem:v61+s12+$0x0], $0xffff;
	v61 =	vadd.s32 $0x6, v47;
	[tilespmem:$0x1F610] =	vst v1;
	v1 =	vadd.s32 $0x3E, v45  }
0x38d: {  	v57 =	vmul.f32 v22, v25;
	v22 =	vld.idx.msk [tilespmem:v12+s12+$0x0], $0xffff;
	v47 =	vadd.s32 $0x7, v47;
	[tilespmem:$0x1F690] =	vst v1;
	v1 =	vadd.s32 $0x25, v45  }
0x38e: {  	v4 =	vadd.s32 $0x8, v45;
	v11 =	vld.idx.msk [tilespmem:v49+s12+$0x0], $0xffff;
	[tilespmem:$0x1F620] =	vst v1;
	v1 =	vadd.s32 $0x2D, v45  }
0x38f: {  	v2 =	vadd.s32 $0x1, v45;
	v63 =	vld.idx.msk [tilespmem:v59+s19+$0x0], $0xffff;
	[tilespmem:$0x1F630] =	vst v1;
	v1 =	vadd.s32 $0x35, v45  }
0x390: {  	v13 =	vadd.s32 $0x20, v45;
	v6 =	vmul.f32 v56, v46;
	v8 =	vld.idx.msk [tilespmem:v3+s12+$0x0], $0xffff;
	[tilespmem:$0x1F640] =	vst v1;
	v1 =	vadd.s32 $0x3D, v45  }
0x391: {  	v0 =	vmul.f32 v23, v25;
	v61 =	vld.idx.msk [tilespmem:v61+s19+$0x0], $0xffff;
	[tilespmem:$0x1F650] =	vst v1;
	v1 =	vadd.s32 $0x9, v45  }
0x392: {  	v3 =	vadd.s32 $0x39, v45;
	v16 =	vld.idx.msk [tilespmem:v47+s19+$0x0], $0xffff;
	[tilespmem:$0x1F710] =	vst v6;
	v6 =	vmul.f32 v54, v46;
	v54 =	vmul.f32 v48, v25  }
0x393: {  	v47 =	vmul.f32 v7, v37;
	v7 =	vld.idx.msk [tilespmem:v4+s12+$0x0], $0xffff;
	v48 =	vmul.f32 v20, v34;
	v20 =	vadd.s32 $0x30, v45  }
0x394: {  	v50 =	vadd.s32 $0x33, v45;
	v36 =	vmul.f32 v36, v29;
	[tilespmem:$0x1F720] =	vst v6;
	v6 =	vld.idx.msk [tilespmem:v2+s12+$0x0], $0xffff;
	v2 =	vadd.s32 $0x10, v45  }
0x395: {  	v35 =	vmul.f32 v58, v37;
	v58 =	vadd.s32 $0x38, v45;
	[tilespmem:$0x1F6E0] =	vst v0;
	v0 =	vadd.s32 $0x21, v45;
	v23 =	vld.idx.msk [tilespmem:v13+s12+$0x0], $0xffff  }
0x396: {  	v51 =	vadd.s32 $0x24, v45;
	v55 =	vadd.s32 $0x34, v45;
	v46 =	vld.idx.msk [tilespmem:v1+s12+$0x0], $0xffff;
	v1 =	vadd.s32 $0x29, v45  }
0x397: {  	v40 =	vmul.f32 v33, v34;
	v22 =	vmul.f32 v22, v43;
	v4 =	vadd.s32 $0x22, v45;
	v3 =	vld.idx.msk [tilespmem:v3+s12+$0x0], $0xffff  }
0x398: {  	v33 =	vmul.f32 v30, v37;
	v49 =	vadd.s32 $0x2B, v45;
	v56 =	vmul.f32 v11, v41;
	v20 =	vld.idx.msk [tilespmem:v20+s12+$0x0], $0xffff  }
0x399: {  	v22 =	vadd.f32 v22, v39;
	v13 =	vmul.f32 v15, v29;
	v30 =	vld.idx.msk [tilespmem:v2+s12+$0x0], $0xffff;
	v2 =	vadd.s32 $0x31, v45  }
0x39a: {  	v15 =	vmul.f32 v5, v42;
	v11 =	vmul.f32 v6, v42;
	v6 =	vld.idx.msk [tilespmem:v0+s12+$0x0], $0xffff;
	v0 =	vadd.s32 $0x2A, v45  }
0x39b: {  	v53 =	vadd.s32 $0x2C, v45;
	v8 =	vmul.f32 v8, v43;
	v5 =	vld.idx.msk [tilespmem:v1+s12+$0x0], $0xffff;
	v1 =	vadd.s32 $0x32, v45  }
0x39c: {  	v59 =	vadd.s32 $0x3C, v45;
	v12 =	vmul.f32 v10, v29;
	v15 =	vadd.f32 v15, v22;
	v4 =	vld.idx.msk [tilespmem:v4+s12+$0x0], $0xffff  }
0x39d: {  	v58 =	vld.idx.msk [tilespmem:v58+s12+$0x0], $0xffff;
	v10 =	vmul.f32 v9, v42;
	v7 =	vmul.f32 v7, v43;
	v8 =	vadd.f32 v8, v44  }
0x39e: {  	v12 =	vadd.f32 v12, v15;
	v23 =	vmul.f32 v23, v43;
	v9 =	vld.idx.msk [tilespmem:v2+s12+$0x0], $0xffff;
	v2 =	vadd.s32 $0x3A, v45  }
0x39f: {  	v7 =	vadd.f32 v7, v27;
	v3 =	vmul.f32 v3, v42;
	v20 =	vmul.f32 v20, v43;
	v0 =	vld.idx.msk [tilespmem:v0+s12+$0x0], $0xffff  }
0x3a0: {  	v23 =	vadd.f32 v23, v31;
	v30 =	vmul.f32 v30, v43;
	v6 =	vmul.f32 v6, v42;
	v1 =	vld.idx.msk [tilespmem:v1+s12+$0x0], $0xffff  }
0x3a1: {  	v11 =	vadd.f32 v11, v32;
	v4 =	vmul.f32 v4, v29;
	v32 =	vld [tilespmem:$0x1F640];
	v20 =	vadd.f32 v20, v61  }
0x3a2: {  	v50 =	vld.idx.msk [tilespmem:v50+s12+$0x0], $0xffff;
	v27 =	vadd.f32 v30, v63;
	v30 =	vmul.f32 v58, v43;
	v6 =	vadd.f32 v6, v23  }
0x3a3: {  	v2 =	vld.idx.msk [tilespmem:v2+s12+$0x0], $0xffff;
	v9 =	vmul.f32 v9, v42;
	v45 =	vadd.s32 $0x3B, v45;
	v5 =	vmul.f32 v5, v42  }
0x3a4: {  	v22 =	vld [tilespmem:$0x1F610];
	v16 =	vadd.f32 v30, v16;
	v0 =	vmul.f32 v0, v29;
	v46 =	vmul.f32 v46, v42  }
0x3a5: {  	v58 =	vld.idx.msk [tilespmem:v51+s12+$0x0], $0xffff;
	v9 =	vadd.f32 v9, v20;
	v5 =	vadd.f32 v5, v8;
	v1 =	vmul.f32 v1, v29  }
0x3a6: {  	v23 =	vld [tilespmem:$0x1F630];
	v4 =	vadd.f32 v4, v6;
	v6 =	vmul.f32 v24, v41;
	v7 =	vadd.f32 v46, v7  }
0x3a7: {  	v8 =	vmul.f32 v50, v41;
	v0 =	vadd.f32 v0, v5;
	v5 =	vld.idx.msk [tilespmem:v55+s12+$0x0], $0xffff;
	v1 =	vadd.f32 v1, v9  }
0x3a8: {  	v3 =	vadd.f32 v3, v16;
	v2 =	vmul.f32 v2, v29;
	v7 =	vadd.f32 v36, v7;
	v16 =	vld.idx.msk [tilespmem:v45+s12+$0x0], $0xffff  }
0x3a9: {  	v17 =	vmul.f32 v17, v41;
	v4 =	vadd.f32 v6, v4;
	v1 =	vadd.f32 v8, v1;
	v8 =	vld.idx.msk [tilespmem:v32+s12+$0x0], $0xffff  }
0x3aa: {  	v6 =	vmul.f32 v58, v37;
	v2 =	vadd.f32 v2, v3;
	v3 =	vld.idx.msk [tilespmem:v59+s12+$0x0], $0xffff;
	v7 =	vadd.f32 v60, v7  }
0x3ab: {  	v14 =	vmul.f32 v14, v29;
	v49 =	vld.idx.msk [tilespmem:v49+s12+$0x0], $0xffff;
	v12 =	vadd.f32 v17, v12;
	v11 =	vadd.f32 v13, v11  }
0x3ac: {  	v4 =	vadd.f32 v6, v4;
	v6 =	vld [tilespmem:$0x1F670];
	v7 =	vadd.f32 v33, v7;
	v5 =	vmul.f32 v5, v37  }
0x3ad: {  	v63 =	vadd.f32 v56, v11;
	v10 =	vadd.f32 v10, v27;
	v46 =	vld [tilespmem:$0x1F6D0];
	v16 =	vmul.f32 v16, v41  }
0x3ae: {  	v11 =	vld.idx.msk [tilespmem:v22+s12+$0x0], $0xffff;
	v7 =	vadd.f32 v52, v7;
	v1 =	vadd.f32 v5, v1;
	v8 =	vmul.f32 v8, v34  }
0x3af: {  	v17 =	vld [tilespmem:$0x1F620];
	v3 =	vmul.f32 v3, v37;
	v2 =	vadd.f32 v16, v2;
	v9 =	vadd.f32 v47, v63  }
0x3b0: {  	v61 =	vld.idx.msk [tilespmem:v53+s12+$0x0], $0xffff;
	v8 =	vadd.f32 v8, v1;
	v1 =	vadd.f32 v57, v7  }
0x3b1: {  	v62 =	vmul.f32 v62, v37;
	v10 =	vadd.f32 v14, v10;
	v13 =	vld.idx.msk [tilespmem:v23+s12+$0x0], $0xffff;
	v2 =	vadd.f32 v3, v2  }
0x3b2: {  	v18 =	vmul.f32 v18, v41;
	v3 =	vadd.f32 v40, v9;
	v9 =	vadd.f32 v46, v1;
	v1 =	vld [tilespmem:$0x1F6E0]  }
0x3b3: {  	[dreg:$0x11] =	wrdreg s17;
	v15 =	vmul.f32 v49, v41;
	v12 =	vadd.f32 v62, v12;
	v11 =	vmul.f32 v11, v34;
	v36 =	vld [tilespmem:$0x1F690]  }
0x3b4: {  	s16 =	smov.u32 s20;
	s4 =	rddreg [dreg:$0xb];
	v10 =	vadd.f32 v18, v10;
	v6 =	vld.idx.msk [tilespmem:v6+s12+$0x0], $0xffff  }
0x3b5: {  	s20 =	sor.u32 $0x280, s0;
	s17 =	rddreg [dreg:$0x10];
	s7 =	smov.u32 s4;
	v14 =	vmul.f32 v61, v37;
	v11 =	vadd.f32 v11, v12;
	v0 =	vadd.f32 v15, v0;
	v7 =	vld [tilespmem:$0x1F6B0]  }
0x3b6: {  	[dreg:$0x10] =	wrdreg s7;
	s7 =	smov.u32 s10;
	s10 =	smov.u32 s20;
	v10 =	vadd.f32 v35, v10;
	v15 =	vld [tilespmem:$0x1F650]  }
0x3b7: {  	v35 =	vmul.f32 v13, v34;
	v0 =	vadd.f32 v14, v0;
	v47 =	vadd.f32 v1, v11;
	v1 =	vld.idx.msk [tilespmem:v26+s10+$0x0 ss:$0x1], $0xffff  }
0x3b8: {  	v16 =	vld [tilespmem:$0x1F660];
	v3 =	vadd.f32 v54, v3  }
0x3b9: {  	v6 =	vmul.f32 v6, v25;
	v0 =	vadd.f32 v35, v0;
	v5 =	vld [tilespmem:$0x1F680]  }
0x3ba: {  	v3 =	vadd.f32 v7, v3;
	v7 =	vld [tilespmem:$0x1F6C0]  }
0x3bb: {  	v0 =	vadd.f32 v6, v0;
	v6 =	vld [tilespmem:$0x1FB90]  }
0x3bc: {  	[tilespmem:$0x1F7E0] =	vst v1;
	v1 =	vld [tilespmem:$0x1F6F0]  }
0x3bd: {  	v17 =	vld.idx.msk [tilespmem:v17+s12+$0x0], $0xffff;
	v10 =	vadd.f32 v48, v10  }
0x3be: {  	v13 =	vld.idx.msk [tilespmem:v36+s12+$0x0], $0xffff  }
0x3bf: {  	v15 =	vld.idx.msk [tilespmem:v15+s12+$0x0], $0xffff;
	v7 =	vadd.f32 v7, v10  }
0x3c0: {  	[dreg:$0x1a] =	wrdreg s3;
	v16 =	vld.idx.msk [tilespmem:v16+s12+$0x0], $0xffff  }
0x3c1: {  	s13 =	rddreg [dreg:$0x12];
	v5 =	vld.idx.msk [tilespmem:v5+s12+$0x0], $0xffff;
	v7 =	vadd.f32 v1, v7  }
0x3c2: {  	s22 =	smov.u32 s13;
	s13 =	rddreg [dreg:$0x1b];
	v1 =	vld [tilespmem:$0x1F700]  }
0x3c3: {  	s26 =	smov.u32 s16;
	s16 =	rddreg [dreg:$0x1a];
	[tilespmem:v19+s13+$0x0 ss:$0x1] =	vst.idx.msk $0xffff, v7;
	v7 =	vld.idx.msk [tilespmem:v6+s12+$0x0], $0xffff  }
0x3c4: {  	v6 =	vld [tilespmem:s16+$0x0];
	_ =	sdelay $0x2  }
0x3c5: {  	v33 =	vmul.f32 v17, v34  }
0x3c6: {  	v38 =	vmul.f32 v15, v34;
	[tilespmem:v19+s24+$0x0 ss:$0x1] =	vst.idx.msk $0xffff, v3;
	v3 =	vadd.f32 v1, v47;
	v1 =	vld [tilespmem:$0x1F710]  }
0x3c7: {  	v4 =	vadd.f32 v33, v4;
	v39 =	vmul.f32 v16, v25;
	[tilespmem:$0x1FA10] =	vst v6;
	v6 =	vld [tilespmem:$0x1F760]  }
0x3c8: {  	v48 =	vmul.f32 v13, v25;
	v2 =	vadd.f32 v38, v2  }
0x3c9: {  	v4 =	vadd.f32 v39, v4  }
0x3ca: {  	v37 =	vld [tilespmem:$0x1F6A0];
	v2 =	vadd.f32 v48, v2  }
0x3cb: {  	v4 =	vadd.f32 v1, v4;
	v1 =	vld [tilespmem:$0x1F720]  }
0x3cc: {  	v2 =	vadd.f32 v6, v2;
	v6 =	vld [tilespmem:$0x1FBC0];
	_ =	sdelay $0x3  }
0x3cd: {  	s18 =	sor.u32 $0x380, s18;
	s11 =	smov.u32 s25;
	v0 =	vadd.f32 v1, v0;
	v1 =	vld [tilespmem:$0x1FBA0]  }
0x3ce: {  	s25 =	smov.u32 s17;
	s17 =	rddreg [dreg:$0xc];
	s4 =	smov.u32 s21  }
0x3cf: {  	s21 =	smov.u32 s17;
	s17 =	smov.u32 s18;
	s18 =	simm.s32 $0x12C00  }
0x3d0: {  	v12 =	vld.idx.msk [tilespmem:v37+s18+$0x0], $0xffff  }
0x3d1: {  	s14 =	smov.u32 s30;
	v37 =	vld.idx.msk [tilespmem:v6+s12+$0x0], $0xffff  }
0x3d2: {  	[dreg:$0x7] =	wrdreg s21;
	s21 =	smov.u32 s14;
	s14 =	smov.u32 s9;
	v6 =	vld [tilespmem:$0x1FB20]  }
0x3d3: {  	[dreg:$0x12] =	wrdreg s14;
	v31 =	vld [tilespmem:$0x1F730]  }
0x3d4: {  	v16 =	vld.idx.msk [tilespmem:v26+s14+$0x0 ss:$0x1], $0xffff;
	s14 =	rddreg [dreg:$0x19]  }
0x3d5: {  	[tilespmem:v19+s14+$0x0 ss:$0x1] =	vst.idx.msk $0xffff, v3;
	v3 =	vld.idx.msk [tilespmem:v1+s12+$0x0], $0xffff  }
0x3d6: {  	v1 =	vld [tilespmem:$0x1F740]  }
0x3d7: {  	v53 =	vmov v6;
	v6 =	vld [tilespmem:$0x1F7A0];
	_ =	sdelay $0x2  }
0x3d8: {  	v7 =	vmul.f32 v7, v28  }
0x3d9: {  	vm13 =	vle.f32 v1, v31;
	v1 =	vld [tilespmem:$0x1F750]  }
0x3da: {  	v5 =	vmul.f32 v5, v25;
	v25 =	vadd.f32 v7, v6;
	v6 =	vld [tilespmem:$0x1F7B0];
	_ =	sdelay $0x1  }
0x3db: {  	s3 =	smov.u32 s0;
	v5 =	vadd.f32 v5, v8  }
0x3dc: {  	v17 =	vld.idx.msk [tilespmem:v26+s3+$0x0 ss:$0x1], $0xffff;
	v3 =	vmul.f32 v3, v28  }
0x3dd: {  	v5 =	vadd.f32 v1, v5;
	v1 =	vld [tilespmem:$0x1FC40]  }
0x3de: {  	v3 =	vadd.f32 v3, v6;
	v6 =	vld [tilespmem:$0x1FBF0]  }
0x3df: {  	s24 =	rddreg [dreg:$0x16]  }
0x3e0: {  	[tilespmem:v19+s24+$0x0 ss:$0x1] =	vst.idx.msk $0xffff, v0;
	v0 =	vld [tilespmem:$0x1F770];
	_ =	sdelay $0x1  }
0x3e1: {  	[dreg:$0x9] =	wrdreg s29  }
0x3e2: {  	v43 =	vld.idx.msk [tilespmem:v26+s29+$0x0 ss:$0x1], $0xffff;
	s29 =	smov.u32 s15;
	s15 =	rddreg [dreg:$0x18];
	vm14 =	vle.f32 v1, v17;
	v1 =	vimm.s32 $0x0  }
0x3e3: {  	[tilespmem:v19+s15+$0x0 ss:$0x1] =	vst.idx.msk $0xffff, v4;
	v4 =	vsel vm13, $0x1, v1  }
0x3e4: {  	v4 =	vor.u32 v4, v0;
	v0 =	vld [tilespmem:$0x1F780]  }
0x3e5: {  	v35 =	vld.idx.msk [tilespmem:v6+s12+$0x0], $0xffff  }
0x3e6: {  	v6 =	vld [tilespmem:$0x1FC00];
	_ =	sdelay $0x2  }
0x3e7: {  	s30 =	sor.u32 $0x200, s0;
	s9 =	rddreg [dreg:$0x1c]  }
0x3e8: {  	[dreg:$0xc] =	wrdreg s7;
	s7 =	smov.u32 s30;
	[tilespmem:v19+s9+$0x0 ss:$0x1] =	vst.idx.msk $0xffff, v9;
	v50 =	vsel vm14, $0x8, v1  }
0x3e9: {  	v44 =	vld.idx.msk [tilespmem:v26+s7+$0x0 ss:$0x1], $0xffff;
	[tilespmem:v19+s8+$0x0 ss:$0x1] =	vst.idx.msk $0xffff, v5;
	vm15 =	vle.f32 v12, v0;
	v0 =	vor.u32 $0x3, v50  }
0x3ea: {  	[tilespmem:v19+s6+$0x0 ss:$0x1] =	vst.idx.msk $0xffff, v2;
	v2 =	vperm.xlane v21, v0;
	v0 =	vld [tilespmem:$0x1F790]  }
0x3eb: {  	v51 =	vsel vm15, $0x1, v1;
	v1 =	vld [tilespmem:$0x1FBB0]  }
0x3ec: {  	v34 =	vld.idx.msk [tilespmem:v6+s12+$0x0], $0xffff  }
0x3ed: {  	v6 =	vld [tilespmem:$0x1FC20]  }
0x3ee: {  	v49 =	vld.idx.msk [tilespmem:v26+s17+$0x0 ss:$0x1], $0xffff  }
0x3ef: {  	v45 =	vld.idx.msk [tilespmem:v26+s5+$0x0 ss:$0x1], $0xffff;
	v0 =	vadd.s32 v51, v0  }
0x3f0: {  	v18 =	vmov v17;
	v10 =	vmin.u32 v0, $0x3FF;
	v0 =	vld [tilespmem:$0x1FBD0]  }
0x3f1: {  	vm4 =	vle.f32 v2, v18;
	v2 =	vld [tilespmem:$0x1FBE0];
	v29 =	vmul.u32 $0x41, v10  }
0x3f2: {  	v42 =	vld.idx.msk [tilespmem:v26+s4+$0x0 ss:$0x1], $0xffff  }
0x3f3: {  	v19 =	vld [tilespmem:$0x1FAC0]  }
0x3f4: {  	v41 =	vld.idx.msk [tilespmem:v1+s12+$0x0], $0xffff  }
0x3f5: {  	v54 =	vadd.s32 $0x8, v29;
	v33 =	vld.idx.msk [tilespmem:v6+s12+$0x0], $0xffff  }
0x3f6: {  	v55 =	vadd.s32 $0x10, v29;
	v6 =	vld [tilespmem:$0x1FC30]  }
0x3f7: {  	v23 =	vmul.u32 $0x9, v10;
	v10 =	vadd.s32 $0x18, v29;
	v15 =	vld.idx.msk [tilespmem:v29+s12+$0x0], $0xffff  }
0x3f8: {  	v56 =	vadd.s32 $0x20, v29;
	v1 =	vld.idx.msk [tilespmem:v0+s12+$0x0], $0xffff  }
0x3f9: {  	v57 =	vadd.s32 $0x28, v29;
	v0 =	vld.idx.msk [tilespmem:v2+s12+$0x0], $0xffff  }
0x3fa: {  	v58 =	vadd.s32 $0x30, v29;
	v8 =	vld.idx.msk [tilespmem:v54+s12+$0x0], $0xffff  }
0x3fb: {  	v9 =	vld.idx.msk [tilespmem:v55+s12+$0x0], $0xffff  }
0x3fc: {  	v59 =	vadd.s32 $0x38, v29;
	v10 =	vld.idx.msk [tilespmem:v10+s12+$0x0], $0xffff  }
0x3fd: {  	v20 =	vadd.s32 $0x4, v23;
	v11 =	vld.idx.msk [tilespmem:v56+s12+$0x0], $0xffff  }
0x3fe: {  	[tilespmem:$0x1F7D0] =	vst v44;
	v5 =	vor.u32 $0x4, v50;
	v26 =	vadd.s32 $0x1, v29;
	v2 =	vmov v49;
	v12 =	vld.idx.msk [tilespmem:v57+s12+$0x0], $0xffff  }
0x3ff: {  	v30 =	vadd.s32 $0x11, v29;
	v62 =	vld.idx.msk [tilespmem:v58+s12+$0x0], $0xffff;
	[tilespmem:$0x1FB20] =	vst v2;
	v2 =	vsel vm4, v5, v50  }
0x400: {  	v52 =	vimm.s32 $0x0;
	[tilespmem:$0x1FA90] =	vst v3;
	v44 =	vadd.s32 $0x29, v29;
	v5 =	vld.idx.msk [tilespmem:v4+s18+$0x0], $0xffff;
	v3 =	vor.u32 $0x1, v2  }
0x401: {  	v60 =	vadd.s32 $0x5, v23;
	v46 =	vadd.s32 $0x31, v29;
	v14 =	vld.idx.msk [tilespmem:v59+s12+$0x0], $0xffff;
	v3 =	vperm.xlane v21, v3  }
0x402: {  	v24 =	vadd.s32 $0x6, v23;
	v61 =	vadd.s32 $0x7, v23;
	v47 =	vadd.s32 $0x39, v29;
	v20 =	vld.idx.msk [tilespmem:v20+s19+$0x0], $0xffff  }
0x403: {  	v28 =	vadd.s32 $0x9, v29;
	v26 =	vld.idx.msk [tilespmem:v26+s12+$0x0], $0xffff;
	v7 =	vor.u32 $0x2, v2;
	vm5 =	vle.f32 v3, v18  }
0x404: {  	v39 =	vadd.s32 $0x19, v29;
	v30 =	vld.idx.msk [tilespmem:v30+s12+$0x0], $0xffff;
	v4 =	vshll.u32 v4, $0x6;
	v2 =	vsel vm5, v7, v2  }
0x405: {  	v44 =	vld.idx.msk [tilespmem:v44+s12+$0x0], $0xffff;
	vm6 =	vle.f32 v5, v31;
	v5 =	vor.u32 $0x20, v4;
	v17 =	vperm.xlane v21, v2  }
0x406: {  	v40 =	vadd.s32 $0x21, v29;
	v46 =	vld.idx.msk [tilespmem:v46+s12+$0x0], $0xffff;
	v3 =	vadd.s32 $0x1, v23;
	v4 =	vsel vm6, v5, v4  }
0x407: {  	v47 =	vld.idx.msk [tilespmem:v47+s12+$0x0], $0xffff;
	v7 =	vadd.s32 $0x2, v23;
	vm7 =	vle.f32 v17, v18;
	v17 =	vshrl.u32 v4, $0x5  }
0x408: {  	v48 =	vadd.s32 $0x2, v29;
	v32 =	vld.idx.msk [tilespmem:v6+s12+$0x0], $0xffff;
	v22 =	vsel vm7, $0x1, v52;
	v17 =	vadd.s32 $0x10, v17  }
0x409: {  	[tilespmem:$0x1FAA0] =	vst v53;
	v51 =	vadd.s32 $0x1A, v29;
	v53 =	vadd.s32 $0x2A, v29;
	v6 =	vld [tilespmem:$0x1FAB0];
	v2 =	vor.u32 v22, v2  }
0x40a: {  	v13 =	vadd.s32 $0xB, v29;
	v38 =	vadd.s32 $0x23, v29;
	v49 =	vadd.s32 $0xA, v29;
	v59 =	vld.idx.msk [tilespmem:v24+s19+$0x0], $0xffff  }
0x40b: {  	v54 =	vadd.s32 $0x32, v29;
	v55 =	vadd.s32 $0x3A, v29;
	v26 =	vmul.f32 v26, v19;
	v3 =	vld.idx.msk [tilespmem:v3+s19+$0x0], $0xffff  }
0x40c: {  	v56 =	vadd.s32 $0x3, v29;
	v30 =	vmul.f32 v30, v19;
	v44 =	vmul.f32 v44, v19;
	v7 =	vld.idx.msk [tilespmem:v7+s19+$0x0], $0xffff  }
0x40d: {  	v24 =	vadd.s32 $0x3B, v29;
	v46 =	vmul.f32 v46, v19;
	v47 =	vmul.f32 v47, v19;
	v17 =	vld.idx.msk [tilespmem:v17+s18+$0x0], $0xffff  }
0x40e: {  	v27 =	vshll.u32 v2, $0x6;
	v8 =	vmul.f32 v8, v6;
	v9 =	vmul.f32 v9, v6;
	v2 =	vld.idx.msk [tilespmem:v2+s18+$0x0], $0xffff  }
0x40f: {  	v58 =	vld.idx.msk [tilespmem:v60+s19+$0x0], $0xffff;
	v50 =	vadd.s32 $0x12, v29;
	v10 =	vmul.f32 v10, v6;
	v11 =	vmul.f32 v11, v6  }
0x410: {  	v28 =	vld.idx.msk [tilespmem:v28+s12+$0x0], $0xffff;
	v5 =	vadd.s32 $0x3, v23;
	v57 =	vmul.f32 v12, v6;
	v36 =	vmul.f32 v62, v6  }
0x411: {  	v23 =	vld.idx.msk [tilespmem:v23+s19+$0x0], $0xffff;
	v14 =	vmul.f32 v14, v6;
	v15 =	vmul.f32 v15, v6;
	v6 =	vmovc v45;
	v63 =	vor.u32 $0x20, v27  }
0x412: {  	[tilespmem:$0x1FAB0] =	vst v6;
	v3 =	vadd.f32 v8, v3;
	v8 =	vld.idx.msk [tilespmem:v39+s12+$0x0], $0xffff;
	vm8 =	vle.f32 v17, v31;
	v17 =	vor.u32 $0x10, v4  }
0x413: {  	v39 =	vld.idx.msk [tilespmem:v40+s12+$0x0], $0xffff;
	v6 =	vadd.f32 v9, v7;
	vm9 =	vle.f32 v2, v18;
	v2 =	vsel vm8, v17, v4  }
0x414: {  	v49 =	vld.idx.msk [tilespmem:v49+s12+$0x0], $0xffff;
	v9 =	vadd.s32 $0x5, v29;
	v27 =	vsel vm9, v63, v27;
	v17 =	vshrl.u32 v2, $0x4  }
0x415: {  	v52 =	vadd.s32 $0x22, v29;
	v4 =	vld.idx.msk [tilespmem:v61+s19+$0x0], $0xffff;
	v21 =	vshrl.u32 v27, $0x5;
	v61 =	vadd.s32 $0x30, v17  }
0x416: {  	v55 =	vld.idx.msk [tilespmem:v55+s12+$0x0], $0xffff;
	v22 =	vadd.s32 $0x33, v29;
	v12 =	vadd.s32 $0x13, v29;
	v62 =	vadd.s32 $0x10, v21  }
0x417: {  	v5 =	vld.idx.msk [tilespmem:v5+s19+$0x0], $0xffff;
	v45 =	vadd.s32 $0x1B, v29;
	v11 =	vadd.f32 v11, v20;
	v36 =	vadd.f32 v36, v59  }
0x418: {  	v15 =	vadd.f32 v15, v23;
	v6 =	vadd.f32 v30, v6;
	v30 =	vmul.f32 v39, v19;
	v39 =	vld.idx.msk [tilespmem:v48+s12+$0x0], $0xffff  }
0x419: {  	v20 =	vadd.s32 $0x24, v29;
	v40 =	vadd.f32 v57, v58;
	v36 =	vadd.f32 v46, v36;
	v9 =	vld.idx.msk [tilespmem:v9+s12+$0x0], $0xffff  }
0x41a: {  	v58 =	vadd.s32 $0x14, v29;
	v15 =	vadd.f32 v26, v15;
	v14 =	vadd.f32 v14, v4;
	v57 =	vld.idx.msk [tilespmem:v61+s18+$0x0], $0xffff  }
0x41b: {  	v7 =	vadd.s32 $0x34, v29;
	v4 =	vmul.f32 v28, v19;
	v61 =	vmul.f32 v8, v19;
	v19 =	vmovc v43;
	v59 =	vld.idx.msk [tilespmem:v62+s18+$0x0], $0xffff  }
0x41c: {  	v5 =	vadd.f32 v10, v5;
	v10 =	vadd.s32 $0x2C, v29;
	v40 =	vadd.f32 v44, v40;
	[tilespmem:$0x1FAC0] =	vst v19;
	v19 =	vld [tilespmem:$0x1FAE0]  }
0x41d: {  	v63 =	vadd.s32 $0x2B, v29;
	v11 =	vadd.f32 v30, v11;
	v30 =	vld.idx.msk [tilespmem:v50+s12+$0x0], $0xffff;
	v60 =	vor.u32 $0x10, v27  }
0x41e: {  	v23 =	vld.idx.msk [tilespmem:v53+s12+$0x0], $0xffff;
	v17 =	vadd.s32 $0x4, v29;
	v21 =	vadd.s32 $0xC, v29;
	v28 =	vadd.s32 $0x1C, v29  }
0x41f: {  	v52 =	vld.idx.msk [tilespmem:v52+s12+$0x0], $0xffff;
	v9 =	vmul.f32 v9, v16;
	v3 =	vadd.f32 v4, v3;
	v8 =	vadd.s32 $0x3C, v29  }
0x420: {  	v4 =	vadd.s32 $0xD, v29;
	v5 =	vadd.f32 v61, v5;
	v61 =	vld.idx.msk [tilespmem:v51+s12+$0x0], $0xffff;
	vm10 =	vle.f32 v57, v31  }
0x421: {  	v54 =	vld.idx.msk [tilespmem:v54+s12+$0x0], $0xffff;
	v57 =	vor.u32 $0x8, v2;
	vm11 =	vle.f32 v59, v18;
	v39 =	vmul.f32 v39, v19  }
0x422: {  	v13 =	vld.idx.msk [tilespmem:v13+s12+$0x0], $0xffff;
	v2 =	vsel vm10, v57, v2;
	v26 =	vmul.f32 v49, v19;
	v30 =	vmul.f32 v30, v19  }
0x423: {  	v38 =	vld.idx.msk [tilespmem:v38+s12+$0x0], $0xffff;
	v23 =	vmul.f32 v23, v19;
	v55 =	vmul.f32 v55, v19;
	v27 =	vsel vm11, v60, v27  }
0x424: {  	v53 =	vld.idx.msk [tilespmem:v56+s12+$0x0], $0xffff;
	v60 =	vshrl.u32 v2, $0x3;
	v3 =	vadd.f32 v26, v3;
	v26 =	vmul.f32 v52, v19  }
0x425: {  	v22 =	vld.idx.msk [tilespmem:v22+s12+$0x0], $0xffff;
	v48 =	vmul.f32 v61, v19;
	v62 =	vshrl.u32 v27, $0x4;
	v44 =	vadd.s32 $0x70, v60  }
0x426: {  	v12 =	vld.idx.msk [tilespmem:v12+s12+$0x0], $0xffff;
	v50 =	vadd.s32 $0x30, v62;
	v11 =	vadd.f32 v26, v11;
	v26 =	vmul.f32 v54, v19;
	v19 =	vmovc v42  }
0x427: {  	v43 =	vadd.s32 $0x15, v29;
	v14 =	vadd.f32 v47, v14;
	v47 =	vadd.s32 $0xE, v29;
	[tilespmem:$0x1FAE0] =	vst v19;
	v19 =	vld [tilespmem:$0x1FAF0]  }
0x428: {  	v57 =	vadd.s32 $0x1D, v29;
	v59 =	vadd.s32 $0x25, v29;
	v61 =	vadd.s32 $0x35, v29;
	v54 =	vld.idx.msk [tilespmem:v45+s12+$0x0], $0xffff  }
0x429: {  	v63 =	vld.idx.msk [tilespmem:v63+s12+$0x0], $0xffff;
	v56 =	vadd.s32 $0x4, v2;
	v51 =	vor.u32 $0x8, v27;
	v60 =	vadd.s32 $0x2D, v29  }
0x42a: {  	v6 =	vadd.f32 v30, v6;
	v15 =	vadd.f32 v39, v15;
	v30 =	vadd.s32 $0x6, v29;
	v44 =	vld.idx.msk [tilespmem:v44+s18+$0x0], $0xffff  }
0x42b: {  	v23 =	vadd.f32 v23, v40;
	v14 =	vadd.f32 v55, v14;
	v52 =	vadd.s32 $0x2E, v29;
	v50 =	vld.idx.msk [tilespmem:v50+s18+$0x0], $0xffff  }
0x42c: {  	v24 =	vld.idx.msk [tilespmem:v24+s12+$0x0], $0xffff;
	v62 =	vadd.s32 $0x3D, v29;
	v5 =	vadd.f32 v48, v5;
	v42 =	vmul.f32 v53, v19  }
0x42d: {  	v7 =	vld.idx.msk [tilespmem:v7+s12+$0x0], $0xffff;
	v26 =	vadd.f32 v26, v36;
	v13 =	vmul.f32 v13, v19;
	v39 =	vmul.f32 v54, v19  }
0x42e: {  	v10 =	vld.idx.msk [tilespmem:v10+s12+$0x0], $0xffff;
	v36 =	vadd.s32 $0x16, v29;
	v12 =	vmul.f32 v12, v19;
	v38 =	vmul.f32 v38, v19  }
0x42f: {  	v17 =	vld.idx.msk [tilespmem:v17+s12+$0x0], $0xffff;
	vm12 =	vle.f32 v44, v31;
	v44 =	vmul.f32 v63, v19;
	v5 =	vadd.f32 v39, v5  }
0x430: {  	vm13 =	vle.f32 v50, v18;
	v2 =	vsel vm12, v56, v2;
	v50 =	vld.idx.msk [tilespmem:v20+s12+$0x0], $0xffff;
	v20 =	vmul.f32 v22, v19  }
0x431: {  	v21 =	vld.idx.msk [tilespmem:v21+s12+$0x0], $0xffff;
	v27 =	vsel vm13, v51, v27;
	v55 =	vshrl.u32 v2, $0x2;
	v39 =	vmovc v18;
	v18 =	vmovc v31;
	v31 =	vmov v32  }
0x432: {  	v32 =	vmovc v33;
	v33 =	vmovc v34;
	v34 =	vmov v0;
	v0 =	vmov v1;
	v1 =	vld [tilespmem:$0x1F7D0];
	v56 =	vshrl.u32 v27, $0x3  }
0x433: {  	v40 =	vadd.s32 $0xF0, v55;
	v45 =	vadd.s32 $0x70, v56;
	v56 =	vmul.f32 v24, v19;
	v19 =	vld [tilespmem:$0x1FB00]  }
0x434: {  	v48 =	vld.idx.msk [tilespmem:v58+s12+$0x0], $0xffff;
	v54 =	vadd.s32 $0x1E, v29;
	v63 =	vadd.s32 $0x36, v29;
	v3 =	vadd.f32 v13, v3  }
0x435: {  	v28 =	vld.idx.msk [tilespmem:v28+s12+$0x0], $0xffff;
	v6 =	vadd.f32 v12, v6;
	[tilespmem:$0x1FB90] =	vst v63;
	v63 =	vadd.f32 v42, v15;
	v15 =	vadd.s32 $0x7, v29  }
0x436: {  	v8 =	vld.idx.msk [tilespmem:v8+s12+$0x0], $0xffff;
	v11 =	vadd.f32 v38, v11;
	v51 =	vadd.s32 $0x3E, v29;
	v23 =	vadd.f32 v44, v23;
	[tilespmem:$0x1FBB0] =	vst v15  }
0x437: {  	v4 =	vld.idx.msk [tilespmem:v4+s12+$0x0], $0xffff;
	v49 =	vadd.s32 $0x2, v2;
	v46 =	vadd.s32 $0x4, v27;
	[tilespmem:$0x1FBA0] =	vst v51;
	v20 =	vadd.f32 v20, v26;
	v26 =	vmovc v1  }
0x438: {  	v12 =	vadd.f32 v56, v14;
	v55 =	vld.idx.msk [tilespmem:v40+s18+$0x0], $0xffff;
	[tilespmem:$0x1FAF0] =	vst v26;
	v26 =	vadd.s32 $0xF, v29;
	v17 =	vmul.f32 v17, v19  }
0x439: {  	v24 =	vld.idx.msk [tilespmem:v45+s18+$0x0], $0xffff;
	v21 =	vmul.f32 v21, v19;
	v15 =	vmul.f32 v48, v19;
	[tilespmem:$0x1FBC0] =	vst v26;
	v26 =	vadd.s32 $0x17, v29  }
0x43a: {  	v60 =	vld.idx.msk [tilespmem:v60+s12+$0x0], $0xffff;
	v13 =	vmul.f32 v50, v19;
	[tilespmem:$0x1FBD0] =	vst v26;
	v26 =	vmul.f32 v28, v19;
	v28 =	vadd.s32 $0x1F, v29  }
0x43b: {  	v1 =	vld [tilespmem:$0x1F7E0];
	v10 =	vmul.f32 v10, v19;
	v7 =	vmul.f32 v7, v19;
	[tilespmem:$0x1FBE0] =	vst v28;
	v28 =	vadd.s32 $0x27, v29  }
0x43c: {  	v8 =	vmul.f32 v8, v19;
	v45 =	vld.idx.msk [tilespmem:v62+s12+$0x0], $0xffff;
	v62 =	vmul.f32 v4, v16;
	[tilespmem:$0x1FBF0] =	vst v28;
	v28 =	vadd.s32 $0x2F, v29  }
0x43d: {  	v50 =	vadd.s32 $0x37, v29;
	v3 =	vadd.f32 v21, v3;
	vm14 =	vle.f32 v55, v18;
	[tilespmem:$0x1FC00] =	vst v28;
	v28 =	vld.idx.msk [tilespmem:v59+s12+$0x0], $0xffff  }
0x43e: {  	[dreg:$0x8] =	wrdreg s5;
	v6 =	vadd.f32 v15, v6;
	vm15 =	vle.f32 v24, v39;
	v56 =	vsel vm14, v49, v2;
	v2 =	vld.idx.msk [tilespmem:v43+s12+$0x0], $0xffff  }
0x43f: {  	s5 =	rddreg [dreg:$0x15];
	v19 =	vmovc v25;
	v11 =	vadd.f32 v13, v11;
	v24 =	vld.idx.msk [tilespmem:v57+s12+$0x0], $0xffff;
	v55 =	vsel vm15, v46, v27;
	v51 =	vshrl.u32 v56, $0x1  }
0x440: {  	s0 =	sadd.s32 $0x2, s5;
	v58 =	vld [tilespmem:$0x1F7C0];
	[tilespmem:$0x1FC20] =	vst v50;
	v25 =	vmovc v41;
	v41 =	vadd.f32 v10, v23;
	v1 =	vmovc v1;
	v27 =	vshrl.u32 v55, $0x2;
	v22 =	vadd.s32 $0x1F0, v51  }
0x441: {  	p2 =	slt.u32 s0, $0x1E;
	v15 =	vld.idx.msk [tilespmem:v61+s12+$0x0], $0xffff;
	v40 =	vadd.f32 v8, v12;
	[tilespmem:$0x1FB00] =	vst v1;
	v1 =	vadd.s32 $0x3F, v29;
	v27 =	vadd.s32 $0xF0, v27  }
.Ltmp0:
0x442: {  	v53 =	vadd.s32 $0x26, v29;
	v48 =	vld.idx.msk [tilespmem:v36+s12+$0x0], $0xffff;
	v5 =	vadd.f32 v26, v5;
	[tilespmem:$0x1FC30] =	vst v1;
	v1 =	vadd.f32 v7, v20;
	(pc) =	sbr.rel @p2 .LBB2_3-.Ltmp0, $4  }
0x443: {  	v50 =	vld.idx.msk [tilespmem:v30+s12+$0x0], $0xffff;
	v7 =	vadd.f32 v17, v63;
	v49 =	vmul.f32 v60, v16;
	v63 =	vmul.f32 v28, v16  }
0x444: {  	[dreg:$0xb] =	wrdreg s4;
	v42 =	vadd.f32 v62, v3;
	v51 =	vld.idx.msk [tilespmem:v47+s12+$0x0], $0xffff;
	v2 =	vmul.f32 v2, v16;
	v3 =	vmul.f32 v24, v16  }
0x445: {  	s31 =	sadd.s32 $0x20, s31;
	s4 =	rddreg [dreg:$0x17];
	v57 =	vadd.s32 $0x2, v55;
	v46 =	vadd.f32 v9, v7;
	v38 =	vadd.f32 v63, v11;
	v4 =	vld.idx.msk [tilespmem:v22+s18+$0x0], $0xffff  }
0x446: {  	s20 =	smov.u32 s2;
	s30 =	smov.u32 s1;
	s28 =	smov.u32 s4;
	v47 =	vmul.f32 v15, v16;
	v43 =	vadd.f32 v2, v6;
	v44 =	vadd.f32 v3, v5;
	v29 =	vld.idx.msk [tilespmem:v27+s18+$0x0], $0xffff  }
0x447: {  	_ =	sdelay $0x2  }
0x448: {  	v36 =	vimm.s32 $0x0;
	vm0 =	vle.f32 v4, v18  }
0x449: {  	v2 =	vsel vm0, $0x1, v36  }
0x44a: {  	v2 =	vadd.s32 v2, v56  }
0x44b: {  	v2 =	vmin.u32 v2, $0x3FF  }
0x44c: {  	v15 =	vmul.u32 $0x41, v2;
	_ =	sdelay $0x1  }
0x44d: {  	v3 =	vadd.s32 $0x7, v15;
	_ =	sdelay $0x4  }
0x44e: {  	v3 =	vld.idx.msk [tilespmem:v3+s12+$0x0], $0xffff  }
0x44f: {  	s0 =	rddreg [dreg:$0x4];
	v4 =	vadd.s32 $0xF, v15  }
0x450: {  	s0 =	sadd.s32 s29, s0  }
0x451: {  	s19 =	rddreg [dreg:$0x13];
	s2 =	sadd.s32 $0x1000, s0  }
0x452: {  	s0 =	sadd.s32 s19, s2  }
0x453: {  	v56 =	vld [tilespmem:s0+$0x0];
	[tilespmem:$0x1F3C0] =	vst v3  }
0x454: {  	v4 =	vld.idx.msk [tilespmem:v4+s12+$0x0], $0xffff  }
0x455: {  	v5 =	vadd.s32 $0x17, v15;
	_ =	sdelay $0x3  }
0x456: {  	[tilespmem:$0x1F3D0] =	vst v4  }
0x457: {  	v5 =	vld.idx.msk [tilespmem:v5+s12+$0x0], $0xffff  }
0x458: {  	v7 =	vadd.s32 $0x27, v15;
	_ =	sdelay $0x3  }
0x459: {  	[tilespmem:$0x1F520] =	vst v5  }
0x45a: {  	v6 =	vadd.s32 $0x1F, v15;
	v7 =	vld.idx.msk [tilespmem:v7+s12+$0x0], $0xffff  }
0x45b: {  	v3 =	vadd.s32 $0x2F, v15;
	_ =	sdelay $0x3  }
0x45c: {  	v62 =	vld.idx.msk [tilespmem:v6+s12+$0x0], $0xffff;
	[tilespmem:$0x1F5C0] =	vst v7  }
0x45d: {  	v3 =	vld.idx.msk [tilespmem:v3+s12+$0x0], $0xffff  }
0x45e: {  	v4 =	vadd.s32 $0x37, v15;
	_ =	sdelay $0x3  }
0x45f: {  	[tilespmem:$0x1F5D0] =	vst v3  }
0x460: {  	v4 =	vld.idx.msk [tilespmem:v4+s12+$0x0], $0xffff  }
0x461: {  	v5 =	vadd.s32 $0x3F, v15;
	_ =	sdelay $0x3  }
0x462: {  	[tilespmem:$0x1F5E0] =	vst v4  }
0x463: {  	v5 =	vld.idx.msk [tilespmem:v5+s12+$0x0], $0xffff  }
0x464: {  	v6 =	vadd.s32 $0x6, v15;
	_ =	sdelay $0x3  }
0x465: {  	[tilespmem:$0x1F5F0] =	vst v5  }
0x466: {  	v6 =	vld.idx.msk [tilespmem:v6+s12+$0x0], $0xffff  }
0x467: {  	v7 =	vadd.s32 $0xE, v15;
	_ =	sdelay $0x3  }
0x468: {  	[tilespmem:$0x1F3A0] =	vst v6  }
0x469: {  	v7 =	vld.idx.msk [tilespmem:v7+s12+$0x0], $0xffff  }
0x46a: {  	v3 =	vadd.s32 $0x16, v15;
	_ =	sdelay $0x3  }
0x46b: {  	[tilespmem:$0x1F3B0] =	vst v7  }
0x46c: {  	v3 =	vld.idx.msk [tilespmem:v3+s12+$0x0], $0xffff  }
0x46d: {  	v4 =	vadd.s32 $0x1E, v15;
	_ =	sdelay $0x3  }
0x46e: {  	[tilespmem:$0x1F4B0] =	vst v3  }
0x46f: {  	v4 =	vld.idx.msk [tilespmem:v4+s12+$0x0], $0xffff  }
0x470: {  	v5 =	vadd.s32 $0x5, v15;
	_ =	sdelay $0x3  }
0x471: {  	[tilespmem:$0x1F530] =	vst v4  }
0x472: {  	v5 =	vld.idx.msk [tilespmem:v5+s12+$0x0], $0xffff  }
0x473: {  	v6 =	vadd.s32 $0xD, v15;
	_ =	sdelay $0x3  }
0x474: {  	[tilespmem:$0x1F380] =	vst v5  }
0x475: {  	v6 =	vld.idx.msk [tilespmem:v6+s12+$0x0], $0xffff  }
0x476: {  	v7 =	vadd.s32 $0x15, v15;
	_ =	sdelay $0x3  }
0x477: {  	[tilespmem:$0x1F390] =	vst v6  }
0x478: {  	v7 =	vld.idx.msk [tilespmem:v7+s12+$0x0], $0xffff  }
0x479: {  	v5 =	vadd.s32 $0x14, v15;
	_ =	sdelay $0x3  }
0x47a: {  	v3 =	vadd.s32 $0x4, v15;
	[tilespmem:$0x1F4C0] =	vst v7  }
0x47b: {  	v4 =	vadd.s32 $0xC, v15;
	v5 =	vld.idx.msk [tilespmem:v5+s12+$0x0], $0xffff  }
0x47c: {  	v6 =	vadd.s32 $0x1C, v15;
	_ =	sdelay $0x2  }
0x47d: {  	v13 =	vld.idx.msk [tilespmem:v3+s12+$0x0], $0xffff  }
0x47e: {  	v61 =	vld.idx.msk [tilespmem:v4+s12+$0x0], $0xffff;
	[tilespmem:$0x1F480] =	vst v5  }
0x47f: {  	v6 =	vld.idx.msk [tilespmem:v6+s12+$0x0], $0xffff  }
0x480: {  	v4 =	vadd.s32 $0x13, v15;
	_ =	sdelay $0x3  }
0x481: {  	v7 =	vadd.s32 $0x3, v15;
	[tilespmem:$0x1F4D0] =	vst v6  }
0x482: {  	v3 =	vadd.s32 $0xB, v15;
	v4 =	vld.idx.msk [tilespmem:v4+s12+$0x0], $0xffff  }
0x483: {  	v5 =	vadd.s32 $0x1B, v15;
	_ =	sdelay $0x2  }
0x484: {  	v22 =	vld.idx.msk [tilespmem:v7+s12+$0x0], $0xffff  }
0x485: {  	v21 =	vld.idx.msk [tilespmem:v3+s12+$0x0], $0xffff;
	[tilespmem:$0x1F440] =	vst v4  }
0x486: {  	v5 =	vld.idx.msk [tilespmem:v5+s12+$0x0], $0xffff  }
0x487: {  	v3 =	vadd.s32 $0x12, v15;
	_ =	sdelay $0x3  }
0x488: {  	v6 =	vadd.s32 $0x2, v15;
	[tilespmem:$0x1F4A0] =	vst v5  }
0x489: {  	v7 =	vadd.s32 $0xA, v15;
	v3 =	vld.idx.msk [tilespmem:v3+s12+$0x0], $0xffff  }
0x48a: {  	v4 =	vadd.s32 $0x1A, v15;
	_ =	sdelay $0x2  }
0x48b: {  	v6 =	vld.idx.msk [tilespmem:v6+s12+$0x0], $0xffff  }
0x48c: {  	v2 =	vmul.u32 $0x9, v2;
	v11 =	vld.idx.msk [tilespmem:v7+s12+$0x0], $0xffff;
	[tilespmem:$0x1F3F0] =	vst v3  }
0x48d: {  	v4 =	vld.idx.msk [tilespmem:v4+s12+$0x0], $0xffff  }
0x48e: {  	v8 =	vadd.s32 $0x2, v2;
	_ =	sdelay $0x3  }
0x48f: {  	s4 =	simm.s32 $0x400;
	[tilespmem:$0x1F460] =	vst v4  }
0x490: {  	v5 =	vadd.s32 $0x1, v2;
	v8 =	vld.idx.msk [tilespmem:v8+s4+$0x0], $0xffff  }
0x491: {  	v3 =	vadd.s32 $0x3, v2;
	_ =	sdelay $0x3  }
0x492: {  	v5 =	vld.idx.msk [tilespmem:v5+s4+$0x0], $0xffff;
	[tilespmem:$0x1F3E0] =	vst v8  }
0x493: {  	v3 =	vld.idx.msk [tilespmem:v3+s4+$0x0], $0xffff  }
0x494: {  	v4 =	vadd.s32 $0x4, v2;
	_ =	sdelay $0x3  }
0x495: {  	v12 =	vld.idx.msk [tilespmem:v2+s4+$0x0], $0xffff;
	[tilespmem:$0x1F410] =	vst v3  }
0x496: {  	v4 =	vld.idx.msk [tilespmem:v4+s4+$0x0], $0xffff  }
0x497: {  	v7 =	vadd.s32 $0x5, v2;
	_ =	sdelay $0x3  }
0x498: {  	[tilespmem:$0x1F430] =	vst v4  }
0x499: {  	v7 =	vld.idx.msk [tilespmem:v7+s4+$0x0], $0xffff  }
0x49a: {  	v26 =	vadd.s32 $0x6, v2;
	_ =	sdelay $0x3  }
0x49b: {  	[tilespmem:$0x1F450] =	vst v7  }
0x49c: {  	v8 =	vld.idx.msk [tilespmem:v26+s4+$0x0], $0xffff  }
0x49d: {  	v2 =	vadd.s32 $0x7, v2;
	_ =	sdelay $0x3  }
0x49e: {  	[tilespmem:$0x1F470] =	vst v8  }
0x49f: {  	v2 =	vld.idx.msk [tilespmem:v2+s4+$0x0], $0xffff  }
0x4a0: {  	v4 =	vadd.s32 $0x9, v15  }
0x4a1: {  	v7 =	vadd.s32 $0x11, v15;
	_ =	sdelay $0x2  }
0x4a2: {  	[tilespmem:$0x1F490] =	vst v2  }
0x4a3: {  	v14 =	vld.idx.msk [tilespmem:v4+s12+$0x0], $0xffff  }
0x4a4: {  	v3 =	vadd.s32 $0x1, v15;
	v4 =	vld.idx.msk [tilespmem:v7+s12+$0x0], $0xffff  }
0x4a5: {  	v27 =	vadd.s32 $0x19, v15;
	_ =	sdelay $0x3  }
0x4a6: {  	v3 =	vld.idx.msk [tilespmem:v3+s12+$0x0], $0xffff;
	[tilespmem:$0x1F400] =	vst v4  }
0x4a7: {  	v4 =	vld.idx.msk [tilespmem:v27+s12+$0x0], $0xffff  }
0x4a8: {  	v2 =	vadd.s32 $0x8, v15  }
0x4a9: {  	v9 =	vadd.s32 $0x10, v15  }
0x4aa: {  	v20 =	vadd.s32 $0x21, v15  }
0x4ab: {  	v10 =	vadd.s32 $0x18, v15  }
0x4ac: {  	v7 =	vadd.s32 $0x20, v15;
	[tilespmem:$0x1F420] =	vst v4  }
0x4ad: {  	v28 =	vadd.s32 $0x28, v15;
	v2 =	vld.idx.msk [tilespmem:v2+s12+$0x0], $0xffff  }
0x4ae: {  	v17 =	vadd.s32 $0x30, v15;
	v4 =	vld.idx.msk [tilespmem:v9+s12+$0x0], $0xffff  }
0x4af: {  	v30 =	vadd.s32 $0x38, v15;
	v27 =	vld.idx.msk [tilespmem:v20+s12+$0x0], $0xffff  }
0x4b0: {  	v23 =	vadd.s32 $0x29, v15;
	v60 =	vld.idx.msk [tilespmem:v10+s12+$0x0], $0xffff  }
0x4b1: {  	v59 =	vld.idx.msk [tilespmem:v7+s12+$0x0], $0xffff  }
0x4b2: {  	v10 =	vld.idx.msk [tilespmem:v28+s12+$0x0], $0xffff  }
0x4b3: {  	v8 =	vld.idx.msk [tilespmem:v17+s12+$0x0], $0xffff  }
0x4b4: {  	v7 =	vld.idx.msk [tilespmem:v30+s12+$0x0], $0xffff;
	[tilespmem:$0x1F4E0] =	vst v27  }
0x4b5: {  	v18 =	vld.idx.msk [tilespmem:v23+s12+$0x0], $0xffff  }
0x4b6: {  	v24 =	vadd.s32 $0x31, v15;
	_ =	sdelay $0x3  }
0x4b7: {  	[tilespmem:$0x1F4F0] =	vst v18  }
0x4b8: {  	v18 =	vld.idx.msk [tilespmem:v24+s12+$0x0], $0xffff  }
0x4b9: {  	v63 =	vadd.s32 $0x39, v15;
	_ =	sdelay $0x3  }
0x4ba: {  	[tilespmem:$0x1F500] =	vst v18  }
0x4bb: {  	v17 =	vld.idx.msk [tilespmem:v63+s12+$0x0], $0xffff  }
0x4bc: {  	v9 =	vadd.s32 $0x22, v15;
	_ =	sdelay $0x3  }
0x4bd: {  	[tilespmem:$0x1F510] =	vst v17  }
0x4be: {  	v9 =	vld.idx.msk [tilespmem:v9+s12+$0x0], $0xffff  }
0x4bf: {  	v20 =	vadd.s32 $0x2A, v15;
	_ =	sdelay $0x3  }
0x4c0: {  	[tilespmem:$0x1F540] =	vst v9  }
0x4c1: {  	v9 =	vld.idx.msk [tilespmem:v20+s12+$0x0], $0xffff  }
0x4c2: {  	v28 =	vadd.s32 $0x32, v15;
	_ =	sdelay $0x3  }
0x4c3: {  	[tilespmem:$0x1F550] =	vst v9  }
0x4c4: {  	v9 =	vld.idx.msk [tilespmem:v28+s12+$0x0], $0xffff  }
0x4c5: {  	v30 =	vadd.s32 $0x3A, v15  }
0x4c6: {  	v63 =	vadd.s32 $0x23, v15;
	_ =	sdelay $0x2  }
0x4c7: {  	[tilespmem:$0x1F560] =	vst v9  }
0x4c8: {  	v26 =	vmul.f32 v37, v58;
	v37 =	vld.idx.msk [tilespmem:v30+s12+$0x0], $0xffff  }
0x4c9: {  	v17 =	vld.idx.msk [tilespmem:v63+s12+$0x0], $0xffff  }
0x4ca: {  	v9 =	vadd.s32 $0x2B, v15;
	v30 =	vld [tilespmem:$0x1FB10]  }
0x4cb: {  	v63 =	vld [tilespmem:$0x1FC10]  }
0x4cc: {  	v27 =	vld [tilespmem:$0x1FA30];
	_ =	sdelay $0x1  }
0x4cd: {  	v28 =	vld [tilespmem:$0x1FA40];
	[tilespmem:$0x1F570] =	vst v17  }
0x4ce: {  	v9 =	vld.idx.msk [tilespmem:v9+s12+$0x0], $0xffff;
	_ =	sdelay $0x1  }
0x4cf: {  	v0 =	vmul.f32 v0, v58;
	v17 =	vadd.f32 v26, v27  }
0x4d0: {  	s24 =	sor.u32 $0x80, s28;
	s1 =	rddreg [dreg:$0x5];
	v26 =	vld.idx.msk [tilespmem:v15+s12+$0x0], $0xffff  }
0x4d1: {  	v0 =	vadd.f32 v0, v28;
	v24 =	vld.idx.msk [tilespmem:v30+s24+$0x0 ss:$0x1], $0xffff;
	[tilespmem:v63+s1+$0x0 ss:$0x1] =	vst.idx.msk $0xffff, v17  }
0x4d2: {  	v17 =	vld [tilespmem:$0x1FA20];
	s1 =	rddreg [dreg:$0x6];
	[tilespmem:$0x1F580] =	vst v9  }
0x4d3: {  	[tilespmem:v63+s1+$0x0 ss:$0x1] =	vst.idx.msk $0xffff, v0  }
0x4d4: {  	v23 =	vadd.s32 $0x33, v15;
	v0 =	vld [tilespmem:$0x1FA50]  }
0x4d5: {  	v20 =	vmul.f32 v25, v58;
	_ =	sdelay $0x1  }
0x4d6: {  	v34 =	vmul.f32 v34, v58;
	v20 =	vadd.f32 v20, v17  }
0x4d7: {  	s1 =	rddreg [dreg:$0xa]  }
0x4d8: {  	[tilespmem:v63+s1+$0x0 ss:$0x1] =	vst.idx.msk $0xffff, v20;
	v0 =	vadd.f32 v34, v0;
	v34 =	vld.idx.msk [tilespmem:v23+s12+$0x0], $0xffff  }
0x4d9: {  	v27 =	vadd.s32 $0x3B, v15;
	v20 =	vld [tilespmem:$0x1FA60];
	_ =	sdelay $0x2  }
0x4da: {  	s14 =	sor.u32 $0x100, s28;
	v28 =	vmul.f32 v35, v58  }
0x4db: {  	vm14 =	vle.f32 v29, v39;
	v17 =	vld.idx.msk [tilespmem:v30+s14+$0x0 ss:$0x1], $0xffff;
	[tilespmem:$0x1F590] =	vst v34  }
0x4dc: {  	v28 =	vadd.f32 v28, v20;
	v20 =	vsel vm14, v57, v55;
	v55 =	vld.idx.msk [tilespmem:v27+s12+$0x0], $0xffff  }
0x4dd: {  	v25 =	vadd.s32 $0x24, v15  }
0x4de: {  	[tilespmem:v63+s25+$0x0 ss:$0x1] =	vst.idx.msk $0xffff, v0  }
0x4df: {  	s5 =	rddreg [dreg:$0x7]  }
0x4e0: {  	s13 =	sor.u32 $0x180, s28;
	s1 =	rddreg [dreg:$0x14];
	[tilespmem:v63+s5+$0x0 ss:$0x1] =	vst.idx.msk $0xffff, v28  }
0x4e1: {  	v9 =	vld.idx.msk [tilespmem:v30+s13+$0x0 ss:$0x1], $0xffff;
	[tilespmem:$0x1F5A0] =	vst v55  }
0x4e2: {  	v25 =	vld.idx.msk [tilespmem:v25+s12+$0x0], $0xffff;
	_ =	sdelay $0x2  }
0x4e3: {  	v35 =	vmul.f32 v26, v24;
	s25 =	sor.u32 $0x200, s28  }
0x4e4: {  	v55 =	vld.idx.msk [tilespmem:v30+s25+$0x0 ss:$0x1], $0xffff  }
0x4e5: {  	s6 =	sor.u32 $0x280, s28;
	v23 =	vadd.f32 v35, v12;
	v3 =	vmul.f32 v3, v17;
	[tilespmem:$0x1F5B0] =	vst v25  }
0x4e6: {  	s1 =	sadd.s32 $0x1, s1;
	v12 =	vld.idx.msk [tilespmem:v30+s6+$0x0 ss:$0x1], $0xffff  }
0x4e7: {  	v3 =	vadd.f32 v3, v23;
	s1 =	sand.u32 $0x3, s1;
	v6 =	vmul.f32 v6, v9  }
0x4e8: {  	s1 =	sshll.u32 s1, $0x5  }
0x4e9: {  	s1 =	sadd.s32 s1, s23;
	v3 =	vadd.f32 v6, v3;
	v6 =	vmul.f32 v22, v55  }
0x4ea: {  	s9 =	sadd.s32 $0x10, s1  }
0x4eb: {  	v28 =	vld [tilespmem:$0x1FA70];
	s8 =	sor.u32 $0x300, s9;
	v3 =	vadd.f32 v6, v3;
	v6 =	vmul.f32 v13, v12  }
0x4ec: {  	v57 =	vmul.f32 v33, v58;
	v33 =	vld.idx.msk [tilespmem:v30+s8+$0x0 ss:$0x1], $0xffff  }
0x4ed: {  	v3 =	vadd.f32 v6, v3;
	v6 =	vld [tilespmem:$0x1F380];
	_ =	sdelay $0x1  }
0x4ee: {  	v2 =	vmul.f32 v2, v24;
	_ =	sdelay $0x1  }
0x4ef: {  	v2 =	vadd.f32 v2, v5;
	v5 =	vmul.f32 v14, v17;
	v26 =	vadd.f32 v57, v28  }
0x4f0: {  	v0 =	vadd.s32 $0x2C, v15;
	v6 =	vmul.f32 v6, v33  }
0x4f1: {  	v18 =	vadd.s32 $0x34, v15;
	v2 =	vadd.f32 v5, v2;
	v5 =	vmul.f32 v11, v9;
	[tilespmem:v63+s21+$0x0 ss:$0x1] =	vst.idx.msk $0xffff, v26  }
0x4f2: {  	v29 =	vadd.s32 $0x1D, v15;
	v3 =	vadd.f32 v6, v3;
	v6 =	vld [tilespmem:$0x1F390]  }
0x4f3: {  	v2 =	vadd.f32 v5, v2;
	v5 =	vmul.f32 v21, v55;
	_ =	sdelay $0x1  }
0x4f4: {  	v25 =	vadd.s32 $0x3C, v15;
	v57 =	vld.idx.msk [tilespmem:v0+s12+$0x0], $0xffff;
	v2 =	vadd.f32 v5, v2;
	v5 =	vmul.f32 v61, v12  }
0x4f5: {  	v0 =	vld.idx.msk [tilespmem:v18+s12+$0x0], $0xffff;
	v18 =	vadd.s32 $0x2D, v15  }
0x4f6: {  	s9 =	sor.u32 $0x380, s9;
	v14 =	vld.idx.msk [tilespmem:v29+s12+$0x0], $0xffff;
	v2 =	vadd.f32 v5, v2;
	v6 =	vmul.f32 v6, v33  }
0x4f7: {  	v23 =	vadd.s32 $0x3D, v15;
	v13 =	vld.idx.msk [tilespmem:v30+s9+$0x0 ss:$0x1], $0xffff  }
0x4f8: {  	v2 =	vadd.f32 v6, v2;
	v6 =	vld [tilespmem:$0x1F3B0]  }
0x4f9: {  	v11 =	vadd.s32 $0x25, v15;
	v35 =	vld.idx.msk [tilespmem:v25+s12+$0x0], $0xffff  }
0x4fa: {  	v29 =	vld.idx.msk [tilespmem:v18+s12+$0x0], $0xffff  }
0x4fb: {  	v18 =	vld [tilespmem:$0x1F3A0]  }
0x4fc: {  	v61 =	vmul.f32 v32, v58;
	v32 =	vld.idx.msk [tilespmem:v23+s12+$0x0], $0xffff  }
0x4fd: {  	v34 =	vadd.s32 $0x35, v15;
	v23 =	vmul.f32 v31, v58;
	v58 =	vld [tilespmem:$0x1F3C0];
	v6 =	vmul.f32 v6, v13  }
0x4fe: {  	v27 =	vadd.s32 $0x26, v15;
	v25 =	vld.idx.msk [tilespmem:v11+s12+$0x0], $0xffff  }
0x4ff: {  	v22 =	vadd.s32 $0x36, v15;
	v11 =	vadd.s32 $0x2E, v15;
	v2 =	vadd.f32 v6, v2;
	v6 =	vld [tilespmem:$0x1F3D0]  }
0x500: {  	v26 =	vadd.s32 $0x3E, v15;
	v28 =	vadd.f32 v61, v19;
	v19 =	vld [tilespmem:$0x1FA90];
	v15 =	vmul.f32 v18, v13;
	_ =	sdelay $0x1  }
0x501: {  	v34 =	vld.idx.msk [tilespmem:v34+s12+$0x0], $0xffff;
	v61 =	vmul.f32 v58, v56;
	v3 =	vadd.f32 v15, v3  }
0x502: {  	v31 =	vld.idx.msk [tilespmem:v27+s12+$0x0], $0xffff  }
0x503: {  	v5 =	vshrl.u32 v20, $0x1;
	v58 =	vld.idx.msk [tilespmem:v11+s12+$0x0], $0xffff;
	v3 =	vadd.f32 v61, v3;
	v6 =	vmul.f32 v6, v56  }
0x504: {  	v5 =	vadd.s32 $0x1F0, v5;
	v11 =	vadd.f32 v23, v19;
	v18 =	vld.idx.msk [tilespmem:v26+s12+$0x0], $0xffff;
	[tilespmem:v63+s22+$0x0 ss:$0x1] =	vst.idx.msk $0xffff, v28  }
0x505: {  	v15 =	vld.idx.msk [tilespmem:v22+s12+$0x0], $0xffff;
	[tilespmem:v63+s28+$0x0 ss:$0x1] =	vst.idx.msk $0xffff, v3;
	v2 =	vadd.f32 v6, v2  }
0x506: {  	[tilespmem:v63+s26+$0x0 ss:$0x1] =	vst.idx.msk $0xffff, v11  }
0x507: {  	[tilespmem:v63+s24+$0x0 ss:$0x1] =	vst.idx.msk $0xffff, v2  }
0x508: {  	v2 =	vld [tilespmem:$0x1F3E0]  }
0x509: {  	v5 =	vld.idx.msk [tilespmem:v5+s18+$0x0], $0xffff  }
0x50a: {  	v3 =	vmul.f32 v4, v24;
	v4 =	vld [tilespmem:$0x1F400]  }
0x50b: {  	v23 =	vld [tilespmem:$0x1F410]  }
0x50c: {  	v26 =	vld [tilespmem:$0x1F420]  }
0x50d: {  	v2 =	vadd.f32 v3, v2;
	v3 =	vld [tilespmem:$0x1F3F0]  }
0x50e: {  	vm15 =	vle.f32 v5, v39;
	v5 =	vmul.f32 v60, v24;
	v27 =	vld [tilespmem:$0x1F450]  }
0x50f: {  	v4 =	vmul.f32 v4, v17  }
0x510: {  	v5 =	vadd.f32 v5, v23  }
0x511: {  	v2 =	vadd.f32 v4, v2;
	v4 =	vmul.f32 v10, v24;
	v10 =	vmul.f32 v26, v17  }
0x512: {  	v3 =	vmul.f32 v3, v9  }
0x513: {  	v19 =	vadd.f32 v4, v27;
	v4 =	vadd.f32 v10, v5;
	v5 =	vld [tilespmem:$0x1F460]  }
0x514: {  	v2 =	vadd.f32 v3, v2;
	v3 =	vld [tilespmem:$0x1F440];
	_ =	sdelay $0x3  }
0x515: {  	v39 =	vld [tilespmem:$0x1F490];
	v5 =	vmul.f32 v5, v9  }
0x516: {  	v3 =	vmul.f32 v3, v55  }
0x517: {  	v4 =	vadd.f32 v5, v4;
	v5 =	vld [tilespmem:$0x1F4A0]  }
0x518: {  	v7 =	vmul.f32 v7, v24;
	v2 =	vadd.f32 v3, v2;
	v3 =	vld [tilespmem:$0x1F480];
	_ =	sdelay $0x1  }
0x519: {  	v21 =	vadd.f32 v7, v39;
	v7 =	vld [tilespmem:$0x1F4C0];
	_ =	sdelay $0x1  }
0x51a: {  	v5 =	vmul.f32 v5, v55  }
0x51b: {  	v3 =	vmul.f32 v3, v12  }
0x51c: {  	v5 =	vadd.f32 v5, v4;
	v4 =	vld [tilespmem:$0x1F4D0]  }
0x51d: {  	v11 =	vld [tilespmem:$0x1F430];
	v7 =	vmul.f32 v7, v33;
	v2 =	vadd.f32 v3, v2  }
0x51e: {  	v3 =	vld [tilespmem:$0x1F4B0]  }
0x51f: {  	v2 =	vadd.f32 v7, v2;
	v7 =	vld [tilespmem:$0x1F4F0]  }
0x520: {  	v10 =	vld.idx.msk [tilespmem:v53+s12+$0x0], $0xffff  }
0x521: {  	v53 =	vmul.f32 v4, v12;
	v4 =	vld [tilespmem:$0x1F4E0];
	_ =	sdelay $0x1  }
0x522: {  	v6 =	vmul.f32 v59, v24;
	v5 =	vadd.f32 v53, v5;
	v53 =	vld [tilespmem:$0x1FBB0]  }
0x523: {  	v3 =	vmul.f32 v3, v13;
	v60 =	vmul.f32 v7, v17;
	v7 =	vld [tilespmem:$0x1F500]  }
0x524: {  	v6 =	vadd.f32 v6, v11;
	v11 =	vld.idx.msk [tilespmem:v54+s12+$0x0], $0xffff  }
0x525: {  	v54 =	vmul.f32 v4, v17;
	v2 =	vadd.f32 v3, v2;
	v3 =	vld [tilespmem:$0x1F520]  }
0x526: {  	v28 =	vld [tilespmem:$0x1F470]  }
0x527: {  	v6 =	vadd.f32 v54, v6;
	v54 =	vld [tilespmem:$0x1FBC0]  }
0x528: {  	v61 =	vmul.f32 v7, v17;
	v7 =	vld [tilespmem:$0x1F510]  }
0x529: {  	v4 =	vld.idx.msk [tilespmem:v52+s12+$0x0], $0xffff  }
0x52a: {  	v52 =	vld [tilespmem:$0x1FBA0];
	v3 =	vmul.f32 v3, v56  }
0x52b: {  	v8 =	vmul.f32 v8, v24;
	v24 =	vld.idx.msk [tilespmem:v53+s12+$0x0], $0xffff  }
0x52c: {  	s1 =	sor.u32 $0x300, s1;
	v2 =	vadd.f32 v3, v2;
	v3 =	vld [tilespmem:$0x1F530]  }
0x52d: {  	v17 =	vmul.f32 v7, v17;
	v7 =	vld.idx.msk [tilespmem:v30+s1+$0x0 ss:$0x1], $0xffff  }
0x52e: {  	v36 =	vsel vm15, $0x1, v36;
	v30 =	vld [tilespmem:$0x1FB90]  }
0x52f: {  	v8 =	vadd.f32 v8, v28;
	v39 =	vadd.s32 v36, v20;
	v36 =	vld.idx.msk [tilespmem:v54+s12+$0x0], $0xffff;
	[tilespmem:v63+s14+$0x0 ss:$0x1] =	vst.idx.msk $0xffff, v2  }
0x530: {  	v19 =	vadd.f32 v60, v19;
	v60 =	vld [tilespmem:$0x1F540]  }
0x531: {  	v14 =	vmul.f32 v14, v33;
	v20 =	vadd.f32 v61, v8;
	v61 =	vld [tilespmem:$0x1FBE0]  }
0x532: {  	v28 =	vld [tilespmem:$0x1F550]  }
0x533: {  	v5 =	vadd.f32 v14, v5;
	v14 =	vmin.u32 v39, $0x3FF;
	v39 =	vld [tilespmem:$0x1F560]  }
0x534: {  	v8 =	vmul.u32 $0x41, v14;
	v53 =	vld [tilespmem:$0x1FC00];
	v3 =	vmul.f32 v3, v13  }
0x535: {  	v54 =	vld [tilespmem:$0x1FC20];
	v2 =	vadd.f32 v17, v21  }
0x536: {  	v17 =	vmul.f32 v62, v56;
	v62 =	vadd.s32 $0x8, v8;
	v3 =	vadd.f32 v3, v5;
	v5 =	vld [tilespmem:$0x1FBD0]  }
0x537: {  	v21 =	vmul.f32 v60, v9;
	v60 =	vld [tilespmem:$0x1FC30]  }
0x538: {  	v59 =	vld.idx.msk [tilespmem:v30+s12+$0x0], $0xffff  }
0x539: {  	v27 =	vmul.f32 v39, v9;
	v30 =	vld.idx.msk [tilespmem:v52+s12+$0x0], $0xffff  }
0x53a: {  	v52 =	vld [tilespmem:$0x1FBF0]  }
0x53b: {  	v20 =	vadd.f32 v27, v20;
	v27 =	vld.idx.msk [tilespmem:v62+s12+$0x0], $0xffff  }
0x53c: {  	v3 =	vadd.f32 v17, v3;
	v26 =	vld.idx.msk [tilespmem:v61+s12+$0x0], $0xffff  }
0x53d: {  	v23 =	vmul.f32 v28, v9;
	v9 =	vmul.f32 v37, v9;
	v37 =	vld.idx.msk [tilespmem:v53+s12+$0x0], $0xffff  }
0x53e: {  	[tilespmem:v63+s13+$0x0 ss:$0x1] =	vst.idx.msk $0xffff, v3;
	v53 =	vld.idx.msk [tilespmem:v54+s12+$0x0], $0xffff  }
0x53f: {  	v3 =	vld [tilespmem:$0x1F570]  }
0x540: {  	v61 =	vld [tilespmem:$0x1F580]  }
0x541: {  	v62 =	vld [tilespmem:$0x1F590]  }
0x542: {  	v54 =	vld.idx.msk [tilespmem:v60+s12+$0x0], $0xffff  }
0x543: {  	v60 =	vld [tilespmem:$0x1F5A0];
	_ =	sdelay $0x3  }
0x544: {  	v2 =	vadd.f32 v9, v2;
	v3 =	vmul.f32 v3, v55;
	v9 =	vmul.f32 v61, v55  }
0x545: {  	v39 =	vmul.f32 v62, v55;
	v55 =	vmul.f32 v60, v55  }
0x546: {  	v1 =	vadd.f32 v47, v1;
	v47 =	vadd.s32 $0xD, v8  }
0x547: {  	v6 =	vadd.f32 v21, v6;
	v21 =	vadd.s32 $0x18, v8;
	v2 =	vadd.f32 v55, v2;
	v55 =	vld [tilespmem:$0x1F5B0]  }
0x548: {  	v17 =	vadd.s32 $0x20, v8  }
0x549: {  	v0 =	vmul.f32 v0, v12;
	v22 =	vadd.s32 $0x30, v8;
	v19 =	vadd.f32 v23, v19  }
0x54a: {  	v25 =	vmul.f32 v25, v33;
	v29 =	vmul.f32 v29, v33;
	v28 =	vadd.s32 $0x10, v8  }
0x54b: {  	v14 =	vmul.u32 $0x9, v14;
	v47 =	vld.idx.msk [tilespmem:v47+s12+$0x0], $0xffff;
	v3 =	vadd.f32 v3, v6;
	v19 =	vadd.f32 v9, v19  }
0x54c: {  	v20 =	vadd.f32 v39, v20;
	v39 =	vmul.f32 v57, v12;
	v60 =	vld.idx.msk [tilespmem:v21+s12+$0x0], $0xffff;
	v21 =	vmul.f32 v55, v12  }
0x54d: {  	v23 =	vadd.s32 $0x28, v8;
	v62 =	vmul.f32 v35, v12;
	v9 =	vld.idx.msk [tilespmem:v17+s12+$0x0], $0xffff;
	v17 =	vadd.s32 $0x2, v14  }
0x54e: {  	v57 =	vld.idx.msk [tilespmem:v22+s12+$0x0], $0xffff;
	v22 =	vadd.s32 $0x4, v14;
	v19 =	vadd.f32 v39, v19;
	v3 =	vadd.f32 v21, v3  }
0x54f: {  	v28 =	vld.idx.msk [tilespmem:v28+s12+$0x0], $0xffff;
	v20 =	vadd.f32 v0, v20;
	v2 =	vadd.f32 v62, v2;
	v62 =	vmul.f32 v34, v33  }
0x550: {  	v5 =	vld.idx.msk [tilespmem:v5+s12+$0x0], $0xffff;
	v61 =	vadd.s32 $0x38, v8;
	v3 =	vadd.f32 v25, v3;
	v25 =	vadd.f32 v29, v19  }
0x551: {  	v29 =	vmul.f32 v32, v33;
	v32 =	vadd.f32 v62, v20;
	v62 =	vmul.f32 v58, v13;
	v58 =	vld [tilespmem:$0x1F5C0]  }
0x552: {  	v6 =	vadd.s32 $0x1, v14;
	v35 =	vld.idx.msk [tilespmem:v17+s4+$0x0], $0xffff  }
0x553: {  	v39 =	vadd.s32 $0x7, v14;
	v25 =	vadd.f32 v62, v25;
	v62 =	vld [tilespmem:$0x1F5D0]  }
0x554: {  	v31 =	vmul.f32 v31, v13;
	v17 =	vld.idx.msk [tilespmem:v22+s4+$0x0], $0xffff;
	v21 =	vadd.s32 $0x5, v14  }
0x555: {  	v55 =	vld.idx.msk [tilespmem:v23+s12+$0x0], $0xffff  }
0x556: {  	v12 =	vld.idx.msk [tilespmem:v61+s12+$0x0], $0xffff;
	v3 =	vadd.f32 v31, v3;
	v34 =	vmul.f32 v58, v56  }
0x557: {  	v61 =	vld.idx.msk [tilespmem:v6+s4+$0x0], $0xffff;
	v6 =	vadd.s32 $0x6, v14  }
0x558: {  	v23 =	vadd.s32 $0x3, v14;
	v20 =	vld.idx.msk [tilespmem:v39+s4+$0x0], $0xffff;
	v39 =	vmul.f32 v62, v56;
	v3 =	vadd.f32 v34, v3  }
0x559: {  	v22 =	vadd.s32 $0x9, v8;
	v33 =	vld.idx.msk [tilespmem:v21+s4+$0x0], $0xffff  }
0x55a: {  	v21 =	vadd.s32 $0x11, v8;
	v25 =	vadd.f32 v39, v25;
	v39 =	vld [tilespmem:$0x1F5E0];
	[tilespmem:v63+s25+$0x0 ss:$0x1] =	vst.idx.msk $0xffff, v3  }
0x55b: {  	v3 =	vld [tilespmem:$0x1F5F0]  }
0x55c: {  	v19 =	vld.idx.msk [tilespmem:v6+s4+$0x0], $0xffff;
	v6 =	vadd.s32 $0x19, v8  }
0x55d: {  	v15 =	vmul.f32 v15, v13;
	v0 =	vld.idx.msk [tilespmem:v23+s4+$0x0], $0xffff;
	v23 =	vadd.s32 $0x1, v8  }
0x55e: {  	v13 =	vmul.f32 v18, v13;
	v2 =	vadd.f32 v29, v2;
	v29 =	vadd.s32 $0x21, v8;
	v58 =	vld.idx.msk [tilespmem:v22+s12+$0x0], $0xffff  }
0x55f: {  	v18 =	vld.idx.msk [tilespmem:v21+s12+$0x0], $0xffff;
	v21 =	vadd.f32 v15, v32;
	[tilespmem:v63+s6+$0x0 ss:$0x1] =	vst.idx.msk $0xffff, v25;
	v62 =	vmul.f32 v39, v56  }
0x560: {  	v2 =	vadd.f32 v13, v2;
	v3 =	vmul.f32 v3, v56;
	v56 =	vld [tilespmem:$0x1FAA0]  }
0x561: {  	v22 =	vadd.s32 $0x31, v8;
	v39 =	vld.idx.msk [tilespmem:v6+s12+$0x0], $0xffff;
	v6 =	vadd.f32 v62, v21  }
0x562: {  	v31 =	vld.idx.msk [tilespmem:v23+s12+$0x0], $0xffff;
	v23 =	vadd.s32 $0x29, v8;
	v2 =	vadd.f32 v3, v2  }
0x563: {  	v52 =	vld.idx.msk [tilespmem:v52+s12+$0x0], $0xffff;
	v34 =	vadd.s32 $0x39, v8;
	[tilespmem:v63+s8+$0x0 ss:$0x1] =	vst.idx.msk $0xffff, v6  }
0x564: {  	v15 =	vld.idx.msk [tilespmem:v29+s12+$0x0], $0xffff;
	s0 =	rddreg [dreg:$0xd];
	[tilespmem:v63+s9+$0x0 ss:$0x1] =	vst.idx.msk $0xffff, v2  }
0x565: {  	v62 =	vadd.s32 $0x12, v8;
	v6 =	vmul.f32 v51, v56;
	v51 =	vld [tilespmem:$0x1FA10]  }
0x566: {  	v29 =	vadd.s32 $0xA, v8;
	v22 =	vld.idx.msk [tilespmem:v22+s12+$0x0], $0xffff  }
0x567: {  	v25 =	vadd.s32 $0x2, v8;
	v21 =	vld.idx.msk [tilespmem:v23+s12+$0x0], $0xffff;
	v3 =	vmul.f32 v50, v56  }
0x568: {  	v23 =	vld.idx.msk [tilespmem:v34+s12+$0x0], $0xffff;
	v11 =	vmul.f32 v11, v56  }
0x569: {  	v34 =	vld.idx.msk [tilespmem:v14+s4+$0x0], $0xffff;
	v2 =	vadd.f32 v3, v46;
	v3 =	vmul.f32 v48, v56;
	v6 =	vadd.f32 v6, v42  }
0x56a: {  	v32 =	vld.idx.msk [tilespmem:v62+s12+$0x0], $0xffff;
	v11 =	vadd.f32 v11, v44;
	v44 =	vadd.s32 $0x32, v8;
	v50 =	vmul.f32 v36, v51  }
0x56b: {  	v3 =	vadd.f32 v3, v43;
	v43 =	vld.idx.msk [tilespmem:v29+s12+$0x0], $0xffff;
	v29 =	vadd.s32 $0x2A, v8  }
0x56c: {  	v10 =	vmul.f32 v10, v56;
	v62 =	vadd.s32 $0x3A, v8;
	v42 =	vld.idx.msk [tilespmem:v25+s12+$0x0], $0xffff;
	v6 =	vadd.f32 v50, v6  }
0x56d: {  	v14 =	vadd.s32 $0x1A, v8;
	s0 =	sadd.s32 s0, s2;
	s26 =	rddreg [dreg:$0xe];
	v4 =	vmul.f32 v4, v56;
	v46 =	vld.idx.msk [tilespmem:v8+s12+$0x0], $0xffff;
	v5 =	vmul.f32 v5, v51  }
0x56e: {  	v13 =	vld [tilespmem:s0+$0x0];
	v10 =	vadd.f32 v10, v38;
	v48 =	vmul.f32 v59, v56;
	[tilespmem:v63+s26+$0x0 ss:$0x1] =	vst.idx.msk $0xffff, v6;
	v6 =	vadd.s32 $0x3, v8  }
0x56f: {  	v36 =	vadd.s32 $0x22, v8;
	v3 =	vadd.f32 v5, v3;
	v5 =	vmul.f32 v26, v51;
	v26 =	vld.idx.msk [tilespmem:v44+s12+$0x0], $0xffff  }
0x570: {  	v38 =	vadd.s32 $0x3B, v8;
	v24 =	vmul.f32 v24, v51;
	v25 =	vld.idx.msk [tilespmem:v29+s12+$0x0], $0xffff;
	v29 =	vadd.s32 $0x23, v8  }
0x571: {  	v44 =	vadd.f32 v49, v41;
	v49 =	vmul.f32 v45, v16;
	v16 =	vld.idx.msk [tilespmem:v62+s12+$0x0], $0xffff;
	v62 =	vadd.s32 $0x2B, v8;
	s0 =	rddreg [dreg:$0x11]  }
0x572: {  	v2 =	vadd.f32 v24, v2;
	v50 =	vld.idx.msk [tilespmem:v14+s12+$0x0], $0xffff;
	[tilespmem:v63+s0+$0x0 ss:$0x1] =	vst.idx.msk $0xffff, v3;
	v3 =	vadd.f32 v5, v11  }
0x573: {  	v5 =	vadd.s32 $0xB, v8;
	v41 =	vld.idx.msk [tilespmem:v6+s12+$0x0], $0xffff;
	v6 =	vadd.f32 v49, v40;
	v49 =	vmul.f32 v30, v56  }
0x574: {  	v45 =	vadd.s32 $0xC, v8;
	v4 =	vadd.f32 v4, v44;
	v44 =	vadd.s32 $0x4, v8;
	v24 =	vld.idx.msk [tilespmem:v36+s12+$0x0], $0xffff;
	[tilespmem:v63+s11+$0x0 ss:$0x1] =	vst.idx.msk $0xffff, v2  }
0x575: {  	s0 =	rddreg [dreg:$0x10];
	v14 =	vld.idx.msk [tilespmem:v29+s12+$0x0], $0xffff;
	v56 =	vmul.f32 v52, v51;
	v11 =	vadd.f32 v49, v6;
	v6 =	vmul.f32 v37, v51  }
0x576: {  	[tilespmem:v63+s0+$0x0 ss:$0x1] =	vst.idx.msk $0xffff, v3;
	v40 =	vadd.s32 $0x33, v8;
	v29 =	vld.idx.msk [tilespmem:v62+s12+$0x0], $0xffff  }
0x577: {  	v10 =	vadd.f32 v56, v10;
	v4 =	vadd.f32 v6, v4;
	v6 =	vld.idx.msk [tilespmem:v38+s12+$0x0], $0xffff;
	v38 =	vadd.s32 $0x34, v8  }
0x578: {  	v1 =	vadd.f32 v48, v1;
	v53 =	vmul.f32 v53, v51;
	s0 =	rddreg [dreg:$0xc];
	v5 =	vld.idx.msk [tilespmem:v5+s12+$0x0], $0xffff;
	v49 =	vadd.s32 $0x15, v8  }
0x579: {  	v54 =	vmul.f32 v54, v51;
	v37 =	vld.idx.msk [tilespmem:v44+s12+$0x0], $0xffff;
	[tilespmem:v63+s0+$0x0 ss:$0x1] =	vst.idx.msk $0xffff, v10  }
0x57a: {  	v59 =	vadd.s32 $0x14, v8;
	v1 =	vadd.f32 v53, v1;
	v44 =	vld.idx.msk [tilespmem:v45+s12+$0x0], $0xffff;
	[tilespmem:v63+s30+$0x0 ss:$0x1] =	vst.idx.msk $0xffff, v4  }
0x57b: {  	v30 =	vld.idx.msk [tilespmem:v40+s12+$0x0], $0xffff;
	v4 =	vadd.f32 v54, v11;
	s0 =	rddreg [dreg:$0x12]  }
0x57c: {  	[tilespmem:v63+s0+$0x0 ss:$0x1] =	vst.idx.msk $0xffff, v1;
	v11 =	vld.idx.msk [tilespmem:v38+s12+$0x0], $0xffff  }
0x57d: {  	[tilespmem:v63+s20+$0x0 ss:$0x1] =	vst.idx.msk $0xffff, v4;
	v38 =	vld.idx.msk [tilespmem:v49+s12+$0x0], $0xffff  }
0x57e: {  	v2 =	vadd.s32 $0x13, v8;
	v53 =	vld [tilespmem:$0x1FAB0]  }
0x57f: {  	v62 =	vadd.s32 $0x1C, v8;
	v40 =	vld.idx.msk [tilespmem:v59+s12+$0x0], $0xffff  }
0x580: {  	v56 =	vadd.s32 $0x24, v8;
	v52 =	vld [tilespmem:$0x1FAC0]  }
0x581: {  	v3 =	vadd.s32 $0x1B, v8;
	v54 =	vld [tilespmem:$0x1FAE0]  }
0x582: {  	v47 =	vmul.f32 v47, v7;
	v10 =	vadd.s32 $0x2C, v8;
	v51 =	vld [tilespmem:$0x1FB00];
	v38 =	vmul.f32 v38, v7  }
0x583: {  	v2 =	vld.idx.msk [tilespmem:v2+s12+$0x0], $0xffff;
	v1 =	vadd.s32 $0x3C, v8;
	v59 =	vmul.f32 v27, v53;
	v28 =	vmul.f32 v28, v53  }
0x584: {  	v36 =	vld.idx.msk [tilespmem:v62+s12+$0x0], $0xffff;
	v27 =	vadd.s32 $0x5, v8;
	v62 =	vmul.f32 v60, v53;
	v46 =	vmul.f32 v46, v53  }
0x585: {  	v4 =	vld.idx.msk [tilespmem:v56+s12+$0x0], $0xffff;
	v56 =	vadd.f32 v59, v61;
	v59 =	vmul.f32 v58, v52;
	v58 =	vadd.s32 $0x35, v8  }
0x586: {  	v3 =	vld.idx.msk [tilespmem:v3+s12+$0x0], $0xffff;
	v31 =	vmul.f32 v31, v52;
	v32 =	vmul.f32 v32, v54  }
0x587: {  	v10 =	vld.idx.msk [tilespmem:v10+s12+$0x0], $0xffff;
	v60 =	vadd.s32 $0x1D, v8;
	v42 =	vmul.f32 v42, v54;
	v40 =	vmul.f32 v40, v51  }
0x588: {  	v0 =	vadd.f32 v62, v0;
	v61 =	vmul.f32 v18, v52;
	v62 =	vadd.s32 $0x25, v8;
	v18 =	vld.idx.msk [tilespmem:v1+s12+$0x0], $0xffff  }
0x589: {  	v28 =	vadd.f32 v28, v35;
	v34 =	vadd.f32 v46, v34;
	v35 =	vadd.s32 $0x3D, v8;
	v27 =	vld.idx.msk [tilespmem:v27+s12+$0x0], $0xffff  }
0x58a: {  	v1 =	vadd.f32 v59, v56;
	v56 =	vmul.f32 v39, v52;
	v39 =	vadd.s32 $0x2D, v8;
	v46 =	vld.idx.msk [tilespmem:v58+s12+$0x0], $0xffff  }
0x58b: {  	v28 =	vadd.f32 v61, v28;
	v59 =	vmul.f32 v43, v54;
	v43 =	vadd.s32 $0x6, v8;
	v58 =	vld [tilespmem:$0x1FAF0]  }
0x58c: {  	v36 =	vmul.f32 v36, v51;
	v16 =	vmul.f32 v16, v54;
	v61 =	vadd.s32 $0xE, v8;
	v48 =	vld.idx.msk [tilespmem:v60+s12+$0x0], $0xffff  }
0x58d: {  	v4 =	vmul.f32 v4, v51;
	v28 =	vadd.f32 v32, v28;
	v32 =	vadd.s32 $0x1E, v8;
	v45 =	vld.idx.msk [tilespmem:v62+s12+$0x0], $0xffff  }
0x58e: {  	v60 =	vmul.f32 v50, v54;
	v0 =	vadd.f32 v56, v0;
	v62 =	vadd.s32 $0x16, v8;
	v35 =	vld.idx.msk [tilespmem:v35+s12+$0x0], $0xffff  }
0x58f: {  	v10 =	vmul.f32 v10, v51;
	v31 =	vadd.f32 v31, v34;
	v56 =	vadd.s32 $0x17, v8;
	v39 =	vld.idx.msk [tilespmem:v39+s12+$0x0], $0xffff  }
0x590: {  	v1 =	vadd.f32 v59, v1;
	v0 =	vadd.f32 v60, v0;
	v43 =	vld.idx.msk [tilespmem:v43+s12+$0x0], $0xffff;
	v3 =	vmul.f32 v3, v58  }
0x591: {  	v31 =	vadd.f32 v42, v31;
	v60 =	vadd.s32 $0x2E, v8;
	v50 =	vld.idx.msk [tilespmem:v61+s12+$0x0], $0xffff;
	v2 =	vmul.f32 v2, v58  }
0x592: {  	v42 =	vadd.s32 $0x26, v8;
	v32 =	vld.idx.msk [tilespmem:v32+s12+$0x0], $0xffff;
	v0 =	vadd.f32 v3, v0;
	v3 =	vadd.s32 $0xF, v8  }
0x593: {  	v61 =	vmul.f32 v37, v51;
	v27 =	vmul.f32 v27, v7;
	v2 =	vadd.f32 v2, v28;
	v28 =	vld.idx.msk [tilespmem:v62+s12+$0x0], $0xffff  }
0x594: {  	v59 =	vadd.s32 $0x7, v8;
	v5 =	vmul.f32 v5, v58;
	v62 =	vmul.f32 v44, v51;
	v44 =	vld.idx.msk [tilespmem:v56+s12+$0x0], $0xffff  }
0x595: {  	v37 =	vadd.s32 $0x1F, v8;
	v48 =	vmul.f32 v48, v7;
	v41 =	vmul.f32 v41, v58;
	v56 =	vld [tilespmem:$0x1FB20]  }
0x596: {  	v14 =	vmul.f32 v14, v58;
	v49 =	vld.idx.msk [tilespmem:v60+s12+$0x0], $0xffff;
	v60 =	vadd.s32 $0x27, v8;
	v1 =	vadd.f32 v5, v1  }
0x597: {  	v6 =	vmul.f32 v6, v58;
	v5 =	vadd.s32 $0x36, v8;
	v31 =	vadd.f32 v41, v31;
	v3 =	vld.idx.msk [tilespmem:v3+s12+$0x0], $0xffff  }
0x598: {  	v42 =	vld.idx.msk [tilespmem:v42+s12+$0x0], $0xffff;
	v1 =	vadd.f32 v62, v1;
	v2 =	vadd.f32 v40, v2;
	v40 =	vadd.s32 $0x3E, v8  }
0x599: {  	v41 =	vld.idx.msk [tilespmem:v59+s12+$0x0], $0xffff;
	v0 =	vadd.f32 v36, v0;
	v31 =	vadd.f32 v61, v31;
	v61 =	vadd.s32 $0x2F, v8  }
0x59a: {  	v37 =	vld.idx.msk [tilespmem:v37+s12+$0x0], $0xffff;
	v62 =	vadd.s32 $0x37, v8;
	v1 =	vadd.f32 v47, v1;
	v50 =	vmul.f32 v50, v56  }
0x59b: {  	v8 =	vadd.s32 $0x3F, v8;
	v27 =	vadd.f32 v27, v31;
	v2 =	vadd.f32 v38, v2;
	v36 =	vld.idx.msk [tilespmem:v60+s12+$0x0], $0xffff  }
0x59c: {  	v5 =	vld.idx.msk [tilespmem:v5+s12+$0x0], $0xffff;
	v28 =	vmul.f32 v28, v56;
	v1 =	vadd.f32 v50, v1;
	v3 =	vmul.f32 v3, v13  }
0x59d: {  	v0 =	vadd.f32 v48, v0;
	v59 =	vmul.f32 v43, v56;
	v60 =	vmul.f32 v32, v56;
	v38 =	vld.idx.msk [tilespmem:v40+s12+$0x0], $0xffff  }
0x59e: {  	v2 =	vadd.f32 v28, v2;
	v32 =	vld.idx.msk [tilespmem:v61+s12+$0x0], $0xffff;
	v61 =	vmul.f32 v44, v13;
	v1 =	vadd.f32 v3, v1  }
0x59f: {  	s0 =	rddreg [dreg:$0x8];
	v47 =	vmul.f32 v22, v52;
	v27 =	vadd.f32 v59, v27;
	v3 =	vld.idx.msk [tilespmem:v62+s12+$0x0], $0xffff;
	v62 =	vmul.f32 v41, v13  }
0x5a0: {  	v48 =	vmul.f32 v23, v52;
	v8 =	vld.idx.msk [tilespmem:v8+s12+$0x0], $0xffff;
	v2 =	vadd.f32 v61, v2;
	[tilespmem:v63+s0+$0x0 ss:$0x1] =	vst.idx.msk $0xffff, v1  }
0x5a1: {  	v0 =	vadd.f32 v60, v0;
	v40 =	vmul.f32 v37, v13;
	v1 =	vadd.f32 v62, v27;
	s0 =	rddreg [dreg:$0x9]  }
0x5a2: {  	v43 =	vmul.f32 v15, v52;
	v44 =	vmul.f32 v21, v52;
	[tilespmem:v63+s0+$0x0 ss:$0x1] =	vst.idx.msk $0xffff, v2  }
0x5a3: {  	v50 =	vmul.f32 v24, v54;
	v0 =	vadd.f32 v40, v0;
	[tilespmem:v63+s3+$0x0 ss:$0x1] =	vst.idx.msk $0xffff, v1  }
0x5a4: {  	v2 =	vmul.f32 v57, v53;
	v1 =	vmul.f32 v9, v53;
	s0 =	rddreg [dreg:$0xb]  }
0x5a5: {  	v41 =	vmul.f32 v12, v53;
	[tilespmem:v63+s0+$0x0 ss:$0x1] =	vst.idx.msk $0xffff, v0;
	v0 =	vmul.f32 v55, v53  }
0x5a6: {  	v52 =	vmul.f32 v25, v54;
	v2 =	vadd.f32 v2, v19;
	v1 =	vadd.f32 v1, v17  }
0x5a7: {  	v59 =	vmul.f32 v18, v51;
	v9 =	vadd.f32 v41, v20;
	v0 =	vadd.f32 v0, v33  }
0x5a8: {  	v53 =	vmul.f32 v26, v54;
	v2 =	vadd.f32 v47, v2;
	v1 =	vadd.f32 v43, v1  }
0x5a9: {  	v60 =	vmul.f32 v39, v7;
	v9 =	vadd.f32 v48, v9;
	v0 =	vadd.f32 v44, v0  }
0x5aa: {  	v57 =	vmul.f32 v30, v58;
	v2 =	vadd.f32 v53, v2;
	v1 =	vadd.f32 v50, v1  }
0x5ab: {  	v55 =	vmul.f32 v29, v58;
	v9 =	vadd.f32 v16, v9;
	v0 =	vadd.f32 v52, v0  }
0x5ac: {  	v58 =	vmul.f32 v11, v51;
	v2 =	vadd.f32 v57, v2;
	v1 =	vadd.f32 v14, v1  }
0x5ad: {  	v61 =	vmul.f32 v46, v7;
	v6 =	vadd.f32 v6, v9;
	v0 =	vadd.f32 v55, v0  }
0x5ae: {  	v2 =	vadd.f32 v58, v2;
	v1 =	vadd.f32 v4, v1;
	v4 =	vmul.f32 v45, v7  }
0x5af: {  	v6 =	vadd.f32 v59, v6;
	v7 =	vmul.f32 v35, v7;
	v0 =	vadd.f32 v10, v0  }
0x5b0: {  	v2 =	vadd.f32 v61, v2;
	v1 =	vadd.f32 v4, v1;
	v4 =	vmul.f32 v42, v56  }
0x5b1: {  	v6 =	vadd.f32 v7, v6;
	v7 =	vmul.f32 v49, v56;
	v0 =	vadd.f32 v60, v0  }
0x5b2: {  	v1 =	vadd.f32 v4, v1;
	v4 =	vmul.f32 v5, v56;
	v5 =	vmul.f32 v36, v13  }
0x5b3: {  	v62 =	vmul.f32 v32, v13;
	v0 =	vadd.f32 v7, v0  }
0x5b4: {  	v3 =	vmul.f32 v3, v13;
	v2 =	vadd.f32 v4, v2;
	v1 =	vadd.f32 v5, v1  }
0x5b5: {  	v7 =	vmul.f32 v38, v56;
	v0 =	vadd.f32 v62, v0  }
0x5b6: {  	[tilespmem:v63+s7+$0x0 ss:$0x1] =	vst.idx.msk $0xffff, v1;
	v1 =	vadd.f32 v3, v2  }
0x5b7: {  	v5 =	vmul.f32 v8, v13;
	v4 =	vadd.f32 v7, v6;
	[tilespmem:v63+s10+$0x0 ss:$0x1] =	vst.idx.msk $0xffff, v0  }
0x5b8: {  	[tilespmem:v63+s1+$0x0 ss:$0x1] =	vst.idx.msk $0xffff, v1  }
0x5b9: {  	v0 =	vadd.f32 v5, v4;
	s28 =	sld [smem:$0x7EB];
	_ =	sdelay $0x1  }
0x5ba: {  	[tilespmem:v63+s17+$0x0 ss:$0x1] =	vst.idx.msk $0xffff, v0  }
0x5bb: {  	_ =	strace $0x9000004B;
	p2 =	seq.s32 s28, $0x3F  }
0x5bc: {  	s0 =	sld [smem:$0x7F9];
	p1 =	por p2, p1  }
0x5bd: {  	_ =	strace @p1 $0x8000004C  }
0x5be: {  	s1 =	sld [smem:$0x7F0]  }
0x5bf: {  	s0 =	sshll.u32 @p1 s0, $0x9;
	s3 =	sld [smem:$0x7F1]  }
0x5c0: {  	s0 =	sand.u32 @p1 $0x1FFFFE00, s0;
	s2 =	rddreg [dreg:$0x1f]  }
0x5c1: {  	s0 =	sadd.s32 @p1 s2, s0;
	s2 =	simm.s32 @p1 $0x0;
	s1 =	sor.u32 @p1 $0x4, s1  }
0x5c2: {  	[hbm4b:s0+s2] =	stream.linear.scatter @p1 [tilespmem:s3], [sflag:s1], $0x1000, $0x200038;
	[tilespmem:$0x19000] =	vst v63  }
0x5c3: {  	_ =	strace @p1 $0x9000004C  }
0x5c4: {  	s2 =	sld [smem:$0x7EA];
	_ =	sdelay $0x1  }
0x5c5: {  	p2 =	seq.s32 s28, $0x0  }
0x5c6: {  	s0 =	sand.u32 @!p2 $0x1, s2  }
0x5c7: {  	_ =	strace @!p2 $0x8000004D;
	s0 =	sor.u32 @!p2 $0x4, s0  }
0x5c8: {  	s4 =	sadd.s32 $0x1, s28;
	s1 =	simm.s32 $0x1;
	_ =	swait.ge @!p2 [sflag:s0], $0x1000  }
0x5c9: {  	s1 =	simm.s32 @!p0 $0x0;
	p0 =	sne.s32 s28, $0x0;
	[sflag:s0] =	ssyncset.done @!p2 $0x0  }
0x5ca: {  	s29 =	sld [smem:$0x7EC];
	[sflag:s0] =	ssyncadd.s32 @!p2 $0xFFFFF000;
	s0 =	simm.s32 $0x1  }
0x5cb: {  	s0 =	simm.s32 @!p0 $0x0;
	p0 =	sne.s32 s4, $0x40  }
.Ltmp1:
0x5cc: {  	s30 =	sld [smem:$0x7EF];
	(pc) =	sbr.rel @p0 .LBB2_2-.Ltmp1, $4  }
0x5cd: {  	s31 =	sld [smem:$0x7EE];
	_ =	strace @!p2 $0x9000004D;
	s3 =	sadd.s32 s1, s29  }
0x5ce: {  	s1 =	simm.s32 $0x1;
	s2 =	sadd.s32 s0, s2;
	s0 =	sld [smem:$0x7ED]  }
0x5cf: {  	v4 =	vld [tilespmem:$0x1FC50];
	s1 =	simm.s32 @!p1 $0x0  }
0x5d0: {  	s15 =	simm.s32 $0x400;
	v3 =	vimm.s32 $0x0;
	v1 =	vld [tilespmem:$0x1FC40];
	s20 =	sadd.s32 s1, s30;
	s5 =	sadd.s32 s1, s31  }
0x5d1: {  	_ =	strace $0x8000004E;
	s0 =	simm.s32 $0x5  }
0x5d2: {  	_ =	swait.ge [sflag:s0], $0x1000  }
0x5d3: {  	s1 =	sld [smem:$0x7FA]  }
0x5d4: {  	s31 =	sld [smem:$0x7FD];
	_ =	sdelay $0x1  }
0x5d5: {  	s1 =	sadd.s32 $0x1, s1  }
0x5d6: {  	p0 =	sne.s32 s1, s31  }
.Ltmp2:
0x5d7: {  	_ = 	snop;
	(pc) =	sbr.rel @p0 .LBB2_1-.Ltmp2, $4  }
0x5d8: {  	_ = 	snop  }
0x5d9: {  	[sflag:s0] =	ssyncset.done $0x0  }
0x5da: {  	[sflag:s0] =	ssyncadd.s32 $0xFFFFF000  }
0x5db: {  	_ =	strace $0x9000004E  }
0x5dc: {  	_ =	sfence.sel $0x180000  }
0x5dd: {  	[bflag:$0x0] =	sbarrier.arrive $0xFFFF  }
0x5de: {  	_ =	strace $0x90000047  }
0x5df: {  	s0 =	stileid.u32;
	[bflag:$0x2] =	sbarrier.arrive $0xFFFF  }
0x5e0: {  	p0 =	sne.s32 s0, $0x0;
	s0 =	rddreg [dreg:$0x3]  }
0x5e1: {  	s0 =	sadd.s32 @!p0 $0x100000, s0  }
0x5e2: {  	[sflag:s0] =	ssyncadd.tile.s32 @!p0 $0x1;
	_ =	shalt  }
.Lfunc_end2:
_tile_overlayer_lowered:
.L_overlay_start_2:
0x5e3: {  	(tag) =	ssettag $0x2  }
0x5e4: {  	s0 =	rddreg [dreg:$0x0];
	s2 =	stileid.u32  }
0x5e5: {  	s1 =	rddreg [dreg:$0x1];
	p0 =	sne.s32 s2, $0x0  }
0x5e6: {  	s3 =	rddreg [dreg:$0x2];
	[bflag:$0x3] =	sbarrier.arrive $0xFFFF;
	s2 =	simm.s32 @!p0 $0x1C02  }
0x5e7: {  	[timem:s3], [sflag:s2] =	dma.local @!p0 [hbm:s0], s1  }
0x5e8: {  	s0 =	simm.s32 @!p0 $0x2  }
0x5e9: {  	_ =	swait.ge @!p0 [sflag:s0], s1  }
0x5ea: {  	s1 =	ssub.s32 @!p0 $0x0, s1;
	[sflag:s0] =	ssyncset.done @!p0 $0x0  }
0x5eb: {  	[sflag:s0] =	ssyncadd.s32 @!p0 s1  }
0x5ec: {  	[bflag:$0x3] =	sbarrier.arrive $0xFFFF  }
0x5ed: {  	_ =	shalt  }

</sc_bundles>
